<compile_context>
chip_gen: v7x
topology: tpu7x:2x2x1
jax: 0.10.2.dev20260603
libtpu: 0.0.44.dev20260713+nightly
codegen_flags: <defaults>
</compile_context>

<pallas_src>
import functools

import numpy as np
import jax
import jax.numpy as jnp
from jax import lax
from jax.experimental import pallas as pl
from jax.experimental.pallas import tpu as pltpu
from jax.experimental.pallas import tpu_sc as plsc

_D_MODEL = 256
_N_HEADS = 8
_N_LEVELS = 4
_N_POINTS = 4
_DH = _D_MODEL // _N_HEADS
_SPATIAL = np.array([[16, 64, 64], [16, 32, 32], [16, 16, 16], [8, 8, 8]], dtype=np.int64)
_LEVEL_START = np.array([0, 65536, 81920, 86016], dtype=np.int64)
_LEN_IN = int(_SPATIAL.prod(axis=1).sum())
_N = 2
_LQ = 900
_NQ = _N * _LQ
_ROWS = _NQ * _N_HEADS
_K = _N_LEVELS * _N_POINTS * 8

_COL = np.arange(_N_HEADS * _N_LEVELS * _N_POINTS)
_L_OF = (_COL % 16) // 4
_H_OF = _COL // 16
_CONST_I = np.stack([
    _SPATIAL[:, 2][_L_OF],
    _SPATIAL[:, 1][_L_OF],
    _LEVEL_START[_L_OF],
    _H_OF,
    _L_OF,
]).astype(np.int32)
_CONST_F = np.stack([
    _SPATIAL[:, 2][_L_OF],
    _SPATIAL[:, 1][_L_OF],
    _SPATIAL[:, 0][_L_OF],
]).astype(np.float32)
_BDIAG = (( _COL[:, None] // 16) == (_COL[None, :] // 16)).astype(np.float32)

_MM_BM = 512
_PREP_BM = 360

_SC_NC = 2
_SC_NS = 16
_NW = _SC_NC * _SC_NS
_SC_B = 8
_RPW = 456
_ROWS_PAD = _NW * _RPW
_SC_T = _RPW // _SC_B
_SC_S = 8
_SC_G = _SC_B * _K // _SC_S


def _matmul_bias(x, w, b, bm):
    m, k = x.shape
    nc = w.shape[1]

    def body(x_ref, w_ref, b_ref, o_ref):
        o_ref[...] = (
            jnp.dot(x_ref[...], w_ref[...], preferred_element_type=jnp.float32)
            + b_ref[...]
        )

    return pl.pallas_call(
        body,
        grid=(m // bm,),
        in_specs=[
            pl.BlockSpec((bm, k), lambda i: (i, 0)),
            pl.BlockSpec((k, nc), lambda i: (0, 0)),
            pl.BlockSpec((1, nc), lambda i: (0, 0)),
        ],
        out_specs=pl.BlockSpec((bm, nc), lambda i: (i, 0)),
        out_shape=jax.ShapeDtypeStruct((m, nc), jnp.float32),
        interpret=False,
    )(x, w, b.reshape(1, nc))


def _prep(q2, rp2, w_off_xyz, b_off_xyz, w_attn, b_attn):

    def body(q_ref, rp_ref, woff_ref, boff_ref, wattn_ref, battn_ref,
             ci_ref, cf_ref, bd_ref, oidx_ref, ow_ref):
        q = q_ref[...]
        bm = q.shape[0]
        offs = []
        for cdim in range(3):
            offs.append(
                jnp.dot(q, woff_ref[:, cdim * 128:(cdim + 1) * 128],
                        preferred_element_type=jnp.float32)
                + boff_ref[:, cdim * 128:(cdim + 1) * 128]
            )
        logits = (jnp.dot(q, wattn_ref[...], preferred_element_type=jnp.float32)
                  + battn_ref[...])
        mx = jnp.max(logits, axis=1, keepdims=True)
        e = jnp.exp(logits - mx)
        s = jnp.dot(e, bd_ref[...], preferred_element_type=jnp.float32)
        attn = e / s

        lcol = ci_ref[4:5, :]
        wf = cf_ref[0:1, :]
        hf = cf_ref[1:2, :]
        df = cf_ref[2:3, :]
        wi = ci_ref[0:1, :]
        hi = ci_ref[1:2, :]
        starti = ci_ref[2:3, :]
        headi = ci_ref[3:4, :]

        rp = rp_ref[...]

        def pick(base):
            return jnp.where(
                lcol == 0, rp[:, base + 0:base + 1],
                jnp.where(lcol == 1, rp[:, base + 3:base + 4],
                          jnp.where(lcol == 2, rp[:, base + 6:base + 7],
                                    rp[:, base + 9:base + 10])))

        x = pick(0) * wf - 0.5 + offs[0]
        y = pick(1) * hf - 0.5 + offs[1]
        z = pick(2) * df - 0.5 + offs[2]

        x0 = jnp.floor(x)
        y0 = jnp.floor(y)
        z0 = jnp.floor(z)
        fx = x - x0
        fy = y - y0
        fz = z - z0

        row0 = pl.program_id(0) * bm
        rid = row0 + lax.broadcasted_iota(jnp.int32, (bm, 1), 0)
        n_off = jnp.where(rid >= _LQ, np.int32(_LEN_IN), np.int32(0))

        for c in range(8):
            dz, dy, dx = (c >> 2) & 1, (c >> 1) & 1, c & 1
            xi = x0 + dx
            yi = y0 + dy
            zi = z0 + dz
            wx = fx if dx else 1.0 - fx
            wy = fy if dy else 1.0 - fy
            wz = fz if dz else 1.0 - fz
            valid = ((xi >= 0) & (xi < wf) & (yi >= 0) & (yi < hf)
                     & (zi >= 0) & (zi < df))
            xi_c = jnp.clip(xi, 0.0, wf - 1.0).astype(jnp.int32)
            yi_c = jnp.clip(yi, 0.0, hf - 1.0).astype(jnp.int32)
            zi_c = jnp.clip(zi, 0.0, df - 1.0).astype(jnp.int32)
            flat = (zi_c * hi + yi_c) * wi + xi_c
            row = (n_off + starti + flat) * _N_HEADS + headi
            wgt = wx * wy * wz * valid.astype(jnp.float32) * attn
            oidx_ref[:, c * 128:(c + 1) * 128] = row
            ow_ref[:, c * 128:(c + 1) * 128] = wgt

    nq = q2.shape[0]
    bm = _PREP_BM
    full = lambda shape: pl.BlockSpec(shape, lambda i: tuple(0 for _ in shape))
    return pl.pallas_call(
        body,
        grid=(nq // bm,),
        in_specs=[
            pl.BlockSpec((bm, _D_MODEL), lambda i: (i, 0)),
            pl.BlockSpec((bm, 12), lambda i: (i, 0)),
            full((_D_MODEL, 384)),
            full((1, 384)),
            full((_D_MODEL, 128)),
            full((1, 128)),
            full((5, 128)),
            full((3, 128)),
            full((128, 128)),
        ],
        out_specs=[
            pl.BlockSpec((bm, 1024), lambda i: (i, 0)),
            pl.BlockSpec((bm, 1024), lambda i: (i, 0)),
        ],
        out_shape=[
            jax.ShapeDtypeStruct((nq, 1024), jnp.int32),
            jax.ShapeDtypeStruct((nq, 1024), jnp.float32),
        ],
        interpret=False,
    )(q2, rp2, w_off_xyz, b_off_xyz, w_attn, b_attn,
      jnp.asarray(_CONST_I), jnp.asarray(_CONST_F), jnp.asarray(_BDIAG))


def _sc_combine(value_rows, idx, w):
    mesh = plsc.VectorSubcoreMesh(core_axis_name="c", subcore_axis_name="s")

    @functools.partial(
        pl.kernel,
        mesh=mesh,
        compiler_params=pltpu.CompilerParams(use_tc_tiling_on_sc=False),
        out_type=jax.ShapeDtypeStruct((_ROWS_PAD, _DH), jnp.float32),
        scratch_types=[
            pltpu.VMEM((_SC_B, _K), jnp.int32),
            pltpu.VMEM((_SC_B, _K), jnp.float32),
            pltpu.VMEM((_SC_B, _K, _DH), jnp.float32),
            pltpu.VMEM((_SC_B, _DH), jnp.float32),
            pltpu.SemaphoreType.DMA,
        ],
    )
    def sc_kernel(value_hbm, idx_hbm, w_hbm, out_hbm,
                  idx_v, w_v, rows_v, acc_v, sem):
        wid = lax.axis_index("s") * _SC_NC + lax.axis_index("c")
        base0 = wid * _RPW

        def chunk(t, carry):
            base = base0 + t * _SC_B
            pltpu.sync_copy(idx_hbm.at[pl.ds(base, _SC_B)], idx_v)
            pltpu.sync_copy(w_hbm.at[pl.ds(base, _SC_B)], w_v)
            for j in range(_SC_B):
                pltpu.async_copy(value_hbm.at[idx_v.at[j]],
                                 rows_v.at[j], sem)
            for j in range(_SC_B):
                pltpu.make_async_copy(value_hbm.at[idx_v.at[j]],
                                      rows_v.at[j], sem).wait()

            def jbody(j, carry2):
                rv = rows_v.at[j]
                wr = w_v.at[j]
                a0 = jnp.zeros((16,), jnp.float32)
                a1 = jnp.zeros((16,), jnp.float32)
                for k16 in range(_K // 16):
                    wv = wr[pl.ds(k16 * 16, 16)]
                    for i in range(16):
                        wk = wv[i]
                        k = k16 * 16 + i
                        a0 = a0 + wk * rv[k, pl.ds(0, 16)]
                        a1 = a1 + wk * rv[k, pl.ds(16, 16)]
                acc_v[j, pl.ds(0, 16)] = a0
                acc_v[j, pl.ds(16, 16)] = a1
                return carry2

            lax.fori_loop(0, _SC_B, jbody, 0)
            pltpu.sync_copy(acc_v, out_hbm.at[pl.ds(base, _SC_B)])
            return carry

        lax.fori_loop(0, _SC_T, chunk, 0)

    return sc_kernel(value_rows, idx, w)


def kernel(query, reference_points, input_flatten, input_spatial_shapes,
           input_level_start_index, W_value, b_value, W_offsets, b_offsets,
           W_attn, b_attn, W_out, b_out):
    n, lq, c = query.shape

    xin = input_flatten.reshape(n * _LEN_IN, c)
    value = _matmul_bias(xin, W_value, b_value, _MM_BM)
    value_rows = value.reshape(n * _LEN_IN * _N_HEADS, _DH)

    w_off_xyz = jnp.transpose(
        W_offsets.reshape(c, 128, 3), (0, 2, 1)).reshape(c, 384)
    b_off_xyz = jnp.transpose(
        b_offsets.reshape(128, 3), (1, 0)).reshape(1, 384)
    q2 = query.reshape(_NQ, c)
    rp2 = reference_points.reshape(_NQ, _N_LEVELS * 3)
    idx2, w2 = _prep(q2, rp2, w_off_xyz, b_off_xyz, W_attn,
                     b_attn.reshape(1, 128))

    pad = _ROWS_PAD - _ROWS
    idx = idx2.reshape(_NQ, 8, _N_HEADS, 16).transpose(0, 2, 1, 3)
    idx = jnp.pad(idx.reshape(_ROWS, _K), ((0, pad), (0, 0)))
    wts = w2.reshape(_NQ, 8, _N_HEADS, 16).transpose(0, 2, 1, 3)
    wts = jnp.pad(wts.reshape(_ROWS, _K), ((0, pad), (0, 0)))

    attn_out = _sc_combine(value_rows, idx, wts)[:_ROWS]

    o2 = _matmul_bias(attn_out.reshape(_NQ, c), W_out, b_out, _PREP_BM)
    return o2.reshape(n, lq, c)

# --- scband reference (transcript-rebuilt; emitter-appended) ---
"""Pipeline reference for scband-deformable-transformer-72559177499131 (READ-ONLY COPY).

The authoritative reference and input builder live on the scoring server;
editing this copy changes nothing except your own understanding.
"""

import jax, jax.numpy as jnp
import numpy as np

D_MODEL = 256
N_HEADS = 8
N_LEVELS = 4
N_POINTS = 4
SPATIAL_SHAPES = np.array([[16, 64, 64], [16, 32, 32], [16, 16, 16], [8, 8, 8]], dtype=np.int64)
LEVEL_START = np.array([0, 65536, 81920, 86016], dtype=np.int64)
LEN_IN = int(SPATIAL_SHAPES.prod(axis=1).sum())


def setup_inputs(seed: int = 0) -> dict:
    key = jax.random.key(seed)
    ks = jax.random.split(key, 8)
    N, Lq = 2, 900
    return {
        "query": jax.random.normal(ks[0], (N, Lq, D_MODEL), dtype=jnp.float32),
        "reference_points": jax.random.uniform(ks[1], (N, Lq, N_LEVELS, 3), dtype=jnp.float32),
        "input_flatten": jax.random.normal(ks[2], (N, LEN_IN, D_MODEL), dtype=jnp.float32),
        "input_spatial_shapes": jnp.asarray(SPATIAL_SHAPES),
        "input_level_start_index": jnp.asarray(LEVEL_START),
        "W_value": 0.02 * jax.random.normal(ks[3], (D_MODEL, D_MODEL), dtype=jnp.float32),
        "b_value": jnp.zeros((D_MODEL,), dtype=jnp.float32),
        "W_offsets": 0.02 * jax.random.normal(ks[4], (D_MODEL, N_HEADS * N_LEVELS * N_POINTS * 3), dtype=jnp.float32),
        "b_offsets": jnp.zeros((N_HEADS * N_LEVELS * N_POINTS * 3,), dtype=jnp.float32),
        "W_attn": 0.02 * jax.random.normal(ks[5], (D_MODEL, N_HEADS * N_LEVELS * N_POINTS), dtype=jnp.float32),
        "b_attn": jnp.zeros((N_HEADS * N_LEVELS * N_POINTS,), dtype=jnp.float32),
        "W_out": 0.02 * jax.random.normal(ks[6], (D_MODEL, D_MODEL), dtype=jnp.float32),
        "b_out": jnp.zeros((D_MODEL,), dtype=jnp.float32),
    }


def _trilinear(v, D_, H_, W_, x, y, z):
    # v: [N, Hh, D*H*W, Dh]; x,y,z: [N, Lq, Hh, P] pixel coords (grid_sample, align_corners=False)
    x0 = jnp.floor(x)
    y0 = jnp.floor(y)
    z0 = jnp.floor(z)
    Nb, Lq, Hh, P = x.shape
    out = jnp.zeros((Nb, Lq, Hh, P, v.shape[-1]), dtype=v.dtype)
    for dz in (0.0, 1.0):
        for dy in (0.0, 1.0):
            for dx in (0.0, 1.0):
                xi = x0 + dx
                yi = y0 + dy
                zi = z0 + dz
                w = (1.0 - jnp.abs(x - xi)) * (1.0 - jnp.abs(y - yi)) * (1.0 - jnp.abs(z - zi))
                valid = (xi >= 0) & (xi < W_) & (yi >= 0) & (yi < H_) & (zi >= 0) & (zi < D_)
                xi_c = jnp.clip(xi, 0, W_ - 1).astype(jnp.int32)
                yi_c = jnp.clip(yi, 0, H_ - 1).astype(jnp.int32)
                zi_c = jnp.clip(zi, 0, D_ - 1).astype(jnp.int32)
                flat = (zi_c * H_ + yi_c) * W_ + xi_c  # [N, Lq, Hh, P]
                idx = jnp.transpose(flat, (0, 2, 1, 3)).reshape(Nb, Hh, Lq * P)
                g = jnp.take_along_axis(v, idx[..., None], axis=2)  # [N, Hh, Lq*P, Dh]
                g = g.reshape(Nb, Hh, Lq, P, -1).transpose(0, 2, 1, 3, 4)  # [N, Lq, Hh, P, Dh]
                out = out + g * (w * valid.astype(v.dtype))[..., None]
    return out


def ms_deform_attn_core(value, spatial_shapes, level_start_index, sampling_locations, attention_weights):
    # value: [N, Len_in, Hh, Dh]; sampling_locations: [N, Lq, Hh, L, P, 3]; attention_weights: [N, Lq, Hh, L, P]
    Nb, Lq = sampling_locations.shape[0], sampling_locations.shape[1]
    Hh, Dh = value.shape[2], value.shape[3]
    out = jnp.zeros((Nb, Lq, Hh, Dh), dtype=value.dtype)
    for l in range(SPATIAL_SHAPES.shape[0]):
        size = int(SPATIAL_SHAPES[l].prod())  # static slice size for this level
        D_ = spatial_shapes[l, 0].astype(jnp.int32)
        H_ = spatial_shapes[l, 1].astype(jnp.int32)
        W_ = spatial_shapes[l, 2].astype(jnp.int32)
        s = level_start_index[l].astype(jnp.int32)
        v = jax.lax.dynamic_slice_in_dim(value, s, size, axis=1)
        v = jnp.transpose(v, (0, 2, 1, 3))  # [N, Hh, DHW, Dh]
        loc = sampling_locations[:, :, :, l]  # [N, Lq, Hh, P, 3]
        x = loc[..., 0] * W_ - 0.5
        y = loc[..., 1] * H_ - 0.5
        z = loc[..., 2] * D_ - 0.5
        sampled = _trilinear(v, D_, H_, W_, x, y, z)  # [N, Lq, Hh, P, Dh]
        out = out + jnp.sum(sampled * attention_weights[:, :, :, l, :, None], axis=3)
    return out.reshape(Nb, Lq, Hh * Dh)


def reference(query, reference_points, input_flatten, input_spatial_shapes, input_level_start_index, W_value, b_value, W_offsets, b_offsets, W_attn, b_attn, W_out, b_out):
    N, Lq, C = query.shape
    Hh, L, P = N_HEADS, N_LEVELS, N_POINTS
    Dh = C // Hh
    value = (input_flatten @ W_value + b_value).reshape(N, -1, Hh, Dh)
    sampling_offsets = (query @ W_offsets + b_offsets).reshape(N, Lq, Hh, L, P, 3)
    attn = (query @ W_attn + b_attn).reshape(N, Lq, Hh, L * P)
    attn = jax.nn.softmax(attn, axis=-1).reshape(N, Lq, Hh, L, P)
    ss = jnp.asarray(input_spatial_shapes).astype(jnp.float32)
    offset_normalizer = jnp.stack([ss[:, 2], ss[:, 1], ss[:, 0]], axis=-1)  # [L, 3] -> (W, H, D)
    sampling_locations = reference_points[:, :, None, :, None, :] + sampling_offsets / offset_normalizer[None, None, None, :, None, :]
    out = ms_deform_attn_core(value, input_spatial_shapes, input_level_start_index, sampling_locations, attn)
    return out @ W_out + b_out

if __name__ == "__main__":
    import jax
    _d = setup_inputs()
    print(jax.jit(kernel)(*tuple(_d.values())))

</pallas_src>

<mosaic_0001>
#map = affine_map<(d0, d1) -> (0, 0)>
module attributes {stable_mosaic.version = 14 : i64} {
  func.func @sc_kernel(%arg0: i32, %arg1: i32, %arg2: memref<1384448x32xf32, #tpu.memory_space<hbm>>, %arg3: memref<14592x128xi32, #tpu.memory_space<hbm>>, %arg4: memref<14592x128xf32, #tpu.memory_space<hbm>>, %arg5: memref<14592x32xf32, #tpu.memory_space<hbm>>, %arg6: memref<8x128xi32, #tpu.memory_space<vmem>>, %arg7: memref<8x128xf32, #tpu.memory_space<vmem>>, %arg8: memref<8x128x32xf32, #tpu.memory_space<vmem>>, %arg9: memref<8x32xf32, #tpu.memory_space<vmem>>, %arg10: memref<!tpu.dma_semaphore, #tpu.memory_space<semaphore_mem>>) attributes {dimension_semantics = [#tpu.dimension_semantics<core_parallel>, #tpu.dimension_semantics<subcore_parallel>], iteration_bounds = array<i64: 2, 16>, scalar_prefetch = 0 : i64, scratch_operands = 5 : i64, tpu.core_type = #tpu.core_type<sc_vector_subcore>, window_params = [{transform_indices = #map}, {transform_indices = #map}, {transform_indices = #map}, {transform_indices = #map}]} {
    %mul3A = arith.constant 2 : i32
    %mul3A_0 = arith.muli %arg1, %mul3A : i32
    %add3A = arith.addi %mul3A_0, %arg0 : i32
    %mul3A_1 = arith.constant 456 : i32
    %mul3A_2 = arith.muli %add3A, %mul3A_1 : i32
    %scan3A = arith.constant 0 : i32
    %scan3A_3 = arith.constant 0 : i32
    %scan3A_4 = arith.constant 57 : i32
    %scan3A_5 = arith.addi %scan3A_3, %scan3A_4 : i32
    %scan3A_6 = arith.constant 1 : i32
    scf.for %scan3A_8 = %scan3A_3 to %scan3A_5 step %scan3A_6  : i32 {
      %mul3A_9 = arith.constant 8 : i32
      %mul3A_10 = arith.muli %scan3A_8, %mul3A_9 : i32
      %add3A_11 = arith.addi %mul3A_2, %mul3A_10 : i32
      "tpu.region"() ({
        %run_scoped3A = tpu.sem_alloc : memref<!tpu.dma_semaphore, #tpu.memory_space<semaphore_mem>>
        %dma_start3A_208 = arith.constant 0 : i32
        %dma_start3A_209 = tpu.memref_slice %arg3[%add3A_11, %dma_start3A_208] : memref<14592x128xi32, #tpu.memory_space<hbm>> -> memref<8x128xi32, #tpu.memory_space<hbm>>
        %dma_start3A_210 = arith.constant 0 : i32
        %dma_start3A_211 = tpu.memref_slice %arg3[%add3A_11, %dma_start3A_210] : memref<14592x128xi32, #tpu.memory_space<hbm>> -> memref<8x128xi32, #tpu.memory_space<hbm>>
        tpu.enqueue_dma source(%dma_start3A_211 : memref<8x128xi32, #tpu.memory_space<hbm>>) target(%arg6 : memref<8x128xi32, #tpu.memory_space<vmem>>) target_semaphore(%run_scoped3A : memref<!tpu.dma_semaphore, #tpu.memory_space<semaphore_mem>>)
        %dma_wait3A_212 = arith.constant 0 : i32
        %dma_wait3A_213 = tpu.memref_slice %arg3[%add3A_11, %dma_wait3A_212] : memref<14592x128xi32, #tpu.memory_space<hbm>> -> memref<8x128xi32, #tpu.memory_space<hbm>>
        %dma_wait3A_214 = arith.constant 0 : i32
        %dma_wait3A_215 = tpu.memref_slice %arg3[%add3A_11, %dma_wait3A_214] : memref<14592x128xi32, #tpu.memory_space<hbm>> -> memref<8x128xi32, #tpu.memory_space<hbm>>
        tpu.wait_dma2 semaphore(%run_scoped3A : memref<!tpu.dma_semaphore, #tpu.memory_space<semaphore_mem>>) src(%dma_wait3A_215 : memref<8x128xi32, #tpu.memory_space<hbm>>) dst(%arg6 : memref<8x128xi32, #tpu.memory_space<vmem>>)
        tpu.yield
      }) : () -> ()
      "tpu.region"() ({
        %run_scoped3A = tpu.sem_alloc : memref<!tpu.dma_semaphore, #tpu.memory_space<semaphore_mem>>
        %dma_start3A_208 = arith.constant 0 : i32
        %dma_start3A_209 = tpu.memref_slice %arg4[%add3A_11, %dma_start3A_208] : memref<14592x128xf32, #tpu.memory_space<hbm>> -> memref<8x128xf32, #tpu.memory_space<hbm>>
        %dma_start3A_210 = arith.constant 0 : i32
        %dma_start3A_211 = tpu.memref_slice %arg4[%add3A_11, %dma_start3A_210] : memref<14592x128xf32, #tpu.memory_space<hbm>> -> memref<8x128xf32, #tpu.memory_space<hbm>>
        tpu.enqueue_dma source(%dma_start3A_211 : memref<8x128xf32, #tpu.memory_space<hbm>>) target(%arg7 : memref<8x128xf32, #tpu.memory_space<vmem>>) target_semaphore(%run_scoped3A : memref<!tpu.dma_semaphore, #tpu.memory_space<semaphore_mem>>)
        %dma_wait3A_212 = arith.constant 0 : i32
        %dma_wait3A_213 = tpu.memref_slice %arg4[%add3A_11, %dma_wait3A_212] : memref<14592x128xf32, #tpu.memory_space<hbm>> -> memref<8x128xf32, #tpu.memory_space<hbm>>
        %dma_wait3A_214 = arith.constant 0 : i32
        %dma_wait3A_215 = tpu.memref_slice %arg4[%add3A_11, %dma_wait3A_214] : memref<14592x128xf32, #tpu.memory_space<hbm>> -> memref<8x128xf32, #tpu.memory_space<hbm>>
        tpu.wait_dma2 semaphore(%run_scoped3A : memref<!tpu.dma_semaphore, #tpu.memory_space<semaphore_mem>>) src(%dma_wait3A_215 : memref<8x128xf32, #tpu.memory_space<hbm>>) dst(%arg7 : memref<8x128xf32, #tpu.memory_space<vmem>>)
        tpu.yield
      }) : () -> ()
      %dma_start3A = arith.constant 0 : i32
      %dma_start3A_12 = arith.constant 0 : i32
      %dma_start3A_13 = arith.constant 0 : i32
      %dma_start3A_14 = arith.constant 0 : i32
      %dma_start3A_15 = tpu.memref_slice %arg8[%dma_start3A_12, %dma_start3A_13, %dma_start3A_14] : memref<8x128x32xf32, #tpu.memory_space<vmem>> -> memref<1x128x32xf32, #tpu.memory_space<vmem>>
      %dma_start3A_16 = tpu.memref_squeeze %dma_start3A_15 : memref<1x128x32xf32, #tpu.memory_space<vmem>> -> memref<128x32xf32, #tpu.memory_space<vmem>>
      %dma_start3A_17 = arith.constant 0 : i32
      %dma_start3A_18 = tpu.memref_slice %arg6[%dma_start3A, %dma_start3A_17] : memref<8x128xi32, #tpu.memory_space<vmem>> -> memref<1x128xi32, #tpu.memory_space<vmem>>
      %dma_start3A_19 = tpu.memref_squeeze %dma_start3A_18 : memref<1x128xi32, #tpu.memory_space<vmem>> -> memref<128xi32, #tpu.memory_space<vmem>>
      %dma_start3A_20 = arith.constant 0 : i32
      %dma_start3A_21 = arith.constant 0 : i32
      %dma_start3A_22 = tpu.memref_slice %arg2[%dma_start3A_20, %dma_start3A_21] : memref<1384448x32xf32, #tpu.memory_space<hbm>> -> memref<1384448x32xf32, #tpu.memory_space<hbm>>
      tpu.enqueue_indirect_dma source(%dma_start3A_22 : memref<1384448x32xf32, #tpu.memory_space<hbm>>) target(%dma_start3A_16 : memref<128x32xf32, #tpu.memory_space<vmem>>) offsets(%dma_start3A_19 : memref<128xi32, #tpu.memory_space<vmem>>) semaphore(%arg10 : memref<!tpu.dma_semaphore, #tpu.memory_space<semaphore_mem>>)
      %dma_start3A_23 = arith.constant 1 : i32
      %dma_start3A_24 = arith.constant 1 : i32
      %dma_start3A_25 = arith.constant 0 : i32
      %dma_start3A_26 = arith.constant 0 : i32
      %dma_start3A_27 = tpu.memref_slice %arg8[%dma_start3A_24, %dma_start3A_25, %dma_start3A_26] : memref<8x128x32xf32, #tpu.memory_space<vmem>> -> memref<1x128x32xf32, #tpu.memory_space<vmem>>
      %dma_start3A_28 = tpu.memref_squeeze %dma_start3A_27 : memref<1x128x32xf32, #tpu.memory_space<vmem>> -> memref<128x32xf32, #tpu.memory_space<vmem>>
      %dma_start3A_29 = arith.constant 0 : i32
      %dma_start3A_30 = tpu.memref_slice %arg6[%dma_start3A_23, %dma_start3A_29] : memref<8x128xi32, #tpu.memory_space<vmem>> -> memref<1x128xi32, #tpu.memory_space<vmem>>
      %dma_start3A_31 = tpu.memref_squeeze %dma_start3A_30 : memref<1x128xi32, #tpu.memory_space<vmem>> -> memref<128xi32, #tpu.memory_space<vmem>>
      %dma_start3A_32 = arith.constant 0 : i32
      %dma_start3A_33 = arith.constant 0 : i32
      %dma_start3A_34 = tpu.memref_slice %arg2[%dma_start3A_32, %dma_start3A_33] : memref<1384448x32xf32, #tpu.memory_space<hbm>> -> memref<1384448x32xf32, #tpu.memory_space<hbm>>
      tpu.enqueue_indirect_dma source(%dma_start3A_34 : memref<1384448x32xf32, #tpu.memory_space<hbm>>) target(%dma_start3A_28 : memref<128x32xf32, #tpu.memory_space<vmem>>) offsets(%dma_start3A_31 : memref<128xi32, #tpu.memory_space<vmem>>) semaphore(%arg10 : memref<!tpu.dma_semaphore, #tpu.memory_space<semaphore_mem>>)
      %dma_start3A_35 = arith.constant 2 : i32
      %dma_start3A_36 = arith.constant 2 : i32
      %dma_start3A_37 = arith.constant 0 : i32
      %dma_start3A_38 = arith.constant 0 : i32
      %dma_start3A_39 = tpu.memref_slice %arg8[%dma_start3A_36, %dma_start3A_37, %dma_start3A_38] : memref<8x128x32xf32, #tpu.memory_space<vmem>> -> memref<1x128x32xf32, #tpu.memory_space<vmem>>
      %dma_start3A_40 = tpu.memref_squeeze %dma_start3A_39 : memref<1x128x32xf32, #tpu.memory_space<vmem>> -> memref<128x32xf32, #tpu.memory_space<vmem>>
      %dma_start3A_41 = arith.constant 0 : i32
      %dma_start3A_42 = tpu.memref_slice %arg6[%dma_start3A_35, %dma_start3A_41] : memref<8x128xi32, #tpu.memory_space<vmem>> -> memref<1x128xi32, #tpu.memory_space<vmem>>
      %dma_start3A_43 = tpu.memref_squeeze %dma_start3A_42 : memref<1x128xi32, #tpu.memory_space<vmem>> -> memref<128xi32, #tpu.memory_space<vmem>>
      %dma_start3A_44 = arith.constant 0 : i32
      %dma_start3A_45 = arith.constant 0 : i32
      %dma_start3A_46 = tpu.memref_slice %arg2[%dma_start3A_44, %dma_start3A_45] : memref<1384448x32xf32, #tpu.memory_space<hbm>> -> memref<1384448x32xf32, #tpu.memory_space<hbm>>
      tpu.enqueue_indirect_dma source(%dma_start3A_46 : memref<1384448x32xf32, #tpu.memory_space<hbm>>) target(%dma_start3A_40 : memref<128x32xf32, #tpu.memory_space<vmem>>) offsets(%dma_start3A_43 : memref<128xi32, #tpu.memory_space<vmem>>) semaphore(%arg10 : memref<!tpu.dma_semaphore, #tpu.memory_space<semaphore_mem>>)
      %dma_start3A_47 = arith.constant 3 : i32
      %dma_start3A_48 = arith.constant 3 : i32
      %dma_start3A_49 = arith.constant 0 : i32
      %dma_start3A_50 = arith.constant 0 : i32
      %dma_start3A_51 = tpu.memref_slice %arg8[%dma_start3A_48, %dma_start3A_49, %dma_start3A_50] : memref<8x128x32xf32, #tpu.memory_space<vmem>> -> memref<1x128x32xf32, #tpu.memory_space<vmem>>
      %dma_start3A_52 = tpu.memref_squeeze %dma_start3A_51 : memref<1x128x32xf32, #tpu.memory_space<vmem>> -> memref<128x32xf32, #tpu.memory_space<vmem>>
      %dma_start3A_53 = arith.constant 0 : i32
      %dma_start3A_54 = tpu.memref_slice %arg6[%dma_start3A_47, %dma_start3A_53] : memref<8x128xi32, #tpu.memory_space<vmem>> -> memref<1x128xi32, #tpu.memory_space<vmem>>
      %dma_start3A_55 = tpu.memref_squeeze %dma_start3A_54 : memref<1x128xi32, #tpu.memory_space<vmem>> -> memref<128xi32, #tpu.memory_space<vmem>>
      %dma_start3A_56 = arith.constant 0 : i32
      %dma_start3A_57 = arith.constant 0 : i32
      %dma_start3A_58 = tpu.memref_slice %arg2[%dma_start3A_56, %dma_start3A_57] : memref<1384448x32xf32, #tpu.memory_space<hbm>> -> memref<1384448x32xf32, #tpu.memory_space<hbm>>
      tpu.enqueue_indirect_dma source(%dma_start3A_58 : memref<1384448x32xf32, #tpu.memory_space<hbm>>) target(%dma_start3A_52 : memref<128x32xf32, #tpu.memory_space<vmem>>) offsets(%dma_start3A_55 : memref<128xi32, #tpu.memory_space<vmem>>) semaphore(%arg10 : memref<!tpu.dma_semaphore, #tpu.memory_space<semaphore_mem>>)
      %dma_start3A_59 = arith.constant 4 : i32
      %dma_start3A_60 = arith.constant 4 : i32
      %dma_start3A_61 = arith.constant 0 : i32
      %dma_start3A_62 = arith.constant 0 : i32
      %dma_start3A_63 = tpu.memref_slice %arg8[%dma_start3A_60, %dma_start3A_61, %dma_start3A_62] : memref<8x128x32xf32, #tpu.memory_space<vmem>> -> memref<1x128x32xf32, #tpu.memory_space<vmem>>
      %dma_start3A_64 = tpu.memref_squeeze %dma_start3A_63 : memref<1x128x32xf32, #tpu.memory_space<vmem>> -> memref<128x32xf32, #tpu.memory_space<vmem>>
      %dma_start3A_65 = arith.constant 0 : i32
      %dma_start3A_66 = tpu.memref_slice %arg6[%dma_start3A_59, %dma_start3A_65] : memref<8x128xi32, #tpu.memory_space<vmem>> -> memref<1x128xi32, #tpu.memory_space<vmem>>
      %dma_start3A_67 = tpu.memref_squeeze %dma_start3A_66 : memref<1x128xi32, #tpu.memory_space<vmem>> -> memref<128xi32, #tpu.memory_space<vmem>>
      %dma_start3A_68 = arith.constant 0 : i32
      %dma_start3A_69 = arith.constant 0 : i32
      %dma_start3A_70 = tpu.memref_slice %arg2[%dma_start3A_68, %dma_start3A_69] : memref<1384448x32xf32, #tpu.memory_space<hbm>> -> memref<1384448x32xf32, #tpu.memory_space<hbm>>
      tpu.enqueue_indirect_dma source(%dma_start3A_70 : memref<1384448x32xf32, #tpu.memory_space<hbm>>) target(%dma_start3A_64 : memref<128x32xf32, #tpu.memory_space<vmem>>) offsets(%dma_start3A_67 : memref<128xi32, #tpu.memory_space<vmem>>) semaphore(%arg10 : memref<!tpu.dma_semaphore, #tpu.memory_space<semaphore_mem>>)
      %dma_start3A_71 = arith.constant 5 : i32
      %dma_start3A_72 = arith.constant 5 : i32
      %dma_start3A_73 = arith.constant 0 : i32
      %dma_start3A_74 = arith.constant 0 : i32
      %dma_start3A_75 = tpu.memref_slice %arg8[%dma_start3A_72, %dma_start3A_73, %dma_start3A_74] : memref<8x128x32xf32, #tpu.memory_space<vmem>> -> memref<1x128x32xf32, #tpu.memory_space<vmem>>
      %dma_start3A_76 = tpu.memref_squeeze %dma_start3A_75 : memref<1x128x32xf32, #tpu.memory_space<vmem>> -> memref<128x32xf32, #tpu.memory_space<vmem>>
      %dma_start3A_77 = arith.constant 0 : i32
      %dma_start3A_78 = tpu.memref_slice %arg6[%dma_start3A_71, %dma_start3A_77] : memref<8x128xi32, #tpu.memory_space<vmem>> -> memref<1x128xi32, #tpu.memory_space<vmem>>
      %dma_start3A_79 = tpu.memref_squeeze %dma_start3A_78 : memref<1x128xi32, #tpu.memory_space<vmem>> -> memref<128xi32, #tpu.memory_space<vmem>>
      %dma_start3A_80 = arith.constant 0 : i32
      %dma_start3A_81 = arith.constant 0 : i32
      %dma_start3A_82 = tpu.memref_slice %arg2[%dma_start3A_80, %dma_start3A_81] : memref<1384448x32xf32, #tpu.memory_space<hbm>> -> memref<1384448x32xf32, #tpu.memory_space<hbm>>
      tpu.enqueue_indirect_dma source(%dma_start3A_82 : memref<1384448x32xf32, #tpu.memory_space<hbm>>) target(%dma_start3A_76 : memref<128x32xf32, #tpu.memory_space<vmem>>) offsets(%dma_start3A_79 : memref<128xi32, #tpu.memory_space<vmem>>) semaphore(%arg10 : memref<!tpu.dma_semaphore, #tpu.memory_space<semaphore_mem>>)
      %dma_start3A_83 = arith.constant 6 : i32
      %dma_start3A_84 = arith.constant 6 : i32
      %dma_start3A_85 = arith.constant 0 : i32
      %dma_start3A_86 = arith.constant 0 : i32
      %dma_start3A_87 = tpu.memref_slice %arg8[%dma_start3A_84, %dma_start3A_85, %dma_start3A_86] : memref<8x128x32xf32, #tpu.memory_space<vmem>> -> memref<1x128x32xf32, #tpu.memory_space<vmem>>
      %dma_start3A_88 = tpu.memref_squeeze %dma_start3A_87 : memref<1x128x32xf32, #tpu.memory_space<vmem>> -> memref<128x32xf32, #tpu.memory_space<vmem>>
      %dma_start3A_89 = arith.constant 0 : i32
      %dma_start3A_90 = tpu.memref_slice %arg6[%dma_start3A_83, %dma_start3A_89] : memref<8x128xi32, #tpu.memory_space<vmem>> -> memref<1x128xi32, #tpu.memory_space<vmem>>
      %dma_start3A_91 = tpu.memref_squeeze %dma_start3A_90 : memref<1x128xi32, #tpu.memory_space<vmem>> -> memref<128xi32, #tpu.memory_space<vmem>>
      %dma_start3A_92 = arith.constant 0 : i32
      %dma_start3A_93 = arith.constant 0 : i32
      %dma_start3A_94 = tpu.memref_slice %arg2[%dma_start3A_92, %dma_start3A_93] : memref<1384448x32xf32, #tpu.memory_space<hbm>> -> memref<1384448x32xf32, #tpu.memory_space<hbm>>
      tpu.enqueue_indirect_dma source(%dma_start3A_94 : memref<1384448x32xf32, #tpu.memory_space<hbm>>) target(%dma_start3A_88 : memref<128x32xf32, #tpu.memory_space<vmem>>) offsets(%dma_start3A_91 : memref<128xi32, #tpu.memory_space<vmem>>) semaphore(%arg10 : memref<!tpu.dma_semaphore, #tpu.memory_space<semaphore_mem>>)
      %dma_start3A_95 = arith.constant 7 : i32
      %dma_start3A_96 = arith.constant 7 : i32
      %dma_start3A_97 = arith.constant 0 : i32
      %dma_start3A_98 = arith.constant 0 : i32
      %dma_start3A_99 = tpu.memref_slice %arg8[%dma_start3A_96, %dma_start3A_97, %dma_start3A_98] : memref<8x128x32xf32, #tpu.memory_space<vmem>> -> memref<1x128x32xf32, #tpu.memory_space<vmem>>
      %dma_start3A_100 = tpu.memref_squeeze %dma_start3A_99 : memref<1x128x32xf32, #tpu.memory_space<vmem>> -> memref<128x32xf32, #tpu.memory_space<vmem>>
      %dma_start3A_101 = arith.constant 0 : i32
      %dma_start3A_102 = tpu.memref_slice %arg6[%dma_start3A_95, %dma_start3A_101] : memref<8x128xi32, #tpu.memory_space<vmem>> -> memref<1x128xi32, #tpu.memory_space<vmem>>
      %dma_start3A_103 = tpu.memref_squeeze %dma_start3A_102 : memref<1x128xi32, #tpu.memory_space<vmem>> -> memref<128xi32, #tpu.memory_space<vmem>>
      %dma_start3A_104 = arith.constant 0 : i32
      %dma_start3A_105 = arith.constant 0 : i32
      %dma_start3A_106 = tpu.memref_slice %arg2[%dma_start3A_104, %dma_start3A_105] : memref<1384448x32xf32, #tpu.memory_space<hbm>> -> memref<1384448x32xf32, #tpu.memory_space<hbm>>
      tpu.enqueue_indirect_dma source(%dma_start3A_106 : memref<1384448x32xf32, #tpu.memory_space<hbm>>) target(%dma_start3A_100 : memref<128x32xf32, #tpu.memory_space<vmem>>) offsets(%dma_start3A_103 : memref<128xi32, #tpu.memory_space<vmem>>) semaphore(%arg10 : memref<!tpu.dma_semaphore, #tpu.memory_space<semaphore_mem>>)
      %dma_wait3A = arith.constant 0 : i32
      %dma_wait3A_107 = arith.constant 0 : i32
      %dma_wait3A_108 = arith.constant 0 : i32
      %dma_wait3A_109 = arith.constant 0 : i32
      %dma_wait3A_110 = tpu.memref_slice %arg8[%dma_wait3A_107, %dma_wait3A_108, %dma_wait3A_109] : memref<8x128x32xf32, #tpu.memory_space<vmem>> -> memref<1x128x32xf32, #tpu.memory_space<vmem>>
      %dma_wait3A_111 = tpu.memref_squeeze %dma_wait3A_110 : memref<1x128x32xf32, #tpu.memory_space<vmem>> -> memref<128x32xf32, #tpu.memory_space<vmem>>
      %dma_wait3A_112 = arith.constant 0 : i32
      %dma_wait3A_113 = tpu.memref_slice %arg6[%dma_wait3A, %dma_wait3A_112] : memref<8x128xi32, #tpu.memory_space<vmem>> -> memref<1x128xi32, #tpu.memory_space<vmem>>
      %dma_wait3A_114 = tpu.memref_squeeze %dma_wait3A_113 : memref<1x128xi32, #tpu.memory_space<vmem>> -> memref<128xi32, #tpu.memory_space<vmem>>
      %dma_wait3A_115 = arith.constant 0 : i32
      %dma_wait3A_116 = arith.constant 0 : i32
      %dma_wait3A_117 = tpu.memref_slice %arg2[%dma_wait3A_115, %dma_wait3A_116] : memref<1384448x32xf32, #tpu.memory_space<hbm>> -> memref<1384448x32xf32, #tpu.memory_space<hbm>>
      tpu.wait_indirect_dma semaphore(%arg10 : memref<!tpu.dma_semaphore, #tpu.memory_space<semaphore_mem>>) src(%dma_wait3A_117 : memref<1384448x32xf32, #tpu.memory_space<hbm>>) dst(%dma_wait3A_111 : memref<128x32xf32, #tpu.memory_space<vmem>>)
      %dma_wait3A_118 = arith.constant 1 : i32
      %dma_wait3A_119 = arith.constant 1 : i32
      %dma_wait3A_120 = arith.constant 0 : i32
      %dma_wait3A_121 = arith.constant 0 : i32
      %dma_wait3A_122 = tpu.memref_slice %arg8[%dma_wait3A_119, %dma_wait3A_120, %dma_wait3A_121] : memref<8x128x32xf32, #tpu.memory_space<vmem>> -> memref<1x128x32xf32, #tpu.memory_space<vmem>>
      %dma_wait3A_123 = tpu.memref_squeeze %dma_wait3A_122 : memref<1x128x32xf32, #tpu.memory_space<vmem>> -> memref<128x32xf32, #tpu.memory_space<vmem>>
      %dma_wait3A_124 = arith.constant 0 : i32
      %dma_wait3A_125 = tpu.memref_slice %arg6[%dma_wait3A_118, %dma_wait3A_124] : memref<8x128xi32, #tpu.memory_space<vmem>> -> memref<1x128xi32, #tpu.memory_space<vmem>>
      %dma_wait3A_126 = tpu.memref_squeeze %dma_wait3A_125 : memref<1x128xi32, #tpu.memory_space<vmem>> -> memref<128xi32, #tpu.memory_space<vmem>>
      %dma_wait3A_127 = arith.constant 0 : i32
      %dma_wait3A_128 = arith.constant 0 : i32
      %dma_wait3A_129 = tpu.memref_slice %arg2[%dma_wait3A_127, %dma_wait3A_128] : memref<1384448x32xf32, #tpu.memory_space<hbm>> -> memref<1384448x32xf32, #tpu.memory_space<hbm>>
      tpu.wait_indirect_dma semaphore(%arg10 : memref<!tpu.dma_semaphore, #tpu.memory_space<semaphore_mem>>) src(%dma_wait3A_129 : memref<1384448x32xf32, #tpu.memory_space<hbm>>) dst(%dma_wait3A_123 : memref<128x32xf32, #tpu.memory_space<vmem>>)
      %dma_wait3A_130 = arith.constant 2 : i32
      %dma_wait3A_131 = arith.constant 2 : i32
      %dma_wait3A_132 = arith.constant 0 : i32
      %dma_wait3A_133 = arith.constant 0 : i32
      %dma_wait3A_134 = tpu.memref_slice %arg8[%dma_wait3A_131, %dma_wait3A_132, %dma_wait3A_133] : memref<8x128x32xf32, #tpu.memory_space<vmem>> -> memref<1x128x32xf32, #tpu.memory_space<vmem>>
      %dma_wait3A_135 = tpu.memref_squeeze %dma_wait3A_134 : memref<1x128x32xf32, #tpu.memory_space<vmem>> -> memref<128x32xf32, #tpu.memory_space<vmem>>
      %dma_wait3A_136 = arith.constant 0 : i32
      %dma_wait3A_137 = tpu.memref_slice %arg6[%dma_wait3A_130, %dma_wait3A_136] : memref<8x128xi32, #tpu.memory_space<vmem>> -> memref<1x128xi32, #tpu.memory_space<vmem>>
      %dma_wait3A_138 = tpu.memref_squeeze %dma_wait3A_137 : memref<1x128xi32, #tpu.memory_space<vmem>> -> memref<128xi32, #tpu.memory_space<vmem>>
      %dma_wait3A_139 = arith.constant 0 : i32
      %dma_wait3A_140 = arith.constant 0 : i32
      %dma_wait3A_141 = tpu.memref_slice %arg2[%dma_wait3A_139, %dma_wait3A_140] : memref<1384448x32xf32, #tpu.memory_space<hbm>> -> memref<1384448x32xf32, #tpu.memory_space<hbm>>
      tpu.wait_indirect_dma semaphore(%arg10 : memref<!tpu.dma_semaphore, #tpu.memory_space<semaphore_mem>>) src(%dma_wait3A_141 : memref<1384448x32xf32, #tpu.memory_space<hbm>>) dst(%dma_wait3A_135 : memref<128x32xf32, #tpu.memory_space<vmem>>)
      %dma_wait3A_142 = arith.constant 3 : i32
      %dma_wait3A_143 = arith.constant 3 : i32
      %dma_wait3A_144 = arith.constant 0 : i32
      %dma_wait3A_145 = arith.constant 0 : i32
      %dma_wait3A_146 = tpu.memref_slice %arg8[%dma_wait3A_143, %dma_wait3A_144, %dma_wait3A_145] : memref<8x128x32xf32, #tpu.memory_space<vmem>> -> memref<1x128x32xf32, #tpu.memory_space<vmem>>
      %dma_wait3A_147 = tpu.memref_squeeze %dma_wait3A_146 : memref<1x128x32xf32, #tpu.memory_space<vmem>> -> memref<128x32xf32, #tpu.memory_space<vmem>>
      %dma_wait3A_148 = arith.constant 0 : i32
      %dma_wait3A_149 = tpu.memref_slice %arg6[%dma_wait3A_142, %dma_wait3A_148] : memref<8x128xi32, #tpu.memory_space<vmem>> -> memref<1x128xi32, #tpu.memory_space<vmem>>
      %dma_wait3A_150 = tpu.memref_squeeze %dma_wait3A_149 : memref<1x128xi32, #tpu.memory_space<vmem>> -> memref<128xi32, #tpu.memory_space<vmem>>
      %dma_wait3A_151 = arith.constant 0 : i32
      %dma_wait3A_152 = arith.constant 0 : i32
      %dma_wait3A_153 = tpu.memref_slice %arg2[%dma_wait3A_151, %dma_wait3A_152] : memref<1384448x32xf32, #tpu.memory_space<hbm>> -> memref<1384448x32xf32, #tpu.memory_space<hbm>>
      tpu.wait_indirect_dma semaphore(%arg10 : memref<!tpu.dma_semaphore, #tpu.memory_space<semaphore_mem>>) src(%dma_wait3A_153 : memref<1384448x32xf32, #tpu.memory_space<hbm>>) dst(%dma_wait3A_147 : memref<128x32xf32, #tpu.memory_space<vmem>>)
      %dma_wait3A_154 = arith.constant 4 : i32
      %dma_wait3A_155 = arith.constant 4 : i32
      %dma_wait3A_156 = arith.constant 0 : i32
      %dma_wait3A_157 = arith.constant 0 : i32
      %dma_wait3A_158 = tpu.memref_slice %arg8[%dma_wait3A_155, %dma_wait3A_156, %dma_wait3A_157] : memref<8x128x32xf32, #tpu.memory_space<vmem>> -> memref<1x128x32xf32, #tpu.memory_space<vmem>>
      %dma_wait3A_159 = tpu.memref_squeeze %dma_wait3A_158 : memref<1x128x32xf32, #tpu.memory_space<vmem>> -> memref<128x32xf32, #tpu.memory_space<vmem>>
      %dma_wait3A_160 = arith.constant 0 : i32
      %dma_wait3A_161 = tpu.memref_slice %arg6[%dma_wait3A_154, %dma_wait3A_160] : memref<8x128xi32, #tpu.memory_space<vmem>> -> memref<1x128xi32, #tpu.memory_space<vmem>>
      %dma_wait3A_162 = tpu.memref_squeeze %dma_wait3A_161 : memref<1x128xi32, #tpu.memory_space<vmem>> -> memref<128xi32, #tpu.memory_space<vmem>>
      %dma_wait3A_163 = arith.constant 0 : i32
      %dma_wait3A_164 = arith.constant 0 : i32
      %dma_wait3A_165 = tpu.memref_slice %arg2[%dma_wait3A_163, %dma_wait3A_164] : memref<1384448x32xf32, #tpu.memory_space<hbm>> -> memref<1384448x32xf32, #tpu.memory_space<hbm>>
      tpu.wait_indirect_dma semaphore(%arg10 : memref<!tpu.dma_semaphore, #tpu.memory_space<semaphore_mem>>) src(%dma_wait3A_165 : memref<1384448x32xf32, #tpu.memory_space<hbm>>) dst(%dma_wait3A_159 : memref<128x32xf32, #tpu.memory_space<vmem>>)
      %dma_wait3A_166 = arith.constant 5 : i32
      %dma_wait3A_167 = arith.constant 5 : i32
      %dma_wait3A_168 = arith.constant 0 : i32
      %dma_wait3A_169 = arith.constant 0 : i32
      %dma_wait3A_170 = tpu.memref_slice %arg8[%dma_wait3A_167, %dma_wait3A_168, %dma_wait3A_169] : memref<8x128x32xf32, #tpu.memory_space<vmem>> -> memref<1x128x32xf32, #tpu.memory_space<vmem>>
      %dma_wait3A_171 = tpu.memref_squeeze %dma_wait3A_170 : memref<1x128x32xf32, #tpu.memory_space<vmem>> -> memref<128x32xf32, #tpu.memory_space<vmem>>
      %dma_wait3A_172 = arith.constant 0 : i32
      %dma_wait3A_173 = tpu.memref_slice %arg6[%dma_wait3A_166, %dma_wait3A_172] : memref<8x128xi32, #tpu.memory_space<vmem>> -> memref<1x128xi32, #tpu.memory_space<vmem>>
      %dma_wait3A_174 = tpu.memref_squeeze %dma_wait3A_173 : memref<1x128xi32, #tpu.memory_space<vmem>> -> memref<128xi32, #tpu.memory_space<vmem>>
      %dma_wait3A_175 = arith.constant 0 : i32
      %dma_wait3A_176 = arith.constant 0 : i32
      %dma_wait3A_177 = tpu.memref_slice %arg2[%dma_wait3A_175, %dma_wait3A_176] : memref<1384448x32xf32, #tpu.memory_space<hbm>> -> memref<1384448x32xf32, #tpu.memory_space<hbm>>
      tpu.wait_indirect_dma semaphore(%arg10 : memref<!tpu.dma_semaphore, #tpu.memory_space<semaphore_mem>>) src(%dma_wait3A_177 : memref<1384448x32xf32, #tpu.memory_space<hbm>>) dst(%dma_wait3A_171 : memref<128x32xf32, #tpu.memory_space<vmem>>)
      %dma_wait3A_178 = arith.constant 6 : i32
      %dma_wait3A_179 = arith.constant 6 : i32
      %dma_wait3A_180 = arith.constant 0 : i32
      %dma_wait3A_181 = arith.constant 0 : i32
      %dma_wait3A_182 = tpu.memref_slice %arg8[%dma_wait3A_179, %dma_wait3A_180, %dma_wait3A_181] : memref<8x128x32xf32, #tpu.memory_space<vmem>> -> memref<1x128x32xf32, #tpu.memory_space<vmem>>
      %dma_wait3A_183 = tpu.memref_squeeze %dma_wait3A_182 : memref<1x128x32xf32, #tpu.memory_space<vmem>> -> memref<128x32xf32, #tpu.memory_space<vmem>>
      %dma_wait3A_184 = arith.constant 0 : i32
      %dma_wait3A_185 = tpu.memref_slice %arg6[%dma_wait3A_178, %dma_wait3A_184] : memref<8x128xi32, #tpu.memory_space<vmem>> -> memref<1x128xi32, #tpu.memory_space<vmem>>
      %dma_wait3A_186 = tpu.memref_squeeze %dma_wait3A_185 : memref<1x128xi32, #tpu.memory_space<vmem>> -> memref<128xi32, #tpu.memory_space<vmem>>
      %dma_wait3A_187 = arith.constant 0 : i32
      %dma_wait3A_188 = arith.constant 0 : i32
      %dma_wait3A_189 = tpu.memref_slice %arg2[%dma_wait3A_187, %dma_wait3A_188] : memref<1384448x32xf32, #tpu.memory_space<hbm>> -> memref<1384448x32xf32, #tpu.memory_space<hbm>>
      tpu.wait_indirect_dma semaphore(%arg10 : memref<!tpu.dma_semaphore, #tpu.memory_space<semaphore_mem>>) src(%dma_wait3A_189 : memref<1384448x32xf32, #tpu.memory_space<hbm>>) dst(%dma_wait3A_183 : memref<128x32xf32, #tpu.memory_space<vmem>>)
      %dma_wait3A_190 = arith.constant 7 : i32
      %dma_wait3A_191 = arith.constant 7 : i32
      %dma_wait3A_192 = arith.constant 0 : i32
      %dma_wait3A_193 = arith.constant 0 : i32
      %dma_wait3A_194 = tpu.memref_slice %arg8[%dma_wait3A_191, %dma_wait3A_192, %dma_wait3A_193] : memref<8x128x32xf32, #tpu.memory_space<vmem>> -> memref<1x128x32xf32, #tpu.memory_space<vmem>>
      %dma_wait3A_195 = tpu.memref_squeeze %dma_wait3A_194 : memref<1x128x32xf32, #tpu.memory_space<vmem>> -> memref<128x32xf32, #tpu.memory_space<vmem>>
      %dma_wait3A_196 = arith.constant 0 : i32
      %dma_wait3A_197 = tpu.memref_slice %arg6[%dma_wait3A_190, %dma_wait3A_196] : memref<8x128xi32, #tpu.memory_space<vmem>> -> memref<1x128xi32, #tpu.memory_space<vmem>>
      %dma_wait3A_198 = tpu.memref_squeeze %dma_wait3A_197 : memref<1x128xi32, #tpu.memory_space<vmem>> -> memref<128xi32, #tpu.memory_space<vmem>>
      %dma_wait3A_199 = arith.constant 0 : i32
      %dma_wait3A_200 = arith.constant 0 : i32
      %dma_wait3A_201 = tpu.memref_slice %arg2[%dma_wait3A_199, %dma_wait3A_200] : memref<1384448x32xf32, #tpu.memory_space<hbm>> -> memref<1384448x32xf32, #tpu.memory_space<hbm>>
      tpu.wait_indirect_dma semaphore(%arg10 : memref<!tpu.dma_semaphore, #tpu.memory_space<semaphore_mem>>) src(%dma_wait3A_201 : memref<1384448x32xf32, #tpu.memory_space<hbm>>) dst(%dma_wait3A_195 : memref<128x32xf32, #tpu.memory_space<vmem>>)
      %scan3A_202 = arith.constant 0 : i32
      %scan3A_203 = arith.constant 0 : i32
      %scan3A_204 = arith.constant 8 : i32
      %scan3A_205 = arith.addi %scan3A_203, %scan3A_204 : i32
      %scan3A_206 = arith.constant 1 : i32
      scf.for %scan3A_208 = %scan3A_203 to %scan3A_205 step %scan3A_206  : i32 {
        %broadcast_in_dim3A = arith.constant 0.000000e+00 : f32
        %broadcast_in_dim3A_209 = vector.broadcast %broadcast_in_dim3A : f32 to vector<16xf32>
        %broadcast_in_dim3A_210 = arith.constant 0.000000e+00 : f32
        %broadcast_in_dim3A_211 = vector.broadcast %broadcast_in_dim3A_210 : f32 to vector<16xf32>
        %get3A = arith.constant 0 : i32
        %get3A_212 = tpu.memref_slice %arg7[%scan3A_208, %get3A] : memref<8x128xf32, #tpu.memory_space<vmem>> -> memref<1x128xf32, #tpu.memory_space<vmem>>
        %get3A_213 = tpu.memref_squeeze %get3A_212 : memref<1x128xf32, #tpu.memory_space<vmem>> -> memref<128xf32, #tpu.memory_space<vmem>>
        %get3A_214 = arith.constant 0 : index
        %get3A_215 = tpu.vector_load %get3A_213[%get3A_214] {strides = array<i32>} : memref<128xf32, #tpu.memory_space<vmem>>, vector<16xf32>,
        %get3A_216 = vector.shape_cast %get3A_215 : vector<16xf32> to vector<16xf32>
        %slice3A = vector.extract_strided_slice %get3A_216 {offsets = [0], sizes = [1], strides = [1]} : vector<16xf32> to vector<1xf32>
        %squeeze3A = vector.extract %slice3A[0] : f32 from vector<1xf32>
        %get3A_217 = arith.constant 0 : i32
        %get3A_218 = arith.constant 0 : i32
        %get3A_219 = arith.constant 0 : i32
        %get3A_220 = tpu.memref_slice %arg8[%scan3A_208, %get3A_218, %get3A_219] : memref<8x128x32xf32, #tpu.memory_space<vmem>> -> memref<1x128x32xf32, #tpu.memory_space<vmem>>
        %get3A_221 = tpu.memref_squeeze %get3A_220 : memref<1x128x32xf32, #tpu.memory_space<vmem>> -> memref<128x32xf32, #tpu.memory_space<vmem>>
        %get3A_222 = arith.index_cast %get3A_217 : i32 to index
        %get3A_223 = arith.constant 0 : index
        %get3A_224 = tpu.vector_load %get3A_221[%get3A_222, %get3A_223] {strides = array<i32>} : memref<128x32xf32, #tpu.memory_space<vmem>>, vector<1x16xf32>,
        %get3A_225 = vector.shape_cast %get3A_224 : vector<1x16xf32> to vector<16xf32>
        %mul3A_226 = vector.broadcast %squeeze3A : f32 to vector<16xf32>
        %mul3A_227 = arith.mulf %mul3A_226, %get3A_225 : vector<16xf32>
        %add3A_228 = arith.addf %broadcast_in_dim3A_209, %mul3A_227 : vector<16xf32>
        %get3A_229 = arith.constant 0 : i32
        %get3A_230 = arith.constant 0 : i32
        %get3A_231 = arith.constant 0 : i32
        %get3A_232 = tpu.memref_slice %arg8[%scan3A_208, %get3A_230, %get3A_231] : memref<8x128x32xf32, #tpu.memory_space<vmem>> -> memref<1x128x32xf32, #tpu.memory_space<vmem>>
        %get3A_233 = tpu.memref_squeeze %get3A_232 : memref<1x128x32xf32, #tpu.memory_space<vmem>> -> memref<128x32xf32, #tpu.memory_space<vmem>>
        %get3A_234 = arith.index_cast %get3A_229 : i32 to index
        %get3A_235 = arith.constant 16 : index
        %get3A_236 = tpu.vector_load %get3A_233[%get3A_234, %get3A_235] {strides = array<i32>} : memref<128x32xf32, #tpu.memory_space<vmem>>, vector<1x16xf32>,
        %get3A_237 = vector.shape_cast %get3A_236 : vector<1x16xf32> to vector<16xf32>
        %mul3A_238 = vector.broadcast %squeeze3A : f32 to vector<16xf32>
        %mul3A_239 = arith.mulf %mul3A_238, %get3A_237 : vector<16xf32>
        %add3A_240 = arith.addf %broadcast_in_dim3A_211, %mul3A_239 : vector<16xf32>
        %slice3A_241 = vector.extract_strided_slice %get3A_216 {offsets = [1], sizes = [1], strides = [1]} : vector<16xf32> to vector<1xf32>
        %squeeze3A_242 = vector.extract %slice3A_241[0] : f32 from vector<1xf32>
        %get3A_243 = arith.constant 1 : i32
        %get3A_244 = arith.constant 0 : i32
        %get3A_245 = arith.constant 0 : i32
        %get3A_246 = tpu.memref_slice %arg8[%scan3A_208, %get3A_244, %get3A_245] : memref<8x128x32xf32, #tpu.memory_space<vmem>> -> memref<1x128x32xf32, #tpu.memory_space<vmem>>
        %get3A_247 = tpu.memref_squeeze %get3A_246 : memref<1x128x32xf32, #tpu.memory_space<vmem>> -> memref<128x32xf32, #tpu.memory_space<vmem>>
        %get3A_248 = arith.index_cast %get3A_243 : i32 to index
        %get3A_249 = arith.constant 0 : index
        %get3A_250 = tpu.vector_load %get3A_247[%get3A_248, %get3A_249] {strides = array<i32>} : memref<128x32xf32, #tpu.memory_space<vmem>>, vector<1x16xf32>,
        %get3A_251 = vector.shape_cast %get3A_250 : vector<1x16xf32> to vector<16xf32>
        %mul3A_252 = vector.broadcast %squeeze3A_242 : f32 to vector<16xf32>
        %mul3A_253 = arith.mulf %mul3A_252, %get3A_251 : vector<16xf32>
        %add3A_254 = arith.addf %add3A_228, %mul3A_253 : vector<16xf32>
        %get3A_255 = arith.constant 1 : i32
        %get3A_256 = arith.constant 0 : i32
        %get3A_257 = arith.constant 0 : i32
        %get3A_258 = tpu.memref_slice %arg8[%scan3A_208, %get3A_256, %get3A_257] : memref<8x128x32xf32, #tpu.memory_space<vmem>> -> memref<1x128x32xf32, #tpu.memory_space<vmem>>
        %get3A_259 = tpu.memref_squeeze %get3A_258 : memref<1x128x32xf32, #tpu.memory_space<vmem>> -> memref<128x32xf32, #tpu.memory_space<vmem>>
        %get3A_260 = arith.index_cast %get3A_255 : i32 to index
        %get3A_261 = arith.constant 16 : index
        %get3A_262 = tpu.vector_load %get3A_259[%get3A_260, %get3A_261] {strides = array<i32>} : memref<128x32xf32, #tpu.memory_space<vmem>>, vector<1x16xf32>,
        %get3A_263 = vector.shape_cast %get3A_262 : vector<1x16xf32> to vector<16xf32>
        %mul3A_264 = vector.broadcast %squeeze3A_242 : f32 to vector<16xf32>
        %mul3A_265 = arith.mulf %mul3A_264, %get3A_263 : vector<16xf32>
        %add3A_266 = arith.addf %add3A_240, %mul3A_265 : vector<16xf32>
        %slice3A_267 = vector.extract_strided_slice %get3A_216 {offsets = [2], sizes = [1], strides = [1]} : vector<16xf32> to vector<1xf32>
        %squeeze3A_268 = vector.extract %slice3A_267[0] : f32 from vector<1xf32>
        %get3A_269 = arith.constant 2 : i32
        %get3A_270 = arith.constant 0 : i32
        %get3A_271 = arith.constant 0 : i32
        %get3A_272 = tpu.memref_slice %arg8[%scan3A_208, %get3A_270, %get3A_271] : memref<8x128x32xf32, #tpu.memory_space<vmem>> -> memref<1x128x32xf32, #tpu.memory_space<vmem>>
        %get3A_273 = tpu.memref_squeeze %get3A_272 : memref<1x128x32xf32, #tpu.memory_space<vmem>> -> memref<128x32xf32, #tpu.memory_space<vmem>>
        %get3A_274 = arith.index_cast %get3A_269 : i32 to index
        %get3A_275 = arith.constant 0 : index
        %get3A_276 = tpu.vector_load %get3A_273[%get3A_274, %get3A_275] {strides = array<i32>} : memref<128x32xf32, #tpu.memory_space<vmem>>, vector<1x16xf32>,
        %get3A_277 = vector.shape_cast %get3A_276 : vector<1x16xf32> to vector<16xf32>
        %mul3A_278 = vector.broadcast %squeeze3A_268 : f32 to vector<16xf32>
        %mul3A_279 = arith.mulf %mul3A_278, %get3A_277 : vector<16xf32>
        %add3A_280 = arith.addf %add3A_254, %mul3A_279 : vector<16xf32>
        %get3A_281 = arith.constant 2 : i32
        %get3A_282 = arith.constant 0 : i32
        %get3A_283 = arith.constant 0 : i32
        %get3A_284 = tpu.memref_slice %arg8[%scan3A_208, %get3A_282, %get3A_283] : memref<8x128x32xf32, #tpu.memory_space<vmem>> -> memref<1x128x32xf32, #tpu.memory_space<vmem>>
        %get3A_285 = tpu.memref_squeeze %get3A_284 : memref<1x128x32xf32, #tpu.memory_space<vmem>> -> memref<128x32xf32, #tpu.memory_space<vmem>>
        %get3A_286 = arith.index_cast %get3A_281 : i32 to index
        %get3A_287 = arith.constant 16 : index
        %get3A_288 = tpu.vector_load %get3A_285[%get3A_286, %get3A_287] {strides = array<i32>} : memref<128x32xf32, #tpu.memory_space<vmem>>, vector<1x16xf32>,
        %get3A_289 = vector.shape_cast %get3A_288 : vector<1x16xf32> to vector<16xf32>
        %mul3A_290 = vector.broadcast %squeeze3A_268 : f32 to vector<16xf32>
        %mul3A_291 = arith.mulf %mul3A_290, %get3A_289 : vector<16xf32>
        %add3A_292 = arith.addf %add3A_266, %mul3A_291 : vector<16xf32>
        %slice3A_293 = vector.extract_strided_slice %get3A_216 {offsets = [3], sizes = [1], strides = [1]} : vector<16xf32> to vector<1xf32>
        %squeeze3A_294 = vector.extract %slice3A_293[0] : f32 from vector<1xf32>
        %get3A_295 = arith.constant 3 : i32
        %get3A_296 = arith.constant 0 : i32
        %get3A_297 = arith.constant 0 : i32
        %get3A_298 = tpu.memref_slice %arg8[%scan3A_208, %get3A_296, %get3A_297] : memref<8x128x32xf32, #tpu.memory_space<vmem>> -> memref<1x128x32xf32, #tpu.memory_space<vmem>>
        %get3A_299 = tpu.memref_squeeze %get3A_298 : memref<1x128x32xf32, #tpu.memory_space<vmem>> -> memref<128x32xf32, #tpu.memory_space<vmem>>
        %get3A_300 = arith.index_cast %get3A_295 : i32 to index
        %get3A_301 = arith.constant 0 : index
        %get3A_302 = tpu.vector_load %get3A_299[%get3A_300, %get3A_301] {strides = array<i32>} : memref<128x32xf32, #tpu.memory_space<vmem>>, vector<1x16xf32>,
        %get3A_303 = vector.shape_cast %get3A_302 : vector<1x16xf32> to vector<16xf32>
        %mul3A_304 = vector.broadcast %squeeze3A_294 : f32 to vector<16xf32>
        %mul3A_305 = arith.mulf %mul3A_304, %get3A_303 : vector<16xf32>
        %add3A_306 = arith.addf %add3A_280, %mul3A_305 : vector<16xf32>
        %get3A_307 = arith.constant 3 : i32
        %get3A_308 = arith.constant 0 : i32
        %get3A_309 = arith.constant 0 : i32
        %get3A_310 = tpu.memref_slice %arg8[%scan3A_208, %get3A_308, %get3A_309] : memref<8x128x32xf32, #tpu.memory_space<vmem>> -> memref<1x128x32xf32, #tpu.memory_space<vmem>>
        %get3A_311 = tpu.memref_squeeze %get3A_310 : memref<1x128x32xf32, #tpu.memory_space<vmem>> -> memref<128x32xf32, #tpu.memory_space<vmem>>
        %get3A_312 = arith.index_cast %get3A_307 : i32 to index
        %get3A_313 = arith.constant 16 : index
        %get3A_314 = tpu.vector_load %get3A_311[%get3A_312, %get3A_313] {strides = array<i32>} : memref<128x32xf32, #tpu.memory_space<vmem>>, vector<1x16xf32>,
        %get3A_315 = vector.shape_cast %get3A_314 : vector<1x16xf32> to vector<16xf32>
        %mul3A_316 = vector.broadcast %squeeze3A_294 : f32 to vector<16xf32>
        %mul3A_317 = arith.mulf %mul3A_316, %get3A_315 : vector<16xf32>
        %add3A_318 = arith.addf %add3A_292, %mul3A_317 : vector<16xf32>
        %slice3A_319 = vector.extract_strided_slice %get3A_216 {offsets = [4], sizes = [1], strides = [1]} : vector<16xf32> to vector<1xf32>
        %squeeze3A_320 = vector.extract %slice3A_319[0] : f32 from vector<1xf32>
        %get3A_321 = arith.constant 4 : i32
        %get3A_322 = arith.constant 0 : i32
        %get3A_323 = arith.constant 0 : i32
        %get3A_324 = tpu.memref_slice %arg8[%scan3A_208, %get3A_322, %get3A_323] : memref<8x128x32xf32, #tpu.memory_space<vmem>> -> memref<1x128x32xf32, #tpu.memory_space<vmem>>
        %get3A_325 = tpu.memref_squeeze %get3A_324 : memref<1x128x32xf32, #tpu.memory_space<vmem>> -> memref<128x32xf32, #tpu.memory_space<vmem>>
        %get3A_326 = arith.index_cast %get3A_321 : i32 to index
        %get3A_327 = arith.constant 0 : index
        %get3A_328 = tpu.vector_load %get3A_325[%get3A_326, %get3A_327] {strides = array<i32>} : memref<128x32xf32, #tpu.memory_space<vmem>>, vector<1x16xf32>,
        %get3A_329 = vector.shape_cast %get3A_328 : vector<1x16xf32> to vector<16xf32>
        %mul3A_330 = vector.broadcast %squeeze3A_320 : f32 to vector<16xf32>
        %mul3A_331 = arith.mulf %mul3A_330, %get3A_329 : vector<16xf32>
        %add3A_332 = arith.addf %add3A_306, %mul3A_331 : vector<16xf32>
        %get3A_333 = arith.constant 4 : i32
        %get3A_334 = arith.constant 0 : i32
        %get3A_335 = arith.constant 0 : i32
        %get3A_336 = tpu.memref_slice %arg8[%scan3A_208, %get3A_334, %get3A_335] : memref<8x128x32xf32, #tpu.memory_space<vmem>> -> memref<1x128x32xf32, #tpu.memory_space<vmem>>
        %get3A_337 = tpu.memref_squeeze %get3A_336 : memref<1x128x32xf32, #tpu.memory_space<vmem>> -> memref<128x32xf32, #tpu.memory_space<vmem>>
        %get3A_338 = arith.index_cast %get3A_333 : i32 to index
        %get3A_339 = arith.constant 16 : index
        %get3A_340 = tpu.vector_load %get3A_337[%get3A_338, %get3A_339] {strides = array<i32>} : memref<128x32xf32, #tpu.memory_space<vmem>>, vector<1x16xf32>,
        %get3A_341 = vector.shape_cast %get3A_340 : vector<1x16xf32> to vector<16xf32>
        %mul3A_342 = vector.broadcast %squeeze3A_320 : f32 to vector<16xf32>
        %mul3A_343 = arith.mulf %mul3A_342, %get3A_341 : vector<16xf32>
        %add3A_344 = arith.addf %add3A_318, %mul3A_343 : vector<16xf32>
        %slice3A_345 = vector.extract_strided_slice %get3A_216 {offsets = [5], sizes = [1], strides = [1]} : vector<16xf32> to vector<1xf32>
        %squeeze3A_346 = vector.extract %slice3A_345[0] : f32 from vector<1xf32>
        %get3A_347 = arith.constant 5 : i32
        %get3A_348 = arith.constant 0 : i32
        %get3A_349 = arith.constant 0 : i32
        %get3A_350 = tpu.memref_slice %arg8[%scan3A_208, %get3A_348, %get3A_349] : memref<8x128x32xf32, #tpu.memory_space<vmem>> -> memref<1x128x32xf32, #tpu.memory_space<vmem>>
        %get3A_351 = tpu.memref_squeeze %get3A_350 : memref<1x128x32xf32, #tpu.memory_space<vmem>> -> memref<128x32xf32, #tpu.memory_space<vmem>>
        %get3A_352 = arith.index_cast %get3A_347 : i32 to index
        %get3A_353 = arith.constant 0 : index
        %get3A_354 = tpu.vector_load %get3A_351[%get3A_352, %get3A_353] {strides = array<i32>} : memref<128x32xf32, #tpu.memory_space<vmem>>, vector<1x16xf32>,
        %get3A_355 = vector.shape_cast %get3A_354 : vector<1x16xf32> to vector<16xf32>
        %mul3A_356 = vector.broadcast %squeeze3A_346 : f32 to vector<16xf32>
        %mul3A_357 = arith.mulf %mul3A_356, %get3A_355 : vector<16xf32>
        %add3A_358 = arith.addf %add3A_332, %mul3A_357 : vector<16xf32>
        %get3A_359 = arith.constant 5 : i32
        %get3A_360 = arith.constant 0 : i32
        %get3A_361 = arith.constant 0 : i32
        %get3A_362 = tpu.memref_slice %arg8[%scan3A_208, %get3A_360, %get3A_361] : memref<8x128x32xf32, #tpu.memory_space<vmem>> -> memref<1x128x32xf32, #tpu.memory_space<vmem>>
        %get3A_363 = tpu.memref_squeeze %get3A_362 : memref<1x128x32xf32, #tpu.memory_space<vmem>> -> memref<128x32xf32, #tpu.memory_space<vmem>>
        %get3A_364 = arith.index_cast %get3A_359 : i32 to index
        %get3A_365 = arith.constant 16 : index
        %get3A_366 = tpu.vector_load %get3A_363[%get3A_364, %get3A_365] {strides = array<i32>} : memref<128x32xf32, #tpu.memory_space<vmem>>, vector<1x16xf32>,
        %get3A_367 = vector.shape_cast %get3A_366 : vector<1x16xf32> to vector<16xf32>
        %mul3A_368 = vector.broadcast %squeeze3A_346 : f32 to vector<16xf32>
        %mul3A_369 = arith.mulf %mul3A_368, %get3A_367 : vector<16xf32>
        %add3A_370 = arith.addf %add3A_344, %mul3A_369 : vector<16xf32>
        %slice3A_371 = vector.extract_strided_slice %get3A_216 {offsets = [6], sizes = [1], strides = [1]} : vector<16xf32> to vector<1xf32>
        %squeeze3A_372 = vector.extract %slice3A_371[0] : f32 from vector<1xf32>
        %get3A_373 = arith.constant 6 : i32
        %get3A_374 = arith.constant 0 : i32
        %get3A_375 = arith.constant 0 : i32
        %get3A_376 = tpu.memref_slice %arg8[%scan3A_208, %get3A_374, %get3A_375] : memref<8x128x32xf32, #tpu.memory_space<vmem>> -> memref<1x128x32xf32, #tpu.memory_space<vmem>>
        %get3A_377 = tpu.memref_squeeze %get3A_376 : memref<1x128x32xf32, #tpu.memory_space<vmem>> -> memref<128x32xf32, #tpu.memory_space<vmem>>
        %get3A_378 = arith.index_cast %get3A_373 : i32 to index
        %get3A_379 = arith.constant 0 : index
        %get3A_380 = tpu.vector_load %get3A_377[%get3A_378, %get3A_379] {strides = array<i32>} : memref<128x32xf32, #tpu.memory_space<vmem>>, vector<1x16xf32>,
        %get3A_381 = vector.shape_cast %get3A_380 : vector<1x16xf32> to vector<16xf32>
        %mul3A_382 = vector.broadcast %squeeze3A_372 : f32 to vector<16xf32>
        %mul3A_383 = arith.mulf %mul3A_382, %get3A_381 : vector<16xf32>
        %add3A_384 = arith.addf %add3A_358, %mul3A_383 : vector<16xf32>
        %get3A_385 = arith.constant 6 : i32
        %get3A_386 = arith.constant 0 : i32
        %get3A_387 = arith.constant 0 : i32
        %get3A_388 = tpu.memref_slice %arg8[%scan3A_208, %get3A_386, %get3A_387] : memref<8x128x32xf32, #tpu.memory_space<vmem>> -> memref<1x128x32xf32, #tpu.memory_space<vmem>>
        %get3A_389 = tpu.memref_squeeze %get3A_388 : memref<1x128x32xf32, #tpu.memory_space<vmem>> -> memref<128x32xf32, #tpu.memory_space<vmem>>
        %get3A_390 = arith.index_cast %get3A_385 : i32 to index
        %get3A_391 = arith.constant 16 : index
        %get3A_392 = tpu.vector_load %get3A_389[%get3A_390, %get3A_391] {strides = array<i32>} : memref<128x32xf32, #tpu.memory_space<vmem>>, vector<1x16xf32>,
        %get3A_393 = vector.shape_cast %get3A_392 : vector<1x16xf32> to vector<16xf32>
        %mul3A_394 = vector.broadcast %squeeze3A_372 : f32 to vector<16xf32>
        %mul3A_395 = arith.mulf %mul3A_394, %get3A_393 : vector<16xf32>
        %add3A_396 = arith.addf %add3A_370, %mul3A_395 : vector<16xf32>
        %slice3A_397 = vector.extract_strided_slice %get3A_216 {offsets = [7], sizes = [1], strides = [1]} : vector<16xf32> to vector<1xf32>
        %squeeze3A_398 = vector.extract %slice3A_397[0] : f32 from vector<1xf32>
        %get3A_399 = arith.constant 7 : i32
        %get3A_400 = arith.constant 0 : i32
        %get3A_401 = arith.constant 0 : i32
        %get3A_402 = tpu.memref_slice %arg8[%scan3A_208, %get3A_400, %get3A_401] : memref<8x128x32xf32, #tpu.memory_space<vmem>> -> memref<1x128x32xf32, #tpu.memory_space<vmem>>
        %get3A_403 = tpu.memref_squeeze %get3A_402 : memref<1x128x32xf32, #tpu.memory_space<vmem>> -> memref<128x32xf32, #tpu.memory_space<vmem>>
        %get3A_404 = arith.index_cast %get3A_399 : i32 to index
        %get3A_405 = arith.constant 0 : index
        %get3A_406 = tpu.vector_load %get3A_403[%get3A_404, %get3A_405] {strides = array<i32>} : memref<128x32xf32, #tpu.memory_space<vmem>>, vector<1x16xf32>,
        %get3A_407 = vector.shape_cast %get3A_406 : vector<1x16xf32> to vector<16xf32>
        %mul3A_408 = vector.broadcast %squeeze3A_398 : f32 to vector<16xf32>
        %mul3A_409 = arith.mulf %mul3A_408, %get3A_407 : vector<16xf32>
        %add3A_410 = arith.addf %add3A_384, %mul3A_409 : vector<16xf32>
        %get3A_411 = arith.constant 7 : i32
        %get3A_412 = arith.constant 0 : i32
        %get3A_413 = arith.constant 0 : i32
        %get3A_414 = tpu.memref_slice %arg8[%scan3A_208, %get3A_412, %get3A_413] : memref<8x128x32xf32, #tpu.memory_space<vmem>> -> memref<1x128x32xf32, #tpu.memory_space<vmem>>
        %get3A_415 = tpu.memref_squeeze %get3A_414 : memref<1x128x32xf32, #tpu.memory_space<vmem>> -> memref<128x32xf32, #tpu.memory_space<vmem>>
        %get3A_416 = arith.index_cast %get3A_411 : i32 to index
        %get3A_417 = arith.constant 16 : index
        %get3A_418 = tpu.vector_load %get3A_415[%get3A_416, %get3A_417] {strides = array<i32>} : memref<128x32xf32, #tpu.memory_space<vmem>>, vector<1x16xf32>,
        %get3A_419 = vector.shape_cast %get3A_418 : vector<1x16xf32> to vector<16xf32>
        %mul3A_420 = vector.broadcast %squeeze3A_398 : f32 to vector<16xf32>
        %mul3A_421 = arith.mulf %mul3A_420, %get3A_419 : vector<16xf32>
        %add3A_422 = arith.addf %add3A_396, %mul3A_421 : vector<16xf32>
        %slice3A_423 = vector.extract_strided_slice %get3A_216 {offsets = [8], sizes = [1], strides = [1]} : vector<16xf32> to vector<1xf32>
        %squeeze3A_424 = vector.extract %slice3A_423[0] : f32 from vector<1xf32>
        %get3A_425 = arith.constant 8 : i32
        %get3A_426 = arith.constant 0 : i32
        %get3A_427 = arith.constant 0 : i32
        %get3A_428 = tpu.memref_slice %arg8[%scan3A_208, %get3A_426, %get3A_427] : memref<8x128x32xf32, #tpu.memory_space<vmem>> -> memref<1x128x32xf32, #tpu.memory_space<vmem>>
        %get3A_429 = tpu.memref_squeeze %get3A_428 : memref<1x128x32xf32, #tpu.memory_space<vmem>> -> memref<128x32xf32, #tpu.memory_space<vmem>>
        %get3A_430 = arith.index_cast %get3A_425 : i32 to index
        %get3A_431 = arith.constant 0 : index
        %get3A_432 = tpu.vector_load %get3A_429[%get3A_430, %get3A_431] {strides = array<i32>} : memref<128x32xf32, #tpu.memory_space<vmem>>, vector<1x16xf32>,
        %get3A_433 = vector.shape_cast %get3A_432 : vector<1x16xf32> to vector<16xf32>
        %mul3A_434 = vector.broadcast %squeeze3A_424 : f32 to vector<16xf32>
        %mul3A_435 = arith.mulf %mul3A_434, %get3A_433 : vector<16xf32>
        %add3A_436 = arith.addf %add3A_410, %mul3A_435 : vector<16xf32>
        %get3A_437 = arith.constant 8 : i32
        %get3A_438 = arith.constant 0 : i32
        %get3A_439 = arith.constant 0 : i32
        %get3A_440 = tpu.memref_slice %arg8[%scan3A_208, %get3A_438, %get3A_439] : memref<8x128x32xf32, #tpu.memory_space<vmem>> -> memref<1x128x32xf32, #tpu.memory_space<vmem>>
        %get3A_441 = tpu.memref_squeeze %get3A_440 : memref<1x128x32xf32, #tpu.memory_space<vmem>> -> memref<128x32xf32, #tpu.memory_space<vmem>>
        %get3A_442 = arith.index_cast %get3A_437 : i32 to index
        %get3A_443 = arith.constant 16 : index
        %get3A_444 = tpu.vector_load %get3A_441[%get3A_442, %get3A_443] {strides = array<i32>} : memref<128x32xf32, #tpu.memory_space<vmem>>, vector<1x16xf32>,
        %get3A_445 = vector.shape_cast %get3A_444 : vector<1x16xf32> to vector<16xf32>
        %mul3A_446 = vector.broadcast %squeeze3A_424 : f32 to vector<16xf32>
        %mul3A_447 = arith.mulf %mul3A_446, %get3A_445 : vector<16xf32>
        %add3A_448 = arith.addf %add3A_422, %mul3A_447 : vector<16xf32>
        %slice3A_449 = vector.extract_strided_slice %get3A_216 {offsets = [9], sizes = [1], strides = [1]} : vector<16xf32> to vector<1xf32>
        %squeeze3A_450 = vector.extract %slice3A_449[0] : f32 from vector<1xf32>
        %get3A_451 = arith.constant 9 : i32
        %get3A_452 = arith.constant 0 : i32
        %get3A_453 = arith.constant 0 : i32
        %get3A_454 = tpu.memref_slice %arg8[%scan3A_208, %get3A_452, %get3A_453] : memref<8x128x32xf32, #tpu.memory_space<vmem>> -> memref<1x128x32xf32, #tpu.memory_space<vmem>>
        %get3A_455 = tpu.memref_squeeze %get3A_454 : memref<1x128x32xf32, #tpu.memory_space<vmem>> -> memref<128x32xf32, #tpu.memory_space<vmem>>
        %get3A_456 = arith.index_cast %get3A_451 : i32 to index
        %get3A_457 = arith.constant 0 : index
        %get3A_458 = tpu.vector_load %get3A_455[%get3A_456, %get3A_457] {strides = array<i32>} : memref<128x32xf32, #tpu.memory_space<vmem>>, vector<1x16xf32>,
        %get3A_459 = vector.shape_cast %get3A_458 : vector<1x16xf32> to vector<16xf32>
        %mul3A_460 = vector.broadcast %squeeze3A_450 : f32 to vector<16xf32>
        %mul3A_461 = arith.mulf %mul3A_460, %get3A_459 : vector<16xf32>
        %add3A_462 = arith.addf %add3A_436, %mul3A_461 : vector<16xf32>
        %get3A_463 = arith.constant 9 : i32
        %get3A_464 = arith.constant 0 : i32
        %get3A_465 = arith.constant 0 : i32
        %get3A_466 = tpu.memref_slice %arg8[%scan3A_208, %get3A_464, %get3A_465] : memref<8x128x32xf32, #tpu.memory_space<vmem>> -> memref<1x128x32xf32, #tpu.memory_space<vmem>>
        %get3A_467 = tpu.memref_squeeze %get3A_466 : memref<1x128x32xf32, #tpu.memory_space<vmem>> -> memref<128x32xf32, #tpu.memory_space<vmem>>
        %get3A_468 = arith.index_cast %get3A_463 : i32 to index
        %get3A_469 = arith.constant 16 : index
        %get3A_470 = tpu.vector_load %get3A_467[%get3A_468, %get3A_469] {strides = array<i32>} : memref<128x32xf32, #tpu.memory_space<vmem>>, vector<1x16xf32>,
        %get3A_471 = vector.shape_cast %get3A_470 : vector<1x16xf32> to vector<16xf32>
        %mul3A_472 = vector.broadcast %squeeze3A_450 : f32 to vector<16xf32>
        %mul3A_473 = arith.mulf %mul3A_472, %get3A_471 : vector<16xf32>
        %add3A_474 = arith.addf %add3A_448, %mul3A_473 : vector<16xf32>
        %slice3A_475 = vector.extract_strided_slice %get3A_216 {offsets = [10], sizes = [1], strides = [1]} : vector<16xf32> to vector<1xf32>
        %squeeze3A_476 = vector.extract %slice3A_475[0] : f32 from vector<1xf32>
        %get3A_477 = arith.constant 10 : i32
        %get3A_478 = arith.constant 0 : i32
        %get3A_479 = arith.constant 0 : i32
        %get3A_480 = tpu.memref_slice %arg8[%scan3A_208, %get3A_478, %get3A_479] : memref<8x128x32xf32, #tpu.memory_space<vmem>> -> memref<1x128x32xf32, #tpu.memory_space<vmem>>
        %get3A_481 = tpu.memref_squeeze %get3A_480 : memref<1x128x32xf32, #tpu.memory_space<vmem>> -> memref<128x32xf32, #tpu.memory_space<vmem>>
        %get3A_482 = arith.index_cast %get3A_477 : i32 to index
        %get3A_483 = arith.constant 0 : index
        %get3A_484 = tpu.vector_load %get3A_481[%get3A_482, %get3A_483] {strides = array<i32>} : memref<128x32xf32, #tpu.memory_space<vmem>>, vector<1x16xf32>,
        %get3A_485 = vector.shape_cast %get3A_484 : vector<1x16xf32> to vector<16xf32>
        %mul3A_486 = vector.broadcast %squeeze3A_476 : f32 to vector<16xf32>
        %mul3A_487 = arith.mulf %mul3A_486, %get3A_485 : vector<16xf32>
        %add3A_488 = arith.addf %add3A_462, %mul3A_487 : vector<16xf32>
        %get3A_489 = arith.constant 10 : i32
        %get3A_490 = arith.constant 0 : i32
        %get3A_491 = arith.constant 0 : i32
        %get3A_492 = tpu.memref_slice %arg8[%scan3A_208, %get3A_490, %get3A_491] : memref<8x128x32xf32, #tpu.memory_space<vmem>> -> memref<1x128x32xf32, #tpu.memory_space<vmem>>
        %get3A_493 = tpu.memref_squeeze %get3A_492 : memref<1x128x32xf32, #tpu.memory_space<vmem>> -> memref<128x32xf32, #tpu.memory_space<vmem>>
        %get3A_494 = arith.index_cast %get3A_489 : i32 to index
        %get3A_495 = arith.constant 16 : index
        %get3A_496 = tpu.vector_load %get3A_493[%get3A_494, %get3A_495] {strides = array<i32>} : memref<128x32xf32, #tpu.memory_space<vmem>>, vector<1x16xf32>,
        %get3A_497 = vector.shape_cast %get3A_496 : vector<1x16xf32> to vector<16xf32>
        %mul3A_498 = vector.broadcast %squeeze3A_476 : f32 to vector<16xf32>
        %mul3A_499 = arith.mulf %mul3A_498, %get3A_497 : vector<16xf32>
        %add3A_500 = arith.addf %add3A_474, %mul3A_499 : vector<16xf32>
        %slice3A_501 = vector.extract_strided_slice %get3A_216 {offsets = [11], sizes = [1], strides = [1]} : vector<16xf32> to vector<1xf32>
        %squeeze3A_502 = vector.extract %slice3A_501[0] : f32 from vector<1xf32>
        %get3A_503 = arith.constant 11 : i32
        %get3A_504 = arith.constant 0 : i32
        %get3A_505 = arith.constant 0 : i32
        %get3A_506 = tpu.memref_slice %arg8[%scan3A_208, %get3A_504, %get3A_505] : memref<8x128x32xf32, #tpu.memory_space<vmem>> -> memref<1x128x32xf32, #tpu.memory_space<vmem>>
        %get3A_507 = tpu.memref_squeeze %get3A_506 : memref<1x128x32xf32, #tpu.memory_space<vmem>> -> memref<128x32xf32, #tpu.memory_space<vmem>>
        %get3A_508 = arith.index_cast %get3A_503 : i32 to index
        %get3A_509 = arith.constant 0 : index
        %get3A_510 = tpu.vector_load %get3A_507[%get3A_508, %get3A_509] {strides = array<i32>} : memref<128x32xf32, #tpu.memory_space<vmem>>, vector<1x16xf32>,
        %get3A_511 = vector.shape_cast %get3A_510 : vector<1x16xf32> to vector<16xf32>
        %mul3A_512 = vector.broadcast %squeeze3A_502 : f32 to vector<16xf32>
        %mul3A_513 = arith.mulf %mul3A_512, %get3A_511 : vector<16xf32>
        %add3A_514 = arith.addf %add3A_488, %mul3A_513 : vector<16xf32>
        %get3A_515 = arith.constant 11 : i32
        %get3A_516 = arith.constant 0 : i32
        %get3A_517 = arith.constant 0 : i32
        %get3A_518 = tpu.memref_slice %arg8[%scan3A_208, %get3A_516, %get3A_517] : memref<8x128x32xf32, #tpu.memory_space<vmem>> -> memref<1x128x32xf32, #tpu.memory_space<vmem>>
        %get3A_519 = tpu.memref_squeeze %get3A_518 : memref<1x128x32xf32, #tpu.memory_space<vmem>> -> memref<128x32xf32, #tpu.memory_space<vmem>>
        %get3A_520 = arith.index_cast %get3A_515 : i32 to index
        %get3A_521 = arith.constant 16 : index
        %get3A_522 = tpu.vector_load %get3A_519[%get3A_520, %get3A_521] {strides = array<i32>} : memref<128x32xf32, #tpu.memory_space<vmem>>, vector<1x16xf32>,
        %get3A_523 = vector.shape_cast %get3A_522 : vector<1x16xf32> to vector<16xf32>
        %mul3A_524 = vector.broadcast %squeeze3A_502 : f32 to vector<16xf32>
        %mul3A_525 = arith.mulf %mul3A_524, %get3A_523 : vector<16xf32>
        %add3A_526 = arith.addf %add3A_500, %mul3A_525 : vector<16xf32>
        %slice3A_527 = vector.extract_strided_slice %get3A_216 {offsets = [12], sizes = [1], strides = [1]} : vector<16xf32> to vector<1xf32>
        %squeeze3A_528 = vector.extract %slice3A_527[0] : f32 from vector<1xf32>
        %get3A_529 = arith.constant 12 : i32
        %get3A_530 = arith.constant 0 : i32
        %get3A_531 = arith.constant 0 : i32
        %get3A_532 = tpu.memref_slice %arg8[%scan3A_208, %get3A_530, %get3A_531] : memref<8x128x32xf32, #tpu.memory_space<vmem>> -> memref<1x128x32xf32, #tpu.memory_space<vmem>>
        %get3A_533 = tpu.memref_squeeze %get3A_532 : memref<1x128x32xf32, #tpu.memory_space<vmem>> -> memref<128x32xf32, #tpu.memory_space<vmem>>
        %get3A_534 = arith.index_cast %get3A_529 : i32 to index
        %get3A_535 = arith.constant 0 : index
        %get3A_536 = tpu.vector_load %get3A_533[%get3A_534, %get3A_535] {strides = array<i32>} : memref<128x32xf32, #tpu.memory_space<vmem>>, vector<1x16xf32>,
        %get3A_537 = vector.shape_cast %get3A_536 : vector<1x16xf32> to vector<16xf32>
        %mul3A_538 = vector.broadcast %squeeze3A_528 : f32 to vector<16xf32>
        %mul3A_539 = arith.mulf %mul3A_538, %get3A_537 : vector<16xf32>
        %add3A_540 = arith.addf %add3A_514, %mul3A_539 : vector<16xf32>
        %get3A_541 = arith.constant 12 : i32
        %get3A_542 = arith.constant 0 : i32
        %get3A_543 = arith.constant 0 : i32
        %get3A_544 = tpu.memref_slice %arg8[%scan3A_208, %get3A_542, %get3A_543] : memref<8x128x32xf32, #tpu.memory_space<vmem>> -> memref<1x128x32xf32, #tpu.memory_space<vmem>>
        %get3A_545 = tpu.memref_squeeze %get3A_544 : memref<1x128x32xf32, #tpu.memory_space<vmem>> -> memref<128x32xf32, #tpu.memory_space<vmem>>
        %get3A_546 = arith.index_cast %get3A_541 : i32 to index
        %get3A_547 = arith.constant 16 : index
        %get3A_548 = tpu.vector_load %get3A_545[%get3A_546, %get3A_547] {strides = array<i32>} : memref<128x32xf32, #tpu.memory_space<vmem>>, vector<1x16xf32>,
        %get3A_549 = vector.shape_cast %get3A_548 : vector<1x16xf32> to vector<16xf32>
        %mul3A_550 = vector.broadcast %squeeze3A_528 : f32 to vector<16xf32>
        %mul3A_551 = arith.mulf %mul3A_550, %get3A_549 : vector<16xf32>
        %add3A_552 = arith.addf %add3A_526, %mul3A_551 : vector<16xf32>
        %slice3A_553 = vector.extract_strided_slice %get3A_216 {offsets = [13], sizes = [1], strides = [1]} : vector<16xf32> to vector<1xf32>
        %squeeze3A_554 = vector.extract %slice3A_553[0] : f32 from vector<1xf32>
        %get3A_555 = arith.constant 13 : i32
        %get3A_556 = arith.constant 0 : i32
        %get3A_557 = arith.constant 0 : i32
        %get3A_558 = tpu.memref_slice %arg8[%scan3A_208, %get3A_556, %get3A_557] : memref<8x128x32xf32, #tpu.memory_space<vmem>> -> memref<1x128x32xf32, #tpu.memory_space<vmem>>
        %get3A_559 = tpu.memref_squeeze %get3A_558 : memref<1x128x32xf32, #tpu.memory_space<vmem>> -> memref<128x32xf32, #tpu.memory_space<vmem>>
        %get3A_560 = arith.index_cast %get3A_555 : i32 to index
        %get3A_561 = arith.constant 0 : index
        %get3A_562 = tpu.vector_load %get3A_559[%get3A_560, %get3A_561] {strides = array<i32>} : memref<128x32xf32, #tpu.memory_space<vmem>>, vector<1x16xf32>,
        %get3A_563 = vector.shape_cast %get3A_562 : vector<1x16xf32> to vector<16xf32>
        %mul3A_564 = vector.broadcast %squeeze3A_554 : f32 to vector<16xf32>
        %mul3A_565 = arith.mulf %mul3A_564, %get3A_563 : vector<16xf32>
        %add3A_566 = arith.addf %add3A_540, %mul3A_565 : vector<16xf32>
        %get3A_567 = arith.constant 13 : i32
        %get3A_568 = arith.constant 0 : i32
        %get3A_569 = arith.constant 0 : i32
        %get3A_570 = tpu.memref_slice %arg8[%scan3A_208, %get3A_568, %get3A_569] : memref<8x128x32xf32, #tpu.memory_space<vmem>> -> memref<1x128x32xf32, #tpu.memory_space<vmem>>
        %get3A_571 = tpu.memref_squeeze %get3A_570 : memref<1x128x32xf32, #tpu.memory_space<vmem>> -> memref<128x32xf32, #tpu.memory_space<vmem>>
        %get3A_572 = arith.index_cast %get3A_567 : i32 to index
        %get3A_573 = arith.constant 16 : index
        %get3A_574 = tpu.vector_load %get3A_571[%get3A_572, %get3A_573] {strides = array<i32>} : memref<128x32xf32, #tpu.memory_space<vmem>>, vector<1x16xf32>,
        %get3A_575 = vector.shape_cast %get3A_574 : vector<1x16xf32> to vector<16xf32>
        %mul3A_576 = vector.broadcast %squeeze3A_554 : f32 to vector<16xf32>
        %mul3A_577 = arith.mulf %mul3A_576, %get3A_575 : vector<16xf32>
        %add3A_578 = arith.addf %add3A_552, %mul3A_577 : vector<16xf32>
        %slice3A_579 = vector.extract_strided_slice %get3A_216 {offsets = [14], sizes = [1], strides = [1]} : vector<16xf32> to vector<1xf32>
        %squeeze3A_580 = vector.extract %slice3A_579[0] : f32 from vector<1xf32>
        %get3A_581 = arith.constant 14 : i32
        %get3A_582 = arith.constant 0 : i32
        %get3A_583 = arith.constant 0 : i32
        %get3A_584 = tpu.memref_slice %arg8[%scan3A_208, %get3A_582, %get3A_583] : memref<8x128x32xf32, #tpu.memory_space<vmem>> -> memref<1x128x32xf32, #tpu.memory_space<vmem>>
        %get3A_585 = tpu.memref_squeeze %get3A_584 : memref<1x128x32xf32, #tpu.memory_space<vmem>> -> memref<128x32xf32, #tpu.memory_space<vmem>>
        %get3A_586 = arith.index_cast %get3A_581 : i32 to index
        %get3A_587 = arith.constant 0 : index
        %get3A_588 = tpu.vector_load %get3A_585[%get3A_586, %get3A_587] {strides = array<i32>} : memref<128x32xf32, #tpu.memory_space<vmem>>, vector<1x16xf32>,
        %get3A_589 = vector.shape_cast %get3A_588 : vector<1x16xf32> to vector<16xf32>
        %mul3A_590 = vector.broadcast %squeeze3A_580 : f32 to vector<16xf32>
        %mul3A_591 = arith.mulf %mul3A_590, %get3A_589 : vector<16xf32>
        %add3A_592 = arith.addf %add3A_566, %mul3A_591 : vector<16xf32>
        %get3A_593 = arith.constant 14 : i32
        %get3A_594 = arith.constant 0 : i32
        %get3A_595 = arith.constant 0 : i32
        %get3A_596 = tpu.memref_slice %arg8[%scan3A_208, %get3A_594, %get3A_595] : memref<8x128x32xf32, #tpu.memory_space<vmem>> -> memref<1x128x32xf32, #tpu.memory_space<vmem>>
        %get3A_597 = tpu.memref_squeeze %get3A_596 : memref<1x128x32xf32, #tpu.memory_space<vmem>> -> memref<128x32xf32, #tpu.memory_space<vmem>>
        %get3A_598 = arith.index_cast %get3A_593 : i32 to index
        %get3A_599 = arith.constant 16 : index
        %get3A_600 = tpu.vector_load %get3A_597[%get3A_598, %get3A_599] {strides = array<i32>} : memref<128x32xf32, #tpu.memory_space<vmem>>, vector<1x16xf32>,
        %get3A_601 = vector.shape_cast %get3A_600 : vector<1x16xf32> to vector<16xf32>
        %mul3A_602 = vector.broadcast %squeeze3A_580 : f32 to vector<16xf32>
        %mul3A_603 = arith.mulf %mul3A_602, %get3A_601 : vector<16xf32>
        %add3A_604 = arith.addf %add3A_578, %mul3A_603 : vector<16xf32>
        %slice3A_605 = vector.extract_strided_slice %get3A_216 {offsets = [15], sizes = [1], strides = [1]} : vector<16xf32> to vector<1xf32>
        %squeeze3A_606 = vector.extract %slice3A_605[0] : f32 from vector<1xf32>
        %get3A_607 = arith.constant 15 : i32
        %get3A_608 = arith.constant 0 : i32
        %get3A_609 = arith.constant 0 : i32
        %get3A_610 = tpu.memref_slice %arg8[%scan3A_208, %get3A_608, %get3A_609] : memref<8x128x32xf32, #tpu.memory_space<vmem>> -> memref<1x128x32xf32, #tpu.memory_space<vmem>>
        %get3A_611 = tpu.memref_squeeze %get3A_610 : memref<1x128x32xf32, #tpu.memory_space<vmem>> -> memref<128x32xf32, #tpu.memory_space<vmem>>
        %get3A_612 = arith.index_cast %get3A_607 : i32 to index
        %get3A_613 = arith.constant 0 : index
        %get3A_614 = tpu.vector_load %get3A_611[%get3A_612, %get3A_613] {strides = array<i32>} : memref<128x32xf32, #tpu.memory_space<vmem>>, vector<1x16xf32>,
        %get3A_615 = vector.shape_cast %get3A_614 : vector<1x16xf32> to vector<16xf32>
        %mul3A_616 = vector.broadcast %squeeze3A_606 : f32 to vector<16xf32>
        %mul3A_617 = arith.mulf %mul3A_616, %get3A_615 : vector<16xf32>
        %add3A_618 = arith.addf %add3A_592, %mul3A_617 : vector<16xf32>
        %get3A_619 = arith.constant 15 : i32
        %get3A_620 = arith.constant 0 : i32
        %get3A_621 = arith.constant 0 : i32
        %get3A_622 = tpu.memref_slice %arg8[%scan3A_208, %get3A_620, %get3A_621] : memref<8x128x32xf32, #tpu.memory_space<vmem>> -> memref<1x128x32xf32, #tpu.memory_space<vmem>>
        %get3A_623 = tpu.memref_squeeze %get3A_622 : memref<1x128x32xf32, #tpu.memory_space<vmem>> -> memref<128x32xf32, #tpu.memory_space<vmem>>
        %get3A_624 = arith.index_cast %get3A_619 : i32 to index
        %get3A_625 = arith.constant 16 : index
        %get3A_626 = tpu.vector_load %get3A_623[%get3A_624, %get3A_625] {strides = array<i32>} : memref<128x32xf32, #tpu.memory_space<vmem>>, vector<1x16xf32>,
        %get3A_627 = vector.shape_cast %get3A_626 : vector<1x16xf32> to vector<16xf32>
        %mul3A_628 = vector.broadcast %squeeze3A_606 : f32 to vector<16xf32>
        %mul3A_629 = arith.mulf %mul3A_628, %get3A_627 : vector<16xf32>
        %add3A_630 = arith.addf %add3A_604, %mul3A_629 : vector<16xf32>
        %get3A_631 = arith.constant 0 : i32
        %get3A_632 = tpu.memref_slice %arg7[%scan3A_208, %get3A_631] : memref<8x128xf32, #tpu.memory_space<vmem>> -> memref<1x128xf32, #tpu.memory_space<vmem>>
        %get3A_633 = tpu.memref_squeeze %get3A_632 : memref<1x128xf32, #tpu.memory_space<vmem>> -> memref<128xf32, #tpu.memory_space<vmem>>
        %get3A_634 = arith.constant 16 : index
        %get3A_635 = tpu.vector_load %get3A_633[%get3A_634] {strides = array<i32>} : memref<128xf32, #tpu.memory_space<vmem>>, vector<16xf32>,
        %get3A_636 = vector.shape_cast %get3A_635 : vector<16xf32> to vector<16xf32>
        %slice3A_637 = vector.extract_strided_slice %get3A_636 {offsets = [0], sizes = [1], strides = [1]} : vector<16xf32> to vector<1xf32>
        %squeeze3A_638 = vector.extract %slice3A_637[0] : f32 from vector<1xf32>
        %get3A_639 = arith.constant 16 : i32
        %get3A_640 = arith.constant 0 : i32
        %get3A_641 = arith.constant 0 : i32
        %get3A_642 = tpu.memref_slice %arg8[%scan3A_208, %get3A_640, %get3A_641] : memref<8x128x32xf32, #tpu.memory_space<vmem>> -> memref<1x128x32xf32, #tpu.memory_space<vmem>>
        %get3A_643 = tpu.memref_squeeze %get3A_642 : memref<1x128x32xf32, #tpu.memory_space<vmem>> -> memref<128x32xf32, #tpu.memory_space<vmem>>
        %get3A_644 = arith.index_cast %get3A_639 : i32 to index
        %get3A_645 = arith.constant 0 : index
        %get3A_646 = tpu.vector_load %get3A_643[%get3A_644, %get3A_645] {strides = array<i32>} : memref<128x32xf32, #tpu.memory_space<vmem>>, vector<1x16xf32>,
        %get3A_647 = vector.shape_cast %get3A_646 : vector<1x16xf32> to vector<16xf32>
        %mul3A_648 = vector.broadcast %squeeze3A_638 : f32 to vector<16xf32>
        %mul3A_649 = arith.mulf %mul3A_648, %get3A_647 : vector<16xf32>
        %add3A_650 = arith.addf %add3A_618, %mul3A_649 : vector<16xf32>
        %get3A_651 = arith.constant 16 : i32
        %get3A_652 = arith.constant 0 : i32
        %get3A_653 = arith.constant 0 : i32
        %get3A_654 = tpu.memref_slice %arg8[%scan3A_208, %get3A_652, %get3A_653] : memref<8x128x32xf32, #tpu.memory_space<vmem>> -> memref<1x128x32xf32, #tpu.memory_space<vmem>>
        %get3A_655 = tpu.memref_squeeze %get3A_654 : memref<1x128x32xf32, #tpu.memory_space<vmem>> -> memref<128x32xf32, #tpu.memory_space<vmem>>
        %get3A_656 = arith.index_cast %get3A_651 : i32 to index
        %get3A_657 = arith.constant 16 : index
        %get3A_658 = tpu.vector_load %get3A_655[%get3A_656, %get3A_657] {strides = array<i32>} : memref<128x32xf32, #tpu.memory_space<vmem>>, vector<1x16xf32>,
        %get3A_659 = vector.shape_cast %get3A_658 : vector<1x16xf32> to vector<16xf32>
        %mul3A_660 = vector.broadcast %squeeze3A_638 : f32 to vector<16xf32>
        %mul3A_661 = arith.mulf %mul3A_660, %get3A_659 : vector<16xf32>
        %add3A_662 = arith.addf %add3A_630, %mul3A_661 : vector<16xf32>
        %slice3A_663 = vector.extract_strided_slice %get3A_636 {offsets = [1], sizes = [1], strides = [1]} : vector<16xf32> to vector<1xf32>
        %squeeze3A_664 = vector.extract %slice3A_663[0] : f32 from vector<1xf32>
        %get3A_665 = arith.constant 17 : i32
        %get3A_666 = arith.constant 0 : i32
        %get3A_667 = arith.constant 0 : i32
        %get3A_668 = tpu.memref_slice %arg8[%scan3A_208, %get3A_666, %get3A_667] : memref<8x128x32xf32, #tpu.memory_space<vmem>> -> memref<1x128x32xf32, #tpu.memory_space<vmem>>
        %get3A_669 = tpu.memref_squeeze %get3A_668 : memref<1x128x32xf32, #tpu.memory_space<vmem>> -> memref<128x32xf32, #tpu.memory_space<vmem>>
        %get3A_670 = arith.index_cast %get3A_665 : i32 to index
        %get3A_671 = arith.constant 0 : index
        %get3A_672 = tpu.vector_load %get3A_669[%get3A_670, %get3A_671] {strides = array<i32>} : memref<128x32xf32, #tpu.memory_space<vmem>>, vector<1x16xf32>,
        %get3A_673 = vector.shape_cast %get3A_672 : vector<1x16xf32> to vector<16xf32>
        %mul3A_674 = vector.broadcast %squeeze3A_664 : f32 to vector<16xf32>
        %mul3A_675 = arith.mulf %mul3A_674, %get3A_673 : vector<16xf32>
        %add3A_676 = arith.addf %add3A_650, %mul3A_675 : vector<16xf32>
        %get3A_677 = arith.constant 17 : i32
        %get3A_678 = arith.constant 0 : i32
        %get3A_679 = arith.constant 0 : i32
        %get3A_680 = tpu.memref_slice %arg8[%scan3A_208, %get3A_678, %get3A_679] : memref<8x128x32xf32, #tpu.memory_space<vmem>> -> memref<1x128x32xf32, #tpu.memory_space<vmem>>
        %get3A_681 = tpu.memref_squeeze %get3A_680 : memref<1x128x32xf32, #tpu.memory_space<vmem>> -> memref<128x32xf32, #tpu.memory_space<vmem>>
        %get3A_682 = arith.index_cast %get3A_677 : i32 to index
        %get3A_683 = arith.constant 16 : index
        %get3A_684 = tpu.vector_load %get3A_681[%get3A_682, %get3A_683] {strides = array<i32>} : memref<128x32xf32, #tpu.memory_space<vmem>>, vector<1x16xf32>,
        %get3A_685 = vector.shape_cast %get3A_684 : vector<1x16xf32> to vector<16xf32>
        %mul3A_686 = vector.broadcast %squeeze3A_664 : f32 to vector<16xf32>
        %mul3A_687 = arith.mulf %mul3A_686, %get3A_685 : vector<16xf32>
        %add3A_688 = arith.addf %add3A_662, %mul3A_687 : vector<16xf32>
        %slice3A_689 = vector.extract_strided_slice %get3A_636 {offsets = [2], sizes = [1], strides = [1]} : vector<16xf32> to vector<1xf32>
        %squeeze3A_690 = vector.extract %slice3A_689[0] : f32 from vector<1xf32>
        %get3A_691 = arith.constant 18 : i32
        %get3A_692 = arith.constant 0 : i32
        %get3A_693 = arith.constant 0 : i32
        %get3A_694 = tpu.memref_slice %arg8[%scan3A_208, %get3A_692, %get3A_693] : memref<8x128x32xf32, #tpu.memory_space<vmem>> -> memref<1x128x32xf32, #tpu.memory_space<vmem>>
        %get3A_695 = tpu.memref_squeeze %get3A_694 : memref<1x128x32xf32, #tpu.memory_space<vmem>> -> memref<128x32xf32, #tpu.memory_space<vmem>>
        %get3A_696 = arith.index_cast %get3A_691 : i32 to index
        %get3A_697 = arith.constant 0 : index
        %get3A_698 = tpu.vector_load %get3A_695[%get3A_696, %get3A_697] {strides = array<i32>} : memref<128x32xf32, #tpu.memory_space<vmem>>, vector<1x16xf32>,
        %get3A_699 = vector.shape_cast %get3A_698 : vector<1x16xf32> to vector<16xf32>
        %mul3A_700 = vector.broadcast %squeeze3A_690 : f32 to vector<16xf32>
        %mul3A_701 = arith.mulf %mul3A_700, %get3A_699 : vector<16xf32>
        %add3A_702 = arith.addf %add3A_676, %mul3A_701 : vector<16xf32>
        %get3A_703 = arith.constant 18 : i32
        %get3A_704 = arith.constant 0 : i32
        %get3A_705 = arith.constant 0 : i32
        %get3A_706 = tpu.memref_slice %arg8[%scan3A_208, %get3A_704, %get3A_705] : memref<8x128x32xf32, #tpu.memory_space<vmem>> -> memref<1x128x32xf32, #tpu.memory_space<vmem>>
        %get3A_707 = tpu.memref_squeeze %get3A_706 : memref<1x128x32xf32, #tpu.memory_space<vmem>> -> memref<128x32xf32, #tpu.memory_space<vmem>>
        %get3A_708 = arith.index_cast %get3A_703 : i32 to index
        %get3A_709 = arith.constant 16 : index
        %get3A_710 = tpu.vector_load %get3A_707[%get3A_708, %get3A_709] {strides = array<i32>} : memref<128x32xf32, #tpu.memory_space<vmem>>, vector<1x16xf32>,
        %get3A_711 = vector.shape_cast %get3A_710 : vector<1x16xf32> to vector<16xf32>
        %mul3A_712 = vector.broadcast %squeeze3A_690 : f32 to vector<16xf32>
        %mul3A_713 = arith.mulf %mul3A_712, %get3A_711 : vector<16xf32>
        %add3A_714 = arith.addf %add3A_688, %mul3A_713 : vector<16xf32>
        %slice3A_715 = vector.extract_strided_slice %get3A_636 {offsets = [3], sizes = [1], strides = [1]} : vector<16xf32> to vector<1xf32>
        %squeeze3A_716 = vector.extract %slice3A_715[0] : f32 from vector<1xf32>
        %get3A_717 = arith.constant 19 : i32
        %get3A_718 = arith.constant 0 : i32
        %get3A_719 = arith.constant 0 : i32
        %get3A_720 = tpu.memref_slice %arg8[%scan3A_208, %get3A_718, %get3A_719] : memref<8x128x32xf32, #tpu.memory_space<vmem>> -> memref<1x128x32xf32, #tpu.memory_space<vmem>>
        %get3A_721 = tpu.memref_squeeze %get3A_720 : memref<1x128x32xf32, #tpu.memory_space<vmem>> -> memref<128x32xf32, #tpu.memory_space<vmem>>
        %get3A_722 = arith.index_cast %get3A_717 : i32 to index
        %get3A_723 = arith.constant 0 : index
        %get3A_724 = tpu.vector_load %get3A_721[%get3A_722, %get3A_723] {strides = array<i32>} : memref<128x32xf32, #tpu.memory_space<vmem>>, vector<1x16xf32>,
        %get3A_725 = vector.shape_cast %get3A_724 : vector<1x16xf32> to vector<16xf32>
        %mul3A_726 = vector.broadcast %squeeze3A_716 : f32 to vector<16xf32>
        %mul3A_727 = arith.mulf %mul3A_726, %get3A_725 : vector<16xf32>
        %add3A_728 = arith.addf %add3A_702, %mul3A_727 : vector<16xf32>
        %get3A_729 = arith.constant 19 : i32
        %get3A_730 = arith.constant 0 : i32
        %get3A_731 = arith.constant 0 : i32
        %get3A_732 = tpu.memref_slice %arg8[%scan3A_208, %get3A_730, %get3A_731] : memref<8x128x32xf32, #tpu.memory_space<vmem>> -> memref<1x128x32xf32, #tpu.memory_space<vmem>>
        %get3A_733 = tpu.memref_squeeze %get3A_732 : memref<1x128x32xf32, #tpu.memory_space<vmem>> -> memref<128x32xf32, #tpu.memory_space<vmem>>
        %get3A_734 = arith.index_cast %get3A_729 : i32 to index
        %get3A_735 = arith.constant 16 : index
        %get3A_736 = tpu.vector_load %get3A_733[%get3A_734, %get3A_735] {strides = array<i32>} : memref<128x32xf32, #tpu.memory_space<vmem>>, vector<1x16xf32>,
        %get3A_737 = vector.shape_cast %get3A_736 : vector<1x16xf32> to vector<16xf32>
        %mul3A_738 = vector.broadcast %squeeze3A_716 : f32 to vector<16xf32>
        %mul3A_739 = arith.mulf %mul3A_738, %get3A_737 : vector<16xf32>
        %add3A_740 = arith.addf %add3A_714, %mul3A_739 : vector<16xf32>
        %slice3A_741 = vector.extract_strided_slice %get3A_636 {offsets = [4], sizes = [1], strides = [1]} : vector<16xf32> to vector<1xf32>
        %squeeze3A_742 = vector.extract %slice3A_741[0] : f32 from vector<1xf32>
        %get3A_743 = arith.constant 20 : i32
        %get3A_744 = arith.constant 0 : i32
        %get3A_745 = arith.constant 0 : i32
        %get3A_746 = tpu.memref_slice %arg8[%scan3A_208, %get3A_744, %get3A_745] : memref<8x128x32xf32, #tpu.memory_space<vmem>> -> memref<1x128x32xf32, #tpu.memory_space<vmem>>
        %get3A_747 = tpu.memref_squeeze %get3A_746 : memref<1x128x32xf32, #tpu.memory_space<vmem>> -> memref<128x32xf32, #tpu.memory_space<vmem>>
        %get3A_748 = arith.index_cast %get3A_743 : i32 to index
        %get3A_749 = arith.constant 0 : index
        %get3A_750 = tpu.vector_load %get3A_747[%get3A_748, %get3A_749] {strides = array<i32>} : memref<128x32xf32, #tpu.memory_space<vmem>>, vector<1x16xf32>,
        %get3A_751 = vector.shape_cast %get3A_750 : vector<1x16xf32> to vector<16xf32>
        %mul3A_752 = vector.broadcast %squeeze3A_742 : f32 to vector<16xf32>
        %mul3A_753 = arith.mulf %mul3A_752, %get3A_751 : vector<16xf32>
        %add3A_754 = arith.addf %add3A_728, %mul3A_753 : vector<16xf32>
        %get3A_755 = arith.constant 20 : i32
        %get3A_756 = arith.constant 0 : i32
        %get3A_757 = arith.constant 0 : i32
        %get3A_758 = tpu.memref_slice %arg8[%scan3A_208, %get3A_756, %get3A_757] : memref<8x128x32xf32, #tpu.memory_space<vmem>> -> memref<1x128x32xf32, #tpu.memory_space<vmem>>
        %get3A_759 = tpu.memref_squeeze %get3A_758 : memref<1x128x32xf32, #tpu.memory_space<vmem>> -> memref<128x32xf32, #tpu.memory_space<vmem>>
        %get3A_760 = arith.index_cast %get3A_755 : i32 to index
        %get3A_761 = arith.constant 16 : index
        %get3A_762 = tpu.vector_load %get3A_759[%get3A_760, %get3A_761] {strides = array<i32>} : memref<128x32xf32, #tpu.memory_space<vmem>>, vector<1x16xf32>,
        %get3A_763 = vector.shape_cast %get3A_762 : vector<1x16xf32> to vector<16xf32>
        %mul3A_764 = vector.broadcast %squeeze3A_742 : f32 to vector<16xf32>
        %mul3A_765 = arith.mulf %mul3A_764, %get3A_763 : vector<16xf32>
        %add3A_766 = arith.addf %add3A_740, %mul3A_765 : vector<16xf32>
        %slice3A_767 = vector.extract_strided_slice %get3A_636 {offsets = [5], sizes = [1], strides = [1]} : vector<16xf32> to vector<1xf32>
        %squeeze3A_768 = vector.extract %slice3A_767[0] : f32 from vector<1xf32>
        %get3A_769 = arith.constant 21 : i32
        %get3A_770 = arith.constant 0 : i32
        %get3A_771 = arith.constant 0 : i32
        %get3A_772 = tpu.memref_slice %arg8[%scan3A_208, %get3A_770, %get3A_771] : memref<8x128x32xf32, #tpu.memory_space<vmem>> -> memref<1x128x32xf32, #tpu.memory_space<vmem>>
        %get3A_773 = tpu.memref_squeeze %get3A_772 : memref<1x128x32xf32, #tpu.memory_space<vmem>> -> memref<128x32xf32, #tpu.memory_space<vmem>>
        %get3A_774 = arith.index_cast %get3A_769 : i32 to index
        %get3A_775 = arith.constant 0 : index
        %get3A_776 = tpu.vector_load %get3A_773[%get3A_774, %get3A_775] {strides = array<i32>} : memref<128x32xf32, #tpu.memory_space<vmem>>, vector<1x16xf32>,
        %get3A_777 = vector.shape_cast %get3A_776 : vector<1x16xf32> to vector<16xf32>
        %mul3A_778 = vector.broadcast %squeeze3A_768 : f32 to vector<16xf32>
        %mul3A_779 = arith.mulf %mul3A_778, %get3A_777 : vector<16xf32>
        %add3A_780 = arith.addf %add3A_754, %mul3A_779 : vector<16xf32>
        %get3A_781 = arith.constant 21 : i32
        %get3A_782 = arith.constant 0 : i32
        %get3A_783 = arith.constant 0 : i32
        %get3A_784 = tpu.memref_slice %arg8[%scan3A_208, %get3A_782, %get3A_783] : memref<8x128x32xf32, #tpu.memory_space<vmem>> -> memref<1x128x32xf32, #tpu.memory_space<vmem>>
        %get3A_785 = tpu.memref_squeeze %get3A_784 : memref<1x128x32xf32, #tpu.memory_space<vmem>> -> memref<128x32xf32, #tpu.memory_space<vmem>>
        %get3A_786 = arith.index_cast %get3A_781 : i32 to index
        %get3A_787 = arith.constant 16 : index
        %get3A_788 = tpu.vector_load %get3A_785[%get3A_786, %get3A_787] {strides = array<i32>} : memref<128x32xf32, #tpu.memory_space<vmem>>, vector<1x16xf32>,
        %get3A_789 = vector.shape_cast %get3A_788 : vector<1x16xf32> to vector<16xf32>
        %mul3A_790 = vector.broadcast %squeeze3A_768 : f32 to vector<16xf32>
        %mul3A_791 = arith.mulf %mul3A_790, %get3A_789 : vector<16xf32>
        %add3A_792 = arith.addf %add3A_766, %mul3A_791 : vector<16xf32>
        %slice3A_793 = vector.extract_strided_slice %get3A_636 {offsets = [6], sizes = [1], strides = [1]} : vector<16xf32> to vector<1xf32>
        %squeeze3A_794 = vector.extract %slice3A_793[0] : f32 from vector<1xf32>
        %get3A_795 = arith.constant 22 : i32
        %get3A_796 = arith.constant 0 : i32
        %get3A_797 = arith.constant 0 : i32
        %get3A_798 = tpu.memref_slice %arg8[%scan3A_208, %get3A_796, %get3A_797] : memref<8x128x32xf32, #tpu.memory_space<vmem>> -> memref<1x128x32xf32, #tpu.memory_space<vmem>>
        %get3A_799 = tpu.memref_squeeze %get3A_798 : memref<1x128x32xf32, #tpu.memory_space<vmem>> -> memref<128x32xf32, #tpu.memory_space<vmem>>
        %get3A_800 = arith.index_cast %get3A_795 : i32 to index
        %get3A_801 = arith.constant 0 : index
        %get3A_802 = tpu.vector_load %get3A_799[%get3A_800, %get3A_801] {strides = array<i32>} : memref<128x32xf32, #tpu.memory_space<vmem>>, vector<1x16xf32>,
        %get3A_803 = vector.shape_cast %get3A_802 : vector<1x16xf32> to vector<16xf32>
        %mul3A_804 = vector.broadcast %squeeze3A_794 : f32 to vector<16xf32>
        %mul3A_805 = arith.mulf %mul3A_804, %get3A_803 : vector<16xf32>
        %add3A_806 = arith.addf %add3A_780, %mul3A_805 : vector<16xf32>
        %get3A_807 = arith.constant 22 : i32
        %get3A_808 = arith.constant 0 : i32
        %get3A_809 = arith.constant 0 : i32
        %get3A_810 = tpu.memref_slice %arg8[%scan3A_208, %get3A_808, %get3A_809] : memref<8x128x32xf32, #tpu.memory_space<vmem>> -> memref<1x128x32xf32, #tpu.memory_space<vmem>>
        %get3A_811 = tpu.memref_squeeze %get3A_810 : memref<1x128x32xf32, #tpu.memory_space<vmem>> -> memref<128x32xf32, #tpu.memory_space<vmem>>
        %get3A_812 = arith.index_cast %get3A_807 : i32 to index
        %get3A_813 = arith.constant 16 : index
        %get3A_814 = tpu.vector_load %get3A_811[%get3A_812, %get3A_813] {strides = array<i32>} : memref<128x32xf32, #tpu.memory_space<vmem>>, vector<1x16xf32>,
        %get3A_815 = vector.shape_cast %get3A_814 : vector<1x16xf32> to vector<16xf32>
        %mul3A_816 = vector.broadcast %squeeze3A_794 : f32 to vector<16xf32>
        %mul3A_817 = arith.mulf %mul3A_816, %get3A_815 : vector<16xf32>
        %add3A_818 = arith.addf %add3A_792, %mul3A_817 : vector<16xf32>
        %slice3A_819 = vector.extract_strided_slice %get3A_636 {offsets = [7], sizes = [1], strides = [1]} : vector<16xf32> to vector<1xf32>
        %squeeze3A_820 = vector.extract %slice3A_819[0] : f32 from vector<1xf32>
        %get3A_821 = arith.constant 23 : i32
        %get3A_822 = arith.constant 0 : i32
        %get3A_823 = arith.constant 0 : i32
        %get3A_824 = tpu.memref_slice %arg8[%scan3A_208, %get3A_822, %get3A_823] : memref<8x128x32xf32, #tpu.memory_space<vmem>> -> memref<1x128x32xf32, #tpu.memory_space<vmem>>
        %get3A_825 = tpu.memref_squeeze %get3A_824 : memref<1x128x32xf32, #tpu.memory_space<vmem>> -> memref<128x32xf32, #tpu.memory_space<vmem>>
        %get3A_826 = arith.index_cast %get3A_821 : i32 to index
        %get3A_827 = arith.constant 0 : index
        %get3A_828 = tpu.vector_load %get3A_825[%get3A_826, %get3A_827] {strides = array<i32>} : memref<128x32xf32, #tpu.memory_space<vmem>>, vector<1x16xf32>,
        %get3A_829 = vector.shape_cast %get3A_828 : vector<1x16xf32> to vector<16xf32>
        %mul3A_830 = vector.broadcast %squeeze3A_820 : f32 to vector<16xf32>
        %mul3A_831 = arith.mulf %mul3A_830, %get3A_829 : vector<16xf32>
        %add3A_832 = arith.addf %add3A_806, %mul3A_831 : vector<16xf32>
        %get3A_833 = arith.constant 23 : i32
        %get3A_834 = arith.constant 0 : i32
        %get3A_835 = arith.constant 0 : i32
        %get3A_836 = tpu.memref_slice %arg8[%scan3A_208, %get3A_834, %get3A_835] : memref<8x128x32xf32, #tpu.memory_space<vmem>> -> memref<1x128x32xf32, #tpu.memory_space<vmem>>
        %get3A_837 = tpu.memref_squeeze %get3A_836 : memref<1x128x32xf32, #tpu.memory_space<vmem>> -> memref<128x32xf32, #tpu.memory_space<vmem>>
        %get3A_838 = arith.index_cast %get3A_833 : i32 to index
        %get3A_839 = arith.constant 16 : index
        %get3A_840 = tpu.vector_load %get3A_837[%get3A_838, %get3A_839] {strides = array<i32>} : memref<128x32xf32, #tpu.memory_space<vmem>>, vector<1x16xf32>,
        %get3A_841 = vector.shape_cast %get3A_840 : vector<1x16xf32> to vector<16xf32>
        %mul3A_842 = vector.broadcast %squeeze3A_820 : f32 to vector<16xf32>
        %mul3A_843 = arith.mulf %mul3A_842, %get3A_841 : vector<16xf32>
        %add3A_844 = arith.addf %add3A_818, %mul3A_843 : vector<16xf32>
        %slice3A_845 = vector.extract_strided_slice %get3A_636 {offsets = [8], sizes = [1], strides = [1]} : vector<16xf32> to vector<1xf32>
        %squeeze3A_846 = vector.extract %slice3A_845[0] : f32 from vector<1xf32>
        %get3A_847 = arith.constant 24 : i32
        %get3A_848 = arith.constant 0 : i32
        %get3A_849 = arith.constant 0 : i32
        %get3A_850 = tpu.memref_slice %arg8[%scan3A_208, %get3A_848, %get3A_849] : memref<8x128x32xf32, #tpu.memory_space<vmem>> -> memref<1x128x32xf32, #tpu.memory_space<vmem>>
        %get3A_851 = tpu.memref_squeeze %get3A_850 : memref<1x128x32xf32, #tpu.memory_space<vmem>> -> memref<128x32xf32, #tpu.memory_space<vmem>>
        %get3A_852 = arith.index_cast %get3A_847 : i32 to index
        %get3A_853 = arith.constant 0 : index
        %get3A_854 = tpu.vector_load %get3A_851[%get3A_852, %get3A_853] {strides = array<i32>} : memref<128x32xf32, #tpu.memory_space<vmem>>, vector<1x16xf32>,
        %get3A_855 = vector.shape_cast %get3A_854 : vector<1x16xf32> to vector<16xf32>
        %mul3A_856 = vector.broadcast %squeeze3A_846 : f32 to vector<16xf32>
        %mul3A_857 = arith.mulf %mul3A_856, %get3A_855 : vector<16xf32>
        %add3A_858 = arith.addf %add3A_832, %mul3A_857 : vector<16xf32>
        %get3A_859 = arith.constant 24 : i32
        %get3A_860 = arith.constant 0 : i32
        %get3A_861 = arith.constant 0 : i32
        %get3A_862 = tpu.memref_slice %arg8[%scan3A_208, %get3A_860, %get3A_861] : memref<8x128x32xf32, #tpu.memory_space<vmem>> -> memref<1x128x32xf32, #tpu.memory_space<vmem>>
        %get3A_863 = tpu.memref_squeeze %get3A_862 : memref<1x128x32xf32, #tpu.memory_space<vmem>> -> memref<128x32xf32, #tpu.memory_space<vmem>>
        %get3A_864 = arith.index_cast %get3A_859 : i32 to index
        %get3A_865 = arith.constant 16 : index
        %get3A_866 = tpu.vector_load %get3A_863[%get3A_864, %get3A_865] {strides = array<i32>} : memref<128x32xf32, #tpu.memory_space<vmem>>, vector<1x16xf32>,
        %get3A_867 = vector.shape_cast %get3A_866 : vector<1x16xf32> to vector<16xf32>
        %mul3A_868 = vector.broadcast %squeeze3A_846 : f32 to vector<16xf32>
        %mul3A_869 = arith.mulf %mul3A_868, %get3A_867 : vector<16xf32>
        %add3A_870 = arith.addf %add3A_844, %mul3A_869 : vector<16xf32>
        %slice3A_871 = vector.extract_strided_slice %get3A_636 {offsets = [9], sizes = [1], strides = [1]} : vector<16xf32> to vector<1xf32>
        %squeeze3A_872 = vector.extract %slice3A_871[0] : f32 from vector<1xf32>
        %get3A_873 = arith.constant 25 : i32
        %get3A_874 = arith.constant 0 : i32
        %get3A_875 = arith.constant 0 : i32
        %get3A_876 = tpu.memref_slice %arg8[%scan3A_208, %get3A_874, %get3A_875] : memref<8x128x32xf32, #tpu.memory_space<vmem>> -> memref<1x128x32xf32, #tpu.memory_space<vmem>>
        %get3A_877 = tpu.memref_squeeze %get3A_876 : memref<1x128x32xf32, #tpu.memory_space<vmem>> -> memref<128x32xf32, #tpu.memory_space<vmem>>
        %get3A_878 = arith.index_cast %get3A_873 : i32 to index
        %get3A_879 = arith.constant 0 : index
        %get3A_880 = tpu.vector_load %get3A_877[%get3A_878, %get3A_879] {strides = array<i32>} : memref<128x32xf32, #tpu.memory_space<vmem>>, vector<1x16xf32>,
        %get3A_881 = vector.shape_cast %get3A_880 : vector<1x16xf32> to vector<16xf32>
        %mul3A_882 = vector.broadcast %squeeze3A_872 : f32 to vector<16xf32>
        %mul3A_883 = arith.mulf %mul3A_882, %get3A_881 : vector<16xf32>
        %add3A_884 = arith.addf %add3A_858, %mul3A_883 : vector<16xf32>
        %get3A_885 = arith.constant 25 : i32
        %get3A_886 = arith.constant 0 : i32
        %get3A_887 = arith.constant 0 : i32
        %get3A_888 = tpu.memref_slice %arg8[%scan3A_208, %get3A_886, %get3A_887] : memref<8x128x32xf32, #tpu.memory_space<vmem>> -> memref<1x128x32xf32, #tpu.memory_space<vmem>>
        %get3A_889 = tpu.memref_squeeze %get3A_888 : memref<1x128x32xf32, #tpu.memory_space<vmem>> -> memref<128x32xf32, #tpu.memory_space<vmem>>
        %get3A_890 = arith.index_cast %get3A_885 : i32 to index
        %get3A_891 = arith.constant 16 : index
        %get3A_892 = tpu.vector_load %get3A_889[%get3A_890, %get3A_891] {strides = array<i32>} : memref<128x32xf32, #tpu.memory_space<vmem>>, vector<1x16xf32>,
        %get3A_893 = vector.shape_cast %get3A_892 : vector<1x16xf32> to vector<16xf32>
        %mul3A_894 = vector.broadcast %squeeze3A_872 : f32 to vector<16xf32>
        %mul3A_895 = arith.mulf %mul3A_894, %get3A_893 : vector<16xf32>
        %add3A_896 = arith.addf %add3A_870, %mul3A_895 : vector<16xf32>
        %slice3A_897 = vector.extract_strided_slice %get3A_636 {offsets = [10], sizes = [1], strides = [1]} : vector<16xf32> to vector<1xf32>
        %squeeze3A_898 = vector.extract %slice3A_897[0] : f32 from vector<1xf32>
        %get3A_899 = arith.constant 26 : i32
        %get3A_900 = arith.constant 0 : i32
        %get3A_901 = arith.constant 0 : i32
        %get3A_902 = tpu.memref_slice %arg8[%scan3A_208, %get3A_900, %get3A_901] : memref<8x128x32xf32, #tpu.memory_space<vmem>> -> memref<1x128x32xf32, #tpu.memory_space<vmem>>
        %get3A_903 = tpu.memref_squeeze %get3A_902 : memref<1x128x32xf32, #tpu.memory_space<vmem>> -> memref<128x32xf32, #tpu.memory_space<vmem>>
        %get3A_904 = arith.index_cast %get3A_899 : i32 to index
        %get3A_905 = arith.constant 0 : index
        %get3A_906 = tpu.vector_load %get3A_903[%get3A_904, %get3A_905] {strides = array<i32>} : memref<128x32xf32, #tpu.memory_space<vmem>>, vector<1x16xf32>,
        %get3A_907 = vector.shape_cast %get3A_906 : vector<1x16xf32> to vector<16xf32>
        %mul3A_908 = vector.broadcast %squeeze3A_898 : f32 to vector<16xf32>
        %mul3A_909 = arith.mulf %mul3A_908, %get3A_907 : vector<16xf32>
        %add3A_910 = arith.addf %add3A_884, %mul3A_909 : vector<16xf32>
        %get3A_911 = arith.constant 26 : i32
        %get3A_912 = arith.constant 0 : i32
        %get3A_913 = arith.constant 0 : i32
        %get3A_914 = tpu.memref_slice %arg8[%scan3A_208, %get3A_912, %get3A_913] : memref<8x128x32xf32, #tpu.memory_space<vmem>> -> memref<1x128x32xf32, #tpu.memory_space<vmem>>
        %get3A_915 = tpu.memref_squeeze %get3A_914 : memref<1x128x32xf32, #tpu.memory_space<vmem>> -> memref<128x32xf32, #tpu.memory_space<vmem>>
        %get3A_916 = arith.index_cast %get3A_911 : i32 to index
        %get3A_917 = arith.constant 16 : index
        %get3A_918 = tpu.vector_load %get3A_915[%get3A_916, %get3A_917] {strides = array<i32>} : memref<128x32xf32, #tpu.memory_space<vmem>>, vector<1x16xf32>,
        %get3A_919 = vector.shape_cast %get3A_918 : vector<1x16xf32> to vector<16xf32>
        %mul3A_920 = vector.broadcast %squeeze3A_898 : f32 to vector<16xf32>
        %mul3A_921 = arith.mulf %mul3A_920, %get3A_919 : vector<16xf32>
        %add3A_922 = arith.addf %add3A_896, %mul3A_921 : vector<16xf32>
        %slice3A_923 = vector.extract_strided_slice %get3A_636 {offsets = [11], sizes = [1], strides = [1]} : vector<16xf32> to vector<1xf32>
        %squeeze3A_924 = vector.extract %slice3A_923[0] : f32 from vector<1xf32>
        %get3A_925 = arith.constant 27 : i32
        %get3A_926 = arith.constant 0 : i32
        %get3A_927 = arith.constant 0 : i32
        %get3A_928 = tpu.memref_slice %arg8[%scan3A_208, %get3A_926, %get3A_927] : memref<8x128x32xf32, #tpu.memory_space<vmem>> -> memref<1x128x32xf32, #tpu.memory_space<vmem>>
        %get3A_929 = tpu.memref_squeeze %get3A_928 : memref<1x128x32xf32, #tpu.memory_space<vmem>> -> memref<128x32xf32, #tpu.memory_space<vmem>>
        %get3A_930 = arith.index_cast %get3A_925 : i32 to index
        %get3A_931 = arith.constant 0 : index
        %get3A_932 = tpu.vector_load %get3A_929[%get3A_930, %get3A_931] {strides = array<i32>} : memref<128x32xf32, #tpu.memory_space<vmem>>, vector<1x16xf32>,
        %get3A_933 = vector.shape_cast %get3A_932 : vector<1x16xf32> to vector<16xf32>
        %mul3A_934 = vector.broadcast %squeeze3A_924 : f32 to vector<16xf32>
        %mul3A_935 = arith.mulf %mul3A_934, %get3A_933 : vector<16xf32>
        %add3A_936 = arith.addf %add3A_910, %mul3A_935 : vector<16xf32>
        %get3A_937 = arith.constant 27 : i32
        %get3A_938 = arith.constant 0 : i32
        %get3A_939 = arith.constant 0 : i32
        %get3A_940 = tpu.memref_slice %arg8[%scan3A_208, %get3A_938, %get3A_939] : memref<8x128x32xf32, #tpu.memory_space<vmem>> -> memref<1x128x32xf32, #tpu.memory_space<vmem>>
        %get3A_941 = tpu.memref_squeeze %get3A_940 : memref<1x128x32xf32, #tpu.memory_space<vmem>> -> memref<128x32xf32, #tpu.memory_space<vmem>>
        %get3A_942 = arith.index_cast %get3A_937 : i32 to index
        %get3A_943 = arith.constant 16 : index
        %get3A_944 = tpu.vector_load %get3A_941[%get3A_942, %get3A_943] {strides = array<i32>} : memref<128x32xf32, #tpu.memory_space<vmem>>, vector<1x16xf32>,
        %get3A_945 = vector.shape_cast %get3A_944 : vector<1x16xf32> to vector<16xf32>
        %mul3A_946 = vector.broadcast %squeeze3A_924 : f32 to vector<16xf32>
        %mul3A_947 = arith.mulf %mul3A_946, %get3A_945 : vector<16xf32>
        %add3A_948 = arith.addf %add3A_922, %mul3A_947 : vector<16xf32>
        %slice3A_949 = vector.extract_strided_slice %get3A_636 {offsets = [12], sizes = [1], strides = [1]} : vector<16xf32> to vector<1xf32>
        %squeeze3A_950 = vector.extract %slice3A_949[0] : f32 from vector<1xf32>
        %get3A_951 = arith.constant 28 : i32
        %get3A_952 = arith.constant 0 : i32
        %get3A_953 = arith.constant 0 : i32
        %get3A_954 = tpu.memref_slice %arg8[%scan3A_208, %get3A_952, %get3A_953] : memref<8x128x32xf32, #tpu.memory_space<vmem>> -> memref<1x128x32xf32, #tpu.memory_space<vmem>>
        %get3A_955 = tpu.memref_squeeze %get3A_954 : memref<1x128x32xf32, #tpu.memory_space<vmem>> -> memref<128x32xf32, #tpu.memory_space<vmem>>
        %get3A_956 = arith.index_cast %get3A_951 : i32 to index
        %get3A_957 = arith.constant 0 : index
        %get3A_958 = tpu.vector_load %get3A_955[%get3A_956, %get3A_957] {strides = array<i32>} : memref<128x32xf32, #tpu.memory_space<vmem>>, vector<1x16xf32>,
        %get3A_959 = vector.shape_cast %get3A_958 : vector<1x16xf32> to vector<16xf32>
        %mul3A_960 = vector.broadcast %squeeze3A_950 : f32 to vector<16xf32>
        %mul3A_961 = arith.mulf %mul3A_960, %get3A_959 : vector<16xf32>
        %add3A_962 = arith.addf %add3A_936, %mul3A_961 : vector<16xf32>
        %get3A_963 = arith.constant 28 : i32
        %get3A_964 = arith.constant 0 : i32
        %get3A_965 = arith.constant 0 : i32
        %get3A_966 = tpu.memref_slice %arg8[%scan3A_208, %get3A_964, %get3A_965] : memref<8x128x32xf32, #tpu.memory_space<vmem>> -> memref<1x128x32xf32, #tpu.memory_space<vmem>>
        %get3A_967 = tpu.memref_squeeze %get3A_966 : memref<1x128x32xf32, #tpu.memory_space<vmem>> -> memref<128x32xf32, #tpu.memory_space<vmem>>
        %get3A_968 = arith.index_cast %get3A_963 : i32 to index
        %get3A_969 = arith.constant 16 : index
        %get3A_970 = tpu.vector_load %get3A_967[%get3A_968, %get3A_969] {strides = array<i32>} : memref<128x32xf32, #tpu.memory_space<vmem>>, vector<1x16xf32>,
        %get3A_971 = vector.shape_cast %get3A_970 : vector<1x16xf32> to vector<16xf32>
        %mul3A_972 = vector.broadcast %squeeze3A_950 : f32 to vector<16xf32>
        %mul3A_973 = arith.mulf %mul3A_972, %get3A_971 : vector<16xf32>
        %add3A_974 = arith.addf %add3A_948, %mul3A_973 : vector<16xf32>
        %slice3A_975 = vector.extract_strided_slice %get3A_636 {offsets = [13], sizes = [1], strides = [1]} : vector<16xf32> to vector<1xf32>
        %squeeze3A_976 = vector.extract %slice3A_975[0] : f32 from vector<1xf32>
        %get3A_977 = arith.constant 29 : i32
        %get3A_978 = arith.constant 0 : i32
        %get3A_979 = arith.constant 0 : i32
        %get3A_980 = tpu.memref_slice %arg8[%scan3A_208, %get3A_978, %get3A_979] : memref<8x128x32xf32, #tpu.memory_space<vmem>> -> memref<1x128x32xf32, #tpu.memory_space<vmem>>
        %get3A_981 = tpu.memref_squeeze %get3A_980 : memref<1x128x32xf32, #tpu.memory_space<vmem>> -> memref<128x32xf32, #tpu.memory_space<vmem>>
        %get3A_982 = arith.index_cast %get3A_977 : i32 to index
        %get3A_983 = arith.constant 0 : index
        %get3A_984 = tpu.vector_load %get3A_981[%get3A_982, %get3A_983] {strides = array<i32>} : memref<128x32xf32, #tpu.memory_space<vmem>>, vector<1x16xf32>,
        %get3A_985 = vector.shape_cast %get3A_984 : vector<1x16xf32> to vector<16xf32>
        %mul3A_986 = vector.broadcast %squeeze3A_976 : f32 to vector<16xf32>
        %mul3A_987 = arith.mulf %mul3A_986, %get3A_985 : vector<16xf32>
        %add3A_988 = arith.addf %add3A_962, %mul3A_987 : vector<16xf32>
        %get3A_989 = arith.constant 29 : i32
        %get3A_990 = arith.constant 0 : i32
        %get3A_991 = arith.constant 0 : i32
        %get3A_992 = tpu.memref_slice %arg8[%scan3A_208, %get3A_990, %get3A_991] : memref<8x128x32xf32, #tpu.memory_space<vmem>> -> memref<1x128x32xf32, #tpu.memory_space<vmem>>
        %get3A_993 = tpu.memref_squeeze %get3A_992 : memref<1x128x32xf32, #tpu.memory_space<vmem>> -> memref<128x32xf32, #tpu.memory_space<vmem>>
        %get3A_994 = arith.index_cast %get3A_989 : i32 to index
        %get3A_995 = arith.constant 16 : index
        %get3A_996 = tpu.vector_load %get3A_993[%get3A_994, %get3A_995] {strides = array<i32>} : memref<128x32xf32, #tpu.memory_space<vmem>>, vector<1x16xf32>,
        %get3A_997 = vector.shape_cast %get3A_996 : vector<1x16xf32> to vector<16xf32>
        %mul3A_998 = vector.broadcast %squeeze3A_976 : f32 to vector<16xf32>
        %mul3A_999 = arith.mulf %mul3A_998, %get3A_997 : vector<16xf32>
        %add3A_1000 = arith.addf %add3A_974, %mul3A_999 : vector<16xf32>
        %slice3A_1001 = vector.extract_strided_slice %get3A_636 {offsets = [14], sizes = [1], strides = [1]} : vector<16xf32> to vector<1xf32>
        %squeeze3A_1002 = vector.extract %slice3A_1001[0] : f32 from vector<1xf32>
        %get3A_1003 = arith.constant 30 : i32
        %get3A_1004 = arith.constant 0 : i32
        %get3A_1005 = arith.constant 0 : i32
        %get3A_1006 = tpu.memref_slice %arg8[%scan3A_208, %get3A_1004, %get3A_1005] : memref<8x128x32xf32, #tpu.memory_space<vmem>> -> memref<1x128x32xf32, #tpu.memory_space<vmem>>
        %get3A_1007 = tpu.memref_squeeze %get3A_1006 : memref<1x128x32xf32, #tpu.memory_space<vmem>> -> memref<128x32xf32, #tpu.memory_space<vmem>>
        %get3A_1008 = arith.index_cast %get3A_1003 : i32 to index
        %get3A_1009 = arith.constant 0 : index
        %get3A_1010 = tpu.vector_load %get3A_1007[%get3A_1008, %get3A_1009] {strides = array<i32>} : memref<128x32xf32, #tpu.memory_space<vmem>>, vector<1x16xf32>,
        %get3A_1011 = vector.shape_cast %get3A_1010 : vector<1x16xf32> to vector<16xf32>
        %mul3A_1012 = vector.broadcast %squeeze3A_1002 : f32 to vector<16xf32>
        %mul3A_1013 = arith.mulf %mul3A_1012, %get3A_1011 : vector<16xf32>
        %add3A_1014 = arith.addf %add3A_988, %mul3A_1013 : vector<16xf32>
        %get3A_1015 = arith.constant 30 : i32
        %get3A_1016 = arith.constant 0 : i32
        %get3A_1017 = arith.constant 0 : i32
        %get3A_1018 = tpu.memref_slice %arg8[%scan3A_208, %get3A_1016, %get3A_1017] : memref<8x128x32xf32, #tpu.memory_space<vmem>> -> memref<1x128x32xf32, #tpu.memory_space<vmem>>
        %get3A_1019 = tpu.memref_squeeze %get3A_1018 : memref<1x128x32xf32, #tpu.memory_space<vmem>> -> memref<128x32xf32, #tpu.memory_space<vmem>>
        %get3A_1020 = arith.index_cast %get3A_1015 : i32 to index
        %get3A_1021 = arith.constant 16 : index
        %get3A_1022 = tpu.vector_load %get3A_1019[%get3A_1020, %get3A_1021] {strides = array<i32>} : memref<128x32xf32, #tpu.memory_space<vmem>>, vector<1x16xf32>,
        %get3A_1023 = vector.shape_cast %get3A_1022 : vector<1x16xf32> to vector<16xf32>
        %mul3A_1024 = vector.broadcast %squeeze3A_1002 : f32 to vector<16xf32>
        %mul3A_1025 = arith.mulf %mul3A_1024, %get3A_1023 : vector<16xf32>
        %add3A_1026 = arith.addf %add3A_1000, %mul3A_1025 : vector<16xf32>
        %slice3A_1027 = vector.extract_strided_slice %get3A_636 {offsets = [15], sizes = [1], strides = [1]} : vector<16xf32> to vector<1xf32>
        %squeeze3A_1028 = vector.extract %slice3A_1027[0] : f32 from vector<1xf32>
        %get3A_1029 = arith.constant 31 : i32
        %get3A_1030 = arith.constant 0 : i32
        %get3A_1031 = arith.constant 0 : i32
        %get3A_1032 = tpu.memref_slice %arg8[%scan3A_208, %get3A_1030, %get3A_1031] : memref<8x128x32xf32, #tpu.memory_space<vmem>> -> memref<1x128x32xf32, #tpu.memory_space<vmem>>
        %get3A_1033 = tpu.memref_squeeze %get3A_1032 : memref<1x128x32xf32, #tpu.memory_space<vmem>> -> memref<128x32xf32, #tpu.memory_space<vmem>>
        %get3A_1034 = arith.index_cast %get3A_1029 : i32 to index
        %get3A_1035 = arith.constant 0 : index
        %get3A_1036 = tpu.vector_load %get3A_1033[%get3A_1034, %get3A_1035] {strides = array<i32>} : memref<128x32xf32, #tpu.memory_space<vmem>>, vector<1x16xf32>,
        %get3A_1037 = vector.shape_cast %get3A_1036 : vector<1x16xf32> to vector<16xf32>
        %mul3A_1038 = vector.broadcast %squeeze3A_1028 : f32 to vector<16xf32>
        %mul3A_1039 = arith.mulf %mul3A_1038, %get3A_1037 : vector<16xf32>
        %add3A_1040 = arith.addf %add3A_1014, %mul3A_1039 : vector<16xf32>
        %get3A_1041 = arith.constant 31 : i32
        %get3A_1042 = arith.constant 0 : i32
        %get3A_1043 = arith.constant 0 : i32
        %get3A_1044 = tpu.memref_slice %arg8[%scan3A_208, %get3A_1042, %get3A_1043] : memref<8x128x32xf32, #tpu.memory_space<vmem>> -> memref<1x128x32xf32, #tpu.memory_space<vmem>>
        %get3A_1045 = tpu.memref_squeeze %get3A_1044 : memref<1x128x32xf32, #tpu.memory_space<vmem>> -> memref<128x32xf32, #tpu.memory_space<vmem>>
        %get3A_1046 = arith.index_cast %get3A_1041 : i32 to index
        %get3A_1047 = arith.constant 16 : index
        %get3A_1048 = tpu.vector_load %get3A_1045[%get3A_1046, %get3A_1047] {strides = array<i32>} : memref<128x32xf32, #tpu.memory_space<vmem>>, vector<1x16xf32>,
        %get3A_1049 = vector.shape_cast %get3A_1048 : vector<1x16xf32> to vector<16xf32>
        %mul3A_1050 = vector.broadcast %squeeze3A_1028 : f32 to vector<16xf32>
        %mul3A_1051 = arith.mulf %mul3A_1050, %get3A_1049 : vector<16xf32>
        %add3A_1052 = arith.addf %add3A_1026, %mul3A_1051 : vector<16xf32>
        %get3A_1053 = arith.constant 0 : i32
        %get3A_1054 = tpu.memref_slice %arg7[%scan3A_208, %get3A_1053] : memref<8x128xf32, #tpu.memory_space<vmem>> -> memref<1x128xf32, #tpu.memory_space<vmem>>
        %get3A_1055 = tpu.memref_squeeze %get3A_1054 : memref<1x128xf32, #tpu.memory_space<vmem>> -> memref<128xf32, #tpu.memory_space<vmem>>
        %get3A_1056 = arith.constant 32 : index
        %get3A_1057 = tpu.vector_load %get3A_1055[%get3A_1056] {strides = array<i32>} : memref<128xf32, #tpu.memory_space<vmem>>, vector<16xf32>,
        %get3A_1058 = vector.shape_cast %get3A_1057 : vector<16xf32> to vector<16xf32>
        %slice3A_1059 = vector.extract_strided_slice %get3A_1058 {offsets = [0], sizes = [1], strides = [1]} : vector<16xf32> to vector<1xf32>
        %squeeze3A_1060 = vector.extract %slice3A_1059[0] : f32 from vector<1xf32>
        %get3A_1061 = arith.constant 32 : i32
        %get3A_1062 = arith.constant 0 : i32
        %get3A_1063 = arith.constant 0 : i32
        %get3A_1064 = tpu.memref_slice %arg8[%scan3A_208, %get3A_1062, %get3A_1063] : memref<8x128x32xf32, #tpu.memory_space<vmem>> -> memref<1x128x32xf32, #tpu.memory_space<vmem>>
        %get3A_1065 = tpu.memref_squeeze %get3A_1064 : memref<1x128x32xf32, #tpu.memory_space<vmem>> -> memref<128x32xf32, #tpu.memory_space<vmem>>
        %get3A_1066 = arith.index_cast %get3A_1061 : i32 to index
        %get3A_1067 = arith.constant 0 : index
        %get3A_1068 = tpu.vector_load %get3A_1065[%get3A_1066, %get3A_1067] {strides = array<i32>} : memref<128x32xf32, #tpu.memory_space<vmem>>, vector<1x16xf32>,
        %get3A_1069 = vector.shape_cast %get3A_1068 : vector<1x16xf32> to vector<16xf32>
        %mul3A_1070 = vector.broadcast %squeeze3A_1060 : f32 to vector<16xf32>
        %mul3A_1071 = arith.mulf %mul3A_1070, %get3A_1069 : vector<16xf32>
        %add3A_1072 = arith.addf %add3A_1040, %mul3A_1071 : vector<16xf32>
        %get3A_1073 = arith.constant 32 : i32
        %get3A_1074 = arith.constant 0 : i32
        %get3A_1075 = arith.constant 0 : i32
        %get3A_1076 = tpu.memref_slice %arg8[%scan3A_208, %get3A_1074, %get3A_1075] : memref<8x128x32xf32, #tpu.memory_space<vmem>> -> memref<1x128x32xf32, #tpu.memory_space<vmem>>
        %get3A_1077 = tpu.memref_squeeze %get3A_1076 : memref<1x128x32xf32, #tpu.memory_space<vmem>> -> memref<128x32xf32, #tpu.memory_space<vmem>>
        %get3A_1078 = arith.index_cast %get3A_1073 : i32 to index
        %get3A_1079 = arith.constant 16 : index
        %get3A_1080 = tpu.vector_load %get3A_1077[%get3A_1078, %get3A_1079] {strides = array<i32>} : memref<128x32xf32, #tpu.memory_space<vmem>>, vector<1x16xf32>,
        %get3A_1081 = vector.shape_cast %get3A_1080 : vector<1x16xf32> to vector<16xf32>
        %mul3A_1082 = vector.broadcast %squeeze3A_1060 : f32 to vector<16xf32>
        %mul3A_1083 = arith.mulf %mul3A_1082, %get3A_1081 : vector<16xf32>
        %add3A_1084 = arith.addf %add3A_1052, %mul3A_1083 : vector<16xf32>
        %slice3A_1085 = vector.extract_strided_slice %get3A_1058 {offsets = [1], sizes = [1], strides = [1]} : vector<16xf32> to vector<1xf32>
        %squeeze3A_1086 = vector.extract %slice3A_1085[0] : f32 from vector<1xf32>
        %get3A_1087 = arith.constant 33 : i32
        %get3A_1088 = arith.constant 0 : i32
        %get3A_1089 = arith.constant 0 : i32
        %get3A_1090 = tpu.memref_slice %arg8[%scan3A_208, %get3A_1088, %get3A_1089] : memref<8x128x32xf32, #tpu.memory_space<vmem>> -> memref<1x128x32xf32, #tpu.memory_space<vmem>>
        %get3A_1091 = tpu.memref_squeeze %get3A_1090 : memref<1x128x32xf32, #tpu.memory_space<vmem>> -> memref<128x32xf32, #tpu.memory_space<vmem>>
        %get3A_1092 = arith.index_cast %get3A_1087 : i32 to index
        %get3A_1093 = arith.constant 0 : index
        %get3A_1094 = tpu.vector_load %get3A_1091[%get3A_1092, %get3A_1093] {strides = array<i32>} : memref<128x32xf32, #tpu.memory_space<vmem>>, vector<1x16xf32>,
        %get3A_1095 = vector.shape_cast %get3A_1094 : vector<1x16xf32> to vector<16xf32>
        %mul3A_1096 = vector.broadcast %squeeze3A_1086 : f32 to vector<16xf32>
        %mul3A_1097 = arith.mulf %mul3A_1096, %get3A_1095 : vector<16xf32>
        %add3A_1098 = arith.addf %add3A_1072, %mul3A_1097 : vector<16xf32>
        %get3A_1099 = arith.constant 33 : i32
        %get3A_1100 = arith.constant 0 : i32
        %get3A_1101 = arith.constant 0 : i32
        %get3A_1102 = tpu.memref_slice %arg8[%scan3A_208, %get3A_1100, %get3A_1101] : memref<8x128x32xf32, #tpu.memory_space<vmem>> -> memref<1x128x32xf32, #tpu.memory_space<vmem>>
        %get3A_1103 = tpu.memref_squeeze %get3A_1102 : memref<1x128x32xf32, #tpu.memory_space<vmem>> -> memref<128x32xf32, #tpu.memory_space<vmem>>
        %get3A_1104 = arith.index_cast %get3A_1099 : i32 to index
        %get3A_1105 = arith.constant 16 : index
        %get3A_1106 = tpu.vector_load %get3A_1103[%get3A_1104, %get3A_1105] {strides = array<i32>} : memref<128x32xf32, #tpu.memory_space<vmem>>, vector<1x16xf32>,
        %get3A_1107 = vector.shape_cast %get3A_1106 : vector<1x16xf32> to vector<16xf32>
        %mul3A_1108 = vector.broadcast %squeeze3A_1086 : f32 to vector<16xf32>
        %mul3A_1109 = arith.mulf %mul3A_1108, %get3A_1107 : vector<16xf32>
        %add3A_1110 = arith.addf %add3A_1084, %mul3A_1109 : vector<16xf32>
        %slice3A_1111 = vector.extract_strided_slice %get3A_1058 {offsets = [2], sizes = [1], strides = [1]} : vector<16xf32> to vector<1xf32>
        %squeeze3A_1112 = vector.extract %slice3A_1111[0] : f32 from vector<1xf32>
        %get3A_1113 = arith.constant 34 : i32
        %get3A_1114 = arith.constant 0 : i32
        %get3A_1115 = arith.constant 0 : i32
        %get3A_1116 = tpu.memref_slice %arg8[%scan3A_208, %get3A_1114, %get3A_1115] : memref<8x128x32xf32, #tpu.memory_space<vmem>> -> memref<1x128x32xf32, #tpu.memory_space<vmem>>
        %get3A_1117 = tpu.memref_squeeze %get3A_1116 : memref<1x128x32xf32, #tpu.memory_space<vmem>> -> memref<128x32xf32, #tpu.memory_space<vmem>>
        %get3A_1118 = arith.index_cast %get3A_1113 : i32 to index
        %get3A_1119 = arith.constant 0 : index
        %get3A_1120 = tpu.vector_load %get3A_1117[%get3A_1118, %get3A_1119] {strides = array<i32>} : memref<128x32xf32, #tpu.memory_space<vmem>>, vector<1x16xf32>,
        %get3A_1121 = vector.shape_cast %get3A_1120 : vector<1x16xf32> to vector<16xf32>
        %mul3A_1122 = vector.broadcast %squeeze3A_1112 : f32 to vector<16xf32>
        %mul3A_1123 = arith.mulf %mul3A_1122, %get3A_1121 : vector<16xf32>
        %add3A_1124 = arith.addf %add3A_1098, %mul3A_1123 : vector<16xf32>
        %get3A_1125 = arith.constant 34 : i32
        %get3A_1126 = arith.constant 0 : i32
        %get3A_1127 = arith.constant 0 : i32
        %get3A_1128 = tpu.memref_slice %arg8[%scan3A_208, %get3A_1126, %get3A_1127] : memref<8x128x32xf32, #tpu.memory_space<vmem>> -> memref<1x128x32xf32, #tpu.memory_space<vmem>>
        %get3A_1129 = tpu.memref_squeeze %get3A_1128 : memref<1x128x32xf32, #tpu.memory_space<vmem>> -> memref<128x32xf32, #tpu.memory_space<vmem>>
        %get3A_1130 = arith.index_cast %get3A_1125 : i32 to index
        %get3A_1131 = arith.constant 16 : index
        %get3A_1132 = tpu.vector_load %get3A_1129[%get3A_1130, %get3A_1131] {strides = array<i32>} : memref<128x32xf32, #tpu.memory_space<vmem>>, vector<1x16xf32>,
        %get3A_1133 = vector.shape_cast %get3A_1132 : vector<1x16xf32> to vector<16xf32>
        %mul3A_1134 = vector.broadcast %squeeze3A_1112 : f32 to vector<16xf32>
        %mul3A_1135 = arith.mulf %mul3A_1134, %get3A_1133 : vector<16xf32>
        %add3A_1136 = arith.addf %add3A_1110, %mul3A_1135 : vector<16xf32>
        %slice3A_1137 = vector.extract_strided_slice %get3A_1058 {offsets = [3], sizes = [1], strides = [1]} : vector<16xf32> to vector<1xf32>
        %squeeze3A_1138 = vector.extract %slice3A_1137[0] : f32 from vector<1xf32>
        %get3A_1139 = arith.constant 35 : i32
        %get3A_1140 = arith.constant 0 : i32
        %get3A_1141 = arith.constant 0 : i32
        %get3A_1142 = tpu.memref_slice %arg8[%scan3A_208, %get3A_1140, %get3A_1141] : memref<8x128x32xf32, #tpu.memory_space<vmem>> -> memref<1x128x32xf32, #tpu.memory_space<vmem>>
        %get3A_1143 = tpu.memref_squeeze %get3A_1142 : memref<1x128x32xf32, #tpu.memory_space<vmem>> -> memref<128x32xf32, #tpu.memory_space<vmem>>
        %get3A_1144 = arith.index_cast %get3A_1139 : i32 to index
        %get3A_1145 = arith.constant 0 : index
        %get3A_1146 = tpu.vector_load %get3A_1143[%get3A_1144, %get3A_1145] {strides = array<i32>} : memref<128x32xf32, #tpu.memory_space<vmem>>, vector<1x16xf32>,
        %get3A_1147 = vector.shape_cast %get3A_1146 : vector<1x16xf32> to vector<16xf32>
        %mul3A_1148 = vector.broadcast %squeeze3A_1138 : f32 to vector<16xf32>
        %mul3A_1149 = arith.mulf %mul3A_1148, %get3A_1147 : vector<16xf32>
        %add3A_1150 = arith.addf %add3A_1124, %mul3A_1149 : vector<16xf32>
        %get3A_1151 = arith.constant 35 : i32
        %get3A_1152 = arith.constant 0 : i32
        %get3A_1153 = arith.constant 0 : i32
        %get3A_1154 = tpu.memref_slice %arg8[%scan3A_208, %get3A_1152, %get3A_1153] : memref<8x128x32xf32, #tpu.memory_space<vmem>> -> memref<1x128x32xf32, #tpu.memory_space<vmem>>
        %get3A_1155 = tpu.memref_squeeze %get3A_1154 : memref<1x128x32xf32, #tpu.memory_space<vmem>> -> memref<128x32xf32, #tpu.memory_space<vmem>>
        %get3A_1156 = arith.index_cast %get3A_1151 : i32 to index
        %get3A_1157 = arith.constant 16 : index
        %get3A_1158 = tpu.vector_load %get3A_1155[%get3A_1156, %get3A_1157] {strides = array<i32>} : memref<128x32xf32, #tpu.memory_space<vmem>>, vector<1x16xf32>,
        %get3A_1159 = vector.shape_cast %get3A_1158 : vector<1x16xf32> to vector<16xf32>
        %mul3A_1160 = vector.broadcast %squeeze3A_1138 : f32 to vector<16xf32>
        %mul3A_1161 = arith.mulf %mul3A_1160, %get3A_1159 : vector<16xf32>
        %add3A_1162 = arith.addf %add3A_1136, %mul3A_1161 : vector<16xf32>
        %slice3A_1163 = vector.extract_strided_slice %get3A_1058 {offsets = [4], sizes = [1], strides = [1]} : vector<16xf32> to vector<1xf32>
        %squeeze3A_1164 = vector.extract %slice3A_1163[0] : f32 from vector<1xf32>
        %get3A_1165 = arith.constant 36 : i32
        %get3A_1166 = arith.constant 0 : i32
        %get3A_1167 = arith.constant 0 : i32
        %get3A_1168 = tpu.memref_slice %arg8[%scan3A_208, %get3A_1166, %get3A_1167] : memref<8x128x32xf32, #tpu.memory_space<vmem>> -> memref<1x128x32xf32, #tpu.memory_space<vmem>>
        %get3A_1169 = tpu.memref_squeeze %get3A_1168 : memref<1x128x32xf32, #tpu.memory_space<vmem>> -> memref<128x32xf32, #tpu.memory_space<vmem>>
        %get3A_1170 = arith.index_cast %get3A_1165 : i32 to index
        %get3A_1171 = arith.constant 0 : index
        %get3A_1172 = tpu.vector_load %get3A_1169[%get3A_1170, %get3A_1171] {strides = array<i32>} : memref<128x32xf32, #tpu.memory_space<vmem>>, vector<1x16xf32>,
        %get3A_1173 = vector.shape_cast %get3A_1172 : vector<1x16xf32> to vector<16xf32>
        %mul3A_1174 = vector.broadcast %squeeze3A_1164 : f32 to vector<16xf32>
        %mul3A_1175 = arith.mulf %mul3A_1174, %get3A_1173 : vector<16xf32>
        %add3A_1176 = arith.addf %add3A_1150, %mul3A_1175 : vector<16xf32>
        %get3A_1177 = arith.constant 36 : i32
        %get3A_1178 = arith.constant 0 : i32
        %get3A_1179 = arith.constant 0 : i32
        %get3A_1180 = tpu.memref_slice %arg8[%scan3A_208, %get3A_1178, %get3A_1179] : memref<8x128x32xf32, #tpu.memory_space<vmem>> -> memref<1x128x32xf32, #tpu.memory_space<vmem>>
        %get3A_1181 = tpu.memref_squeeze %get3A_1180 : memref<1x128x32xf32, #tpu.memory_space<vmem>> -> memref<128x32xf32, #tpu.memory_space<vmem>>
        %get3A_1182 = arith.index_cast %get3A_1177 : i32 to index
        %get3A_1183 = arith.constant 16 : index
        %get3A_1184 = tpu.vector_load %get3A_1181[%get3A_1182, %get3A_1183] {strides = array<i32>} : memref<128x32xf32, #tpu.memory_space<vmem>>, vector<1x16xf32>,
        %get3A_1185 = vector.shape_cast %get3A_1184 : vector<1x16xf32> to vector<16xf32>
        %mul3A_1186 = vector.broadcast %squeeze3A_1164 : f32 to vector<16xf32>
        %mul3A_1187 = arith.mulf %mul3A_1186, %get3A_1185 : vector<16xf32>
        %add3A_1188 = arith.addf %add3A_1162, %mul3A_1187 : vector<16xf32>
        %slice3A_1189 = vector.extract_strided_slice %get3A_1058 {offsets = [5], sizes = [1], strides = [1]} : vector<16xf32> to vector<1xf32>
        %squeeze3A_1190 = vector.extract %slice3A_1189[0] : f32 from vector<1xf32>
        %get3A_1191 = arith.constant 37 : i32
        %get3A_1192 = arith.constant 0 : i32
        %get3A_1193 = arith.constant 0 : i32
        %get3A_1194 = tpu.memref_slice %arg8[%scan3A_208, %get3A_1192, %get3A_1193] : memref<8x128x32xf32, #tpu.memory_space<vmem>> -> memref<1x128x32xf32, #tpu.memory_space<vmem>>
        %get3A_1195 = tpu.memref_squeeze %get3A_1194 : memref<1x128x32xf32, #tpu.memory_space<vmem>> -> memref<128x32xf32, #tpu.memory_space<vmem>>
        %get3A_1196 = arith.index_cast %get3A_1191 : i32 to index
        %get3A_1197 = arith.constant 0 : index
        %get3A_1198 = tpu.vector_load %get3A_1195[%get3A_1196, %get3A_1197] {strides = array<i32>} : memref<128x32xf32, #tpu.memory_space<vmem>>, vector<1x16xf32>,
        %get3A_1199 = vector.shape_cast %get3A_1198 : vector<1x16xf32> to vector<16xf32>
        %mul3A_1200 = vector.broadcast %squeeze3A_1190 : f32 to vector<16xf32>
        %mul3A_1201 = arith.mulf %mul3A_1200, %get3A_1199 : vector<16xf32>
        %add3A_1202 = arith.addf %add3A_1176, %mul3A_1201 : vector<16xf32>
        %get3A_1203 = arith.constant 37 : i32
        %get3A_1204 = arith.constant 0 : i32
        %get3A_1205 = arith.constant 0 : i32
        %get3A_1206 = tpu.memref_slice %arg8[%scan3A_208, %get3A_1204, %get3A_1205] : memref<8x128x32xf32, #tpu.memory_space<vmem>> -> memref<1x128x32xf32, #tpu.memory_space<vmem>>
        %get3A_1207 = tpu.memref_squeeze %get3A_1206 : memref<1x128x32xf32, #tpu.memory_space<vmem>> -> memref<128x32xf32, #tpu.memory_space<vmem>>
        %get3A_1208 = arith.index_cast %get3A_1203 : i32 to index
        %get3A_1209 = arith.constant 16 : index
        %get3A_1210 = tpu.vector_load %get3A_1207[%get3A_1208, %get3A_1209] {strides = array<i32>} : memref<128x32xf32, #tpu.memory_space<vmem>>, vector<1x16xf32>,
        %get3A_1211 = vector.shape_cast %get3A_1210 : vector<1x16xf32> to vector<16xf32>
        %mul3A_1212 = vector.broadcast %squeeze3A_1190 : f32 to vector<16xf32>
        %mul3A_1213 = arith.mulf %mul3A_1212, %get3A_1211 : vector<16xf32>
        %add3A_1214 = arith.addf %add3A_1188, %mul3A_1213 : vector<16xf32>
        %slice3A_1215 = vector.extract_strided_slice %get3A_1058 {offsets = [6], sizes = [1], strides = [1]} : vector<16xf32> to vector<1xf32>
        %squeeze3A_1216 = vector.extract %slice3A_1215[0] : f32 from vector<1xf32>
        %get3A_1217 = arith.constant 38 : i32
        %get3A_1218 = arith.constant 0 : i32
        %get3A_1219 = arith.constant 0 : i32
        %get3A_1220 = tpu.memref_slice %arg8[%scan3A_208, %get3A_1218, %get3A_1219] : memref<8x128x32xf32, #tpu.memory_space<vmem>> -> memref<1x128x32xf32, #tpu.memory_space<vmem>>
        %get3A_1221 = tpu.memref_squeeze %get3A_1220 : memref<1x128x32xf32, #tpu.memory_space<vmem>> -> memref<128x32xf32, #tpu.memory_space<vmem>>
        %get3A_1222 = arith.index_cast %get3A_1217 : i32 to index
        %get3A_1223 = arith.constant 0 : index
        %get3A_1224 = tpu.vector_load %get3A_1221[%get3A_1222, %get3A_1223] {strides = array<i32>} : memref<128x32xf32, #tpu.memory_space<vmem>>, vector<1x16xf32>,
        %get3A_1225 = vector.shape_cast %get3A_1224 : vector<1x16xf32> to vector<16xf32>
        %mul3A_1226 = vector.broadcast %squeeze3A_1216 : f32 to vector<16xf32>
        %mul3A_1227 = arith.mulf %mul3A_1226, %get3A_1225 : vector<16xf32>
        %add3A_1228 = arith.addf %add3A_1202, %mul3A_1227 : vector<16xf32>
        %get3A_1229 = arith.constant 38 : i32
        %get3A_1230 = arith.constant 0 : i32
        %get3A_1231 = arith.constant 0 : i32
        %get3A_1232 = tpu.memref_slice %arg8[%scan3A_208, %get3A_1230, %get3A_1231] : memref<8x128x32xf32, #tpu.memory_space<vmem>> -> memref<1x128x32xf32, #tpu.memory_space<vmem>>
        %get3A_1233 = tpu.memref_squeeze %get3A_1232 : memref<1x128x32xf32, #tpu.memory_space<vmem>> -> memref<128x32xf32, #tpu.memory_space<vmem>>
        %get3A_1234 = arith.index_cast %get3A_1229 : i32 to index
        %get3A_1235 = arith.constant 16 : index
        %get3A_1236 = tpu.vector_load %get3A_1233[%get3A_1234, %get3A_1235] {strides = array<i32>} : memref<128x32xf32, #tpu.memory_space<vmem>>, vector<1x16xf32>,
        %get3A_1237 = vector.shape_cast %get3A_1236 : vector<1x16xf32> to vector<16xf32>
        %mul3A_1238 = vector.broadcast %squeeze3A_1216 : f32 to vector<16xf32>
        %mul3A_1239 = arith.mulf %mul3A_1238, %get3A_1237 : vector<16xf32>
        %add3A_1240 = arith.addf %add3A_1214, %mul3A_1239 : vector<16xf32>
        %slice3A_1241 = vector.extract_strided_slice %get3A_1058 {offsets = [7], sizes = [1], strides = [1]} : vector<16xf32> to vector<1xf32>
        %squeeze3A_1242 = vector.extract %slice3A_1241[0] : f32 from vector<1xf32>
        %get3A_1243 = arith.constant 39 : i32
        %get3A_1244 = arith.constant 0 : i32
        %get3A_1245 = arith.constant 0 : i32
        %get3A_1246 = tpu.memref_slice %arg8[%scan3A_208, %get3A_1244, %get3A_1245] : memref<8x128x32xf32, #tpu.memory_space<vmem>> -> memref<1x128x32xf32, #tpu.memory_space<vmem>>
        %get3A_1247 = tpu.memref_squeeze %get3A_1246 : memref<1x128x32xf32, #tpu.memory_space<vmem>> -> memref<128x32xf32, #tpu.memory_space<vmem>>
        %get3A_1248 = arith.index_cast %get3A_1243 : i32 to index
        %get3A_1249 = arith.constant 0 : index
        %get3A_1250 = tpu.vector_load %get3A_1247[%get3A_1248, %get3A_1249] {strides = array<i32>} : memref<128x32xf32, #tpu.memory_space<vmem>>, vector<1x16xf32>,
        %get3A_1251 = vector.shape_cast %get3A_1250 : vector<1x16xf32> to vector<16xf32>
        %mul3A_1252 = vector.broadcast %squeeze3A_1242 : f32 to vector<16xf32>
        %mul3A_1253 = arith.mulf %mul3A_1252, %get3A_1251 : vector<16xf32>
        %add3A_1254 = arith.addf %add3A_1228, %mul3A_1253 : vector<16xf32>
        %get3A_1255 = arith.constant 39 : i32
        %get3A_1256 = arith.constant 0 : i32
        %get3A_1257 = arith.constant 0 : i32
        %get3A_1258 = tpu.memref_slice %arg8[%scan3A_208, %get3A_1256, %get3A_1257] : memref<8x128x32xf32, #tpu.memory_space<vmem>> -> memref<1x128x32xf32, #tpu.memory_space<vmem>>
        %get3A_1259 = tpu.memref_squeeze %get3A_1258 : memref<1x128x32xf32, #tpu.memory_space<vmem>> -> memref<128x32xf32, #tpu.memory_space<vmem>>
        %get3A_1260 = arith.index_cast %get3A_1255 : i32 to index
        %get3A_1261 = arith.constant 16 : index
        %get3A_1262 = tpu.vector_load %get3A_1259[%get3A_1260, %get3A_1261] {strides = array<i32>} : memref<128x32xf32, #tpu.memory_space<vmem>>, vector<1x16xf32>,
        %get3A_1263 = vector.shape_cast %get3A_1262 : vector<1x16xf32> to vector<16xf32>
        %mul3A_1264 = vector.broadcast %squeeze3A_1242 : f32 to vector<16xf32>
        %mul3A_1265 = arith.mulf %mul3A_1264, %get3A_1263 : vector<16xf32>
        %add3A_1266 = arith.addf %add3A_1240, %mul3A_1265 : vector<16xf32>
        %slice3A_1267 = vector.extract_strided_slice %get3A_1058 {offsets = [8], sizes = [1], strides = [1]} : vector<16xf32> to vector<1xf32>
        %squeeze3A_1268 = vector.extract %slice3A_1267[0] : f32 from vector<1xf32>
        %get3A_1269 = arith.constant 40 : i32
        %get3A_1270 = arith.constant 0 : i32
        %get3A_1271 = arith.constant 0 : i32
        %get3A_1272 = tpu.memref_slice %arg8[%scan3A_208, %get3A_1270, %get3A_1271] : memref<8x128x32xf32, #tpu.memory_space<vmem>> -> memref<1x128x32xf32, #tpu.memory_space<vmem>>
        %get3A_1273 = tpu.memref_squeeze %get3A_1272 : memref<1x128x32xf32, #tpu.memory_space<vmem>> -> memref<128x32xf32, #tpu.memory_space<vmem>>
        %get3A_1274 = arith.index_cast %get3A_1269 : i32 to index
        %get3A_1275 = arith.constant 0 : index
        %get3A_1276 = tpu.vector_load %get3A_1273[%get3A_1274, %get3A_1275] {strides = array<i32>} : memref<128x32xf32, #tpu.memory_space<vmem>>, vector<1x16xf32>,
        %get3A_1277 = vector.shape_cast %get3A_1276 : vector<1x16xf32> to vector<16xf32>
        %mul3A_1278 = vector.broadcast %squeeze3A_1268 : f32 to vector<16xf32>
        %mul3A_1279 = arith.mulf %mul3A_1278, %get3A_1277 : vector<16xf32>
        %add3A_1280 = arith.addf %add3A_1254, %mul3A_1279 : vector<16xf32>
        %get3A_1281 = arith.constant 40 : i32
        %get3A_1282 = arith.constant 0 : i32
        %get3A_1283 = arith.constant 0 : i32
        %get3A_1284 = tpu.memref_slice %arg8[%scan3A_208, %get3A_1282, %get3A_1283] : memref<8x128x32xf32, #tpu.memory_space<vmem>> -> memref<1x128x32xf32, #tpu.memory_space<vmem>>
        %get3A_1285 = tpu.memref_squeeze %get3A_1284 : memref<1x128x32xf32, #tpu.memory_space<vmem>> -> memref<128x32xf32, #tpu.memory_space<vmem>>
        %get3A_1286 = arith.index_cast %get3A_1281 : i32 to index
        %get3A_1287 = arith.constant 16 : index
        %get3A_1288 = tpu.vector_load %get3A_1285[%get3A_1286, %get3A_1287] {strides = array<i32>} : memref<128x32xf32, #tpu.memory_space<vmem>>, vector<1x16xf32>,
        %get3A_1289 = vector.shape_cast %get3A_1288 : vector<1x16xf32> to vector<16xf32>
        %mul3A_1290 = vector.broadcast %squeeze3A_1268 : f32 to vector<16xf32>
        %mul3A_1291 = arith.mulf %mul3A_1290, %get3A_1289 : vector<16xf32>
        %add3A_1292 = arith.addf %add3A_1266, %mul3A_1291 : vector<16xf32>
        %slice3A_1293 = vector.extract_strided_slice %get3A_1058 {offsets = [9], sizes = [1], strides = [1]} : vector<16xf32> to vector<1xf32>
        %squeeze3A_1294 = vector.extract %slice3A_1293[0] : f32 from vector<1xf32>
        %get3A_1295 = arith.constant 41 : i32
        %get3A_1296 = arith.constant 0 : i32
        %get3A_1297 = arith.constant 0 : i32
        %get3A_1298 = tpu.memref_slice %arg8[%scan3A_208, %get3A_1296, %get3A_1297] : memref<8x128x32xf32, #tpu.memory_space<vmem>> -> memref<1x128x32xf32, #tpu.memory_space<vmem>>
        %get3A_1299 = tpu.memref_squeeze %get3A_1298 : memref<1x128x32xf32, #tpu.memory_space<vmem>> -> memref<128x32xf32, #tpu.memory_space<vmem>>
        %get3A_1300 = arith.index_cast %get3A_1295 : i32 to index
        %get3A_1301 = arith.constant 0 : index
        %get3A_1302 = tpu.vector_load %get3A_1299[%get3A_1300, %get3A_1301] {strides = array<i32>} : memref<128x32xf32, #tpu.memory_space<vmem>>, vector<1x16xf32>,
        %get3A_1303 = vector.shape_cast %get3A_1302 : vector<1x16xf32> to vector<16xf32>
        %mul3A_1304 = vector.broadcast %squeeze3A_1294 : f32 to vector<16xf32>
        %mul3A_1305 = arith.mulf %mul3A_1304, %get3A_1303 : vector<16xf32>
        %add3A_1306 = arith.addf %add3A_1280, %mul3A_1305 : vector<16xf32>
        %get3A_1307 = arith.constant 41 : i32
        %get3A_1308 = arith.constant 0 : i32
        %get3A_1309 = arith.constant 0 : i32
        %get3A_1310 = tpu.memref_slice %arg8[%scan3A_208, %get3A_1308, %get3A_1309] : memref<8x128x32xf32, #tpu.memory_space<vmem>> -> memref<1x128x32xf32, #tpu.memory_space<vmem>>
        %get3A_1311 = tpu.memref_squeeze %get3A_1310 : memref<1x128x32xf32, #tpu.memory_space<vmem>> -> memref<128x32xf32, #tpu.memory_space<vmem>>
        %get3A_1312 = arith.index_cast %get3A_1307 : i32 to index
        %get3A_1313 = arith.constant 16 : index
        %get3A_1314 = tpu.vector_load %get3A_1311[%get3A_1312, %get3A_1313] {strides = array<i32>} : memref<128x32xf32, #tpu.memory_space<vmem>>, vector<1x16xf32>,
        %get3A_1315 = vector.shape_cast %get3A_1314 : vector<1x16xf32> to vector<16xf32>
        %mul3A_1316 = vector.broadcast %squeeze3A_1294 : f32 to vector<16xf32>
        %mul3A_1317 = arith.mulf %mul3A_1316, %get3A_1315 : vector<16xf32>
        %add3A_1318 = arith.addf %add3A_1292, %mul3A_1317 : vector<16xf32>
        %slice3A_1319 = vector.extract_strided_slice %get3A_1058 {offsets = [10], sizes = [1], strides = [1]} : vector<16xf32> to vector<1xf32>
        %squeeze3A_1320 = vector.extract %slice3A_1319[0] : f32 from vector<1xf32>
        %get3A_1321 = arith.constant 42 : i32
        %get3A_1322 = arith.constant 0 : i32
        %get3A_1323 = arith.constant 0 : i32
        %get3A_1324 = tpu.memref_slice %arg8[%scan3A_208, %get3A_1322, %get3A_1323] : memref<8x128x32xf32, #tpu.memory_space<vmem>> -> memref<1x128x32xf32, #tpu.memory_space<vmem>>
        %get3A_1325 = tpu.memref_squeeze %get3A_1324 : memref<1x128x32xf32, #tpu.memory_space<vmem>> -> memref<128x32xf32, #tpu.memory_space<vmem>>
        %get3A_1326 = arith.index_cast %get3A_1321 : i32 to index
        %get3A_1327 = arith.constant 0 : index
        %get3A_1328 = tpu.vector_load %get3A_1325[%get3A_1326, %get3A_1327] {strides = array<i32>} : memref<128x32xf32, #tpu.memory_space<vmem>>, vector<1x16xf32>,
        %get3A_1329 = vector.shape_cast %get3A_1328 : vector<1x16xf32> to vector<16xf32>
        %mul3A_1330 = vector.broadcast %squeeze3A_1320 : f32 to vector<16xf32>
        %mul3A_1331 = arith.mulf %mul3A_1330, %get3A_1329 : vector<16xf32>
        %add3A_1332 = arith.addf %add3A_1306, %mul3A_1331 : vector<16xf32>
        %get3A_1333 = arith.constant 42 : i32
        %get3A_1334 = arith.constant 0 : i32
        %get3A_1335 = arith.constant 0 : i32
        %get3A_1336 = tpu.memref_slice %arg8[%scan3A_208, %get3A_1334, %get3A_1335] : memref<8x128x32xf32, #tpu.memory_space<vmem>> -> memref<1x128x32xf32, #tpu.memory_space<vmem>>
        %get3A_1337 = tpu.memref_squeeze %get3A_1336 : memref<1x128x32xf32, #tpu.memory_space<vmem>> -> memref<128x32xf32, #tpu.memory_space<vmem>>
        %get3A_1338 = arith.index_cast %get3A_1333 : i32 to index
        %get3A_1339 = arith.constant 16 : index
        %get3A_1340 = tpu.vector_load %get3A_1337[%get3A_1338, %get3A_1339] {strides = array<i32>} : memref<128x32xf32, #tpu.memory_space<vmem>>, vector<1x16xf32>,
        %get3A_1341 = vector.shape_cast %get3A_1340 : vector<1x16xf32> to vector<16xf32>
        %mul3A_1342 = vector.broadcast %squeeze3A_1320 : f32 to vector<16xf32>
        %mul3A_1343 = arith.mulf %mul3A_1342, %get3A_1341 : vector<16xf32>
        %add3A_1344 = arith.addf %add3A_1318, %mul3A_1343 : vector<16xf32>
        %slice3A_1345 = vector.extract_strided_slice %get3A_1058 {offsets = [11], sizes = [1], strides = [1]} : vector<16xf32> to vector<1xf32>
        %squeeze3A_1346 = vector.extract %slice3A_1345[0] : f32 from vector<1xf32>
        %get3A_1347 = arith.constant 43 : i32
        %get3A_1348 = arith.constant 0 : i32
        %get3A_1349 = arith.constant 0 : i32
        %get3A_1350 = tpu.memref_slice %arg8[%scan3A_208, %get3A_1348, %get3A_1349] : memref<8x128x32xf32, #tpu.memory_space<vmem>> -> memref<1x128x32xf32, #tpu.memory_space<vmem>>
        %get3A_1351 = tpu.memref_squeeze %get3A_1350 : memref<1x128x32xf32, #tpu.memory_space<vmem>> -> memref<128x32xf32, #tpu.memory_space<vmem>>
        %get3A_1352 = arith.index_cast %get3A_1347 : i32 to index
        %get3A_1353 = arith.constant 0 : index
        %get3A_1354 = tpu.vector_load %get3A_1351[%get3A_1352, %get3A_1353] {strides = array<i32>} : memref<128x32xf32, #tpu.memory_space<vmem>>, vector<1x16xf32>,
        %get3A_1355 = vector.shape_cast %get3A_1354 : vector<1x16xf32> to vector<16xf32>
        %mul3A_1356 = vector.broadcast %squeeze3A_1346 : f32 to vector<16xf32>
        %mul3A_1357 = arith.mulf %mul3A_1356, %get3A_1355 : vector<16xf32>
        %add3A_1358 = arith.addf %add3A_1332, %mul3A_1357 : vector<16xf32>
        %get3A_1359 = arith.constant 43 : i32
        %get3A_1360 = arith.constant 0 : i32
        %get3A_1361 = arith.constant 0 : i32
        %get3A_1362 = tpu.memref_slice %arg8[%scan3A_208, %get3A_1360, %get3A_1361] : memref<8x128x32xf32, #tpu.memory_space<vmem>> -> memref<1x128x32xf32, #tpu.memory_space<vmem>>
        %get3A_1363 = tpu.memref_squeeze %get3A_1362 : memref<1x128x32xf32, #tpu.memory_space<vmem>> -> memref<128x32xf32, #tpu.memory_space<vmem>>
        %get3A_1364 = arith.index_cast %get3A_1359 : i32 to index
        %get3A_1365 = arith.constant 16 : index
        %get3A_1366 = tpu.vector_load %get3A_1363[%get3A_1364, %get3A_1365] {strides = array<i32>} : memref<128x32xf32, #tpu.memory_space<vmem>>, vector<1x16xf32>,
        %get3A_1367 = vector.shape_cast %get3A_1366 : vector<1x16xf32> to vector<16xf32>
        %mul3A_1368 = vector.broadcast %squeeze3A_1346 : f32 to vector<16xf32>
        %mul3A_1369 = arith.mulf %mul3A_1368, %get3A_1367 : vector<16xf32>
        %add3A_1370 = arith.addf %add3A_1344, %mul3A_1369 : vector<16xf32>
        %slice3A_1371 = vector.extract_strided_slice %get3A_1058 {offsets = [12], sizes = [1], strides = [1]} : vector<16xf32> to vector<1xf32>
        %squeeze3A_1372 = vector.extract %slice3A_1371[0] : f32 from vector<1xf32>
        %get3A_1373 = arith.constant 44 : i32
        %get3A_1374 = arith.constant 0 : i32
        %get3A_1375 = arith.constant 0 : i32
        %get3A_1376 = tpu.memref_slice %arg8[%scan3A_208, %get3A_1374, %get3A_1375] : memref<8x128x32xf32, #tpu.memory_space<vmem>> -> memref<1x128x32xf32, #tpu.memory_space<vmem>>
        %get3A_1377 = tpu.memref_squeeze %get3A_1376 : memref<1x128x32xf32, #tpu.memory_space<vmem>> -> memref<128x32xf32, #tpu.memory_space<vmem>>
        %get3A_1378 = arith.index_cast %get3A_1373 : i32 to index
        %get3A_1379 = arith.constant 0 : index
        %get3A_1380 = tpu.vector_load %get3A_1377[%get3A_1378, %get3A_1379] {strides = array<i32>} : memref<128x32xf32, #tpu.memory_space<vmem>>, vector<1x16xf32>,
        %get3A_1381 = vector.shape_cast %get3A_1380 : vector<1x16xf32> to vector<16xf32>
        %mul3A_1382 = vector.broadcast %squeeze3A_1372 : f32 to vector<16xf32>
        %mul3A_1383 = arith.mulf %mul3A_1382, %get3A_1381 : vector<16xf32>
        %add3A_1384 = arith.addf %add3A_1358, %mul3A_1383 : vector<16xf32>
        %get3A_1385 = arith.constant 44 : i32
        %get3A_1386 = arith.constant 0 : i32
        %get3A_1387 = arith.constant 0 : i32
        %get3A_1388 = tpu.memref_slice %arg8[%scan3A_208, %get3A_1386, %get3A_1387] : memref<8x128x32xf32, #tpu.memory_space<vmem>> -> memref<1x128x32xf32, #tpu.memory_space<vmem>>
        %get3A_1389 = tpu.memref_squeeze %get3A_1388 : memref<1x128x32xf32, #tpu.memory_space<vmem>> -> memref<128x32xf32, #tpu.memory_space<vmem>>
        %get3A_1390 = arith.index_cast %get3A_1385 : i32 to index
        %get3A_1391 = arith.constant 16 : index
        %get3A_1392 = tpu.vector_load %get3A_1389[%get3A_1390, %get3A_1391] {strides = array<i32>} : memref<128x32xf32, #tpu.memory_space<vmem>>, vector<1x16xf32>,
        %get3A_1393 = vector.shape_cast %get3A_1392 : vector<1x16xf32> to vector<16xf32>
        %mul3A_1394 = vector.broadcast %squeeze3A_1372 : f32 to vector<16xf32>
        %mul3A_1395 = arith.mulf %mul3A_1394, %get3A_1393 : vector<16xf32>
        %add3A_1396 = arith.addf %add3A_1370, %mul3A_1395 : vector<16xf32>
        %slice3A_1397 = vector.extract_strided_slice %get3A_1058 {offsets = [13], sizes = [1], strides = [1]} : vector<16xf32> to vector<1xf32>
        %squeeze3A_1398 = vector.extract %slice3A_1397[0] : f32 from vector<1xf32>
        %get3A_1399 = arith.constant 45 : i32
        %get3A_1400 = arith.constant 0 : i32
        %get3A_1401 = arith.constant 0 : i32
        %get3A_1402 = tpu.memref_slice %arg8[%scan3A_208, %get3A_1400, %get3A_1401] : memref<8x128x32xf32, #tpu.memory_space<vmem>> -> memref<1x128x32xf32, #tpu.memory_space<vmem>>
        %get3A_1403 = tpu.memref_squeeze %get3A_1402 : memref<1x128x32xf32, #tpu.memory_space<vmem>> -> memref<128x32xf32, #tpu.memory_space<vmem>>
        %get3A_1404 = arith.index_cast %get3A_1399 : i32 to index
        %get3A_1405 = arith.constant 0 : index
        %get3A_1406 = tpu.vector_load %get3A_1403[%get3A_1404, %get3A_1405] {strides = array<i32>} : memref<128x32xf32, #tpu.memory_space<vmem>>, vector<1x16xf32>,
        %get3A_1407 = vector.shape_cast %get3A_1406 : vector<1x16xf32> to vector<16xf32>
        %mul3A_1408 = vector.broadcast %squeeze3A_1398 : f32 to vector<16xf32>
        %mul3A_1409 = arith.mulf %mul3A_1408, %get3A_1407 : vector<16xf32>
        %add3A_1410 = arith.addf %add3A_1384, %mul3A_1409 : vector<16xf32>
        %get3A_1411 = arith.constant 45 : i32
        %get3A_1412 = arith.constant 0 : i32
        %get3A_1413 = arith.constant 0 : i32
        %get3A_1414 = tpu.memref_slice %arg8[%scan3A_208, %get3A_1412, %get3A_1413] : memref<8x128x32xf32, #tpu.memory_space<vmem>> -> memref<1x128x32xf32, #tpu.memory_space<vmem>>
        %get3A_1415 = tpu.memref_squeeze %get3A_1414 : memref<1x128x32xf32, #tpu.memory_space<vmem>> -> memref<128x32xf32, #tpu.memory_space<vmem>>
        %get3A_1416 = arith.index_cast %get3A_1411 : i32 to index
        %get3A_1417 = arith.constant 16 : index
        %get3A_1418 = tpu.vector_load %get3A_1415[%get3A_1416, %get3A_1417] {strides = array<i32>} : memref<128x32xf32, #tpu.memory_space<vmem>>, vector<1x16xf32>,
        %get3A_1419 = vector.shape_cast %get3A_1418 : vector<1x16xf32> to vector<16xf32>
        %mul3A_1420 = vector.broadcast %squeeze3A_1398 : f32 to vector<16xf32>
        %mul3A_1421 = arith.mulf %mul3A_1420, %get3A_1419 : vector<16xf32>
        %add3A_1422 = arith.addf %add3A_1396, %mul3A_1421 : vector<16xf32>
        %slice3A_1423 = vector.extract_strided_slice %get3A_1058 {offsets = [14], sizes = [1], strides = [1]} : vector<16xf32> to vector<1xf32>
        %squeeze3A_1424 = vector.extract %slice3A_1423[0] : f32 from vector<1xf32>
        %get3A_1425 = arith.constant 46 : i32
        %get3A_1426 = arith.constant 0 : i32
        %get3A_1427 = arith.constant 0 : i32
        %get3A_1428 = tpu.memref_slice %arg8[%scan3A_208, %get3A_1426, %get3A_1427] : memref<8x128x32xf32, #tpu.memory_space<vmem>> -> memref<1x128x32xf32, #tpu.memory_space<vmem>>
        %get3A_1429 = tpu.memref_squeeze %get3A_1428 : memref<1x128x32xf32, #tpu.memory_space<vmem>> -> memref<128x32xf32, #tpu.memory_space<vmem>>
        %get3A_1430 = arith.index_cast %get3A_1425 : i32 to index
        %get3A_1431 = arith.constant 0 : index
        %get3A_1432 = tpu.vector_load %get3A_1429[%get3A_1430, %get3A_1431] {strides = array<i32>} : memref<128x32xf32, #tpu.memory_space<vmem>>, vector<1x16xf32>,
        %get3A_1433 = vector.shape_cast %get3A_1432 : vector<1x16xf32> to vector<16xf32>
        %mul3A_1434 = vector.broadcast %squeeze3A_1424 : f32 to vector<16xf32>
        %mul3A_1435 = arith.mulf %mul3A_1434, %get3A_1433 : vector<16xf32>
        %add3A_1436 = arith.addf %add3A_1410, %mul3A_1435 : vector<16xf32>
        %get3A_1437 = arith.constant 46 : i32
        %get3A_1438 = arith.constant 0 : i32
        %get3A_1439 = arith.constant 0 : i32
        %get3A_1440 = tpu.memref_slice %arg8[%scan3A_208, %get3A_1438, %get3A_1439] : memref<8x128x32xf32, #tpu.memory_space<vmem>> -> memref<1x128x32xf32, #tpu.memory_space<vmem>>
        %get3A_1441 = tpu.memref_squeeze %get3A_1440 : memref<1x128x32xf32, #tpu.memory_space<vmem>> -> memref<128x32xf32, #tpu.memory_space<vmem>>
        %get3A_1442 = arith.index_cast %get3A_1437 : i32 to index
        %get3A_1443 = arith.constant 16 : index
        %get3A_1444 = tpu.vector_load %get3A_1441[%get3A_1442, %get3A_1443] {strides = array<i32>} : memref<128x32xf32, #tpu.memory_space<vmem>>, vector<1x16xf32>,
        %get3A_1445 = vector.shape_cast %get3A_1444 : vector<1x16xf32> to vector<16xf32>
        %mul3A_1446 = vector.broadcast %squeeze3A_1424 : f32 to vector<16xf32>
        %mul3A_1447 = arith.mulf %mul3A_1446, %get3A_1445 : vector<16xf32>
        %add3A_1448 = arith.addf %add3A_1422, %mul3A_1447 : vector<16xf32>
        %slice3A_1449 = vector.extract_strided_slice %get3A_1058 {offsets = [15], sizes = [1], strides = [1]} : vector<16xf32> to vector<1xf32>
        %squeeze3A_1450 = vector.extract %slice3A_1449[0] : f32 from vector<1xf32>
        %get3A_1451 = arith.constant 47 : i32
        %get3A_1452 = arith.constant 0 : i32
        %get3A_1453 = arith.constant 0 : i32
        %get3A_1454 = tpu.memref_slice %arg8[%scan3A_208, %get3A_1452, %get3A_1453] : memref<8x128x32xf32, #tpu.memory_space<vmem>> -> memref<1x128x32xf32, #tpu.memory_space<vmem>>
        %get3A_1455 = tpu.memref_squeeze %get3A_1454 : memref<1x128x32xf32, #tpu.memory_space<vmem>> -> memref<128x32xf32, #tpu.memory_space<vmem>>
        %get3A_1456 = arith.index_cast %get3A_1451 : i32 to index
        %get3A_1457 = arith.constant 0 : index
        %get3A_1458 = tpu.vector_load %get3A_1455[%get3A_1456, %get3A_1457] {strides = array<i32>} : memref<128x32xf32, #tpu.memory_space<vmem>>, vector<1x16xf32>,
        %get3A_1459 = vector.shape_cast %get3A_1458 : vector<1x16xf32> to vector<16xf32>
        %mul3A_1460 = vector.broadcast %squeeze3A_1450 : f32 to vector<16xf32>
        %mul3A_1461 = arith.mulf %mul3A_1460, %get3A_1459 : vector<16xf32>
        %add3A_1462 = arith.addf %add3A_1436, %mul3A_1461 : vector<16xf32>
        %get3A_1463 = arith.constant 47 : i32
        %get3A_1464 = arith.constant 0 : i32
        %get3A_1465 = arith.constant 0 : i32
        %get3A_1466 = tpu.memref_slice %arg8[%scan3A_208, %get3A_1464, %get3A_1465] : memref<8x128x32xf32, #tpu.memory_space<vmem>> -> memref<1x128x32xf32, #tpu.memory_space<vmem>>
        %get3A_1467 = tpu.memref_squeeze %get3A_1466 : memref<1x128x32xf32, #tpu.memory_space<vmem>> -> memref<128x32xf32, #tpu.memory_space<vmem>>
        %get3A_1468 = arith.index_cast %get3A_1463 : i32 to index
        %get3A_1469 = arith.constant 16 : index
        %get3A_1470 = tpu.vector_load %get3A_1467[%get3A_1468, %get3A_1469] {strides = array<i32>} : memref<128x32xf32, #tpu.memory_space<vmem>>, vector<1x16xf32>,
        %get3A_1471 = vector.shape_cast %get3A_1470 : vector<1x16xf32> to vector<16xf32>
        %mul3A_1472 = vector.broadcast %squeeze3A_1450 : f32 to vector<16xf32>
        %mul3A_1473 = arith.mulf %mul3A_1472, %get3A_1471 : vector<16xf32>
        %add3A_1474 = arith.addf %add3A_1448, %mul3A_1473 : vector<16xf32>
        %get3A_1475 = arith.constant 0 : i32
        %get3A_1476 = tpu.memref_slice %arg7[%scan3A_208, %get3A_1475] : memref<8x128xf32, #tpu.memory_space<vmem>> -> memref<1x128xf32, #tpu.memory_space<vmem>>
        %get3A_1477 = tpu.memref_squeeze %get3A_1476 : memref<1x128xf32, #tpu.memory_space<vmem>> -> memref<128xf32, #tpu.memory_space<vmem>>
        %get3A_1478 = arith.constant 48 : index
        %get3A_1479 = tpu.vector_load %get3A_1477[%get3A_1478] {strides = array<i32>} : memref<128xf32, #tpu.memory_space<vmem>>, vector<16xf32>,
        %get3A_1480 = vector.shape_cast %get3A_1479 : vector<16xf32> to vector<16xf32>
        %slice3A_1481 = vector.extract_strided_slice %get3A_1480 {offsets = [0], sizes = [1], strides = [1]} : vector<16xf32> to vector<1xf32>
        %squeeze3A_1482 = vector.extract %slice3A_1481[0] : f32 from vector<1xf32>
        %get3A_1483 = arith.constant 48 : i32
        %get3A_1484 = arith.constant 0 : i32
        %get3A_1485 = arith.constant 0 : i32
        %get3A_1486 = tpu.memref_slice %arg8[%scan3A_208, %get3A_1484, %get3A_1485] : memref<8x128x32xf32, #tpu.memory_space<vmem>> -> memref<1x128x32xf32, #tpu.memory_space<vmem>>
        %get3A_1487 = tpu.memref_squeeze %get3A_1486 : memref<1x128x32xf32, #tpu.memory_space<vmem>> -> memref<128x32xf32, #tpu.memory_space<vmem>>
        %get3A_1488 = arith.index_cast %get3A_1483 : i32 to index
        %get3A_1489 = arith.constant 0 : index
        %get3A_1490 = tpu.vector_load %get3A_1487[%get3A_1488, %get3A_1489] {strides = array<i32>} : memref<128x32xf32, #tpu.memory_space<vmem>>, vector<1x16xf32>,
        %get3A_1491 = vector.shape_cast %get3A_1490 : vector<1x16xf32> to vector<16xf32>
        %mul3A_1492 = vector.broadcast %squeeze3A_1482 : f32 to vector<16xf32>
        %mul3A_1493 = arith.mulf %mul3A_1492, %get3A_1491 : vector<16xf32>
        %add3A_1494 = arith.addf %add3A_1462, %mul3A_1493 : vector<16xf32>
        %get3A_1495 = arith.constant 48 : i32
        %get3A_1496 = arith.constant 0 : i32
        %get3A_1497 = arith.constant 0 : i32
        %get3A_1498 = tpu.memref_slice %arg8[%scan3A_208, %get3A_1496, %get3A_1497] : memref<8x128x32xf32, #tpu.memory_space<vmem>> -> memref<1x128x32xf32, #tpu.memory_space<vmem>>
        %get3A_1499 = tpu.memref_squeeze %get3A_1498 : memref<1x128x32xf32, #tpu.memory_space<vmem>> -> memref<128x32xf32, #tpu.memory_space<vmem>>
        %get3A_1500 = arith.index_cast %get3A_1495 : i32 to index
        %get3A_1501 = arith.constant 16 : index
        %get3A_1502 = tpu.vector_load %get3A_1499[%get3A_1500, %get3A_1501] {strides = array<i32>} : memref<128x32xf32, #tpu.memory_space<vmem>>, vector<1x16xf32>,
        %get3A_1503 = vector.shape_cast %get3A_1502 : vector<1x16xf32> to vector<16xf32>
        %mul3A_1504 = vector.broadcast %squeeze3A_1482 : f32 to vector<16xf32>
        %mul3A_1505 = arith.mulf %mul3A_1504, %get3A_1503 : vector<16xf32>
        %add3A_1506 = arith.addf %add3A_1474, %mul3A_1505 : vector<16xf32>
        %slice3A_1507 = vector.extract_strided_slice %get3A_1480 {offsets = [1], sizes = [1], strides = [1]} : vector<16xf32> to vector<1xf32>
        %squeeze3A_1508 = vector.extract %slice3A_1507[0] : f32 from vector<1xf32>
        %get3A_1509 = arith.constant 49 : i32
        %get3A_1510 = arith.constant 0 : i32
        %get3A_1511 = arith.constant 0 : i32
        %get3A_1512 = tpu.memref_slice %arg8[%scan3A_208, %get3A_1510, %get3A_1511] : memref<8x128x32xf32, #tpu.memory_space<vmem>> -> memref<1x128x32xf32, #tpu.memory_space<vmem>>
        %get3A_1513 = tpu.memref_squeeze %get3A_1512 : memref<1x128x32xf32, #tpu.memory_space<vmem>> -> memref<128x32xf32, #tpu.memory_space<vmem>>
        %get3A_1514 = arith.index_cast %get3A_1509 : i32 to index
        %get3A_1515 = arith.constant 0 : index
        %get3A_1516 = tpu.vector_load %get3A_1513[%get3A_1514, %get3A_1515] {strides = array<i32>} : memref<128x32xf32, #tpu.memory_space<vmem>>, vector<1x16xf32>,
        %get3A_1517 = vector.shape_cast %get3A_1516 : vector<1x16xf32> to vector<16xf32>
        %mul3A_1518 = vector.broadcast %squeeze3A_1508 : f32 to vector<16xf32>
        %mul3A_1519 = arith.mulf %mul3A_1518, %get3A_1517 : vector<16xf32>
        %add3A_1520 = arith.addf %add3A_1494, %mul3A_1519 : vector<16xf32>
        %get3A_1521 = arith.constant 49 : i32
        %get3A_1522 = arith.constant 0 : i32
        %get3A_1523 = arith.constant 0 : i32
        %get3A_1524 = tpu.memref_slice %arg8[%scan3A_208, %get3A_1522, %get3A_1523] : memref<8x128x32xf32, #tpu.memory_space<vmem>> -> memref<1x128x32xf32, #tpu.memory_space<vmem>>
        %get3A_1525 = tpu.memref_squeeze %get3A_1524 : memref<1x128x32xf32, #tpu.memory_space<vmem>> -> memref<128x32xf32, #tpu.memory_space<vmem>>
        %get3A_1526 = arith.index_cast %get3A_1521 : i32 to index
        %get3A_1527 = arith.constant 16 : index
        %get3A_1528 = tpu.vector_load %get3A_1525[%get3A_1526, %get3A_1527] {strides = array<i32>} : memref<128x32xf32, #tpu.memory_space<vmem>>, vector<1x16xf32>,
        %get3A_1529 = vector.shape_cast %get3A_1528 : vector<1x16xf32> to vector<16xf32>
        %mul3A_1530 = vector.broadcast %squeeze3A_1508 : f32 to vector<16xf32>
        %mul3A_1531 = arith.mulf %mul3A_1530, %get3A_1529 : vector<16xf32>
        %add3A_1532 = arith.addf %add3A_1506, %mul3A_1531 : vector<16xf32>
        %slice3A_1533 = vector.extract_strided_slice %get3A_1480 {offsets = [2], sizes = [1], strides = [1]} : vector<16xf32> to vector<1xf32>
        %squeeze3A_1534 = vector.extract %slice3A_1533[0] : f32 from vector<1xf32>
        %get3A_1535 = arith.constant 50 : i32
        %get3A_1536 = arith.constant 0 : i32
        %get3A_1537 = arith.constant 0 : i32
        %get3A_1538 = tpu.memref_slice %arg8[%scan3A_208, %get3A_1536, %get3A_1537] : memref<8x128x32xf32, #tpu.memory_space<vmem>> -> memref<1x128x32xf32, #tpu.memory_space<vmem>>
        %get3A_1539 = tpu.memref_squeeze %get3A_1538 : memref<1x128x32xf32, #tpu.memory_space<vmem>> -> memref<128x32xf32, #tpu.memory_space<vmem>>
        %get3A_1540 = arith.index_cast %get3A_1535 : i32 to index
        %get3A_1541 = arith.constant 0 : index
        %get3A_1542 = tpu.vector_load %get3A_1539[%get3A_1540, %get3A_1541] {strides = array<i32>} : memref<128x32xf32, #tpu.memory_space<vmem>>, vector<1x16xf32>,
        %get3A_1543 = vector.shape_cast %get3A_1542 : vector<1x16xf32> to vector<16xf32>
        %mul3A_1544 = vector.broadcast %squeeze3A_1534 : f32 to vector<16xf32>
        %mul3A_1545 = arith.mulf %mul3A_1544, %get3A_1543 : vector<16xf32>
        %add3A_1546 = arith.addf %add3A_1520, %mul3A_1545 : vector<16xf32>
        %get3A_1547 = arith.constant 50 : i32
        %get3A_1548 = arith.constant 0 : i32
        %get3A_1549 = arith.constant 0 : i32
        %get3A_1550 = tpu.memref_slice %arg8[%scan3A_208, %get3A_1548, %get3A_1549] : memref<8x128x32xf32, #tpu.memory_space<vmem>> -> memref<1x128x32xf32, #tpu.memory_space<vmem>>
        %get3A_1551 = tpu.memref_squeeze %get3A_1550 : memref<1x128x32xf32, #tpu.memory_space<vmem>> -> memref<128x32xf32, #tpu.memory_space<vmem>>
        %get3A_1552 = arith.index_cast %get3A_1547 : i32 to index
        %get3A_1553 = arith.constant 16 : index
        %get3A_1554 = tpu.vector_load %get3A_1551[%get3A_1552, %get3A_1553] {strides = array<i32>} : memref<128x32xf32, #tpu.memory_space<vmem>>, vector<1x16xf32>,
        %get3A_1555 = vector.shape_cast %get3A_1554 : vector<1x16xf32> to vector<16xf32>
        %mul3A_1556 = vector.broadcast %squeeze3A_1534 : f32 to vector<16xf32>
        %mul3A_1557 = arith.mulf %mul3A_1556, %get3A_1555 : vector<16xf32>
        %add3A_1558 = arith.addf %add3A_1532, %mul3A_1557 : vector<16xf32>
        %slice3A_1559 = vector.extract_strided_slice %get3A_1480 {offsets = [3], sizes = [1], strides = [1]} : vector<16xf32> to vector<1xf32>
        %squeeze3A_1560 = vector.extract %slice3A_1559[0] : f32 from vector<1xf32>
        %get3A_1561 = arith.constant 51 : i32
        %get3A_1562 = arith.constant 0 : i32
        %get3A_1563 = arith.constant 0 : i32
        %get3A_1564 = tpu.memref_slice %arg8[%scan3A_208, %get3A_1562, %get3A_1563] : memref<8x128x32xf32, #tpu.memory_space<vmem>> -> memref<1x128x32xf32, #tpu.memory_space<vmem>>
        %get3A_1565 = tpu.memref_squeeze %get3A_1564 : memref<1x128x32xf32, #tpu.memory_space<vmem>> -> memref<128x32xf32, #tpu.memory_space<vmem>>
        %get3A_1566 = arith.index_cast %get3A_1561 : i32 to index
        %get3A_1567 = arith.constant 0 : index
        %get3A_1568 = tpu.vector_load %get3A_1565[%get3A_1566, %get3A_1567] {strides = array<i32>} : memref<128x32xf32, #tpu.memory_space<vmem>>, vector<1x16xf32>,
        %get3A_1569 = vector.shape_cast %get3A_1568 : vector<1x16xf32> to vector<16xf32>
        %mul3A_1570 = vector.broadcast %squeeze3A_1560 : f32 to vector<16xf32>
        %mul3A_1571 = arith.mulf %mul3A_1570, %get3A_1569 : vector<16xf32>
        %add3A_1572 = arith.addf %add3A_1546, %mul3A_1571 : vector<16xf32>
        %get3A_1573 = arith.constant 51 : i32
        %get3A_1574 = arith.constant 0 : i32
        %get3A_1575 = arith.constant 0 : i32
        %get3A_1576 = tpu.memref_slice %arg8[%scan3A_208, %get3A_1574, %get3A_1575] : memref<8x128x32xf32, #tpu.memory_space<vmem>> -> memref<1x128x32xf32, #tpu.memory_space<vmem>>
        %get3A_1577 = tpu.memref_squeeze %get3A_1576 : memref<1x128x32xf32, #tpu.memory_space<vmem>> -> memref<128x32xf32, #tpu.memory_space<vmem>>
        %get3A_1578 = arith.index_cast %get3A_1573 : i32 to index
        %get3A_1579 = arith.constant 16 : index
        %get3A_1580 = tpu.vector_load %get3A_1577[%get3A_1578, %get3A_1579] {strides = array<i32>} : memref<128x32xf32, #tpu.memory_space<vmem>>, vector<1x16xf32>,
        %get3A_1581 = vector.shape_cast %get3A_1580 : vector<1x16xf32> to vector<16xf32>
        %mul3A_1582 = vector.broadcast %squeeze3A_1560 : f32 to vector<16xf32>
        %mul3A_1583 = arith.mulf %mul3A_1582, %get3A_1581 : vector<16xf32>
        %add3A_1584 = arith.addf %add3A_1558, %mul3A_1583 : vector<16xf32>
        %slice3A_1585 = vector.extract_strided_slice %get3A_1480 {offsets = [4], sizes = [1], strides = [1]} : vector<16xf32> to vector<1xf32>
        %squeeze3A_1586 = vector.extract %slice3A_1585[0] : f32 from vector<1xf32>
        %get3A_1587 = arith.constant 52 : i32
        %get3A_1588 = arith.constant 0 : i32
        %get3A_1589 = arith.constant 0 : i32
        %get3A_1590 = tpu.memref_slice %arg8[%scan3A_208, %get3A_1588, %get3A_1589] : memref<8x128x32xf32, #tpu.memory_space<vmem>> -> memref<1x128x32xf32, #tpu.memory_space<vmem>>
        %get3A_1591 = tpu.memref_squeeze %get3A_1590 : memref<1x128x32xf32, #tpu.memory_space<vmem>> -> memref<128x32xf32, #tpu.memory_space<vmem>>
        %get3A_1592 = arith.index_cast %get3A_1587 : i32 to index
        %get3A_1593 = arith.constant 0 : index
        %get3A_1594 = tpu.vector_load %get3A_1591[%get3A_1592, %get3A_1593] {strides = array<i32>} : memref<128x32xf32, #tpu.memory_space<vmem>>, vector<1x16xf32>,
        %get3A_1595 = vector.shape_cast %get3A_1594 : vector<1x16xf32> to vector<16xf32>
        %mul3A_1596 = vector.broadcast %squeeze3A_1586 : f32 to vector<16xf32>
        %mul3A_1597 = arith.mulf %mul3A_1596, %get3A_1595 : vector<16xf32>
        %add3A_1598 = arith.addf %add3A_1572, %mul3A_1597 : vector<16xf32>
        %get3A_1599 = arith.constant 52 : i32
        %get3A_1600 = arith.constant 0 : i32
        %get3A_1601 = arith.constant 0 : i32
        %get3A_1602 = tpu.memref_slice %arg8[%scan3A_208, %get3A_1600, %get3A_1601] : memref<8x128x32xf32, #tpu.memory_space<vmem>> -> memref<1x128x32xf32, #tpu.memory_space<vmem>>
        %get3A_1603 = tpu.memref_squeeze %get3A_1602 : memref<1x128x32xf32, #tpu.memory_space<vmem>> -> memref<128x32xf32, #tpu.memory_space<vmem>>
        %get3A_1604 = arith.index_cast %get3A_1599 : i32 to index
        %get3A_1605 = arith.constant 16 : index
        %get3A_1606 = tpu.vector_load %get3A_1603[%get3A_1604, %get3A_1605] {strides = array<i32>} : memref<128x32xf32, #tpu.memory_space<vmem>>, vector<1x16xf32>,
        %get3A_1607 = vector.shape_cast %get3A_1606 : vector<1x16xf32> to vector<16xf32>
        %mul3A_1608 = vector.broadcast %squeeze3A_1586 : f32 to vector<16xf32>
        %mul3A_1609 = arith.mulf %mul3A_1608, %get3A_1607 : vector<16xf32>
        %add3A_1610 = arith.addf %add3A_1584, %mul3A_1609 : vector<16xf32>
        %slice3A_1611 = vector.extract_strided_slice %get3A_1480 {offsets = [5], sizes = [1], strides = [1]} : vector<16xf32> to vector<1xf32>
        %squeeze3A_1612 = vector.extract %slice3A_1611[0] : f32 from vector<1xf32>
        %get3A_1613 = arith.constant 53 : i32
        %get3A_1614 = arith.constant 0 : i32
        %get3A_1615 = arith.constant 0 : i32
        %get3A_1616 = tpu.memref_slice %arg8[%scan3A_208, %get3A_1614, %get3A_1615] : memref<8x128x32xf32, #tpu.memory_space<vmem>> -> memref<1x128x32xf32, #tpu.memory_space<vmem>>
        %get3A_1617 = tpu.memref_squeeze %get3A_1616 : memref<1x128x32xf32, #tpu.memory_space<vmem>> -> memref<128x32xf32, #tpu.memory_space<vmem>>
        %get3A_1618 = arith.index_cast %get3A_1613 : i32 to index
        %get3A_1619 = arith.constant 0 : index
        %get3A_1620 = tpu.vector_load %get3A_1617[%get3A_1618, %get3A_1619] {strides = array<i32>} : memref<128x32xf32, #tpu.memory_space<vmem>>, vector<1x16xf32>,
        %get3A_1621 = vector.shape_cast %get3A_1620 : vector<1x16xf32> to vector<16xf32>
        %mul3A_1622 = vector.broadcast %squeeze3A_1612 : f32 to vector<16xf32>
        %mul3A_1623 = arith.mulf %mul3A_1622, %get3A_1621 : vector<16xf32>
        %add3A_1624 = arith.addf %add3A_1598, %mul3A_1623 : vector<16xf32>
        %get3A_1625 = arith.constant 53 : i32
        %get3A_1626 = arith.constant 0 : i32
        %get3A_1627 = arith.constant 0 : i32
        %get3A_1628 = tpu.memref_slice %arg8[%scan3A_208, %get3A_1626, %get3A_1627] : memref<8x128x32xf32, #tpu.memory_space<vmem>> -> memref<1x128x32xf32, #tpu.memory_space<vmem>>
        %get3A_1629 = tpu.memref_squeeze %get3A_1628 : memref<1x128x32xf32, #tpu.memory_space<vmem>> -> memref<128x32xf32, #tpu.memory_space<vmem>>
        %get3A_1630 = arith.index_cast %get3A_1625 : i32 to index
        %get3A_1631 = arith.constant 16 : index
        %get3A_1632 = tpu.vector_load %get3A_1629[%get3A_1630, %get3A_1631] {strides = array<i32>} : memref<128x32xf32, #tpu.memory_space<vmem>>, vector<1x16xf32>,
        %get3A_1633 = vector.shape_cast %get3A_1632 : vector<1x16xf32> to vector<16xf32>
        %mul3A_1634 = vector.broadcast %squeeze3A_1612 : f32 to vector<16xf32>
        %mul3A_1635 = arith.mulf %mul3A_1634, %get3A_1633 : vector<16xf32>
        %add3A_1636 = arith.addf %add3A_1610, %mul3A_1635 : vector<16xf32>
        %slice3A_1637 = vector.extract_strided_slice %get3A_1480 {offsets = [6], sizes = [1], strides = [1]} : vector<16xf32> to vector<1xf32>
        %squeeze3A_1638 = vector.extract %slice3A_1637[0] : f32 from vector<1xf32>
        %get3A_1639 = arith.constant 54 : i32
        %get3A_1640 = arith.constant 0 : i32
        %get3A_1641 = arith.constant 0 : i32
        %get3A_1642 = tpu.memref_slice %arg8[%scan3A_208, %get3A_1640, %get3A_1641] : memref<8x128x32xf32, #tpu.memory_space<vmem>> -> memref<1x128x32xf32, #tpu.memory_space<vmem>>
        %get3A_1643 = tpu.memref_squeeze %get3A_1642 : memref<1x128x32xf32, #tpu.memory_space<vmem>> -> memref<128x32xf32, #tpu.memory_space<vmem>>
        %get3A_1644 = arith.index_cast %get3A_1639 : i32 to index
        %get3A_1645 = arith.constant 0 : index
        %get3A_1646 = tpu.vector_load %get3A_1643[%get3A_1644, %get3A_1645] {strides = array<i32>} : memref<128x32xf32, #tpu.memory_space<vmem>>, vector<1x16xf32>,
        %get3A_1647 = vector.shape_cast %get3A_1646 : vector<1x16xf32> to vector<16xf32>
        %mul3A_1648 = vector.broadcast %squeeze3A_1638 : f32 to vector<16xf32>
        %mul3A_1649 = arith.mulf %mul3A_1648, %get3A_1647 : vector<16xf32>
        %add3A_1650 = arith.addf %add3A_1624, %mul3A_1649 : vector<16xf32>
        %get3A_1651 = arith.constant 54 : i32
        %get3A_1652 = arith.constant 0 : i32
        %get3A_1653 = arith.constant 0 : i32
        %get3A_1654 = tpu.memref_slice %arg8[%scan3A_208, %get3A_1652, %get3A_1653] : memref<8x128x32xf32, #tpu.memory_space<vmem>> -> memref<1x128x32xf32, #tpu.memory_space<vmem>>
        %get3A_1655 = tpu.memref_squeeze %get3A_1654 : memref<1x128x32xf32, #tpu.memory_space<vmem>> -> memref<128x32xf32, #tpu.memory_space<vmem>>
        %get3A_1656 = arith.index_cast %get3A_1651 : i32 to index
        %get3A_1657 = arith.constant 16 : index
        %get3A_1658 = tpu.vector_load %get3A_1655[%get3A_1656, %get3A_1657] {strides = array<i32>} : memref<128x32xf32, #tpu.memory_space<vmem>>, vector<1x16xf32>,
        %get3A_1659 = vector.shape_cast %get3A_1658 : vector<1x16xf32> to vector<16xf32>
        %mul3A_1660 = vector.broadcast %squeeze3A_1638 : f32 to vector<16xf32>
        %mul3A_1661 = arith.mulf %mul3A_1660, %get3A_1659 : vector<16xf32>
        %add3A_1662 = arith.addf %add3A_1636, %mul3A_1661 : vector<16xf32>
        %slice3A_1663 = vector.extract_strided_slice %get3A_1480 {offsets = [7], sizes = [1], strides = [1]} : vector<16xf32> to vector<1xf32>
        %squeeze3A_1664 = vector.extract %slice3A_1663[0] : f32 from vector<1xf32>
        %get3A_1665 = arith.constant 55 : i32
        %get3A_1666 = arith.constant 0 : i32
        %get3A_1667 = arith.constant 0 : i32
        %get3A_1668 = tpu.memref_slice %arg8[%scan3A_208, %get3A_1666, %get3A_1667] : memref<8x128x32xf32, #tpu.memory_space<vmem>> -> memref<1x128x32xf32, #tpu.memory_space<vmem>>
        %get3A_1669 = tpu.memref_squeeze %get3A_1668 : memref<1x128x32xf32, #tpu.memory_space<vmem>> -> memref<128x32xf32, #tpu.memory_space<vmem>>
        %get3A_1670 = arith.index_cast %get3A_1665 : i32 to index
        %get3A_1671 = arith.constant 0 : index
        %get3A_1672 = tpu.vector_load %get3A_1669[%get3A_1670, %get3A_1671] {strides = array<i32>} : memref<128x32xf32, #tpu.memory_space<vmem>>, vector<1x16xf32>,
        %get3A_1673 = vector.shape_cast %get3A_1672 : vector<1x16xf32> to vector<16xf32>
        %mul3A_1674 = vector.broadcast %squeeze3A_1664 : f32 to vector<16xf32>
        %mul3A_1675 = arith.mulf %mul3A_1674, %get3A_1673 : vector<16xf32>
        %add3A_1676 = arith.addf %add3A_1650, %mul3A_1675 : vector<16xf32>
        %get3A_1677 = arith.constant 55 : i32
        %get3A_1678 = arith.constant 0 : i32
        %get3A_1679 = arith.constant 0 : i32
        %get3A_1680 = tpu.memref_slice %arg8[%scan3A_208, %get3A_1678, %get3A_1679] : memref<8x128x32xf32, #tpu.memory_space<vmem>> -> memref<1x128x32xf32, #tpu.memory_space<vmem>>
        %get3A_1681 = tpu.memref_squeeze %get3A_1680 : memref<1x128x32xf32, #tpu.memory_space<vmem>> -> memref<128x32xf32, #tpu.memory_space<vmem>>
        %get3A_1682 = arith.index_cast %get3A_1677 : i32 to index
        %get3A_1683 = arith.constant 16 : index
        %get3A_1684 = tpu.vector_load %get3A_1681[%get3A_1682, %get3A_1683] {strides = array<i32>} : memref<128x32xf32, #tpu.memory_space<vmem>>, vector<1x16xf32>,
        %get3A_1685 = vector.shape_cast %get3A_1684 : vector<1x16xf32> to vector<16xf32>
        %mul3A_1686 = vector.broadcast %squeeze3A_1664 : f32 to vector<16xf32>
        %mul3A_1687 = arith.mulf %mul3A_1686, %get3A_1685 : vector<16xf32>
        %add3A_1688 = arith.addf %add3A_1662, %mul3A_1687 : vector<16xf32>
        %slice3A_1689 = vector.extract_strided_slice %get3A_1480 {offsets = [8], sizes = [1], strides = [1]} : vector<16xf32> to vector<1xf32>
        %squeeze3A_1690 = vector.extract %slice3A_1689[0] : f32 from vector<1xf32>
        %get3A_1691 = arith.constant 56 : i32
        %get3A_1692 = arith.constant 0 : i32
        %get3A_1693 = arith.constant 0 : i32
        %get3A_1694 = tpu.memref_slice %arg8[%scan3A_208, %get3A_1692, %get3A_1693] : memref<8x128x32xf32, #tpu.memory_space<vmem>> -> memref<1x128x32xf32, #tpu.memory_space<vmem>>
        %get3A_1695 = tpu.memref_squeeze %get3A_1694 : memref<1x128x32xf32, #tpu.memory_space<vmem>> -> memref<128x32xf32, #tpu.memory_space<vmem>>
        %get3A_1696 = arith.index_cast %get3A_1691 : i32 to index
        %get3A_1697 = arith.constant 0 : index
        %get3A_1698 = tpu.vector_load %get3A_1695[%get3A_1696, %get3A_1697] {strides = array<i32>} : memref<128x32xf32, #tpu.memory_space<vmem>>, vector<1x16xf32>,
        %get3A_1699 = vector.shape_cast %get3A_1698 : vector<1x16xf32> to vector<16xf32>
        %mul3A_1700 = vector.broadcast %squeeze3A_1690 : f32 to vector<16xf32>
        %mul3A_1701 = arith.mulf %mul3A_1700, %get3A_1699 : vector<16xf32>
        %add3A_1702 = arith.addf %add3A_1676, %mul3A_1701 : vector<16xf32>
        %get3A_1703 = arith.constant 56 : i32
        %get3A_1704 = arith.constant 0 : i32
        %get3A_1705 = arith.constant 0 : i32
        %get3A_1706 = tpu.memref_slice %arg8[%scan3A_208, %get3A_1704, %get3A_1705] : memref<8x128x32xf32, #tpu.memory_space<vmem>> -> memref<1x128x32xf32, #tpu.memory_space<vmem>>
        %get3A_1707 = tpu.memref_squeeze %get3A_1706 : memref<1x128x32xf32, #tpu.memory_space<vmem>> -> memref<128x32xf32, #tpu.memory_space<vmem>>
        %get3A_1708 = arith.index_cast %get3A_1703 : i32 to index
        %get3A_1709 = arith.constant 16 : index
        %get3A_1710 = tpu.vector_load %get3A_1707[%get3A_1708, %get3A_1709] {strides = array<i32>} : memref<128x32xf32, #tpu.memory_space<vmem>>, vector<1x16xf32>,
        %get3A_1711 = vector.shape_cast %get3A_1710 : vector<1x16xf32> to vector<16xf32>
        %mul3A_1712 = vector.broadcast %squeeze3A_1690 : f32 to vector<16xf32>
        %mul3A_1713 = arith.mulf %mul3A_1712, %get3A_1711 : vector<16xf32>
        %add3A_1714 = arith.addf %add3A_1688, %mul3A_1713 : vector<16xf32>
        %slice3A_1715 = vector.extract_strided_slice %get3A_1480 {offsets = [9], sizes = [1], strides = [1]} : vector<16xf32> to vector<1xf32>
        %squeeze3A_1716 = vector.extract %slice3A_1715[0] : f32 from vector<1xf32>
        %get3A_1717 = arith.constant 57 : i32
        %get3A_1718 = arith.constant 0 : i32
        %get3A_1719 = arith.constant 0 : i32
        %get3A_1720 = tpu.memref_slice %arg8[%scan3A_208, %get3A_1718, %get3A_1719] : memref<8x128x32xf32, #tpu.memory_space<vmem>> -> memref<1x128x32xf32, #tpu.memory_space<vmem>>
        %get3A_1721 = tpu.memref_squeeze %get3A_1720 : memref<1x128x32xf32, #tpu.memory_space<vmem>> -> memref<128x32xf32, #tpu.memory_space<vmem>>
        %get3A_1722 = arith.index_cast %get3A_1717 : i32 to index
        %get3A_1723 = arith.constant 0 : index
        %get3A_1724 = tpu.vector_load %get3A_1721[%get3A_1722, %get3A_1723] {strides = array<i32>} : memref<128x32xf32, #tpu.memory_space<vmem>>, vector<1x16xf32>,
        %get3A_1725 = vector.shape_cast %get3A_1724 : vector<1x16xf32> to vector<16xf32>
        %mul3A_1726 = vector.broadcast %squeeze3A_1716 : f32 to vector<16xf32>
        %mul3A_1727 = arith.mulf %mul3A_1726, %get3A_1725 : vector<16xf32>
        %add3A_1728 = arith.addf %add3A_1702, %mul3A_1727 : vector<16xf32>
        %get3A_1729 = arith.constant 57 : i32
        %get3A_1730 = arith.constant 0 : i32
        %get3A_1731 = arith.constant 0 : i32
        %get3A_1732 = tpu.memref_slice %arg8[%scan3A_208, %get3A_1730, %get3A_1731] : memref<8x128x32xf32, #tpu.memory_space<vmem>> -> memref<1x128x32xf32, #tpu.memory_space<vmem>>
        %get3A_1733 = tpu.memref_squeeze %get3A_1732 : memref<1x128x32xf32, #tpu.memory_space<vmem>> -> memref<128x32xf32, #tpu.memory_space<vmem>>
        %get3A_1734 = arith.index_cast %get3A_1729 : i32 to index
        %get3A_1735 = arith.constant 16 : index
        %get3A_1736 = tpu.vector_load %get3A_1733[%get3A_1734, %get3A_1735] {strides = array<i32>} : memref<128x32xf32, #tpu.memory_space<vmem>>, vector<1x16xf32>,
        %get3A_1737 = vector.shape_cast %get3A_1736 : vector<1x16xf32> to vector<16xf32>
        %mul3A_1738 = vector.broadcast %squeeze3A_1716 : f32 to vector<16xf32>
        %mul3A_1739 = arith.mulf %mul3A_1738, %get3A_1737 : vector<16xf32>
        %add3A_1740 = arith.addf %add3A_1714, %mul3A_1739 : vector<16xf32>
        %slice3A_1741 = vector.extract_strided_slice %get3A_1480 {offsets = [10], sizes = [1], strides = [1]} : vector<16xf32> to vector<1xf32>
        %squeeze3A_1742 = vector.extract %slice3A_1741[0] : f32 from vector<1xf32>
        %get3A_1743 = arith.constant 58 : i32
        %get3A_1744 = arith.constant 0 : i32
        %get3A_1745 = arith.constant 0 : i32
        %get3A_1746 = tpu.memref_slice %arg8[%scan3A_208, %get3A_1744, %get3A_1745] : memref<8x128x32xf32, #tpu.memory_space<vmem>> -> memref<1x128x32xf32, #tpu.memory_space<vmem>>
        %get3A_1747 = tpu.memref_squeeze %get3A_1746 : memref<1x128x32xf32, #tpu.memory_space<vmem>> -> memref<128x32xf32, #tpu.memory_space<vmem>>
        %get3A_1748 = arith.index_cast %get3A_1743 : i32 to index
        %get3A_1749 = arith.constant 0 : index
        %get3A_1750 = tpu.vector_load %get3A_1747[%get3A_1748, %get3A_1749] {strides = array<i32>} : memref<128x32xf32, #tpu.memory_space<vmem>>, vector<1x16xf32>,
        %get3A_1751 = vector.shape_cast %get3A_1750 : vector<1x16xf32> to vector<16xf32>
        %mul3A_1752 = vector.broadcast %squeeze3A_1742 : f32 to vector<16xf32>
        %mul3A_1753 = arith.mulf %mul3A_1752, %get3A_1751 : vector<16xf32>
        %add3A_1754 = arith.addf %add3A_1728, %mul3A_1753 : vector<16xf32>
        %get3A_1755 = arith.constant 58 : i32
        %get3A_1756 = arith.constant 0 : i32
        %get3A_1757 = arith.constant 0 : i32
        %get3A_1758 = tpu.memref_slice %arg8[%scan3A_208, %get3A_1756, %get3A_1757] : memref<8x128x32xf32, #tpu.memory_space<vmem>> -> memref<1x128x32xf32, #tpu.memory_space<vmem>>
        %get3A_1759 = tpu.memref_squeeze %get3A_1758 : memref<1x128x32xf32, #tpu.memory_space<vmem>> -> memref<128x32xf32, #tpu.memory_space<vmem>>
        %get3A_1760 = arith.index_cast %get3A_1755 : i32 to index
        %get3A_1761 = arith.constant 16 : index
        %get3A_1762 = tpu.vector_load %get3A_1759[%get3A_1760, %get3A_1761] {strides = array<i32>} : memref<128x32xf32, #tpu.memory_space<vmem>>, vector<1x16xf32>,
        %get3A_1763 = vector.shape_cast %get3A_1762 : vector<1x16xf32> to vector<16xf32>
        %mul3A_1764 = vector.broadcast %squeeze3A_1742 : f32 to vector<16xf32>
        %mul3A_1765 = arith.mulf %mul3A_1764, %get3A_1763 : vector<16xf32>
        %add3A_1766 = arith.addf %add3A_1740, %mul3A_1765 : vector<16xf32>
        %slice3A_1767 = vector.extract_strided_slice %get3A_1480 {offsets = [11], sizes = [1], strides = [1]} : vector<16xf32> to vector<1xf32>
        %squeeze3A_1768 = vector.extract %slice3A_1767[0] : f32 from vector<1xf32>
        %get3A_1769 = arith.constant 59 : i32
        %get3A_1770 = arith.constant 0 : i32
        %get3A_1771 = arith.constant 0 : i32
        %get3A_1772 = tpu.memref_slice %arg8[%scan3A_208, %get3A_1770, %get3A_1771] : memref<8x128x32xf32, #tpu.memory_space<vmem>> -> memref<1x128x32xf32, #tpu.memory_space<vmem>>
        %get3A_1773 = tpu.memref_squeeze %get3A_1772 : memref<1x128x32xf32, #tpu.memory_space<vmem>> -> memref<128x32xf32, #tpu.memory_space<vmem>>
        %get3A_1774 = arith.index_cast %get3A_1769 : i32 to index
        %get3A_1775 = arith.constant 0 : index
        %get3A_1776 = tpu.vector_load %get3A_1773[%get3A_1774, %get3A_1775] {strides = array<i32>} : memref<128x32xf32, #tpu.memory_space<vmem>>, vector<1x16xf32>,
        %get3A_1777 = vector.shape_cast %get3A_1776 : vector<1x16xf32> to vector<16xf32>
        %mul3A_1778 = vector.broadcast %squeeze3A_1768 : f32 to vector<16xf32>
        %mul3A_1779 = arith.mulf %mul3A_1778, %get3A_1777 : vector<16xf32>
        %add3A_1780 = arith.addf %add3A_1754, %mul3A_1779 : vector<16xf32>
        %get3A_1781 = arith.constant 59 : i32
        %get3A_1782 = arith.constant 0 : i32
        %get3A_1783 = arith.constant 0 : i32
        %get3A_1784 = tpu.memref_slice %arg8[%scan3A_208, %get3A_1782, %get3A_1783] : memref<8x128x32xf32, #tpu.memory_space<vmem>> -> memref<1x128x32xf32, #tpu.memory_space<vmem>>
        %get3A_1785 = tpu.memref_squeeze %get3A_1784 : memref<1x128x32xf32, #tpu.memory_space<vmem>> -> memref<128x32xf32, #tpu.memory_space<vmem>>
        %get3A_1786 = arith.index_cast %get3A_1781 : i32 to index
        %get3A_1787 = arith.constant 16 : index
        %get3A_1788 = tpu.vector_load %get3A_1785[%get3A_1786, %get3A_1787] {strides = array<i32>} : memref<128x32xf32, #tpu.memory_space<vmem>>, vector<1x16xf32>,
        %get3A_1789 = vector.shape_cast %get3A_1788 : vector<1x16xf32> to vector<16xf32>
        %mul3A_1790 = vector.broadcast %squeeze3A_1768 : f32 to vector<16xf32>
        %mul3A_1791 = arith.mulf %mul3A_1790, %get3A_1789 : vector<16xf32>
        %add3A_1792 = arith.addf %add3A_1766, %mul3A_1791 : vector<16xf32>
        %slice3A_1793 = vector.extract_strided_slice %get3A_1480 {offsets = [12], sizes = [1], strides = [1]} : vector<16xf32> to vector<1xf32>
        %squeeze3A_1794 = vector.extract %slice3A_1793[0] : f32 from vector<1xf32>
        %get3A_1795 = arith.constant 60 : i32
        %get3A_1796 = arith.constant 0 : i32
        %get3A_1797 = arith.constant 0 : i32
        %get3A_1798 = tpu.memref_slice %arg8[%scan3A_208, %get3A_1796, %get3A_1797] : memref<8x128x32xf32, #tpu.memory_space<vmem>> -> memref<1x128x32xf32, #tpu.memory_space<vmem>>
        %get3A_1799 = tpu.memref_squeeze %get3A_1798 : memref<1x128x32xf32, #tpu.memory_space<vmem>> -> memref<128x32xf32, #tpu.memory_space<vmem>>
        %get3A_1800 = arith.index_cast %get3A_1795 : i32 to index
        %get3A_1801 = arith.constant 0 : index
        %get3A_1802 = tpu.vector_load %get3A_1799[%get3A_1800, %get3A_1801] {strides = array<i32>} : memref<128x32xf32, #tpu.memory_space<vmem>>, vector<1x16xf32>,
        %get3A_1803 = vector.shape_cast %get3A_1802 : vector<1x16xf32> to vector<16xf32>
        %mul3A_1804 = vector.broadcast %squeeze3A_1794 : f32 to vector<16xf32>
        %mul3A_1805 = arith.mulf %mul3A_1804, %get3A_1803 : vector<16xf32>
        %add3A_1806 = arith.addf %add3A_1780, %mul3A_1805 : vector<16xf32>
        %get3A_1807 = arith.constant 60 : i32
        %get3A_1808 = arith.constant 0 : i32
        %get3A_1809 = arith.constant 0 : i32
        %get3A_1810 = tpu.memref_slice %arg8[%scan3A_208, %get3A_1808, %get3A_1809] : memref<8x128x32xf32, #tpu.memory_space<vmem>> -> memref<1x128x32xf32, #tpu.memory_space<vmem>>
        %get3A_1811 = tpu.memref_squeeze %get3A_1810 : memref<1x128x32xf32, #tpu.memory_space<vmem>> -> memref<128x32xf32, #tpu.memory_space<vmem>>
        %get3A_1812 = arith.index_cast %get3A_1807 : i32 to index
        %get3A_1813 = arith.constant 16 : index
        %get3A_1814 = tpu.vector_load %get3A_1811[%get3A_1812, %get3A_1813] {strides = array<i32>} : memref<128x32xf32, #tpu.memory_space<vmem>>, vector<1x16xf32>,
        %get3A_1815 = vector.shape_cast %get3A_1814 : vector<1x16xf32> to vector<16xf32>
        %mul3A_1816 = vector.broadcast %squeeze3A_1794 : f32 to vector<16xf32>
        %mul3A_1817 = arith.mulf %mul3A_1816, %get3A_1815 : vector<16xf32>
        %add3A_1818 = arith.addf %add3A_1792, %mul3A_1817 : vector<16xf32>
        %slice3A_1819 = vector.extract_strided_slice %get3A_1480 {offsets = [13], sizes = [1], strides = [1]} : vector<16xf32> to vector<1xf32>
        %squeeze3A_1820 = vector.extract %slice3A_1819[0] : f32 from vector<1xf32>
        %get3A_1821 = arith.constant 61 : i32
        %get3A_1822 = arith.constant 0 : i32
        %get3A_1823 = arith.constant 0 : i32
        %get3A_1824 = tpu.memref_slice %arg8[%scan3A_208, %get3A_1822, %get3A_1823] : memref<8x128x32xf32, #tpu.memory_space<vmem>> -> memref<1x128x32xf32, #tpu.memory_space<vmem>>
        %get3A_1825 = tpu.memref_squeeze %get3A_1824 : memref<1x128x32xf32, #tpu.memory_space<vmem>> -> memref<128x32xf32, #tpu.memory_space<vmem>>
        %get3A_1826 = arith.index_cast %get3A_1821 : i32 to index
        %get3A_1827 = arith.constant 0 : index
        %get3A_1828 = tpu.vector_load %get3A_1825[%get3A_1826, %get3A_1827] {strides = array<i32>} : memref<128x32xf32, #tpu.memory_space<vmem>>, vector<1x16xf32>,
        %get3A_1829 = vector.shape_cast %get3A_1828 : vector<1x16xf32> to vector<16xf32>
        %mul3A_1830 = vector.broadcast %squeeze3A_1820 : f32 to vector<16xf32>
        %mul3A_1831 = arith.mulf %mul3A_1830, %get3A_1829 : vector<16xf32>
        %add3A_1832 = arith.addf %add3A_1806, %mul3A_1831 : vector<16xf32>
        %get3A_1833 = arith.constant 61 : i32
        %get3A_1834 = arith.constant 0 : i32
        %get3A_1835 = arith.constant 0 : i32
        %get3A_1836 = tpu.memref_slice %arg8[%scan3A_208, %get3A_1834, %get3A_1835] : memref<8x128x32xf32, #tpu.memory_space<vmem>> -> memref<1x128x32xf32, #tpu.memory_space<vmem>>
        %get3A_1837 = tpu.memref_squeeze %get3A_1836 : memref<1x128x32xf32, #tpu.memory_space<vmem>> -> memref<128x32xf32, #tpu.memory_space<vmem>>
        %get3A_1838 = arith.index_cast %get3A_1833 : i32 to index
        %get3A_1839 = arith.constant 16 : index
        %get3A_1840 = tpu.vector_load %get3A_1837[%get3A_1838, %get3A_1839] {strides = array<i32>} : memref<128x32xf32, #tpu.memory_space<vmem>>, vector<1x16xf32>,
        %get3A_1841 = vector.shape_cast %get3A_1840 : vector<1x16xf32> to vector<16xf32>
        %mul3A_1842 = vector.broadcast %squeeze3A_1820 : f32 to vector<16xf32>
        %mul3A_1843 = arith.mulf %mul3A_1842, %get3A_1841 : vector<16xf32>
        %add3A_1844 = arith.addf %add3A_1818, %mul3A_1843 : vector<16xf32>
        %slice3A_1845 = vector.extract_strided_slice %get3A_1480 {offsets = [14], sizes = [1], strides = [1]} : vector<16xf32> to vector<1xf32>
        %squeeze3A_1846 = vector.extract %slice3A_1845[0] : f32 from vector<1xf32>
        %get3A_1847 = arith.constant 62 : i32
        %get3A_1848 = arith.constant 0 : i32
        %get3A_1849 = arith.constant 0 : i32
        %get3A_1850 = tpu.memref_slice %arg8[%scan3A_208, %get3A_1848, %get3A_1849] : memref<8x128x32xf32, #tpu.memory_space<vmem>> -> memref<1x128x32xf32, #tpu.memory_space<vmem>>
        %get3A_1851 = tpu.memref_squeeze %get3A_1850 : memref<1x128x32xf32, #tpu.memory_space<vmem>> -> memref<128x32xf32, #tpu.memory_space<vmem>>
        %get3A_1852 = arith.index_cast %get3A_1847 : i32 to index
        %get3A_1853 = arith.constant 0 : index
        %get3A_1854 = tpu.vector_load %get3A_1851[%get3A_1852, %get3A_1853] {strides = array<i32>} : memref<128x32xf32, #tpu.memory_space<vmem>>, vector<1x16xf32>,
        %get3A_1855 = vector.shape_cast %get3A_1854 : vector<1x16xf32> to vector<16xf32>
        %mul3A_1856 = vector.broadcast %squeeze3A_1846 : f32 to vector<16xf32>
        %mul3A_1857 = arith.mulf %mul3A_1856, %get3A_1855 : vector<16xf32>
        %add3A_1858 = arith.addf %add3A_1832, %mul3A_1857 : vector<16xf32>
        %get3A_1859 = arith.constant 62 : i32
        %get3A_1860 = arith.constant 0 : i32
        %get3A_1861 = arith.constant 0 : i32
        %get3A_1862 = tpu.memref_slice %arg8[%scan3A_208, %get3A_1860, %get3A_1861] : memref<8x128x32xf32, #tpu.memory_space<vmem>> -> memref<1x128x32xf32, #tpu.memory_space<vmem>>
        %get3A_1863 = tpu.memref_squeeze %get3A_1862 : memref<1x128x32xf32, #tpu.memory_space<vmem>> -> memref<128x32xf32, #tpu.memory_space<vmem>>
        %get3A_1864 = arith.index_cast %get3A_1859 : i32 to index
        %get3A_1865 = arith.constant 16 : index
        %get3A_1866 = tpu.vector_load %get3A_1863[%get3A_1864, %get3A_1865] {strides = array<i32>} : memref<128x32xf32, #tpu.memory_space<vmem>>, vector<1x16xf32>,
        %get3A_1867 = vector.shape_cast %get3A_1866 : vector<1x16xf32> to vector<16xf32>
        %mul3A_1868 = vector.broadcast %squeeze3A_1846 : f32 to vector<16xf32>
        %mul3A_1869 = arith.mulf %mul3A_1868, %get3A_1867 : vector<16xf32>
        %add3A_1870 = arith.addf %add3A_1844, %mul3A_1869 : vector<16xf32>
        %slice3A_1871 = vector.extract_strided_slice %get3A_1480 {offsets = [15], sizes = [1], strides = [1]} : vector<16xf32> to vector<1xf32>
        %squeeze3A_1872 = vector.extract %slice3A_1871[0] : f32 from vector<1xf32>
        %get3A_1873 = arith.constant 63 : i32
        %get3A_1874 = arith.constant 0 : i32
        %get3A_1875 = arith.constant 0 : i32
        %get3A_1876 = tpu.memref_slice %arg8[%scan3A_208, %get3A_1874, %get3A_1875] : memref<8x128x32xf32, #tpu.memory_space<vmem>> -> memref<1x128x32xf32, #tpu.memory_space<vmem>>
        %get3A_1877 = tpu.memref_squeeze %get3A_1876 : memref<1x128x32xf32, #tpu.memory_space<vmem>> -> memref<128x32xf32, #tpu.memory_space<vmem>>
        %get3A_1878 = arith.index_cast %get3A_1873 : i32 to index
        %get3A_1879 = arith.constant 0 : index
        %get3A_1880 = tpu.vector_load %get3A_1877[%get3A_1878, %get3A_1879] {strides = array<i32>} : memref<128x32xf32, #tpu.memory_space<vmem>>, vector<1x16xf32>,
        %get3A_1881 = vector.shape_cast %get3A_1880 : vector<1x16xf32> to vector<16xf32>
        %mul3A_1882 = vector.broadcast %squeeze3A_1872 : f32 to vector<16xf32>
        %mul3A_1883 = arith.mulf %mul3A_1882, %get3A_1881 : vector<16xf32>
        %add3A_1884 = arith.addf %add3A_1858, %mul3A_1883 : vector<16xf32>
        %get3A_1885 = arith.constant 63 : i32
        %get3A_1886 = arith.constant 0 : i32
        %get3A_1887 = arith.constant 0 : i32
        %get3A_1888 = tpu.memref_slice %arg8[%scan3A_208, %get3A_1886, %get3A_1887] : memref<8x128x32xf32, #tpu.memory_space<vmem>> -> memref<1x128x32xf32, #tpu.memory_space<vmem>>
        %get3A_1889 = tpu.memref_squeeze %get3A_1888 : memref<1x128x32xf32, #tpu.memory_space<vmem>> -> memref<128x32xf32, #tpu.memory_space<vmem>>
        %get3A_1890 = arith.index_cast %get3A_1885 : i32 to index
        %get3A_1891 = arith.constant 16 : index
        %get3A_1892 = tpu.vector_load %get3A_1889[%get3A_1890, %get3A_1891] {strides = array<i32>} : memref<128x32xf32, #tpu.memory_space<vmem>>, vector<1x16xf32>,
        %get3A_1893 = vector.shape_cast %get3A_1892 : vector<1x16xf32> to vector<16xf32>
        %mul3A_1894 = vector.broadcast %squeeze3A_1872 : f32 to vector<16xf32>
        %mul3A_1895 = arith.mulf %mul3A_1894, %get3A_1893 : vector<16xf32>
        %add3A_1896 = arith.addf %add3A_1870, %mul3A_1895 : vector<16xf32>
        %get3A_1897 = arith.constant 0 : i32
        %get3A_1898 = tpu.memref_slice %arg7[%scan3A_208, %get3A_1897] : memref<8x128xf32, #tpu.memory_space<vmem>> -> memref<1x128xf32, #tpu.memory_space<vmem>>
        %get3A_1899 = tpu.memref_squeeze %get3A_1898 : memref<1x128xf32, #tpu.memory_space<vmem>> -> memref<128xf32, #tpu.memory_space<vmem>>
        %get3A_1900 = arith.constant 64 : index
        %get3A_1901 = tpu.vector_load %get3A_1899[%get3A_1900] {strides = array<i32>} : memref<128xf32, #tpu.memory_space<vmem>>, vector<16xf32>,
        %get3A_1902 = vector.shape_cast %get3A_1901 : vector<16xf32> to vector<16xf32>
        %slice3A_1903 = vector.extract_strided_slice %get3A_1902 {offsets = [0], sizes = [1], strides = [1]} : vector<16xf32> to vector<1xf32>
        %squeeze3A_1904 = vector.extract %slice3A_1903[0] : f32 from vector<1xf32>
        %get3A_1905 = arith.constant 64 : i32
        %get3A_1906 = arith.constant 0 : i32
        %get3A_1907 = arith.constant 0 : i32
        %get3A_1908 = tpu.memref_slice %arg8[%scan3A_208, %get3A_1906, %get3A_1907] : memref<8x128x32xf32, #tpu.memory_space<vmem>> -> memref<1x128x32xf32, #tpu.memory_space<vmem>>
        %get3A_1909 = tpu.memref_squeeze %get3A_1908 : memref<1x128x32xf32, #tpu.memory_space<vmem>> -> memref<128x32xf32, #tpu.memory_space<vmem>>
        %get3A_1910 = arith.index_cast %get3A_1905 : i32 to index
        %get3A_1911 = arith.constant 0 : index
        %get3A_1912 = tpu.vector_load %get3A_1909[%get3A_1910, %get3A_1911] {strides = array<i32>} : memref<128x32xf32, #tpu.memory_space<vmem>>, vector<1x16xf32>,
        %get3A_1913 = vector.shape_cast %get3A_1912 : vector<1x16xf32> to vector<16xf32>
        %mul3A_1914 = vector.broadcast %squeeze3A_1904 : f32 to vector<16xf32>
        %mul3A_1915 = arith.mulf %mul3A_1914, %get3A_1913 : vector<16xf32>
        %add3A_1916 = arith.addf %add3A_1884, %mul3A_1915 : vector<16xf32>
        %get3A_1917 = arith.constant 64 : i32
        %get3A_1918 = arith.constant 0 : i32
        %get3A_1919 = arith.constant 0 : i32
        %get3A_1920 = tpu.memref_slice %arg8[%scan3A_208, %get3A_1918, %get3A_1919] : memref<8x128x32xf32, #tpu.memory_space<vmem>> -> memref<1x128x32xf32, #tpu.memory_space<vmem>>
        %get3A_1921 = tpu.memref_squeeze %get3A_1920 : memref<1x128x32xf32, #tpu.memory_space<vmem>> -> memref<128x32xf32, #tpu.memory_space<vmem>>
        %get3A_1922 = arith.index_cast %get3A_1917 : i32 to index
        %get3A_1923 = arith.constant 16 : index
        %get3A_1924 = tpu.vector_load %get3A_1921[%get3A_1922, %get3A_1923] {strides = array<i32>} : memref<128x32xf32, #tpu.memory_space<vmem>>, vector<1x16xf32>,
        %get3A_1925 = vector.shape_cast %get3A_1924 : vector<1x16xf32> to vector<16xf32>
        %mul3A_1926 = vector.broadcast %squeeze3A_1904 : f32 to vector<16xf32>
        %mul3A_1927 = arith.mulf %mul3A_1926, %get3A_1925 : vector<16xf32>
        %add3A_1928 = arith.addf %add3A_1896, %mul3A_1927 : vector<16xf32>
        %slice3A_1929 = vector.extract_strided_slice %get3A_1902 {offsets = [1], sizes = [1], strides = [1]} : vector<16xf32> to vector<1xf32>
        %squeeze3A_1930 = vector.extract %slice3A_1929[0] : f32 from vector<1xf32>
        %get3A_1931 = arith.constant 65 : i32
        %get3A_1932 = arith.constant 0 : i32
        %get3A_1933 = arith.constant 0 : i32
        %get3A_1934 = tpu.memref_slice %arg8[%scan3A_208, %get3A_1932, %get3A_1933] : memref<8x128x32xf32, #tpu.memory_space<vmem>> -> memref<1x128x32xf32, #tpu.memory_space<vmem>>
        %get3A_1935 = tpu.memref_squeeze %get3A_1934 : memref<1x128x32xf32, #tpu.memory_space<vmem>> -> memref<128x32xf32, #tpu.memory_space<vmem>>
        %get3A_1936 = arith.index_cast %get3A_1931 : i32 to index
        %get3A_1937 = arith.constant 0 : index
        %get3A_1938 = tpu.vector_load %get3A_1935[%get3A_1936, %get3A_1937] {strides = array<i32>} : memref<128x32xf32, #tpu.memory_space<vmem>>, vector<1x16xf32>,
        %get3A_1939 = vector.shape_cast %get3A_1938 : vector<1x16xf32> to vector<16xf32>
        %mul3A_1940 = vector.broadcast %squeeze3A_1930 : f32 to vector<16xf32>
        %mul3A_1941 = arith.mulf %mul3A_1940, %get3A_1939 : vector<16xf32>
        %add3A_1942 = arith.addf %add3A_1916, %mul3A_1941 : vector<16xf32>
        %get3A_1943 = arith.constant 65 : i32
        %get3A_1944 = arith.constant 0 : i32
        %get3A_1945 = arith.constant 0 : i32
        %get3A_1946 = tpu.memref_slice %arg8[%scan3A_208, %get3A_1944, %get3A_1945] : memref<8x128x32xf32, #tpu.memory_space<vmem>> -> memref<1x128x32xf32, #tpu.memory_space<vmem>>
        %get3A_1947 = tpu.memref_squeeze %get3A_1946 : memref<1x128x32xf32, #tpu.memory_space<vmem>> -> memref<128x32xf32, #tpu.memory_space<vmem>>
        %get3A_1948 = arith.index_cast %get3A_1943 : i32 to index
        %get3A_1949 = arith.constant 16 : index
        %get3A_1950 = tpu.vector_load %get3A_1947[%get3A_1948, %get3A_1949] {strides = array<i32>} : memref<128x32xf32, #tpu.memory_space<vmem>>, vector<1x16xf32>,
        %get3A_1951 = vector.shape_cast %get3A_1950 : vector<1x16xf32> to vector<16xf32>
        %mul3A_1952 = vector.broadcast %squeeze3A_1930 : f32 to vector<16xf32>
        %mul3A_1953 = arith.mulf %mul3A_1952, %get3A_1951 : vector<16xf32>
        %add3A_1954 = arith.addf %add3A_1928, %mul3A_1953 : vector<16xf32>
        %slice3A_1955 = vector.extract_strided_slice %get3A_1902 {offsets = [2], sizes = [1], strides = [1]} : vector<16xf32> to vector<1xf32>
        %squeeze3A_1956 = vector.extract %slice3A_1955[0] : f32 from vector<1xf32>
        %get3A_1957 = arith.constant 66 : i32
        %get3A_1958 = arith.constant 0 : i32
        %get3A_1959 = arith.constant 0 : i32
        %get3A_1960 = tpu.memref_slice %arg8[%scan3A_208, %get3A_1958, %get3A_1959] : memref<8x128x32xf32, #tpu.memory_space<vmem>> -> memref<1x128x32xf32, #tpu.memory_space<vmem>>
        %get3A_1961 = tpu.memref_squeeze %get3A_1960 : memref<1x128x32xf32, #tpu.memory_space<vmem>> -> memref<128x32xf32, #tpu.memory_space<vmem>>
        %get3A_1962 = arith.index_cast %get3A_1957 : i32 to index
        %get3A_1963 = arith.constant 0 : index
        %get3A_1964 = tpu.vector_load %get3A_1961[%get3A_1962, %get3A_1963] {strides = array<i32>} : memref<128x32xf32, #tpu.memory_space<vmem>>, vector<1x16xf32>,
        %get3A_1965 = vector.shape_cast %get3A_1964 : vector<1x16xf32> to vector<16xf32>
        %mul3A_1966 = vector.broadcast %squeeze3A_1956 : f32 to vector<16xf32>
        %mul3A_1967 = arith.mulf %mul3A_1966, %get3A_1965 : vector<16xf32>
        %add3A_1968 = arith.addf %add3A_1942, %mul3A_1967 : vector<16xf32>
        %get3A_1969 = arith.constant 66 : i32
        %get3A_1970 = arith.constant 0 : i32
        %get3A_1971 = arith.constant 0 : i32
        %get3A_1972 = tpu.memref_slice %arg8[%scan3A_208, %get3A_1970, %get3A_1971] : memref<8x128x32xf32, #tpu.memory_space<vmem>> -> memref<1x128x32xf32, #tpu.memory_space<vmem>>
        %get3A_1973 = tpu.memref_squeeze %get3A_1972 : memref<1x128x32xf32, #tpu.memory_space<vmem>> -> memref<128x32xf32, #tpu.memory_space<vmem>>
        %get3A_1974 = arith.index_cast %get3A_1969 : i32 to index
        %get3A_1975 = arith.constant 16 : index
        %get3A_1976 = tpu.vector_load %get3A_1973[%get3A_1974, %get3A_1975] {strides = array<i32>} : memref<128x32xf32, #tpu.memory_space<vmem>>, vector<1x16xf32>,
        %get3A_1977 = vector.shape_cast %get3A_1976 : vector<1x16xf32> to vector<16xf32>
        %mul3A_1978 = vector.broadcast %squeeze3A_1956 : f32 to vector<16xf32>
        %mul3A_1979 = arith.mulf %mul3A_1978, %get3A_1977 : vector<16xf32>
        %add3A_1980 = arith.addf %add3A_1954, %mul3A_1979 : vector<16xf32>
        %slice3A_1981 = vector.extract_strided_slice %get3A_1902 {offsets = [3], sizes = [1], strides = [1]} : vector<16xf32> to vector<1xf32>
        %squeeze3A_1982 = vector.extract %slice3A_1981[0] : f32 from vector<1xf32>
        %get3A_1983 = arith.constant 67 : i32
        %get3A_1984 = arith.constant 0 : i32
        %get3A_1985 = arith.constant 0 : i32
        %get3A_1986 = tpu.memref_slice %arg8[%scan3A_208, %get3A_1984, %get3A_1985] : memref<8x128x32xf32, #tpu.memory_space<vmem>> -> memref<1x128x32xf32, #tpu.memory_space<vmem>>
        %get3A_1987 = tpu.memref_squeeze %get3A_1986 : memref<1x128x32xf32, #tpu.memory_space<vmem>> -> memref<128x32xf32, #tpu.memory_space<vmem>>
        %get3A_1988 = arith.index_cast %get3A_1983 : i32 to index
        %get3A_1989 = arith.constant 0 : index
        %get3A_1990 = tpu.vector_load %get3A_1987[%get3A_1988, %get3A_1989] {strides = array<i32>} : memref<128x32xf32, #tpu.memory_space<vmem>>, vector<1x16xf32>,
        %get3A_1991 = vector.shape_cast %get3A_1990 : vector<1x16xf32> to vector<16xf32>
        %mul3A_1992 = vector.broadcast %squeeze3A_1982 : f32 to vector<16xf32>
        %mul3A_1993 = arith.mulf %mul3A_1992, %get3A_1991 : vector<16xf32>
        %add3A_1994 = arith.addf %add3A_1968, %mul3A_1993 : vector<16xf32>
        %get3A_1995 = arith.constant 67 : i32
        %get3A_1996 = arith.constant 0 : i32
        %get3A_1997 = arith.constant 0 : i32
        %get3A_1998 = tpu.memref_slice %arg8[%scan3A_208, %get3A_1996, %get3A_1997] : memref<8x128x32xf32, #tpu.memory_space<vmem>> -> memref<1x128x32xf32, #tpu.memory_space<vmem>>
        %get3A_1999 = tpu.memref_squeeze %get3A_1998 : memref<1x128x32xf32, #tpu.memory_space<vmem>> -> memref<128x32xf32, #tpu.memory_space<vmem>>
        %get3A_2000 = arith.index_cast %get3A_1995 : i32 to index
        %get3A_2001 = arith.constant 16 : index
        %get3A_2002 = tpu.vector_load %get3A_1999[%get3A_2000, %get3A_2001] {strides = array<i32>} : memref<128x32xf32, #tpu.memory_space<vmem>>, vector<1x16xf32>,
        %get3A_2003 = vector.shape_cast %get3A_2002 : vector<1x16xf32> to vector<16xf32>
        %mul3A_2004 = vector.broadcast %squeeze3A_1982 : f32 to vector<16xf32>
        %mul3A_2005 = arith.mulf %mul3A_2004, %get3A_2003 : vector<16xf32>
        %add3A_2006 = arith.addf %add3A_1980, %mul3A_2005 : vector<16xf32>
        %slice3A_2007 = vector.extract_strided_slice %get3A_1902 {offsets = [4], sizes = [1], strides = [1]} : vector<16xf32> to vector<1xf32>
        %squeeze3A_2008 = vector.extract %slice3A_2007[0] : f32 from vector<1xf32>
        %get3A_2009 = arith.constant 68 : i32
        %get3A_2010 = arith.constant 0 : i32
        %get3A_2011 = arith.constant 0 : i32
        %get3A_2012 = tpu.memref_slice %arg8[%scan3A_208, %get3A_2010, %get3A_2011] : memref<8x128x32xf32, #tpu.memory_space<vmem>> -> memref<1x128x32xf32, #tpu.memory_space<vmem>>
        %get3A_2013 = tpu.memref_squeeze %get3A_2012 : memref<1x128x32xf32, #tpu.memory_space<vmem>> -> memref<128x32xf32, #tpu.memory_space<vmem>>
        %get3A_2014 = arith.index_cast %get3A_2009 : i32 to index
        %get3A_2015 = arith.constant 0 : index
        %get3A_2016 = tpu.vector_load %get3A_2013[%get3A_2014, %get3A_2015] {strides = array<i32>} : memref<128x32xf32, #tpu.memory_space<vmem>>, vector<1x16xf32>,
        %get3A_2017 = vector.shape_cast %get3A_2016 : vector<1x16xf32> to vector<16xf32>
        %mul3A_2018 = vector.broadcast %squeeze3A_2008 : f32 to vector<16xf32>
        %mul3A_2019 = arith.mulf %mul3A_2018, %get3A_2017 : vector<16xf32>
        %add3A_2020 = arith.addf %add3A_1994, %mul3A_2019 : vector<16xf32>
        %get3A_2021 = arith.constant 68 : i32
        %get3A_2022 = arith.constant 0 : i32
        %get3A_2023 = arith.constant 0 : i32
        %get3A_2024 = tpu.memref_slice %arg8[%scan3A_208, %get3A_2022, %get3A_2023] : memref<8x128x32xf32, #tpu.memory_space<vmem>> -> memref<1x128x32xf32, #tpu.memory_space<vmem>>
        %get3A_2025 = tpu.memref_squeeze %get3A_2024 : memref<1x128x32xf32, #tpu.memory_space<vmem>> -> memref<128x32xf32, #tpu.memory_space<vmem>>
        %get3A_2026 = arith.index_cast %get3A_2021 : i32 to index
        %get3A_2027 = arith.constant 16 : index
        %get3A_2028 = tpu.vector_load %get3A_2025[%get3A_2026, %get3A_2027] {strides = array<i32>} : memref<128x32xf32, #tpu.memory_space<vmem>>, vector<1x16xf32>,
        %get3A_2029 = vector.shape_cast %get3A_2028 : vector<1x16xf32> to vector<16xf32>
        %mul3A_2030 = vector.broadcast %squeeze3A_2008 : f32 to vector<16xf32>
        %mul3A_2031 = arith.mulf %mul3A_2030, %get3A_2029 : vector<16xf32>
        %add3A_2032 = arith.addf %add3A_2006, %mul3A_2031 : vector<16xf32>
        %slice3A_2033 = vector.extract_strided_slice %get3A_1902 {offsets = [5], sizes = [1], strides = [1]} : vector<16xf32> to vector<1xf32>
        %squeeze3A_2034 = vector.extract %slice3A_2033[0] : f32 from vector<1xf32>
        %get3A_2035 = arith.constant 69 : i32
        %get3A_2036 = arith.constant 0 : i32
        %get3A_2037 = arith.constant 0 : i32
        %get3A_2038 = tpu.memref_slice %arg8[%scan3A_208, %get3A_2036, %get3A_2037] : memref<8x128x32xf32, #tpu.memory_space<vmem>> -> memref<1x128x32xf32, #tpu.memory_space<vmem>>
        %get3A_2039 = tpu.memref_squeeze %get3A_2038 : memref<1x128x32xf32, #tpu.memory_space<vmem>> -> memref<128x32xf32, #tpu.memory_space<vmem>>
        %get3A_2040 = arith.index_cast %get3A_2035 : i32 to index
        %get3A_2041 = arith.constant 0 : index
        %get3A_2042 = tpu.vector_load %get3A_2039[%get3A_2040, %get3A_2041] {strides = array<i32>} : memref<128x32xf32, #tpu.memory_space<vmem>>, vector<1x16xf32>,
        %get3A_2043 = vector.shape_cast %get3A_2042 : vector<1x16xf32> to vector<16xf32>
        %mul3A_2044 = vector.broadcast %squeeze3A_2034 : f32 to vector<16xf32>
        %mul3A_2045 = arith.mulf %mul3A_2044, %get3A_2043 : vector<16xf32>
        %add3A_2046 = arith.addf %add3A_2020, %mul3A_2045 : vector<16xf32>
        %get3A_2047 = arith.constant 69 : i32
        %get3A_2048 = arith.constant 0 : i32
        %get3A_2049 = arith.constant 0 : i32
        %get3A_2050 = tpu.memref_slice %arg8[%scan3A_208, %get3A_2048, %get3A_2049] : memref<8x128x32xf32, #tpu.memory_space<vmem>> -> memref<1x128x32xf32, #tpu.memory_space<vmem>>
        %get3A_2051 = tpu.memref_squeeze %get3A_2050 : memref<1x128x32xf32, #tpu.memory_space<vmem>> -> memref<128x32xf32, #tpu.memory_space<vmem>>
        %get3A_2052 = arith.index_cast %get3A_2047 : i32 to index
        %get3A_2053 = arith.constant 16 : index
        %get3A_2054 = tpu.vector_load %get3A_2051[%get3A_2052, %get3A_2053] {strides = array<i32>} : memref<128x32xf32, #tpu.memory_space<vmem>>, vector<1x16xf32>,
        %get3A_2055 = vector.shape_cast %get3A_2054 : vector<1x16xf32> to vector<16xf32>
        %mul3A_2056 = vector.broadcast %squeeze3A_2034 : f32 to vector<16xf32>
        %mul3A_2057 = arith.mulf %mul3A_2056, %get3A_2055 : vector<16xf32>
        %add3A_2058 = arith.addf %add3A_2032, %mul3A_2057 : vector<16xf32>
        %slice3A_2059 = vector.extract_strided_slice %get3A_1902 {offsets = [6], sizes = [1], strides = [1]} : vector<16xf32> to vector<1xf32>
        %squeeze3A_2060 = vector.extract %slice3A_2059[0] : f32 from vector<1xf32>
        %get3A_2061 = arith.constant 70 : i32
        %get3A_2062 = arith.constant 0 : i32
        %get3A_2063 = arith.constant 0 : i32
        %get3A_2064 = tpu.memref_slice %arg8[%scan3A_208, %get3A_2062, %get3A_2063] : memref<8x128x32xf32, #tpu.memory_space<vmem>> -> memref<1x128x32xf32, #tpu.memory_space<vmem>>
        %get3A_2065 = tpu.memref_squeeze %get3A_2064 : memref<1x128x32xf32, #tpu.memory_space<vmem>> -> memref<128x32xf32, #tpu.memory_space<vmem>>
        %get3A_2066 = arith.index_cast %get3A_2061 : i32 to index
        %get3A_2067 = arith.constant 0 : index
        %get3A_2068 = tpu.vector_load %get3A_2065[%get3A_2066, %get3A_2067] {strides = array<i32>} : memref<128x32xf32, #tpu.memory_space<vmem>>, vector<1x16xf32>,
        %get3A_2069 = vector.shape_cast %get3A_2068 : vector<1x16xf32> to vector<16xf32>
        %mul3A_2070 = vector.broadcast %squeeze3A_2060 : f32 to vector<16xf32>
        %mul3A_2071 = arith.mulf %mul3A_2070, %get3A_2069 : vector<16xf32>
        %add3A_2072 = arith.addf %add3A_2046, %mul3A_2071 : vector<16xf32>
        %get3A_2073 = arith.constant 70 : i32
        %get3A_2074 = arith.constant 0 : i32
        %get3A_2075 = arith.constant 0 : i32
        %get3A_2076 = tpu.memref_slice %arg8[%scan3A_208, %get3A_2074, %get3A_2075] : memref<8x128x32xf32, #tpu.memory_space<vmem>> -> memref<1x128x32xf32, #tpu.memory_space<vmem>>
        %get3A_2077 = tpu.memref_squeeze %get3A_2076 : memref<1x128x32xf32, #tpu.memory_space<vmem>> -> memref<128x32xf32, #tpu.memory_space<vmem>>
        %get3A_2078 = arith.index_cast %get3A_2073 : i32 to index
        %get3A_2079 = arith.constant 16 : index
        %get3A_2080 = tpu.vector_load %get3A_2077[%get3A_2078, %get3A_2079] {strides = array<i32>} : memref<128x32xf32, #tpu.memory_space<vmem>>, vector<1x16xf32>,
        %get3A_2081 = vector.shape_cast %get3A_2080 : vector<1x16xf32> to vector<16xf32>
        %mul3A_2082 = vector.broadcast %squeeze3A_2060 : f32 to vector<16xf32>
        %mul3A_2083 = arith.mulf %mul3A_2082, %get3A_2081 : vector<16xf32>
        %add3A_2084 = arith.addf %add3A_2058, %mul3A_2083 : vector<16xf32>
        %slice3A_2085 = vector.extract_strided_slice %get3A_1902 {offsets = [7], sizes = [1], strides = [1]} : vector<16xf32> to vector<1xf32>
        %squeeze3A_2086 = vector.extract %slice3A_2085[0] : f32 from vector<1xf32>
        %get3A_2087 = arith.constant 71 : i32
        %get3A_2088 = arith.constant 0 : i32
        %get3A_2089 = arith.constant 0 : i32
        %get3A_2090 = tpu.memref_slice %arg8[%scan3A_208, %get3A_2088, %get3A_2089] : memref<8x128x32xf32, #tpu.memory_space<vmem>> -> memref<1x128x32xf32, #tpu.memory_space<vmem>>
        %get3A_2091 = tpu.memref_squeeze %get3A_2090 : memref<1x128x32xf32, #tpu.memory_space<vmem>> -> memref<128x32xf32, #tpu.memory_space<vmem>>
        %get3A_2092 = arith.index_cast %get3A_2087 : i32 to index
        %get3A_2093 = arith.constant 0 : index
        %get3A_2094 = tpu.vector_load %get3A_2091[%get3A_2092, %get3A_2093] {strides = array<i32>} : memref<128x32xf32, #tpu.memory_space<vmem>>, vector<1x16xf32>,
        %get3A_2095 = vector.shape_cast %get3A_2094 : vector<1x16xf32> to vector<16xf32>
        %mul3A_2096 = vector.broadcast %squeeze3A_2086 : f32 to vector<16xf32>
        %mul3A_2097 = arith.mulf %mul3A_2096, %get3A_2095 : vector<16xf32>
        %add3A_2098 = arith.addf %add3A_2072, %mul3A_2097 : vector<16xf32>
        %get3A_2099 = arith.constant 71 : i32
        %get3A_2100 = arith.constant 0 : i32
        %get3A_2101 = arith.constant 0 : i32
        %get3A_2102 = tpu.memref_slice %arg8[%scan3A_208, %get3A_2100, %get3A_2101] : memref<8x128x32xf32, #tpu.memory_space<vmem>> -> memref<1x128x32xf32, #tpu.memory_space<vmem>>
        %get3A_2103 = tpu.memref_squeeze %get3A_2102 : memref<1x128x32xf32, #tpu.memory_space<vmem>> -> memref<128x32xf32, #tpu.memory_space<vmem>>
        %get3A_2104 = arith.index_cast %get3A_2099 : i32 to index
        %get3A_2105 = arith.constant 16 : index
        %get3A_2106 = tpu.vector_load %get3A_2103[%get3A_2104, %get3A_2105] {strides = array<i32>} : memref<128x32xf32, #tpu.memory_space<vmem>>, vector<1x16xf32>,
        %get3A_2107 = vector.shape_cast %get3A_2106 : vector<1x16xf32> to vector<16xf32>
        %mul3A_2108 = vector.broadcast %squeeze3A_2086 : f32 to vector<16xf32>
        %mul3A_2109 = arith.mulf %mul3A_2108, %get3A_2107 : vector<16xf32>
        %add3A_2110 = arith.addf %add3A_2084, %mul3A_2109 : vector<16xf32>
        %slice3A_2111 = vector.extract_strided_slice %get3A_1902 {offsets = [8], sizes = [1], strides = [1]} : vector<16xf32> to vector<1xf32>
        %squeeze3A_2112 = vector.extract %slice3A_2111[0] : f32 from vector<1xf32>
        %get3A_2113 = arith.constant 72 : i32
        %get3A_2114 = arith.constant 0 : i32
        %get3A_2115 = arith.constant 0 : i32
        %get3A_2116 = tpu.memref_slice %arg8[%scan3A_208, %get3A_2114, %get3A_2115] : memref<8x128x32xf32, #tpu.memory_space<vmem>> -> memref<1x128x32xf32, #tpu.memory_space<vmem>>
        %get3A_2117 = tpu.memref_squeeze %get3A_2116 : memref<1x128x32xf32, #tpu.memory_space<vmem>> -> memref<128x32xf32, #tpu.memory_space<vmem>>
        %get3A_2118 = arith.index_cast %get3A_2113 : i32 to index
        %get3A_2119 = arith.constant 0 : index
        %get3A_2120 = tpu.vector_load %get3A_2117[%get3A_2118, %get3A_2119] {strides = array<i32>} : memref<128x32xf32, #tpu.memory_space<vmem>>, vector<1x16xf32>,
        %get3A_2121 = vector.shape_cast %get3A_2120 : vector<1x16xf32> to vector<16xf32>
        %mul3A_2122 = vector.broadcast %squeeze3A_2112 : f32 to vector<16xf32>
        %mul3A_2123 = arith.mulf %mul3A_2122, %get3A_2121 : vector<16xf32>
        %add3A_2124 = arith.addf %add3A_2098, %mul3A_2123 : vector<16xf32>
        %get3A_2125 = arith.constant 72 : i32
        %get3A_2126 = arith.constant 0 : i32
        %get3A_2127 = arith.constant 0 : i32
        %get3A_2128 = tpu.memref_slice %arg8[%scan3A_208, %get3A_2126, %get3A_2127] : memref<8x128x32xf32, #tpu.memory_space<vmem>> -> memref<1x128x32xf32, #tpu.memory_space<vmem>>
        %get3A_2129 = tpu.memref_squeeze %get3A_2128 : memref<1x128x32xf32, #tpu.memory_space<vmem>> -> memref<128x32xf32, #tpu.memory_space<vmem>>
        %get3A_2130 = arith.index_cast %get3A_2125 : i32 to index
        %get3A_2131 = arith.constant 16 : index
        %get3A_2132 = tpu.vector_load %get3A_2129[%get3A_2130, %get3A_2131] {strides = array<i32>} : memref<128x32xf32, #tpu.memory_space<vmem>>, vector<1x16xf32>,
        %get3A_2133 = vector.shape_cast %get3A_2132 : vector<1x16xf32> to vector<16xf32>
        %mul3A_2134 = vector.broadcast %squeeze3A_2112 : f32 to vector<16xf32>
        %mul3A_2135 = arith.mulf %mul3A_2134, %get3A_2133 : vector<16xf32>
        %add3A_2136 = arith.addf %add3A_2110, %mul3A_2135 : vector<16xf32>
        %slice3A_2137 = vector.extract_strided_slice %get3A_1902 {offsets = [9], sizes = [1], strides = [1]} : vector<16xf32> to vector<1xf32>
        %squeeze3A_2138 = vector.extract %slice3A_2137[0] : f32 from vector<1xf32>
        %get3A_2139 = arith.constant 73 : i32
        %get3A_2140 = arith.constant 0 : i32
        %get3A_2141 = arith.constant 0 : i32
        %get3A_2142 = tpu.memref_slice %arg8[%scan3A_208, %get3A_2140, %get3A_2141] : memref<8x128x32xf32, #tpu.memory_space<vmem>> -> memref<1x128x32xf32, #tpu.memory_space<vmem>>
        %get3A_2143 = tpu.memref_squeeze %get3A_2142 : memref<1x128x32xf32, #tpu.memory_space<vmem>> -> memref<128x32xf32, #tpu.memory_space<vmem>>
        %get3A_2144 = arith.index_cast %get3A_2139 : i32 to index
        %get3A_2145 = arith.constant 0 : index
        %get3A_2146 = tpu.vector_load %get3A_2143[%get3A_2144, %get3A_2145] {strides = array<i32>} : memref<128x32xf32, #tpu.memory_space<vmem>>, vector<1x16xf32>,
        %get3A_2147 = vector.shape_cast %get3A_2146 : vector<1x16xf32> to vector<16xf32>
        %mul3A_2148 = vector.broadcast %squeeze3A_2138 : f32 to vector<16xf32>
        %mul3A_2149 = arith.mulf %mul3A_2148, %get3A_2147 : vector<16xf32>
        %add3A_2150 = arith.addf %add3A_2124, %mul3A_2149 : vector<16xf32>
        %get3A_2151 = arith.constant 73 : i32
        %get3A_2152 = arith.constant 0 : i32
        %get3A_2153 = arith.constant 0 : i32
        %get3A_2154 = tpu.memref_slice %arg8[%scan3A_208, %get3A_2152, %get3A_2153] : memref<8x128x32xf32, #tpu.memory_space<vmem>> -> memref<1x128x32xf32, #tpu.memory_space<vmem>>
        %get3A_2155 = tpu.memref_squeeze %get3A_2154 : memref<1x128x32xf32, #tpu.memory_space<vmem>> -> memref<128x32xf32, #tpu.memory_space<vmem>>
        %get3A_2156 = arith.index_cast %get3A_2151 : i32 to index
        %get3A_2157 = arith.constant 16 : index
        %get3A_2158 = tpu.vector_load %get3A_2155[%get3A_2156, %get3A_2157] {strides = array<i32>} : memref<128x32xf32, #tpu.memory_space<vmem>>, vector<1x16xf32>,
        %get3A_2159 = vector.shape_cast %get3A_2158 : vector<1x16xf32> to vector<16xf32>
        %mul3A_2160 = vector.broadcast %squeeze3A_2138 : f32 to vector<16xf32>
        %mul3A_2161 = arith.mulf %mul3A_2160, %get3A_2159 : vector<16xf32>
        %add3A_2162 = arith.addf %add3A_2136, %mul3A_2161 : vector<16xf32>
        %slice3A_2163 = vector.extract_strided_slice %get3A_1902 {offsets = [10], sizes = [1], strides = [1]} : vector<16xf32> to vector<1xf32>
        %squeeze3A_2164 = vector.extract %slice3A_2163[0] : f32 from vector<1xf32>
        %get3A_2165 = arith.constant 74 : i32
        %get3A_2166 = arith.constant 0 : i32
        %get3A_2167 = arith.constant 0 : i32
        %get3A_2168 = tpu.memref_slice %arg8[%scan3A_208, %get3A_2166, %get3A_2167] : memref<8x128x32xf32, #tpu.memory_space<vmem>> -> memref<1x128x32xf32, #tpu.memory_space<vmem>>
        %get3A_2169 = tpu.memref_squeeze %get3A_2168 : memref<1x128x32xf32, #tpu.memory_space<vmem>> -> memref<128x32xf32, #tpu.memory_space<vmem>>
        %get3A_2170 = arith.index_cast %get3A_2165 : i32 to index
        %get3A_2171 = arith.constant 0 : index
        %get3A_2172 = tpu.vector_load %get3A_2169[%get3A_2170, %get3A_2171] {strides = array<i32>} : memref<128x32xf32, #tpu.memory_space<vmem>>, vector<1x16xf32>,
        %get3A_2173 = vector.shape_cast %get3A_2172 : vector<1x16xf32> to vector<16xf32>
        %mul3A_2174 = vector.broadcast %squeeze3A_2164 : f32 to vector<16xf32>
        %mul3A_2175 = arith.mulf %mul3A_2174, %get3A_2173 : vector<16xf32>
        %add3A_2176 = arith.addf %add3A_2150, %mul3A_2175 : vector<16xf32>
        %get3A_2177 = arith.constant 74 : i32
        %get3A_2178 = arith.constant 0 : i32
        %get3A_2179 = arith.constant 0 : i32
        %get3A_2180 = tpu.memref_slice %arg8[%scan3A_208, %get3A_2178, %get3A_2179] : memref<8x128x32xf32, #tpu.memory_space<vmem>> -> memref<1x128x32xf32, #tpu.memory_space<vmem>>
        %get3A_2181 = tpu.memref_squeeze %get3A_2180 : memref<1x128x32xf32, #tpu.memory_space<vmem>> -> memref<128x32xf32, #tpu.memory_space<vmem>>
        %get3A_2182 = arith.index_cast %get3A_2177 : i32 to index
        %get3A_2183 = arith.constant 16 : index
        %get3A_2184 = tpu.vector_load %get3A_2181[%get3A_2182, %get3A_2183] {strides = array<i32>} : memref<128x32xf32, #tpu.memory_space<vmem>>, vector<1x16xf32>,
        %get3A_2185 = vector.shape_cast %get3A_2184 : vector<1x16xf32> to vector<16xf32>
        %mul3A_2186 = vector.broadcast %squeeze3A_2164 : f32 to vector<16xf32>
        %mul3A_2187 = arith.mulf %mul3A_2186, %get3A_2185 : vector<16xf32>
        %add3A_2188 = arith.addf %add3A_2162, %mul3A_2187 : vector<16xf32>
        %slice3A_2189 = vector.extract_strided_slice %get3A_1902 {offsets = [11], sizes = [1], strides = [1]} : vector<16xf32> to vector<1xf32>
        %squeeze3A_2190 = vector.extract %slice3A_2189[0] : f32 from vector<1xf32>
        %get3A_2191 = arith.constant 75 : i32
        %get3A_2192 = arith.constant 0 : i32
        %get3A_2193 = arith.constant 0 : i32
        %get3A_2194 = tpu.memref_slice %arg8[%scan3A_208, %get3A_2192, %get3A_2193] : memref<8x128x32xf32, #tpu.memory_space<vmem>> -> memref<1x128x32xf32, #tpu.memory_space<vmem>>
        %get3A_2195 = tpu.memref_squeeze %get3A_2194 : memref<1x128x32xf32, #tpu.memory_space<vmem>> -> memref<128x32xf32, #tpu.memory_space<vmem>>
        %get3A_2196 = arith.index_cast %get3A_2191 : i32 to index
        %get3A_2197 = arith.constant 0 : index
        %get3A_2198 = tpu.vector_load %get3A_2195[%get3A_2196, %get3A_2197] {strides = array<i32>} : memref<128x32xf32, #tpu.memory_space<vmem>>, vector<1x16xf32>,
        %get3A_2199 = vector.shape_cast %get3A_2198 : vector<1x16xf32> to vector<16xf32>
        %mul3A_2200 = vector.broadcast %squeeze3A_2190 : f32 to vector<16xf32>
        %mul3A_2201 = arith.mulf %mul3A_2200, %get3A_2199 : vector<16xf32>
        %add3A_2202 = arith.addf %add3A_2176, %mul3A_2201 : vector<16xf32>
        %get3A_2203 = arith.constant 75 : i32
        %get3A_2204 = arith.constant 0 : i32
        %get3A_2205 = arith.constant 0 : i32
        %get3A_2206 = tpu.memref_slice %arg8[%scan3A_208, %get3A_2204, %get3A_2205] : memref<8x128x32xf32, #tpu.memory_space<vmem>> -> memref<1x128x32xf32, #tpu.memory_space<vmem>>
        %get3A_2207 = tpu.memref_squeeze %get3A_2206 : memref<1x128x32xf32, #tpu.memory_space<vmem>> -> memref<128x32xf32, #tpu.memory_space<vmem>>
        %get3A_2208 = arith.index_cast %get3A_2203 : i32 to index
        %get3A_2209 = arith.constant 16 : index
        %get3A_2210 = tpu.vector_load %get3A_2207[%get3A_2208, %get3A_2209] {strides = array<i32>} : memref<128x32xf32, #tpu.memory_space<vmem>>, vector<1x16xf32>,
        %get3A_2211 = vector.shape_cast %get3A_2210 : vector<1x16xf32> to vector<16xf32>
        %mul3A_2212 = vector.broadcast %squeeze3A_2190 : f32 to vector<16xf32>
        %mul3A_2213 = arith.mulf %mul3A_2212, %get3A_2211 : vector<16xf32>
        %add3A_2214 = arith.addf %add3A_2188, %mul3A_2213 : vector<16xf32>
        %slice3A_2215 = vector.extract_strided_slice %get3A_1902 {offsets = [12], sizes = [1], strides = [1]} : vector<16xf32> to vector<1xf32>
        %squeeze3A_2216 = vector.extract %slice3A_2215[0] : f32 from vector<1xf32>
        %get3A_2217 = arith.constant 76 : i32
        %get3A_2218 = arith.constant 0 : i32
        %get3A_2219 = arith.constant 0 : i32
        %get3A_2220 = tpu.memref_slice %arg8[%scan3A_208, %get3A_2218, %get3A_2219] : memref<8x128x32xf32, #tpu.memory_space<vmem>> -> memref<1x128x32xf32, #tpu.memory_space<vmem>>
        %get3A_2221 = tpu.memref_squeeze %get3A_2220 : memref<1x128x32xf32, #tpu.memory_space<vmem>> -> memref<128x32xf32, #tpu.memory_space<vmem>>
        %get3A_2222 = arith.index_cast %get3A_2217 : i32 to index
        %get3A_2223 = arith.constant 0 : index
        %get3A_2224 = tpu.vector_load %get3A_2221[%get3A_2222, %get3A_2223] {strides = array<i32>} : memref<128x32xf32, #tpu.memory_space<vmem>>, vector<1x16xf32>,
        %get3A_2225 = vector.shape_cast %get3A_2224 : vector<1x16xf32> to vector<16xf32>
        %mul3A_2226 = vector.broadcast %squeeze3A_2216 : f32 to vector<16xf32>
        %mul3A_2227 = arith.mulf %mul3A_2226, %get3A_2225 : vector<16xf32>
        %add3A_2228 = arith.addf %add3A_2202, %mul3A_2227 : vector<16xf32>
        %get3A_2229 = arith.constant 76 : i32
        %get3A_2230 = arith.constant 0 : i32
        %get3A_2231 = arith.constant 0 : i32
        %get3A_2232 = tpu.memref_slice %arg8[%scan3A_208, %get3A_2230, %get3A_2231] : memref<8x128x32xf32, #tpu.memory_space<vmem>> -> memref<1x128x32xf32, #tpu.memory_space<vmem>>
        %get3A_2233 = tpu.memref_squeeze %get3A_2232 : memref<1x128x32xf32, #tpu.memory_space<vmem>> -> memref<128x32xf32, #tpu.memory_space<vmem>>
        %get3A_2234 = arith.index_cast %get3A_2229 : i32 to index
        %get3A_2235 = arith.constant 16 : index
        %get3A_2236 = tpu.vector_load %get3A_2233[%get3A_2234, %get3A_2235] {strides = array<i32>} : memref<128x32xf32, #tpu.memory_space<vmem>>, vector<1x16xf32>,
        %get3A_2237 = vector.shape_cast %get3A_2236 : vector<1x16xf32> to vector<16xf32>
        %mul3A_2238 = vector.broadcast %squeeze3A_2216 : f32 to vector<16xf32>
        %mul3A_2239 = arith.mulf %mul3A_2238, %get3A_2237 : vector<16xf32>
        %add3A_2240 = arith.addf %add3A_2214, %mul3A_2239 : vector<16xf32>
        %slice3A_2241 = vector.extract_strided_slice %get3A_1902 {offsets = [13], sizes = [1], strides = [1]} : vector<16xf32> to vector<1xf32>
        %squeeze3A_2242 = vector.extract %slice3A_2241[0] : f32 from vector<1xf32>
        %get3A_2243 = arith.constant 77 : i32
        %get3A_2244 = arith.constant 0 : i32
        %get3A_2245 = arith.constant 0 : i32
        %get3A_2246 = tpu.memref_slice %arg8[%scan3A_208, %get3A_2244, %get3A_2245] : memref<8x128x32xf32, #tpu.memory_space<vmem>> -> memref<1x128x32xf32, #tpu.memory_space<vmem>>
        %get3A_2247 = tpu.memref_squeeze %get3A_2246 : memref<1x128x32xf32, #tpu.memory_space<vmem>> -> memref<128x32xf32, #tpu.memory_space<vmem>>
        %get3A_2248 = arith.index_cast %get3A_2243 : i32 to index
        %get3A_2249 = arith.constant 0 : index
        %get3A_2250 = tpu.vector_load %get3A_2247[%get3A_2248, %get3A_2249] {strides = array<i32>} : memref<128x32xf32, #tpu.memory_space<vmem>>, vector<1x16xf32>,
        %get3A_2251 = vector.shape_cast %get3A_2250 : vector<1x16xf32> to vector<16xf32>
        %mul3A_2252 = vector.broadcast %squeeze3A_2242 : f32 to vector<16xf32>
        %mul3A_2253 = arith.mulf %mul3A_2252, %get3A_2251 : vector<16xf32>
        %add3A_2254 = arith.addf %add3A_2228, %mul3A_2253 : vector<16xf32>
        %get3A_2255 = arith.constant 77 : i32
        %get3A_2256 = arith.constant 0 : i32
        %get3A_2257 = arith.constant 0 : i32
        %get3A_2258 = tpu.memref_slice %arg8[%scan3A_208, %get3A_2256, %get3A_2257] : memref<8x128x32xf32, #tpu.memory_space<vmem>> -> memref<1x128x32xf32, #tpu.memory_space<vmem>>
        %get3A_2259 = tpu.memref_squeeze %get3A_2258 : memref<1x128x32xf32, #tpu.memory_space<vmem>> -> memref<128x32xf32, #tpu.memory_space<vmem>>
        %get3A_2260 = arith.index_cast %get3A_2255 : i32 to index
        %get3A_2261 = arith.constant 16 : index
        %get3A_2262 = tpu.vector_load %get3A_2259[%get3A_2260, %get3A_2261] {strides = array<i32>} : memref<128x32xf32, #tpu.memory_space<vmem>>, vector<1x16xf32>,
        %get3A_2263 = vector.shape_cast %get3A_2262 : vector<1x16xf32> to vector<16xf32>
        %mul3A_2264 = vector.broadcast %squeeze3A_2242 : f32 to vector<16xf32>
        %mul3A_2265 = arith.mulf %mul3A_2264, %get3A_2263 : vector<16xf32>
        %add3A_2266 = arith.addf %add3A_2240, %mul3A_2265 : vector<16xf32>
        %slice3A_2267 = vector.extract_strided_slice %get3A_1902 {offsets = [14], sizes = [1], strides = [1]} : vector<16xf32> to vector<1xf32>
        %squeeze3A_2268 = vector.extract %slice3A_2267[0] : f32 from vector<1xf32>
        %get3A_2269 = arith.constant 78 : i32
        %get3A_2270 = arith.constant 0 : i32
        %get3A_2271 = arith.constant 0 : i32
        %get3A_2272 = tpu.memref_slice %arg8[%scan3A_208, %get3A_2270, %get3A_2271] : memref<8x128x32xf32, #tpu.memory_space<vmem>> -> memref<1x128x32xf32, #tpu.memory_space<vmem>>
        %get3A_2273 = tpu.memref_squeeze %get3A_2272 : memref<1x128x32xf32, #tpu.memory_space<vmem>> -> memref<128x32xf32, #tpu.memory_space<vmem>>
        %get3A_2274 = arith.index_cast %get3A_2269 : i32 to index
        %get3A_2275 = arith.constant 0 : index
        %get3A_2276 = tpu.vector_load %get3A_2273[%get3A_2274, %get3A_2275] {strides = array<i32>} : memref<128x32xf32, #tpu.memory_space<vmem>>, vector<1x16xf32>,
        %get3A_2277 = vector.shape_cast %get3A_2276 : vector<1x16xf32> to vector<16xf32>
        %mul3A_2278 = vector.broadcast %squeeze3A_2268 : f32 to vector<16xf32>
        %mul3A_2279 = arith.mulf %mul3A_2278, %get3A_2277 : vector<16xf32>
        %add3A_2280 = arith.addf %add3A_2254, %mul3A_2279 : vector<16xf32>
        %get3A_2281 = arith.constant 78 : i32
        %get3A_2282 = arith.constant 0 : i32
        %get3A_2283 = arith.constant 0 : i32
        %get3A_2284 = tpu.memref_slice %arg8[%scan3A_208, %get3A_2282, %get3A_2283] : memref<8x128x32xf32, #tpu.memory_space<vmem>> -> memref<1x128x32xf32, #tpu.memory_space<vmem>>
        %get3A_2285 = tpu.memref_squeeze %get3A_2284 : memref<1x128x32xf32, #tpu.memory_space<vmem>> -> memref<128x32xf32, #tpu.memory_space<vmem>>
        %get3A_2286 = arith.index_cast %get3A_2281 : i32 to index
        %get3A_2287 = arith.constant 16 : index
        %get3A_2288 = tpu.vector_load %get3A_2285[%get3A_2286, %get3A_2287] {strides = array<i32>} : memref<128x32xf32, #tpu.memory_space<vmem>>, vector<1x16xf32>,
        %get3A_2289 = vector.shape_cast %get3A_2288 : vector<1x16xf32> to vector<16xf32>
        %mul3A_2290 = vector.broadcast %squeeze3A_2268 : f32 to vector<16xf32>
        %mul3A_2291 = arith.mulf %mul3A_2290, %get3A_2289 : vector<16xf32>
        %add3A_2292 = arith.addf %add3A_2266, %mul3A_2291 : vector<16xf32>
        %slice3A_2293 = vector.extract_strided_slice %get3A_1902 {offsets = [15], sizes = [1], strides = [1]} : vector<16xf32> to vector<1xf32>
        %squeeze3A_2294 = vector.extract %slice3A_2293[0] : f32 from vector<1xf32>
        %get3A_2295 = arith.constant 79 : i32
        %get3A_2296 = arith.constant 0 : i32
        %get3A_2297 = arith.constant 0 : i32
        %get3A_2298 = tpu.memref_slice %arg8[%scan3A_208, %get3A_2296, %get3A_2297] : memref<8x128x32xf32, #tpu.memory_space<vmem>> -> memref<1x128x32xf32, #tpu.memory_space<vmem>>
        %get3A_2299 = tpu.memref_squeeze %get3A_2298 : memref<1x128x32xf32, #tpu.memory_space<vmem>> -> memref<128x32xf32, #tpu.memory_space<vmem>>
        %get3A_2300 = arith.index_cast %get3A_2295 : i32 to index
        %get3A_2301 = arith.constant 0 : index
        %get3A_2302 = tpu.vector_load %get3A_2299[%get3A_2300, %get3A_2301] {strides = array<i32>} : memref<128x32xf32, #tpu.memory_space<vmem>>, vector<1x16xf32>,
        %get3A_2303 = vector.shape_cast %get3A_2302 : vector<1x16xf32> to vector<16xf32>
        %mul3A_2304 = vector.broadcast %squeeze3A_2294 : f32 to vector<16xf32>
        %mul3A_2305 = arith.mulf %mul3A_2304, %get3A_2303 : vector<16xf32>
        %add3A_2306 = arith.addf %add3A_2280, %mul3A_2305 : vector<16xf32>
        %get3A_2307 = arith.constant 79 : i32
        %get3A_2308 = arith.constant 0 : i32
        %get3A_2309 = arith.constant 0 : i32
        %get3A_2310 = tpu.memref_slice %arg8[%scan3A_208, %get3A_2308, %get3A_2309] : memref<8x128x32xf32, #tpu.memory_space<vmem>> -> memref<1x128x32xf32, #tpu.memory_space<vmem>>
        %get3A_2311 = tpu.memref_squeeze %get3A_2310 : memref<1x128x32xf32, #tpu.memory_space<vmem>> -> memref<128x32xf32, #tpu.memory_space<vmem>>
        %get3A_2312 = arith.index_cast %get3A_2307 : i32 to index
        %get3A_2313 = arith.constant 16 : index
        %get3A_2314 = tpu.vector_load %get3A_2311[%get3A_2312, %get3A_2313] {strides = array<i32>} : memref<128x32xf32, #tpu.memory_space<vmem>>, vector<1x16xf32>,
        %get3A_2315 = vector.shape_cast %get3A_2314 : vector<1x16xf32> to vector<16xf32>
        %mul3A_2316 = vector.broadcast %squeeze3A_2294 : f32 to vector<16xf32>
        %mul3A_2317 = arith.mulf %mul3A_2316, %get3A_2315 : vector<16xf32>
        %add3A_2318 = arith.addf %add3A_2292, %mul3A_2317 : vector<16xf32>
        %get3A_2319 = arith.constant 0 : i32
        %get3A_2320 = tpu.memref_slice %arg7[%scan3A_208, %get3A_2319] : memref<8x128xf32, #tpu.memory_space<vmem>> -> memref<1x128xf32, #tpu.memory_space<vmem>>
        %get3A_2321 = tpu.memref_squeeze %get3A_2320 : memref<1x128xf32, #tpu.memory_space<vmem>> -> memref<128xf32, #tpu.memory_space<vmem>>
        %get3A_2322 = arith.constant 80 : index
        %get3A_2323 = tpu.vector_load %get3A_2321[%get3A_2322] {strides = array<i32>} : memref<128xf32, #tpu.memory_space<vmem>>, vector<16xf32>,
        %get3A_2324 = vector.shape_cast %get3A_2323 : vector<16xf32> to vector<16xf32>
        %slice3A_2325 = vector.extract_strided_slice %get3A_2324 {offsets = [0], sizes = [1], strides = [1]} : vector<16xf32> to vector<1xf32>
        %squeeze3A_2326 = vector.extract %slice3A_2325[0] : f32 from vector<1xf32>
        %get3A_2327 = arith.constant 80 : i32
        %get3A_2328 = arith.constant 0 : i32
        %get3A_2329 = arith.constant 0 : i32
        %get3A_2330 = tpu.memref_slice %arg8[%scan3A_208, %get3A_2328, %get3A_2329] : memref<8x128x32xf32, #tpu.memory_space<vmem>> -> memref<1x128x32xf32, #tpu.memory_space<vmem>>
        %get3A_2331 = tpu.memref_squeeze %get3A_2330 : memref<1x128x32xf32, #tpu.memory_space<vmem>> -> memref<128x32xf32, #tpu.memory_space<vmem>>
        %get3A_2332 = arith.index_cast %get3A_2327 : i32 to index
        %get3A_2333 = arith.constant 0 : index
        %get3A_2334 = tpu.vector_load %get3A_2331[%get3A_2332, %get3A_2333] {strides = array<i32>} : memref<128x32xf32, #tpu.memory_space<vmem>>, vector<1x16xf32>,
        %get3A_2335 = vector.shape_cast %get3A_2334 : vector<1x16xf32> to vector<16xf32>
        %mul3A_2336 = vector.broadcast %squeeze3A_2326 : f32 to vector<16xf32>
        %mul3A_2337 = arith.mulf %mul3A_2336, %get3A_2335 : vector<16xf32>
        %add3A_2338 = arith.addf %add3A_2306, %mul3A_2337 : vector<16xf32>
        %get3A_2339 = arith.constant 80 : i32
        %get3A_2340 = arith.constant 0 : i32
        %get3A_2341 = arith.constant 0 : i32
        %get3A_2342 = tpu.memref_slice %arg8[%scan3A_208, %get3A_2340, %get3A_2341] : memref<8x128x32xf32, #tpu.memory_space<vmem>> -> memref<1x128x32xf32, #tpu.memory_space<vmem>>
        %get3A_2343 = tpu.memref_squeeze %get3A_2342 : memref<1x128x32xf32, #tpu.memory_space<vmem>> -> memref<128x32xf32, #tpu.memory_space<vmem>>
        %get3A_2344 = arith.index_cast %get3A_2339 : i32 to index
        %get3A_2345 = arith.constant 16 : index
        %get3A_2346 = tpu.vector_load %get3A_2343[%get3A_2344, %get3A_2345] {strides = array<i32>} : memref<128x32xf32, #tpu.memory_space<vmem>>, vector<1x16xf32>,
        %get3A_2347 = vector.shape_cast %get3A_2346 : vector<1x16xf32> to vector<16xf32>
        %mul3A_2348 = vector.broadcast %squeeze3A_2326 : f32 to vector<16xf32>
        %mul3A_2349 = arith.mulf %mul3A_2348, %get3A_2347 : vector<16xf32>
        %add3A_2350 = arith.addf %add3A_2318, %mul3A_2349 : vector<16xf32>
        %slice3A_2351 = vector.extract_strided_slice %get3A_2324 {offsets = [1], sizes = [1], strides = [1]} : vector<16xf32> to vector<1xf32>
        %squeeze3A_2352 = vector.extract %slice3A_2351[0] : f32 from vector<1xf32>
        %get3A_2353 = arith.constant 81 : i32
        %get3A_2354 = arith.constant 0 : i32
        %get3A_2355 = arith.constant 0 : i32
        %get3A_2356 = tpu.memref_slice %arg8[%scan3A_208, %get3A_2354, %get3A_2355] : memref<8x128x32xf32, #tpu.memory_space<vmem>> -> memref<1x128x32xf32, #tpu.memory_space<vmem>>
        %get3A_2357 = tpu.memref_squeeze %get3A_2356 : memref<1x128x32xf32, #tpu.memory_space<vmem>> -> memref<128x32xf32, #tpu.memory_space<vmem>>
        %get3A_2358 = arith.index_cast %get3A_2353 : i32 to index
        %get3A_2359 = arith.constant 0 : index
        %get3A_2360 = tpu.vector_load %get3A_2357[%get3A_2358, %get3A_2359] {strides = array<i32>} : memref<128x32xf32, #tpu.memory_space<vmem>>, vector<1x16xf32>,
        %get3A_2361 = vector.shape_cast %get3A_2360 : vector<1x16xf32> to vector<16xf32>
        %mul3A_2362 = vector.broadcast %squeeze3A_2352 : f32 to vector<16xf32>
        %mul3A_2363 = arith.mulf %mul3A_2362, %get3A_2361 : vector<16xf32>
        %add3A_2364 = arith.addf %add3A_2338, %mul3A_2363 : vector<16xf32>
        %get3A_2365 = arith.constant 81 : i32
        %get3A_2366 = arith.constant 0 : i32
        %get3A_2367 = arith.constant 0 : i32
        %get3A_2368 = tpu.memref_slice %arg8[%scan3A_208, %get3A_2366, %get3A_2367] : memref<8x128x32xf32, #tpu.memory_space<vmem>> -> memref<1x128x32xf32, #tpu.memory_space<vmem>>
        %get3A_2369 = tpu.memref_squeeze %get3A_2368 : memref<1x128x32xf32, #tpu.memory_space<vmem>> -> memref<128x32xf32, #tpu.memory_space<vmem>>
        %get3A_2370 = arith.index_cast %get3A_2365 : i32 to index
        %get3A_2371 = arith.constant 16 : index
        %get3A_2372 = tpu.vector_load %get3A_2369[%get3A_2370, %get3A_2371] {strides = array<i32>} : memref<128x32xf32, #tpu.memory_space<vmem>>, vector<1x16xf32>,
        %get3A_2373 = vector.shape_cast %get3A_2372 : vector<1x16xf32> to vector<16xf32>
        %mul3A_2374 = vector.broadcast %squeeze3A_2352 : f32 to vector<16xf32>
        %mul3A_2375 = arith.mulf %mul3A_2374, %get3A_2373 : vector<16xf32>
        %add3A_2376 = arith.addf %add3A_2350, %mul3A_2375 : vector<16xf32>
        %slice3A_2377 = vector.extract_strided_slice %get3A_2324 {offsets = [2], sizes = [1], strides = [1]} : vector<16xf32> to vector<1xf32>
        %squeeze3A_2378 = vector.extract %slice3A_2377[0] : f32 from vector<1xf32>
        %get3A_2379 = arith.constant 82 : i32
        %get3A_2380 = arith.constant 0 : i32
        %get3A_2381 = arith.constant 0 : i32
        %get3A_2382 = tpu.memref_slice %arg8[%scan3A_208, %get3A_2380, %get3A_2381] : memref<8x128x32xf32, #tpu.memory_space<vmem>> -> memref<1x128x32xf32, #tpu.memory_space<vmem>>
        %get3A_2383 = tpu.memref_squeeze %get3A_2382 : memref<1x128x32xf32, #tpu.memory_space<vmem>> -> memref<128x32xf32, #tpu.memory_space<vmem>>
        %get3A_2384 = arith.index_cast %get3A_2379 : i32 to index
        %get3A_2385 = arith.constant 0 : index
        %get3A_2386 = tpu.vector_load %get3A_2383[%get3A_2384, %get3A_2385] {strides = array<i32>} : memref<128x32xf32, #tpu.memory_space<vmem>>, vector<1x16xf32>,
        %get3A_2387 = vector.shape_cast %get3A_2386 : vector<1x16xf32> to vector<16xf32>
        %mul3A_2388 = vector.broadcast %squeeze3A_2378 : f32 to vector<16xf32>
        %mul3A_2389 = arith.mulf %mul3A_2388, %get3A_2387 : vector<16xf32>
        %add3A_2390 = arith.addf %add3A_2364, %mul3A_2389 : vector<16xf32>
        %get3A_2391 = arith.constant 82 : i32
        %get3A_2392 = arith.constant 0 : i32
        %get3A_2393 = arith.constant 0 : i32
        %get3A_2394 = tpu.memref_slice %arg8[%scan3A_208, %get3A_2392, %get3A_2393] : memref<8x128x32xf32, #tpu.memory_space<vmem>> -> memref<1x128x32xf32, #tpu.memory_space<vmem>>
        %get3A_2395 = tpu.memref_squeeze %get3A_2394 : memref<1x128x32xf32, #tpu.memory_space<vmem>> -> memref<128x32xf32, #tpu.memory_space<vmem>>
        %get3A_2396 = arith.index_cast %get3A_2391 : i32 to index
        %get3A_2397 = arith.constant 16 : index
        %get3A_2398 = tpu.vector_load %get3A_2395[%get3A_2396, %get3A_2397] {strides = array<i32>} : memref<128x32xf32, #tpu.memory_space<vmem>>, vector<1x16xf32>,
        %get3A_2399 = vector.shape_cast %get3A_2398 : vector<1x16xf32> to vector<16xf32>
        %mul3A_2400 = vector.broadcast %squeeze3A_2378 : f32 to vector<16xf32>
        %mul3A_2401 = arith.mulf %mul3A_2400, %get3A_2399 : vector<16xf32>
        %add3A_2402 = arith.addf %add3A_2376, %mul3A_2401 : vector<16xf32>
        %slice3A_2403 = vector.extract_strided_slice %get3A_2324 {offsets = [3], sizes = [1], strides = [1]} : vector<16xf32> to vector<1xf32>
        %squeeze3A_2404 = vector.extract %slice3A_2403[0] : f32 from vector<1xf32>
        %get3A_2405 = arith.constant 83 : i32
        %get3A_2406 = arith.constant 0 : i32
        %get3A_2407 = arith.constant 0 : i32
        %get3A_2408 = tpu.memref_slice %arg8[%scan3A_208, %get3A_2406, %get3A_2407] : memref<8x128x32xf32, #tpu.memory_space<vmem>> -> memref<1x128x32xf32, #tpu.memory_space<vmem>>
        %get3A_2409 = tpu.memref_squeeze %get3A_2408 : memref<1x128x32xf32, #tpu.memory_space<vmem>> -> memref<128x32xf32, #tpu.memory_space<vmem>>
        %get3A_2410 = arith.index_cast %get3A_2405 : i32 to index
        %get3A_2411 = arith.constant 0 : index
        %get3A_2412 = tpu.vector_load %get3A_2409[%get3A_2410, %get3A_2411] {strides = array<i32>} : memref<128x32xf32, #tpu.memory_space<vmem>>, vector<1x16xf32>,
        %get3A_2413 = vector.shape_cast %get3A_2412 : vector<1x16xf32> to vector<16xf32>
        %mul3A_2414 = vector.broadcast %squeeze3A_2404 : f32 to vector<16xf32>
        %mul3A_2415 = arith.mulf %mul3A_2414, %get3A_2413 : vector<16xf32>
        %add3A_2416 = arith.addf %add3A_2390, %mul3A_2415 : vector<16xf32>
        %get3A_2417 = arith.constant 83 : i32
        %get3A_2418 = arith.constant 0 : i32
        %get3A_2419 = arith.constant 0 : i32
        %get3A_2420 = tpu.memref_slice %arg8[%scan3A_208, %get3A_2418, %get3A_2419] : memref<8x128x32xf32, #tpu.memory_space<vmem>> -> memref<1x128x32xf32, #tpu.memory_space<vmem>>
        %get3A_2421 = tpu.memref_squeeze %get3A_2420 : memref<1x128x32xf32, #tpu.memory_space<vmem>> -> memref<128x32xf32, #tpu.memory_space<vmem>>
        %get3A_2422 = arith.index_cast %get3A_2417 : i32 to index
        %get3A_2423 = arith.constant 16 : index
        %get3A_2424 = tpu.vector_load %get3A_2421[%get3A_2422, %get3A_2423] {strides = array<i32>} : memref<128x32xf32, #tpu.memory_space<vmem>>, vector<1x16xf32>,
        %get3A_2425 = vector.shape_cast %get3A_2424 : vector<1x16xf32> to vector<16xf32>
        %mul3A_2426 = vector.broadcast %squeeze3A_2404 : f32 to vector<16xf32>
        %mul3A_2427 = arith.mulf %mul3A_2426, %get3A_2425 : vector<16xf32>
        %add3A_2428 = arith.addf %add3A_2402, %mul3A_2427 : vector<16xf32>
        %slice3A_2429 = vector.extract_strided_slice %get3A_2324 {offsets = [4], sizes = [1], strides = [1]} : vector<16xf32> to vector<1xf32>
        %squeeze3A_2430 = vector.extract %slice3A_2429[0] : f32 from vector<1xf32>
        %get3A_2431 = arith.constant 84 : i32
        %get3A_2432 = arith.constant 0 : i32
        %get3A_2433 = arith.constant 0 : i32
        %get3A_2434 = tpu.memref_slice %arg8[%scan3A_208, %get3A_2432, %get3A_2433] : memref<8x128x32xf32, #tpu.memory_space<vmem>> -> memref<1x128x32xf32, #tpu.memory_space<vmem>>
        %get3A_2435 = tpu.memref_squeeze %get3A_2434 : memref<1x128x32xf32, #tpu.memory_space<vmem>> -> memref<128x32xf32, #tpu.memory_space<vmem>>
        %get3A_2436 = arith.index_cast %get3A_2431 : i32 to index
        %get3A_2437 = arith.constant 0 : index
        %get3A_2438 = tpu.vector_load %get3A_2435[%get3A_2436, %get3A_2437] {strides = array<i32>} : memref<128x32xf32, #tpu.memory_space<vmem>>, vector<1x16xf32>,
        %get3A_2439 = vector.shape_cast %get3A_2438 : vector<1x16xf32> to vector<16xf32>
        %mul3A_2440 = vector.broadcast %squeeze3A_2430 : f32 to vector<16xf32>
        %mul3A_2441 = arith.mulf %mul3A_2440, %get3A_2439 : vector<16xf32>
        %add3A_2442 = arith.addf %add3A_2416, %mul3A_2441 : vector<16xf32>
        %get3A_2443 = arith.constant 84 : i32
        %get3A_2444 = arith.constant 0 : i32
        %get3A_2445 = arith.constant 0 : i32
        %get3A_2446 = tpu.memref_slice %arg8[%scan3A_208, %get3A_2444, %get3A_2445] : memref<8x128x32xf32, #tpu.memory_space<vmem>> -> memref<1x128x32xf32, #tpu.memory_space<vmem>>
        %get3A_2447 = tpu.memref_squeeze %get3A_2446 : memref<1x128x32xf32, #tpu.memory_space<vmem>> -> memref<128x32xf32, #tpu.memory_space<vmem>>
        %get3A_2448 = arith.index_cast %get3A_2443 : i32 to index
        %get3A_2449 = arith.constant 16 : index
        %get3A_2450 = tpu.vector_load %get3A_2447[%get3A_2448, %get3A_2449] {strides = array<i32>} : memref<128x32xf32, #tpu.memory_space<vmem>>, vector<1x16xf32>,
        %get3A_2451 = vector.shape_cast %get3A_2450 : vector<1x16xf32> to vector<16xf32>
        %mul3A_2452 = vector.broadcast %squeeze3A_2430 : f32 to vector<16xf32>
        %mul3A_2453 = arith.mulf %mul3A_2452, %get3A_2451 : vector<16xf32>
        %add3A_2454 = arith.addf %add3A_2428, %mul3A_2453 : vector<16xf32>
        %slice3A_2455 = vector.extract_strided_slice %get3A_2324 {offsets = [5], sizes = [1], strides = [1]} : vector<16xf32> to vector<1xf32>
        %squeeze3A_2456 = vector.extract %slice3A_2455[0] : f32 from vector<1xf32>
        %get3A_2457 = arith.constant 85 : i32
        %get3A_2458 = arith.constant 0 : i32
        %get3A_2459 = arith.constant 0 : i32
        %get3A_2460 = tpu.memref_slice %arg8[%scan3A_208, %get3A_2458, %get3A_2459] : memref<8x128x32xf32, #tpu.memory_space<vmem>> -> memref<1x128x32xf32, #tpu.memory_space<vmem>>
        %get3A_2461 = tpu.memref_squeeze %get3A_2460 : memref<1x128x32xf32, #tpu.memory_space<vmem>> -> memref<128x32xf32, #tpu.memory_space<vmem>>
        %get3A_2462 = arith.index_cast %get3A_2457 : i32 to index
        %get3A_2463 = arith.constant 0 : index
        %get3A_2464 = tpu.vector_load %get3A_2461[%get3A_2462, %get3A_2463] {strides = array<i32>} : memref<128x32xf32, #tpu.memory_space<vmem>>, vector<1x16xf32>,
        %get3A_2465 = vector.shape_cast %get3A_2464 : vector<1x16xf32> to vector<16xf32>
        %mul3A_2466 = vector.broadcast %squeeze3A_2456 : f32 to vector<16xf32>
        %mul3A_2467 = arith.mulf %mul3A_2466, %get3A_2465 : vector<16xf32>
        %add3A_2468 = arith.addf %add3A_2442, %mul3A_2467 : vector<16xf32>
        %get3A_2469 = arith.constant 85 : i32
        %get3A_2470 = arith.constant 0 : i32
        %get3A_2471 = arith.constant 0 : i32
        %get3A_2472 = tpu.memref_slice %arg8[%scan3A_208, %get3A_2470, %get3A_2471] : memref<8x128x32xf32, #tpu.memory_space<vmem>> -> memref<1x128x32xf32, #tpu.memory_space<vmem>>
        %get3A_2473 = tpu.memref_squeeze %get3A_2472 : memref<1x128x32xf32, #tpu.memory_space<vmem>> -> memref<128x32xf32, #tpu.memory_space<vmem>>
        %get3A_2474 = arith.index_cast %get3A_2469 : i32 to index
        %get3A_2475 = arith.constant 16 : index
        %get3A_2476 = tpu.vector_load %get3A_2473[%get3A_2474, %get3A_2475] {strides = array<i32>} : memref<128x32xf32, #tpu.memory_space<vmem>>, vector<1x16xf32>,
        %get3A_2477 = vector.shape_cast %get3A_2476 : vector<1x16xf32> to vector<16xf32>
        %mul3A_2478 = vector.broadcast %squeeze3A_2456 : f32 to vector<16xf32>
        %mul3A_2479 = arith.mulf %mul3A_2478, %get3A_2477 : vector<16xf32>
        %add3A_2480 = arith.addf %add3A_2454, %mul3A_2479 : vector<16xf32>
        %slice3A_2481 = vector.extract_strided_slice %get3A_2324 {offsets = [6], sizes = [1], strides = [1]} : vector<16xf32> to vector<1xf32>
        %squeeze3A_2482 = vector.extract %slice3A_2481[0] : f32 from vector<1xf32>
        %get3A_2483 = arith.constant 86 : i32
        %get3A_2484 = arith.constant 0 : i32
        %get3A_2485 = arith.constant 0 : i32
        %get3A_2486 = tpu.memref_slice %arg8[%scan3A_208, %get3A_2484, %get3A_2485] : memref<8x128x32xf32, #tpu.memory_space<vmem>> -> memref<1x128x32xf32, #tpu.memory_space<vmem>>
        %get3A_2487 = tpu.memref_squeeze %get3A_2486 : memref<1x128x32xf32, #tpu.memory_space<vmem>> -> memref<128x32xf32, #tpu.memory_space<vmem>>
        %get3A_2488 = arith.index_cast %get3A_2483 : i32 to index
        %get3A_2489 = arith.constant 0 : index
        %get3A_2490 = tpu.vector_load %get3A_2487[%get3A_2488, %get3A_2489] {strides = array<i32>} : memref<128x32xf32, #tpu.memory_space<vmem>>, vector<1x16xf32>,
        %get3A_2491 = vector.shape_cast %get3A_2490 : vector<1x16xf32> to vector<16xf32>
        %mul3A_2492 = vector.broadcast %squeeze3A_2482 : f32 to vector<16xf32>
        %mul3A_2493 = arith.mulf %mul3A_2492, %get3A_2491 : vector<16xf32>
        %add3A_2494 = arith.addf %add3A_2468, %mul3A_2493 : vector<16xf32>
        %get3A_2495 = arith.constant 86 : i32
        %get3A_2496 = arith.constant 0 : i32
        %get3A_2497 = arith.constant 0 : i32
        %get3A_2498 = tpu.memref_slice %arg8[%scan3A_208, %get3A_2496, %get3A_2497] : memref<8x128x32xf32, #tpu.memory_space<vmem>> -> memref<1x128x32xf32, #tpu.memory_space<vmem>>
        %get3A_2499 = tpu.memref_squeeze %get3A_2498 : memref<1x128x32xf32, #tpu.memory_space<vmem>> -> memref<128x32xf32, #tpu.memory_space<vmem>>
        %get3A_2500 = arith.index_cast %get3A_2495 : i32 to index
        %get3A_2501 = arith.constant 16 : index
        %get3A_2502 = tpu.vector_load %get3A_2499[%get3A_2500, %get3A_2501] {strides = array<i32>} : memref<128x32xf32, #tpu.memory_space<vmem>>, vector<1x16xf32>,
        %get3A_2503 = vector.shape_cast %get3A_2502 : vector<1x16xf32> to vector<16xf32>
        %mul3A_2504 = vector.broadcast %squeeze3A_2482 : f32 to vector<16xf32>
        %mul3A_2505 = arith.mulf %mul3A_2504, %get3A_2503 : vector<16xf32>
        %add3A_2506 = arith.addf %add3A_2480, %mul3A_2505 : vector<16xf32>
        %slice3A_2507 = vector.extract_strided_slice %get3A_2324 {offsets = [7], sizes = [1], strides = [1]} : vector<16xf32> to vector<1xf32>
        %squeeze3A_2508 = vector.extract %slice3A_2507[0] : f32 from vector<1xf32>
        %get3A_2509 = arith.constant 87 : i32
        %get3A_2510 = arith.constant 0 : i32
        %get3A_2511 = arith.constant 0 : i32
        %get3A_2512 = tpu.memref_slice %arg8[%scan3A_208, %get3A_2510, %get3A_2511] : memref<8x128x32xf32, #tpu.memory_space<vmem>> -> memref<1x128x32xf32, #tpu.memory_space<vmem>>
        %get3A_2513 = tpu.memref_squeeze %get3A_2512 : memref<1x128x32xf32, #tpu.memory_space<vmem>> -> memref<128x32xf32, #tpu.memory_space<vmem>>
        %get3A_2514 = arith.index_cast %get3A_2509 : i32 to index
        %get3A_2515 = arith.constant 0 : index
        %get3A_2516 = tpu.vector_load %get3A_2513[%get3A_2514, %get3A_2515] {strides = array<i32>} : memref<128x32xf32, #tpu.memory_space<vmem>>, vector<1x16xf32>,
        %get3A_2517 = vector.shape_cast %get3A_2516 : vector<1x16xf32> to vector<16xf32>
        %mul3A_2518 = vector.broadcast %squeeze3A_2508 : f32 to vector<16xf32>
        %mul3A_2519 = arith.mulf %mul3A_2518, %get3A_2517 : vector<16xf32>
        %add3A_2520 = arith.addf %add3A_2494, %mul3A_2519 : vector<16xf32>
        %get3A_2521 = arith.constant 87 : i32
        %get3A_2522 = arith.constant 0 : i32
        %get3A_2523 = arith.constant 0 : i32
        %get3A_2524 = tpu.memref_slice %arg8[%scan3A_208, %get3A_2522, %get3A_2523] : memref<8x128x32xf32, #tpu.memory_space<vmem>> -> memref<1x128x32xf32, #tpu.memory_space<vmem>>
        %get3A_2525 = tpu.memref_squeeze %get3A_2524 : memref<1x128x32xf32, #tpu.memory_space<vmem>> -> memref<128x32xf32, #tpu.memory_space<vmem>>
        %get3A_2526 = arith.index_cast %get3A_2521 : i32 to index
        %get3A_2527 = arith.constant 16 : index
        %get3A_2528 = tpu.vector_load %get3A_2525[%get3A_2526, %get3A_2527] {strides = array<i32>} : memref<128x32xf32, #tpu.memory_space<vmem>>, vector<1x16xf32>,
        %get3A_2529 = vector.shape_cast %get3A_2528 : vector<1x16xf32> to vector<16xf32>
        %mul3A_2530 = vector.broadcast %squeeze3A_2508 : f32 to vector<16xf32>
        %mul3A_2531 = arith.mulf %mul3A_2530, %get3A_2529 : vector<16xf32>
        %add3A_2532 = arith.addf %add3A_2506, %mul3A_2531 : vector<16xf32>
        %slice3A_2533 = vector.extract_strided_slice %get3A_2324 {offsets = [8], sizes = [1], strides = [1]} : vector<16xf32> to vector<1xf32>
        %squeeze3A_2534 = vector.extract %slice3A_2533[0] : f32 from vector<1xf32>
        %get3A_2535 = arith.constant 88 : i32
        %get3A_2536 = arith.constant 0 : i32
        %get3A_2537 = arith.constant 0 : i32
        %get3A_2538 = tpu.memref_slice %arg8[%scan3A_208, %get3A_2536, %get3A_2537] : memref<8x128x32xf32, #tpu.memory_space<vmem>> -> memref<1x128x32xf32, #tpu.memory_space<vmem>>
        %get3A_2539 = tpu.memref_squeeze %get3A_2538 : memref<1x128x32xf32, #tpu.memory_space<vmem>> -> memref<128x32xf32, #tpu.memory_space<vmem>>
        %get3A_2540 = arith.index_cast %get3A_2535 : i32 to index
        %get3A_2541 = arith.constant 0 : index
        %get3A_2542 = tpu.vector_load %get3A_2539[%get3A_2540, %get3A_2541] {strides = array<i32>} : memref<128x32xf32, #tpu.memory_space<vmem>>, vector<1x16xf32>,
        %get3A_2543 = vector.shape_cast %get3A_2542 : vector<1x16xf32> to vector<16xf32>
        %mul3A_2544 = vector.broadcast %squeeze3A_2534 : f32 to vector<16xf32>
        %mul3A_2545 = arith.mulf %mul3A_2544, %get3A_2543 : vector<16xf32>
        %add3A_2546 = arith.addf %add3A_2520, %mul3A_2545 : vector<16xf32>
        %get3A_2547 = arith.constant 88 : i32
        %get3A_2548 = arith.constant 0 : i32
        %get3A_2549 = arith.constant 0 : i32
        %get3A_2550 = tpu.memref_slice %arg8[%scan3A_208, %get3A_2548, %get3A_2549] : memref<8x128x32xf32, #tpu.memory_space<vmem>> -> memref<1x128x32xf32, #tpu.memory_space<vmem>>
        %get3A_2551 = tpu.memref_squeeze %get3A_2550 : memref<1x128x32xf32, #tpu.memory_space<vmem>> -> memref<128x32xf32, #tpu.memory_space<vmem>>
        %get3A_2552 = arith.index_cast %get3A_2547 : i32 to index
        %get3A_2553 = arith.constant 16 : index
        %get3A_2554 = tpu.vector_load %get3A_2551[%get3A_2552, %get3A_2553] {strides = array<i32>} : memref<128x32xf32, #tpu.memory_space<vmem>>, vector<1x16xf32>,
        %get3A_2555 = vector.shape_cast %get3A_2554 : vector<1x16xf32> to vector<16xf32>
        %mul3A_2556 = vector.broadcast %squeeze3A_2534 : f32 to vector<16xf32>
        %mul3A_2557 = arith.mulf %mul3A_2556, %get3A_2555 : vector<16xf32>
        %add3A_2558 = arith.addf %add3A_2532, %mul3A_2557 : vector<16xf32>
        %slice3A_2559 = vector.extract_strided_slice %get3A_2324 {offsets = [9], sizes = [1], strides = [1]} : vector<16xf32> to vector<1xf32>
        %squeeze3A_2560 = vector.extract %slice3A_2559[0] : f32 from vector<1xf32>
        %get3A_2561 = arith.constant 89 : i32
        %get3A_2562 = arith.constant 0 : i32
        %get3A_2563 = arith.constant 0 : i32
        %get3A_2564 = tpu.memref_slice %arg8[%scan3A_208, %get3A_2562, %get3A_2563] : memref<8x128x32xf32, #tpu.memory_space<vmem>> -> memref<1x128x32xf32, #tpu.memory_space<vmem>>
        %get3A_2565 = tpu.memref_squeeze %get3A_2564 : memref<1x128x32xf32, #tpu.memory_space<vmem>> -> memref<128x32xf32, #tpu.memory_space<vmem>>
        %get3A_2566 = arith.index_cast %get3A_2561 : i32 to index
        %get3A_2567 = arith.constant 0 : index
        %get3A_2568 = tpu.vector_load %get3A_2565[%get3A_2566, %get3A_2567] {strides = array<i32>} : memref<128x32xf32, #tpu.memory_space<vmem>>, vector<1x16xf32>,
        %get3A_2569 = vector.shape_cast %get3A_2568 : vector<1x16xf32> to vector<16xf32>
        %mul3A_2570 = vector.broadcast %squeeze3A_2560 : f32 to vector<16xf32>
        %mul3A_2571 = arith.mulf %mul3A_2570, %get3A_2569 : vector<16xf32>
        %add3A_2572 = arith.addf %add3A_2546, %mul3A_2571 : vector<16xf32>
        %get3A_2573 = arith.constant 89 : i32
        %get3A_2574 = arith.constant 0 : i32
        %get3A_2575 = arith.constant 0 : i32
        %get3A_2576 = tpu.memref_slice %arg8[%scan3A_208, %get3A_2574, %get3A_2575] : memref<8x128x32xf32, #tpu.memory_space<vmem>> -> memref<1x128x32xf32, #tpu.memory_space<vmem>>
        %get3A_2577 = tpu.memref_squeeze %get3A_2576 : memref<1x128x32xf32, #tpu.memory_space<vmem>> -> memref<128x32xf32, #tpu.memory_space<vmem>>
        %get3A_2578 = arith.index_cast %get3A_2573 : i32 to index
        %get3A_2579 = arith.constant 16 : index
        %get3A_2580 = tpu.vector_load %get3A_2577[%get3A_2578, %get3A_2579] {strides = array<i32>} : memref<128x32xf32, #tpu.memory_space<vmem>>, vector<1x16xf32>,
        %get3A_2581 = vector.shape_cast %get3A_2580 : vector<1x16xf32> to vector<16xf32>
        %mul3A_2582 = vector.broadcast %squeeze3A_2560 : f32 to vector<16xf32>
        %mul3A_2583 = arith.mulf %mul3A_2582, %get3A_2581 : vector<16xf32>
        %add3A_2584 = arith.addf %add3A_2558, %mul3A_2583 : vector<16xf32>
        %slice3A_2585 = vector.extract_strided_slice %get3A_2324 {offsets = [10], sizes = [1], strides = [1]} : vector<16xf32> to vector<1xf32>
        %squeeze3A_2586 = vector.extract %slice3A_2585[0] : f32 from vector<1xf32>
        %get3A_2587 = arith.constant 90 : i32
        %get3A_2588 = arith.constant 0 : i32
        %get3A_2589 = arith.constant 0 : i32
        %get3A_2590 = tpu.memref_slice %arg8[%scan3A_208, %get3A_2588, %get3A_2589] : memref<8x128x32xf32, #tpu.memory_space<vmem>> -> memref<1x128x32xf32, #tpu.memory_space<vmem>>
        %get3A_2591 = tpu.memref_squeeze %get3A_2590 : memref<1x128x32xf32, #tpu.memory_space<vmem>> -> memref<128x32xf32, #tpu.memory_space<vmem>>
        %get3A_2592 = arith.index_cast %get3A_2587 : i32 to index
        %get3A_2593 = arith.constant 0 : index
        %get3A_2594 = tpu.vector_load %get3A_2591[%get3A_2592, %get3A_2593] {strides = array<i32>} : memref<128x32xf32, #tpu.memory_space<vmem>>, vector<1x16xf32>,
        %get3A_2595 = vector.shape_cast %get3A_2594 : vector<1x16xf32> to vector<16xf32>
        %mul3A_2596 = vector.broadcast %squeeze3A_2586 : f32 to vector<16xf32>
        %mul3A_2597 = arith.mulf %mul3A_2596, %get3A_2595 : vector<16xf32>
        %add3A_2598 = arith.addf %add3A_2572, %mul3A_2597 : vector<16xf32>
        %get3A_2599 = arith.constant 90 : i32
        %get3A_2600 = arith.constant 0 : i32
        %get3A_2601 = arith.constant 0 : i32
        %get3A_2602 = tpu.memref_slice %arg8[%scan3A_208, %get3A_2600, %get3A_2601] : memref<8x128x32xf32, #tpu.memory_space<vmem>> -> memref<1x128x32xf32, #tpu.memory_space<vmem>>
        %get3A_2603 = tpu.memref_squeeze %get3A_2602 : memref<1x128x32xf32, #tpu.memory_space<vmem>> -> memref<128x32xf32, #tpu.memory_space<vmem>>
        %get3A_2604 = arith.index_cast %get3A_2599 : i32 to index
        %get3A_2605 = arith.constant 16 : index
        %get3A_2606 = tpu.vector_load %get3A_2603[%get3A_2604, %get3A_2605] {strides = array<i32>} : memref<128x32xf32, #tpu.memory_space<vmem>>, vector<1x16xf32>,
        %get3A_2607 = vector.shape_cast %get3A_2606 : vector<1x16xf32> to vector<16xf32>
        %mul3A_2608 = vector.broadcast %squeeze3A_2586 : f32 to vector<16xf32>
        %mul3A_2609 = arith.mulf %mul3A_2608, %get3A_2607 : vector<16xf32>
        %add3A_2610 = arith.addf %add3A_2584, %mul3A_2609 : vector<16xf32>
        %slice3A_2611 = vector.extract_strided_slice %get3A_2324 {offsets = [11], sizes = [1], strides = [1]} : vector<16xf32> to vector<1xf32>
        %squeeze3A_2612 = vector.extract %slice3A_2611[0] : f32 from vector<1xf32>
        %get3A_2613 = arith.constant 91 : i32
        %get3A_2614 = arith.constant 0 : i32
        %get3A_2615 = arith.constant 0 : i32
        %get3A_2616 = tpu.memref_slice %arg8[%scan3A_208, %get3A_2614, %get3A_2615] : memref<8x128x32xf32, #tpu.memory_space<vmem>> -> memref<1x128x32xf32, #tpu.memory_space<vmem>>
        %get3A_2617 = tpu.memref_squeeze %get3A_2616 : memref<1x128x32xf32, #tpu.memory_space<vmem>> -> memref<128x32xf32, #tpu.memory_space<vmem>>
        %get3A_2618 = arith.index_cast %get3A_2613 : i32 to index
        %get3A_2619 = arith.constant 0 : index
        %get3A_2620 = tpu.vector_load %get3A_2617[%get3A_2618, %get3A_2619] {strides = array<i32>} : memref<128x32xf32, #tpu.memory_space<vmem>>, vector<1x16xf32>,
        %get3A_2621 = vector.shape_cast %get3A_2620 : vector<1x16xf32> to vector<16xf32>
        %mul3A_2622 = vector.broadcast %squeeze3A_2612 : f32 to vector<16xf32>
        %mul3A_2623 = arith.mulf %mul3A_2622, %get3A_2621 : vector<16xf32>
        %add3A_2624 = arith.addf %add3A_2598, %mul3A_2623 : vector<16xf32>
        %get3A_2625 = arith.constant 91 : i32
        %get3A_2626 = arith.constant 0 : i32
        %get3A_2627 = arith.constant 0 : i32
        %get3A_2628 = tpu.memref_slice %arg8[%scan3A_208, %get3A_2626, %get3A_2627] : memref<8x128x32xf32, #tpu.memory_space<vmem>> -> memref<1x128x32xf32, #tpu.memory_space<vmem>>
        %get3A_2629 = tpu.memref_squeeze %get3A_2628 : memref<1x128x32xf32, #tpu.memory_space<vmem>> -> memref<128x32xf32, #tpu.memory_space<vmem>>
        %get3A_2630 = arith.index_cast %get3A_2625 : i32 to index
        %get3A_2631 = arith.constant 16 : index
        %get3A_2632 = tpu.vector_load %get3A_2629[%get3A_2630, %get3A_2631] {strides = array<i32>} : memref<128x32xf32, #tpu.memory_space<vmem>>, vector<1x16xf32>,
        %get3A_2633 = vector.shape_cast %get3A_2632 : vector<1x16xf32> to vector<16xf32>
        %mul3A_2634 = vector.broadcast %squeeze3A_2612 : f32 to vector<16xf32>
        %mul3A_2635 = arith.mulf %mul3A_2634, %get3A_2633 : vector<16xf32>
        %add3A_2636 = arith.addf %add3A_2610, %mul3A_2635 : vector<16xf32>
        %slice3A_2637 = vector.extract_strided_slice %get3A_2324 {offsets = [12], sizes = [1], strides = [1]} : vector<16xf32> to vector<1xf32>
        %squeeze3A_2638 = vector.extract %slice3A_2637[0] : f32 from vector<1xf32>
        %get3A_2639 = arith.constant 92 : i32
        %get3A_2640 = arith.constant 0 : i32
        %get3A_2641 = arith.constant 0 : i32
        %get3A_2642 = tpu.memref_slice %arg8[%scan3A_208, %get3A_2640, %get3A_2641] : memref<8x128x32xf32, #tpu.memory_space<vmem>> -> memref<1x128x32xf32, #tpu.memory_space<vmem>>
        %get3A_2643 = tpu.memref_squeeze %get3A_2642 : memref<1x128x32xf32, #tpu.memory_space<vmem>> -> memref<128x32xf32, #tpu.memory_space<vmem>>
        %get3A_2644 = arith.index_cast %get3A_2639 : i32 to index
        %get3A_2645 = arith.constant 0 : index
        %get3A_2646 = tpu.vector_load %get3A_2643[%get3A_2644, %get3A_2645] {strides = array<i32>} : memref<128x32xf32, #tpu.memory_space<vmem>>, vector<1x16xf32>,
        %get3A_2647 = vector.shape_cast %get3A_2646 : vector<1x16xf32> to vector<16xf32>
        %mul3A_2648 = vector.broadcast %squeeze3A_2638 : f32 to vector<16xf32>
        %mul3A_2649 = arith.mulf %mul3A_2648, %get3A_2647 : vector<16xf32>
        %add3A_2650 = arith.addf %add3A_2624, %mul3A_2649 : vector<16xf32>
        %get3A_2651 = arith.constant 92 : i32
        %get3A_2652 = arith.constant 0 : i32
        %get3A_2653 = arith.constant 0 : i32
        %get3A_2654 = tpu.memref_slice %arg8[%scan3A_208, %get3A_2652, %get3A_2653] : memref<8x128x32xf32, #tpu.memory_space<vmem>> -> memref<1x128x32xf32, #tpu.memory_space<vmem>>
        %get3A_2655 = tpu.memref_squeeze %get3A_2654 : memref<1x128x32xf32, #tpu.memory_space<vmem>> -> memref<128x32xf32, #tpu.memory_space<vmem>>
        %get3A_2656 = arith.index_cast %get3A_2651 : i32 to index
        %get3A_2657 = arith.constant 16 : index
        %get3A_2658 = tpu.vector_load %get3A_2655[%get3A_2656, %get3A_2657] {strides = array<i32>} : memref<128x32xf32, #tpu.memory_space<vmem>>, vector<1x16xf32>,
        %get3A_2659 = vector.shape_cast %get3A_2658 : vector<1x16xf32> to vector<16xf32>
        %mul3A_2660 = vector.broadcast %squeeze3A_2638 : f32 to vector<16xf32>
        %mul3A_2661 = arith.mulf %mul3A_2660, %get3A_2659 : vector<16xf32>
        %add3A_2662 = arith.addf %add3A_2636, %mul3A_2661 : vector<16xf32>
        %slice3A_2663 = vector.extract_strided_slice %get3A_2324 {offsets = [13], sizes = [1], strides = [1]} : vector<16xf32> to vector<1xf32>
        %squeeze3A_2664 = vector.extract %slice3A_2663[0] : f32 from vector<1xf32>
        %get3A_2665 = arith.constant 93 : i32
        %get3A_2666 = arith.constant 0 : i32
        %get3A_2667 = arith.constant 0 : i32
        %get3A_2668 = tpu.memref_slice %arg8[%scan3A_208, %get3A_2666, %get3A_2667] : memref<8x128x32xf32, #tpu.memory_space<vmem>> -> memref<1x128x32xf32, #tpu.memory_space<vmem>>
        %get3A_2669 = tpu.memref_squeeze %get3A_2668 : memref<1x128x32xf32, #tpu.memory_space<vmem>> -> memref<128x32xf32, #tpu.memory_space<vmem>>
        %get3A_2670 = arith.index_cast %get3A_2665 : i32 to index
        %get3A_2671 = arith.constant 0 : index
        %get3A_2672 = tpu.vector_load %get3A_2669[%get3A_2670, %get3A_2671] {strides = array<i32>} : memref<128x32xf32, #tpu.memory_space<vmem>>, vector<1x16xf32>,
        %get3A_2673 = vector.shape_cast %get3A_2672 : vector<1x16xf32> to vector<16xf32>
        %mul3A_2674 = vector.broadcast %squeeze3A_2664 : f32 to vector<16xf32>
        %mul3A_2675 = arith.mulf %mul3A_2674, %get3A_2673 : vector<16xf32>
        %add3A_2676 = arith.addf %add3A_2650, %mul3A_2675 : vector<16xf32>
        %get3A_2677 = arith.constant 93 : i32
        %get3A_2678 = arith.constant 0 : i32
        %get3A_2679 = arith.constant 0 : i32
        %get3A_2680 = tpu.memref_slice %arg8[%scan3A_208, %get3A_2678, %get3A_2679] : memref<8x128x32xf32, #tpu.memory_space<vmem>> -> memref<1x128x32xf32, #tpu.memory_space<vmem>>
        %get3A_2681 = tpu.memref_squeeze %get3A_2680 : memref<1x128x32xf32, #tpu.memory_space<vmem>> -> memref<128x32xf32, #tpu.memory_space<vmem>>
        %get3A_2682 = arith.index_cast %get3A_2677 : i32 to index
        %get3A_2683 = arith.constant 16 : index
        %get3A_2684 = tpu.vector_load %get3A_2681[%get3A_2682, %get3A_2683] {strides = array<i32>} : memref<128x32xf32, #tpu.memory_space<vmem>>, vector<1x16xf32>,
        %get3A_2685 = vector.shape_cast %get3A_2684 : vector<1x16xf32> to vector<16xf32>
        %mul3A_2686 = vector.broadcast %squeeze3A_2664 : f32 to vector<16xf32>
        %mul3A_2687 = arith.mulf %mul3A_2686, %get3A_2685 : vector<16xf32>
        %add3A_2688 = arith.addf %add3A_2662, %mul3A_2687 : vector<16xf32>
        %slice3A_2689 = vector.extract_strided_slice %get3A_2324 {offsets = [14], sizes = [1], strides = [1]} : vector<16xf32> to vector<1xf32>
        %squeeze3A_2690 = vector.extract %slice3A_2689[0] : f32 from vector<1xf32>
        %get3A_2691 = arith.constant 94 : i32
        %get3A_2692 = arith.constant 0 : i32
        %get3A_2693 = arith.constant 0 : i32
        %get3A_2694 = tpu.memref_slice %arg8[%scan3A_208, %get3A_2692, %get3A_2693] : memref<8x128x32xf32, #tpu.memory_space<vmem>> -> memref<1x128x32xf32, #tpu.memory_space<vmem>>
        %get3A_2695 = tpu.memref_squeeze %get3A_2694 : memref<1x128x32xf32, #tpu.memory_space<vmem>> -> memref<128x32xf32, #tpu.memory_space<vmem>>
        %get3A_2696 = arith.index_cast %get3A_2691 : i32 to index
        %get3A_2697 = arith.constant 0 : index
        %get3A_2698 = tpu.vector_load %get3A_2695[%get3A_2696, %get3A_2697] {strides = array<i32>} : memref<128x32xf32, #tpu.memory_space<vmem>>, vector<1x16xf32>,
        %get3A_2699 = vector.shape_cast %get3A_2698 : vector<1x16xf32> to vector<16xf32>
        %mul3A_2700 = vector.broadcast %squeeze3A_2690 : f32 to vector<16xf32>
        %mul3A_2701 = arith.mulf %mul3A_2700, %get3A_2699 : vector<16xf32>
        %add3A_2702 = arith.addf %add3A_2676, %mul3A_2701 : vector<16xf32>
        %get3A_2703 = arith.constant 94 : i32
        %get3A_2704 = arith.constant 0 : i32
        %get3A_2705 = arith.constant 0 : i32
        %get3A_2706 = tpu.memref_slice %arg8[%scan3A_208, %get3A_2704, %get3A_2705] : memref<8x128x32xf32, #tpu.memory_space<vmem>> -> memref<1x128x32xf32, #tpu.memory_space<vmem>>
        %get3A_2707 = tpu.memref_squeeze %get3A_2706 : memref<1x128x32xf32, #tpu.memory_space<vmem>> -> memref<128x32xf32, #tpu.memory_space<vmem>>
        %get3A_2708 = arith.index_cast %get3A_2703 : i32 to index
        %get3A_2709 = arith.constant 16 : index
        %get3A_2710 = tpu.vector_load %get3A_2707[%get3A_2708, %get3A_2709] {strides = array<i32>} : memref<128x32xf32, #tpu.memory_space<vmem>>, vector<1x16xf32>,
        %get3A_2711 = vector.shape_cast %get3A_2710 : vector<1x16xf32> to vector<16xf32>
        %mul3A_2712 = vector.broadcast %squeeze3A_2690 : f32 to vector<16xf32>
        %mul3A_2713 = arith.mulf %mul3A_2712, %get3A_2711 : vector<16xf32>
        %add3A_2714 = arith.addf %add3A_2688, %mul3A_2713 : vector<16xf32>
        %slice3A_2715 = vector.extract_strided_slice %get3A_2324 {offsets = [15], sizes = [1], strides = [1]} : vector<16xf32> to vector<1xf32>
        %squeeze3A_2716 = vector.extract %slice3A_2715[0] : f32 from vector<1xf32>
        %get3A_2717 = arith.constant 95 : i32
        %get3A_2718 = arith.constant 0 : i32
        %get3A_2719 = arith.constant 0 : i32
        %get3A_2720 = tpu.memref_slice %arg8[%scan3A_208, %get3A_2718, %get3A_2719] : memref<8x128x32xf32, #tpu.memory_space<vmem>> -> memref<1x128x32xf32, #tpu.memory_space<vmem>>
        %get3A_2721 = tpu.memref_squeeze %get3A_2720 : memref<1x128x32xf32, #tpu.memory_space<vmem>> -> memref<128x32xf32, #tpu.memory_space<vmem>>
        %get3A_2722 = arith.index_cast %get3A_2717 : i32 to index
        %get3A_2723 = arith.constant 0 : index
        %get3A_2724 = tpu.vector_load %get3A_2721[%get3A_2722, %get3A_2723] {strides = array<i32>} : memref<128x32xf32, #tpu.memory_space<vmem>>, vector<1x16xf32>,
        %get3A_2725 = vector.shape_cast %get3A_2724 : vector<1x16xf32> to vector<16xf32>
        %mul3A_2726 = vector.broadcast %squeeze3A_2716 : f32 to vector<16xf32>
        %mul3A_2727 = arith.mulf %mul3A_2726, %get3A_2725 : vector<16xf32>
        %add3A_2728 = arith.addf %add3A_2702, %mul3A_2727 : vector<16xf32>
        %get3A_2729 = arith.constant 95 : i32
        %get3A_2730 = arith.constant 0 : i32
        %get3A_2731 = arith.constant 0 : i32
        %get3A_2732 = tpu.memref_slice %arg8[%scan3A_208, %get3A_2730, %get3A_2731] : memref<8x128x32xf32, #tpu.memory_space<vmem>> -> memref<1x128x32xf32, #tpu.memory_space<vmem>>
        %get3A_2733 = tpu.memref_squeeze %get3A_2732 : memref<1x128x32xf32, #tpu.memory_space<vmem>> -> memref<128x32xf32, #tpu.memory_space<vmem>>
        %get3A_2734 = arith.index_cast %get3A_2729 : i32 to index
        %get3A_2735 = arith.constant 16 : index
        %get3A_2736 = tpu.vector_load %get3A_2733[%get3A_2734, %get3A_2735] {strides = array<i32>} : memref<128x32xf32, #tpu.memory_space<vmem>>, vector<1x16xf32>,
        %get3A_2737 = vector.shape_cast %get3A_2736 : vector<1x16xf32> to vector<16xf32>
        %mul3A_2738 = vector.broadcast %squeeze3A_2716 : f32 to vector<16xf32>
        %mul3A_2739 = arith.mulf %mul3A_2738, %get3A_2737 : vector<16xf32>
        %add3A_2740 = arith.addf %add3A_2714, %mul3A_2739 : vector<16xf32>
        %get3A_2741 = arith.constant 0 : i32
        %get3A_2742 = tpu.memref_slice %arg7[%scan3A_208, %get3A_2741] : memref<8x128xf32, #tpu.memory_space<vmem>> -> memref<1x128xf32, #tpu.memory_space<vmem>>
        %get3A_2743 = tpu.memref_squeeze %get3A_2742 : memref<1x128xf32, #tpu.memory_space<vmem>> -> memref<128xf32, #tpu.memory_space<vmem>>
        %get3A_2744 = arith.constant 96 : index
        %get3A_2745 = tpu.vector_load %get3A_2743[%get3A_2744] {strides = array<i32>} : memref<128xf32, #tpu.memory_space<vmem>>, vector<16xf32>,
        %get3A_2746 = vector.shape_cast %get3A_2745 : vector<16xf32> to vector<16xf32>
        %slice3A_2747 = vector.extract_strided_slice %get3A_2746 {offsets = [0], sizes = [1], strides = [1]} : vector<16xf32> to vector<1xf32>
        %squeeze3A_2748 = vector.extract %slice3A_2747[0] : f32 from vector<1xf32>
        %get3A_2749 = arith.constant 96 : i32
        %get3A_2750 = arith.constant 0 : i32
        %get3A_2751 = arith.constant 0 : i32
        %get3A_2752 = tpu.memref_slice %arg8[%scan3A_208, %get3A_2750, %get3A_2751] : memref<8x128x32xf32, #tpu.memory_space<vmem>> -> memref<1x128x32xf32, #tpu.memory_space<vmem>>
        %get3A_2753 = tpu.memref_squeeze %get3A_2752 : memref<1x128x32xf32, #tpu.memory_space<vmem>> -> memref<128x32xf32, #tpu.memory_space<vmem>>
        %get3A_2754 = arith.index_cast %get3A_2749 : i32 to index
        %get3A_2755 = arith.constant 0 : index
        %get3A_2756 = tpu.vector_load %get3A_2753[%get3A_2754, %get3A_2755] {strides = array<i32>} : memref<128x32xf32, #tpu.memory_space<vmem>>, vector<1x16xf32>,
        %get3A_2757 = vector.shape_cast %get3A_2756 : vector<1x16xf32> to vector<16xf32>
        %mul3A_2758 = vector.broadcast %squeeze3A_2748 : f32 to vector<16xf32>
        %mul3A_2759 = arith.mulf %mul3A_2758, %get3A_2757 : vector<16xf32>
        %add3A_2760 = arith.addf %add3A_2728, %mul3A_2759 : vector<16xf32>
        %get3A_2761 = arith.constant 96 : i32
        %get3A_2762 = arith.constant 0 : i32
        %get3A_2763 = arith.constant 0 : i32
        %get3A_2764 = tpu.memref_slice %arg8[%scan3A_208, %get3A_2762, %get3A_2763] : memref<8x128x32xf32, #tpu.memory_space<vmem>> -> memref<1x128x32xf32, #tpu.memory_space<vmem>>
        %get3A_2765 = tpu.memref_squeeze %get3A_2764 : memref<1x128x32xf32, #tpu.memory_space<vmem>> -> memref<128x32xf32, #tpu.memory_space<vmem>>
        %get3A_2766 = arith.index_cast %get3A_2761 : i32 to index
        %get3A_2767 = arith.constant 16 : index
        %get3A_2768 = tpu.vector_load %get3A_2765[%get3A_2766, %get3A_2767] {strides = array<i32>} : memref<128x32xf32, #tpu.memory_space<vmem>>, vector<1x16xf32>,
        %get3A_2769 = vector.shape_cast %get3A_2768 : vector<1x16xf32> to vector<16xf32>
        %mul3A_2770 = vector.broadcast %squeeze3A_2748 : f32 to vector<16xf32>
        %mul3A_2771 = arith.mulf %mul3A_2770, %get3A_2769 : vector<16xf32>
        %add3A_2772 = arith.addf %add3A_2740, %mul3A_2771 : vector<16xf32>
        %slice3A_2773 = vector.extract_strided_slice %get3A_2746 {offsets = [1], sizes = [1], strides = [1]} : vector<16xf32> to vector<1xf32>
        %squeeze3A_2774 = vector.extract %slice3A_2773[0] : f32 from vector<1xf32>
        %get3A_2775 = arith.constant 97 : i32
        %get3A_2776 = arith.constant 0 : i32
        %get3A_2777 = arith.constant 0 : i32
        %get3A_2778 = tpu.memref_slice %arg8[%scan3A_208, %get3A_2776, %get3A_2777] : memref<8x128x32xf32, #tpu.memory_space<vmem>> -> memref<1x128x32xf32, #tpu.memory_space<vmem>>
        %get3A_2779 = tpu.memref_squeeze %get3A_2778 : memref<1x128x32xf32, #tpu.memory_space<vmem>> -> memref<128x32xf32, #tpu.memory_space<vmem>>
        %get3A_2780 = arith.index_cast %get3A_2775 : i32 to index
        %get3A_2781 = arith.constant 0 : index
        %get3A_2782 = tpu.vector_load %get3A_2779[%get3A_2780, %get3A_2781] {strides = array<i32>} : memref<128x32xf32, #tpu.memory_space<vmem>>, vector<1x16xf32>,
        %get3A_2783 = vector.shape_cast %get3A_2782 : vector<1x16xf32> to vector<16xf32>
        %mul3A_2784 = vector.broadcast %squeeze3A_2774 : f32 to vector<16xf32>
        %mul3A_2785 = arith.mulf %mul3A_2784, %get3A_2783 : vector<16xf32>
        %add3A_2786 = arith.addf %add3A_2760, %mul3A_2785 : vector<16xf32>
        %get3A_2787 = arith.constant 97 : i32
        %get3A_2788 = arith.constant 0 : i32
        %get3A_2789 = arith.constant 0 : i32
        %get3A_2790 = tpu.memref_slice %arg8[%scan3A_208, %get3A_2788, %get3A_2789] : memref<8x128x32xf32, #tpu.memory_space<vmem>> -> memref<1x128x32xf32, #tpu.memory_space<vmem>>
        %get3A_2791 = tpu.memref_squeeze %get3A_2790 : memref<1x128x32xf32, #tpu.memory_space<vmem>> -> memref<128x32xf32, #tpu.memory_space<vmem>>
        %get3A_2792 = arith.index_cast %get3A_2787 : i32 to index
        %get3A_2793 = arith.constant 16 : index
        %get3A_2794 = tpu.vector_load %get3A_2791[%get3A_2792, %get3A_2793] {strides = array<i32>} : memref<128x32xf32, #tpu.memory_space<vmem>>, vector<1x16xf32>,
        %get3A_2795 = vector.shape_cast %get3A_2794 : vector<1x16xf32> to vector<16xf32>
        %mul3A_2796 = vector.broadcast %squeeze3A_2774 : f32 to vector<16xf32>
        %mul3A_2797 = arith.mulf %mul3A_2796, %get3A_2795 : vector<16xf32>
        %add3A_2798 = arith.addf %add3A_2772, %mul3A_2797 : vector<16xf32>
        %slice3A_2799 = vector.extract_strided_slice %get3A_2746 {offsets = [2], sizes = [1], strides = [1]} : vector<16xf32> to vector<1xf32>
        %squeeze3A_2800 = vector.extract %slice3A_2799[0] : f32 from vector<1xf32>
        %get3A_2801 = arith.constant 98 : i32
        %get3A_2802 = arith.constant 0 : i32
        %get3A_2803 = arith.constant 0 : i32
        %get3A_2804 = tpu.memref_slice %arg8[%scan3A_208, %get3A_2802, %get3A_2803] : memref<8x128x32xf32, #tpu.memory_space<vmem>> -> memref<1x128x32xf32, #tpu.memory_space<vmem>>
        %get3A_2805 = tpu.memref_squeeze %get3A_2804 : memref<1x128x32xf32, #tpu.memory_space<vmem>> -> memref<128x32xf32, #tpu.memory_space<vmem>>
        %get3A_2806 = arith.index_cast %get3A_2801 : i32 to index
        %get3A_2807 = arith.constant 0 : index
        %get3A_2808 = tpu.vector_load %get3A_2805[%get3A_2806, %get3A_2807] {strides = array<i32>} : memref<128x32xf32, #tpu.memory_space<vmem>>, vector<1x16xf32>,
        %get3A_2809 = vector.shape_cast %get3A_2808 : vector<1x16xf32> to vector<16xf32>
        %mul3A_2810 = vector.broadcast %squeeze3A_2800 : f32 to vector<16xf32>
        %mul3A_2811 = arith.mulf %mul3A_2810, %get3A_2809 : vector<16xf32>
        %add3A_2812 = arith.addf %add3A_2786, %mul3A_2811 : vector<16xf32>
        %get3A_2813 = arith.constant 98 : i32
        %get3A_2814 = arith.constant 0 : i32
        %get3A_2815 = arith.constant 0 : i32
        %get3A_2816 = tpu.memref_slice %arg8[%scan3A_208, %get3A_2814, %get3A_2815] : memref<8x128x32xf32, #tpu.memory_space<vmem>> -> memref<1x128x32xf32, #tpu.memory_space<vmem>>
        %get3A_2817 = tpu.memref_squeeze %get3A_2816 : memref<1x128x32xf32, #tpu.memory_space<vmem>> -> memref<128x32xf32, #tpu.memory_space<vmem>>
        %get3A_2818 = arith.index_cast %get3A_2813 : i32 to index
        %get3A_2819 = arith.constant 16 : index
        %get3A_2820 = tpu.vector_load %get3A_2817[%get3A_2818, %get3A_2819] {strides = array<i32>} : memref<128x32xf32, #tpu.memory_space<vmem>>, vector<1x16xf32>,
        %get3A_2821 = vector.shape_cast %get3A_2820 : vector<1x16xf32> to vector<16xf32>
        %mul3A_2822 = vector.broadcast %squeeze3A_2800 : f32 to vector<16xf32>
        %mul3A_2823 = arith.mulf %mul3A_2822, %get3A_2821 : vector<16xf32>
        %add3A_2824 = arith.addf %add3A_2798, %mul3A_2823 : vector<16xf32>
        %slice3A_2825 = vector.extract_strided_slice %get3A_2746 {offsets = [3], sizes = [1], strides = [1]} : vector<16xf32> to vector<1xf32>
        %squeeze3A_2826 = vector.extract %slice3A_2825[0] : f32 from vector<1xf32>
        %get3A_2827 = arith.constant 99 : i32
        %get3A_2828 = arith.constant 0 : i32
        %get3A_2829 = arith.constant 0 : i32
        %get3A_2830 = tpu.memref_slice %arg8[%scan3A_208, %get3A_2828, %get3A_2829] : memref<8x128x32xf32, #tpu.memory_space<vmem>> -> memref<1x128x32xf32, #tpu.memory_space<vmem>>
        %get3A_2831 = tpu.memref_squeeze %get3A_2830 : memref<1x128x32xf32, #tpu.memory_space<vmem>> -> memref<128x32xf32, #tpu.memory_space<vmem>>
        %get3A_2832 = arith.index_cast %get3A_2827 : i32 to index
        %get3A_2833 = arith.constant 0 : index
        %get3A_2834 = tpu.vector_load %get3A_2831[%get3A_2832, %get3A_2833] {strides = array<i32>} : memref<128x32xf32, #tpu.memory_space<vmem>>, vector<1x16xf32>,
        %get3A_2835 = vector.shape_cast %get3A_2834 : vector<1x16xf32> to vector<16xf32>
        %mul3A_2836 = vector.broadcast %squeeze3A_2826 : f32 to vector<16xf32>
        %mul3A_2837 = arith.mulf %mul3A_2836, %get3A_2835 : vector<16xf32>
        %add3A_2838 = arith.addf %add3A_2812, %mul3A_2837 : vector<16xf32>
        %get3A_2839 = arith.constant 99 : i32
        %get3A_2840 = arith.constant 0 : i32
        %get3A_2841 = arith.constant 0 : i32
        %get3A_2842 = tpu.memref_slice %arg8[%scan3A_208, %get3A_2840, %get3A_2841] : memref<8x128x32xf32, #tpu.memory_space<vmem>> -> memref<1x128x32xf32, #tpu.memory_space<vmem>>
        %get3A_2843 = tpu.memref_squeeze %get3A_2842 : memref<1x128x32xf32, #tpu.memory_space<vmem>> -> memref<128x32xf32, #tpu.memory_space<vmem>>
        %get3A_2844 = arith.index_cast %get3A_2839 : i32 to index
        %get3A_2845 = arith.constant 16 : index
        %get3A_2846 = tpu.vector_load %get3A_2843[%get3A_2844, %get3A_2845] {strides = array<i32>} : memref<128x32xf32, #tpu.memory_space<vmem>>, vector<1x16xf32>,
        %get3A_2847 = vector.shape_cast %get3A_2846 : vector<1x16xf32> to vector<16xf32>
        %mul3A_2848 = vector.broadcast %squeeze3A_2826 : f32 to vector<16xf32>
        %mul3A_2849 = arith.mulf %mul3A_2848, %get3A_2847 : vector<16xf32>
        %add3A_2850 = arith.addf %add3A_2824, %mul3A_2849 : vector<16xf32>
        %slice3A_2851 = vector.extract_strided_slice %get3A_2746 {offsets = [4], sizes = [1], strides = [1]} : vector<16xf32> to vector<1xf32>
        %squeeze3A_2852 = vector.extract %slice3A_2851[0] : f32 from vector<1xf32>
        %get3A_2853 = arith.constant 100 : i32
        %get3A_2854 = arith.constant 0 : i32
        %get3A_2855 = arith.constant 0 : i32
        %get3A_2856 = tpu.memref_slice %arg8[%scan3A_208, %get3A_2854, %get3A_2855] : memref<8x128x32xf32, #tpu.memory_space<vmem>> -> memref<1x128x32xf32, #tpu.memory_space<vmem>>
        %get3A_2857 = tpu.memref_squeeze %get3A_2856 : memref<1x128x32xf32, #tpu.memory_space<vmem>> -> memref<128x32xf32, #tpu.memory_space<vmem>>
        %get3A_2858 = arith.index_cast %get3A_2853 : i32 to index
        %get3A_2859 = arith.constant 0 : index
        %get3A_2860 = tpu.vector_load %get3A_2857[%get3A_2858, %get3A_2859] {strides = array<i32>} : memref<128x32xf32, #tpu.memory_space<vmem>>, vector<1x16xf32>,
        %get3A_2861 = vector.shape_cast %get3A_2860 : vector<1x16xf32> to vector<16xf32>
        %mul3A_2862 = vector.broadcast %squeeze3A_2852 : f32 to vector<16xf32>
        %mul3A_2863 = arith.mulf %mul3A_2862, %get3A_2861 : vector<16xf32>
        %add3A_2864 = arith.addf %add3A_2838, %mul3A_2863 : vector<16xf32>
        %get3A_2865 = arith.constant 100 : i32
        %get3A_2866 = arith.constant 0 : i32
        %get3A_2867 = arith.constant 0 : i32
        %get3A_2868 = tpu.memref_slice %arg8[%scan3A_208, %get3A_2866, %get3A_2867] : memref<8x128x32xf32, #tpu.memory_space<vmem>> -> memref<1x128x32xf32, #tpu.memory_space<vmem>>
        %get3A_2869 = tpu.memref_squeeze %get3A_2868 : memref<1x128x32xf32, #tpu.memory_space<vmem>> -> memref<128x32xf32, #tpu.memory_space<vmem>>
        %get3A_2870 = arith.index_cast %get3A_2865 : i32 to index
        %get3A_2871 = arith.constant 16 : index
        %get3A_2872 = tpu.vector_load %get3A_2869[%get3A_2870, %get3A_2871] {strides = array<i32>} : memref<128x32xf32, #tpu.memory_space<vmem>>, vector<1x16xf32>,
        %get3A_2873 = vector.shape_cast %get3A_2872 : vector<1x16xf32> to vector<16xf32>
        %mul3A_2874 = vector.broadcast %squeeze3A_2852 : f32 to vector<16xf32>
        %mul3A_2875 = arith.mulf %mul3A_2874, %get3A_2873 : vector<16xf32>
        %add3A_2876 = arith.addf %add3A_2850, %mul3A_2875 : vector<16xf32>
        %slice3A_2877 = vector.extract_strided_slice %get3A_2746 {offsets = [5], sizes = [1], strides = [1]} : vector<16xf32> to vector<1xf32>
        %squeeze3A_2878 = vector.extract %slice3A_2877[0] : f32 from vector<1xf32>
        %get3A_2879 = arith.constant 101 : i32
        %get3A_2880 = arith.constant 0 : i32
        %get3A_2881 = arith.constant 0 : i32
        %get3A_2882 = tpu.memref_slice %arg8[%scan3A_208, %get3A_2880, %get3A_2881] : memref<8x128x32xf32, #tpu.memory_space<vmem>> -> memref<1x128x32xf32, #tpu.memory_space<vmem>>
        %get3A_2883 = tpu.memref_squeeze %get3A_2882 : memref<1x128x32xf32, #tpu.memory_space<vmem>> -> memref<128x32xf32, #tpu.memory_space<vmem>>
        %get3A_2884 = arith.index_cast %get3A_2879 : i32 to index
        %get3A_2885 = arith.constant 0 : index
        %get3A_2886 = tpu.vector_load %get3A_2883[%get3A_2884, %get3A_2885] {strides = array<i32>} : memref<128x32xf32, #tpu.memory_space<vmem>>, vector<1x16xf32>,
        %get3A_2887 = vector.shape_cast %get3A_2886 : vector<1x16xf32> to vector<16xf32>
        %mul3A_2888 = vector.broadcast %squeeze3A_2878 : f32 to vector<16xf32>
        %mul3A_2889 = arith.mulf %mul3A_2888, %get3A_2887 : vector<16xf32>
        %add3A_2890 = arith.addf %add3A_2864, %mul3A_2889 : vector<16xf32>
        %get3A_2891 = arith.constant 101 : i32
        %get3A_2892 = arith.constant 0 : i32
        %get3A_2893 = arith.constant 0 : i32
        %get3A_2894 = tpu.memref_slice %arg8[%scan3A_208, %get3A_2892, %get3A_2893] : memref<8x128x32xf32, #tpu.memory_space<vmem>> -> memref<1x128x32xf32, #tpu.memory_space<vmem>>
        %get3A_2895 = tpu.memref_squeeze %get3A_2894 : memref<1x128x32xf32, #tpu.memory_space<vmem>> -> memref<128x32xf32, #tpu.memory_space<vmem>>
        %get3A_2896 = arith.index_cast %get3A_2891 : i32 to index
        %get3A_2897 = arith.constant 16 : index
        %get3A_2898 = tpu.vector_load %get3A_2895[%get3A_2896, %get3A_2897] {strides = array<i32>} : memref<128x32xf32, #tpu.memory_space<vmem>>, vector<1x16xf32>,
        %get3A_2899 = vector.shape_cast %get3A_2898 : vector<1x16xf32> to vector<16xf32>
        %mul3A_2900 = vector.broadcast %squeeze3A_2878 : f32 to vector<16xf32>
        %mul3A_2901 = arith.mulf %mul3A_2900, %get3A_2899 : vector<16xf32>
        %add3A_2902 = arith.addf %add3A_2876, %mul3A_2901 : vector<16xf32>
        %slice3A_2903 = vector.extract_strided_slice %get3A_2746 {offsets = [6], sizes = [1], strides = [1]} : vector<16xf32> to vector<1xf32>
        %squeeze3A_2904 = vector.extract %slice3A_2903[0] : f32 from vector<1xf32>
        %get3A_2905 = arith.constant 102 : i32
        %get3A_2906 = arith.constant 0 : i32
        %get3A_2907 = arith.constant 0 : i32
        %get3A_2908 = tpu.memref_slice %arg8[%scan3A_208, %get3A_2906, %get3A_2907] : memref<8x128x32xf32, #tpu.memory_space<vmem>> -> memref<1x128x32xf32, #tpu.memory_space<vmem>>
        %get3A_2909 = tpu.memref_squeeze %get3A_2908 : memref<1x128x32xf32, #tpu.memory_space<vmem>> -> memref<128x32xf32, #tpu.memory_space<vmem>>
        %get3A_2910 = arith.index_cast %get3A_2905 : i32 to index
        %get3A_2911 = arith.constant 0 : index
        %get3A_2912 = tpu.vector_load %get3A_2909[%get3A_2910, %get3A_2911] {strides = array<i32>} : memref<128x32xf32, #tpu.memory_space<vmem>>, vector<1x16xf32>,
        %get3A_2913 = vector.shape_cast %get3A_2912 : vector<1x16xf32> to vector<16xf32>
        %mul3A_2914 = vector.broadcast %squeeze3A_2904 : f32 to vector<16xf32>
        %mul3A_2915 = arith.mulf %mul3A_2914, %get3A_2913 : vector<16xf32>
        %add3A_2916 = arith.addf %add3A_2890, %mul3A_2915 : vector<16xf32>
        %get3A_2917 = arith.constant 102 : i32
        %get3A_2918 = arith.constant 0 : i32
        %get3A_2919 = arith.constant 0 : i32
        %get3A_2920 = tpu.memref_slice %arg8[%scan3A_208, %get3A_2918, %get3A_2919] : memref<8x128x32xf32, #tpu.memory_space<vmem>> -> memref<1x128x32xf32, #tpu.memory_space<vmem>>
        %get3A_2921 = tpu.memref_squeeze %get3A_2920 : memref<1x128x32xf32, #tpu.memory_space<vmem>> -> memref<128x32xf32, #tpu.memory_space<vmem>>
        %get3A_2922 = arith.index_cast %get3A_2917 : i32 to index
        %get3A_2923 = arith.constant 16 : index
        %get3A_2924 = tpu.vector_load %get3A_2921[%get3A_2922, %get3A_2923] {strides = array<i32>} : memref<128x32xf32, #tpu.memory_space<vmem>>, vector<1x16xf32>,
        %get3A_2925 = vector.shape_cast %get3A_2924 : vector<1x16xf32> to vector<16xf32>
        %mul3A_2926 = vector.broadcast %squeeze3A_2904 : f32 to vector<16xf32>
        %mul3A_2927 = arith.mulf %mul3A_2926, %get3A_2925 : vector<16xf32>
        %add3A_2928 = arith.addf %add3A_2902, %mul3A_2927 : vector<16xf32>
        %slice3A_2929 = vector.extract_strided_slice %get3A_2746 {offsets = [7], sizes = [1], strides = [1]} : vector<16xf32> to vector<1xf32>
        %squeeze3A_2930 = vector.extract %slice3A_2929[0] : f32 from vector<1xf32>
        %get3A_2931 = arith.constant 103 : i32
        %get3A_2932 = arith.constant 0 : i32
        %get3A_2933 = arith.constant 0 : i32
        %get3A_2934 = tpu.memref_slice %arg8[%scan3A_208, %get3A_2932, %get3A_2933] : memref<8x128x32xf32, #tpu.memory_space<vmem>> -> memref<1x128x32xf32, #tpu.memory_space<vmem>>
        %get3A_2935 = tpu.memref_squeeze %get3A_2934 : memref<1x128x32xf32, #tpu.memory_space<vmem>> -> memref<128x32xf32, #tpu.memory_space<vmem>>
        %get3A_2936 = arith.index_cast %get3A_2931 : i32 to index
        %get3A_2937 = arith.constant 0 : index
        %get3A_2938 = tpu.vector_load %get3A_2935[%get3A_2936, %get3A_2937] {strides = array<i32>} : memref<128x32xf32, #tpu.memory_space<vmem>>, vector<1x16xf32>,
        %get3A_2939 = vector.shape_cast %get3A_2938 : vector<1x16xf32> to vector<16xf32>
        %mul3A_2940 = vector.broadcast %squeeze3A_2930 : f32 to vector<16xf32>
        %mul3A_2941 = arith.mulf %mul3A_2940, %get3A_2939 : vector<16xf32>
        %add3A_2942 = arith.addf %add3A_2916, %mul3A_2941 : vector<16xf32>
        %get3A_2943 = arith.constant 103 : i32
        %get3A_2944 = arith.constant 0 : i32
        %get3A_2945 = arith.constant 0 : i32
        %get3A_2946 = tpu.memref_slice %arg8[%scan3A_208, %get3A_2944, %get3A_2945] : memref<8x128x32xf32, #tpu.memory_space<vmem>> -> memref<1x128x32xf32, #tpu.memory_space<vmem>>
        %get3A_2947 = tpu.memref_squeeze %get3A_2946 : memref<1x128x32xf32, #tpu.memory_space<vmem>> -> memref<128x32xf32, #tpu.memory_space<vmem>>
        %get3A_2948 = arith.index_cast %get3A_2943 : i32 to index
        %get3A_2949 = arith.constant 16 : index
        %get3A_2950 = tpu.vector_load %get3A_2947[%get3A_2948, %get3A_2949] {strides = array<i32>} : memref<128x32xf32, #tpu.memory_space<vmem>>, vector<1x16xf32>,
        %get3A_2951 = vector.shape_cast %get3A_2950 : vector<1x16xf32> to vector<16xf32>
        %mul3A_2952 = vector.broadcast %squeeze3A_2930 : f32 to vector<16xf32>
        %mul3A_2953 = arith.mulf %mul3A_2952, %get3A_2951 : vector<16xf32>
        %add3A_2954 = arith.addf %add3A_2928, %mul3A_2953 : vector<16xf32>
        %slice3A_2955 = vector.extract_strided_slice %get3A_2746 {offsets = [8], sizes = [1], strides = [1]} : vector<16xf32> to vector<1xf32>
        %squeeze3A_2956 = vector.extract %slice3A_2955[0] : f32 from vector<1xf32>
        %get3A_2957 = arith.constant 104 : i32
        %get3A_2958 = arith.constant 0 : i32
        %get3A_2959 = arith.constant 0 : i32
        %get3A_2960 = tpu.memref_slice %arg8[%scan3A_208, %get3A_2958, %get3A_2959] : memref<8x128x32xf32, #tpu.memory_space<vmem>> -> memref<1x128x32xf32, #tpu.memory_space<vmem>>
        %get3A_2961 = tpu.memref_squeeze %get3A_2960 : memref<1x128x32xf32, #tpu.memory_space<vmem>> -> memref<128x32xf32, #tpu.memory_space<vmem>>
        %get3A_2962 = arith.index_cast %get3A_2957 : i32 to index
        %get3A_2963 = arith.constant 0 : index
        %get3A_2964 = tpu.vector_load %get3A_2961[%get3A_2962, %get3A_2963] {strides = array<i32>} : memref<128x32xf32, #tpu.memory_space<vmem>>, vector<1x16xf32>,
        %get3A_2965 = vector.shape_cast %get3A_2964 : vector<1x16xf32> to vector<16xf32>
        %mul3A_2966 = vector.broadcast %squeeze3A_2956 : f32 to vector<16xf32>
        %mul3A_2967 = arith.mulf %mul3A_2966, %get3A_2965 : vector<16xf32>
        %add3A_2968 = arith.addf %add3A_2942, %mul3A_2967 : vector<16xf32>
        %get3A_2969 = arith.constant 104 : i32
        %get3A_2970 = arith.constant 0 : i32
        %get3A_2971 = arith.constant 0 : i32
        %get3A_2972 = tpu.memref_slice %arg8[%scan3A_208, %get3A_2970, %get3A_2971] : memref<8x128x32xf32, #tpu.memory_space<vmem>> -> memref<1x128x32xf32, #tpu.memory_space<vmem>>
        %get3A_2973 = tpu.memref_squeeze %get3A_2972 : memref<1x128x32xf32, #tpu.memory_space<vmem>> -> memref<128x32xf32, #tpu.memory_space<vmem>>
        %get3A_2974 = arith.index_cast %get3A_2969 : i32 to index
        %get3A_2975 = arith.constant 16 : index
        %get3A_2976 = tpu.vector_load %get3A_2973[%get3A_2974, %get3A_2975] {strides = array<i32>} : memref<128x32xf32, #tpu.memory_space<vmem>>, vector<1x16xf32>,
        %get3A_2977 = vector.shape_cast %get3A_2976 : vector<1x16xf32> to vector<16xf32>
        %mul3A_2978 = vector.broadcast %squeeze3A_2956 : f32 to vector<16xf32>
        %mul3A_2979 = arith.mulf %mul3A_2978, %get3A_2977 : vector<16xf32>
        %add3A_2980 = arith.addf %add3A_2954, %mul3A_2979 : vector<16xf32>
        %slice3A_2981 = vector.extract_strided_slice %get3A_2746 {offsets = [9], sizes = [1], strides = [1]} : vector<16xf32> to vector<1xf32>
        %squeeze3A_2982 = vector.extract %slice3A_2981[0] : f32 from vector<1xf32>
        %get3A_2983 = arith.constant 105 : i32
        %get3A_2984 = arith.constant 0 : i32
        %get3A_2985 = arith.constant 0 : i32
        %get3A_2986 = tpu.memref_slice %arg8[%scan3A_208, %get3A_2984, %get3A_2985] : memref<8x128x32xf32, #tpu.memory_space<vmem>> -> memref<1x128x32xf32, #tpu.memory_space<vmem>>
        %get3A_2987 = tpu.memref_squeeze %get3A_2986 : memref<1x128x32xf32, #tpu.memory_space<vmem>> -> memref<128x32xf32, #tpu.memory_space<vmem>>
        %get3A_2988 = arith.index_cast %get3A_2983 : i32 to index
        %get3A_2989 = arith.constant 0 : index
        %get3A_2990 = tpu.vector_load %get3A_2987[%get3A_2988, %get3A_2989] {strides = array<i32>} : memref<128x32xf32, #tpu.memory_space<vmem>>, vector<1x16xf32>,
        %get3A_2991 = vector.shape_cast %get3A_2990 : vector<1x16xf32> to vector<16xf32>
        %mul3A_2992 = vector.broadcast %squeeze3A_2982 : f32 to vector<16xf32>
        %mul3A_2993 = arith.mulf %mul3A_2992, %get3A_2991 : vector<16xf32>
        %add3A_2994 = arith.addf %add3A_2968, %mul3A_2993 : vector<16xf32>
        %get3A_2995 = arith.constant 105 : i32
        %get3A_2996 = arith.constant 0 : i32
        %get3A_2997 = arith.constant 0 : i32
        %get3A_2998 = tpu.memref_slice %arg8[%scan3A_208, %get3A_2996, %get3A_2997] : memref<8x128x32xf32, #tpu.memory_space<vmem>> -> memref<1x128x32xf32, #tpu.memory_space<vmem>>
        %get3A_2999 = tpu.memref_squeeze %get3A_2998 : memref<1x128x32xf32, #tpu.memory_space<vmem>> -> memref<128x32xf32, #tpu.memory_space<vmem>>
        %get3A_3000 = arith.index_cast %get3A_2995 : i32 to index
        %get3A_3001 = arith.constant 16 : index
        %get3A_3002 = tpu.vector_load %get3A_2999[%get3A_3000, %get3A_3001] {strides = array<i32>} : memref<128x32xf32, #tpu.memory_space<vmem>>, vector<1x16xf32>,
        %get3A_3003 = vector.shape_cast %get3A_3002 : vector<1x16xf32> to vector<16xf32>
        %mul3A_3004 = vector.broadcast %squeeze3A_2982 : f32 to vector<16xf32>
        %mul3A_3005 = arith.mulf %mul3A_3004, %get3A_3003 : vector<16xf32>
        %add3A_3006 = arith.addf %add3A_2980, %mul3A_3005 : vector<16xf32>
        %slice3A_3007 = vector.extract_strided_slice %get3A_2746 {offsets = [10], sizes = [1], strides = [1]} : vector<16xf32> to vector<1xf32>
        %squeeze3A_3008 = vector.extract %slice3A_3007[0] : f32 from vector<1xf32>
        %get3A_3009 = arith.constant 106 : i32
        %get3A_3010 = arith.constant 0 : i32
        %get3A_3011 = arith.constant 0 : i32
        %get3A_3012 = tpu.memref_slice %arg8[%scan3A_208, %get3A_3010, %get3A_3011] : memref<8x128x32xf32, #tpu.memory_space<vmem>> -> memref<1x128x32xf32, #tpu.memory_space<vmem>>
        %get3A_3013 = tpu.memref_squeeze %get3A_3012 : memref<1x128x32xf32, #tpu.memory_space<vmem>> -> memref<128x32xf32, #tpu.memory_space<vmem>>
        %get3A_3014 = arith.index_cast %get3A_3009 : i32 to index
        %get3A_3015 = arith.constant 0 : index
        %get3A_3016 = tpu.vector_load %get3A_3013[%get3A_3014, %get3A_3015] {strides = array<i32>} : memref<128x32xf32, #tpu.memory_space<vmem>>, vector<1x16xf32>,
        %get3A_3017 = vector.shape_cast %get3A_3016 : vector<1x16xf32> to vector<16xf32>
        %mul3A_3018 = vector.broadcast %squeeze3A_3008 : f32 to vector<16xf32>
        %mul3A_3019 = arith.mulf %mul3A_3018, %get3A_3017 : vector<16xf32>
        %add3A_3020 = arith.addf %add3A_2994, %mul3A_3019 : vector<16xf32>
        %get3A_3021 = arith.constant 106 : i32
        %get3A_3022 = arith.constant 0 : i32
        %get3A_3023 = arith.constant 0 : i32
        %get3A_3024 = tpu.memref_slice %arg8[%scan3A_208, %get3A_3022, %get3A_3023] : memref<8x128x32xf32, #tpu.memory_space<vmem>> -> memref<1x128x32xf32, #tpu.memory_space<vmem>>
        %get3A_3025 = tpu.memref_squeeze %get3A_3024 : memref<1x128x32xf32, #tpu.memory_space<vmem>> -> memref<128x32xf32, #tpu.memory_space<vmem>>
        %get3A_3026 = arith.index_cast %get3A_3021 : i32 to index
        %get3A_3027 = arith.constant 16 : index
        %get3A_3028 = tpu.vector_load %get3A_3025[%get3A_3026, %get3A_3027] {strides = array<i32>} : memref<128x32xf32, #tpu.memory_space<vmem>>, vector<1x16xf32>,
        %get3A_3029 = vector.shape_cast %get3A_3028 : vector<1x16xf32> to vector<16xf32>
        %mul3A_3030 = vector.broadcast %squeeze3A_3008 : f32 to vector<16xf32>
        %mul3A_3031 = arith.mulf %mul3A_3030, %get3A_3029 : vector<16xf32>
        %add3A_3032 = arith.addf %add3A_3006, %mul3A_3031 : vector<16xf32>
        %slice3A_3033 = vector.extract_strided_slice %get3A_2746 {offsets = [11], sizes = [1], strides = [1]} : vector<16xf32> to vector<1xf32>
        %squeeze3A_3034 = vector.extract %slice3A_3033[0] : f32 from vector<1xf32>
        %get3A_3035 = arith.constant 107 : i32
        %get3A_3036 = arith.constant 0 : i32
        %get3A_3037 = arith.constant 0 : i32
        %get3A_3038 = tpu.memref_slice %arg8[%scan3A_208, %get3A_3036, %get3A_3037] : memref<8x128x32xf32, #tpu.memory_space<vmem>> -> memref<1x128x32xf32, #tpu.memory_space<vmem>>
        %get3A_3039 = tpu.memref_squeeze %get3A_3038 : memref<1x128x32xf32, #tpu.memory_space<vmem>> -> memref<128x32xf32, #tpu.memory_space<vmem>>
        %get3A_3040 = arith.index_cast %get3A_3035 : i32 to index
        %get3A_3041 = arith.constant 0 : index
        %get3A_3042 = tpu.vector_load %get3A_3039[%get3A_3040, %get3A_3041] {strides = array<i32>} : memref<128x32xf32, #tpu.memory_space<vmem>>, vector<1x16xf32>,
        %get3A_3043 = vector.shape_cast %get3A_3042 : vector<1x16xf32> to vector<16xf32>
        %mul3A_3044 = vector.broadcast %squeeze3A_3034 : f32 to vector<16xf32>
        %mul3A_3045 = arith.mulf %mul3A_3044, %get3A_3043 : vector<16xf32>
        %add3A_3046 = arith.addf %add3A_3020, %mul3A_3045 : vector<16xf32>
        %get3A_3047 = arith.constant 107 : i32
        %get3A_3048 = arith.constant 0 : i32
        %get3A_3049 = arith.constant 0 : i32
        %get3A_3050 = tpu.memref_slice %arg8[%scan3A_208, %get3A_3048, %get3A_3049] : memref<8x128x32xf32, #tpu.memory_space<vmem>> -> memref<1x128x32xf32, #tpu.memory_space<vmem>>
        %get3A_3051 = tpu.memref_squeeze %get3A_3050 : memref<1x128x32xf32, #tpu.memory_space<vmem>> -> memref<128x32xf32, #tpu.memory_space<vmem>>
        %get3A_3052 = arith.index_cast %get3A_3047 : i32 to index
        %get3A_3053 = arith.constant 16 : index
        %get3A_3054 = tpu.vector_load %get3A_3051[%get3A_3052, %get3A_3053] {strides = array<i32>} : memref<128x32xf32, #tpu.memory_space<vmem>>, vector<1x16xf32>,
        %get3A_3055 = vector.shape_cast %get3A_3054 : vector<1x16xf32> to vector<16xf32>
        %mul3A_3056 = vector.broadcast %squeeze3A_3034 : f32 to vector<16xf32>
        %mul3A_3057 = arith.mulf %mul3A_3056, %get3A_3055 : vector<16xf32>
        %add3A_3058 = arith.addf %add3A_3032, %mul3A_3057 : vector<16xf32>
        %slice3A_3059 = vector.extract_strided_slice %get3A_2746 {offsets = [12], sizes = [1], strides = [1]} : vector<16xf32> to vector<1xf32>
        %squeeze3A_3060 = vector.extract %slice3A_3059[0] : f32 from vector<1xf32>
        %get3A_3061 = arith.constant 108 : i32
        %get3A_3062 = arith.constant 0 : i32
        %get3A_3063 = arith.constant 0 : i32
        %get3A_3064 = tpu.memref_slice %arg8[%scan3A_208, %get3A_3062, %get3A_3063] : memref<8x128x32xf32, #tpu.memory_space<vmem>> -> memref<1x128x32xf32, #tpu.memory_space<vmem>>
        %get3A_3065 = tpu.memref_squeeze %get3A_3064 : memref<1x128x32xf32, #tpu.memory_space<vmem>> -> memref<128x32xf32, #tpu.memory_space<vmem>>
        %get3A_3066 = arith.index_cast %get3A_3061 : i32 to index
        %get3A_3067 = arith.constant 0 : index
        %get3A_3068 = tpu.vector_load %get3A_3065[%get3A_3066, %get3A_3067] {strides = array<i32>} : memref<128x32xf32, #tpu.memory_space<vmem>>, vector<1x16xf32>,
        %get3A_3069 = vector.shape_cast %get3A_3068 : vector<1x16xf32> to vector<16xf32>
        %mul3A_3070 = vector.broadcast %squeeze3A_3060 : f32 to vector<16xf32>
        %mul3A_3071 = arith.mulf %mul3A_3070, %get3A_3069 : vector<16xf32>
        %add3A_3072 = arith.addf %add3A_3046, %mul3A_3071 : vector<16xf32>
        %get3A_3073 = arith.constant 108 : i32
        %get3A_3074 = arith.constant 0 : i32
        %get3A_3075 = arith.constant 0 : i32
        %get3A_3076 = tpu.memref_slice %arg8[%scan3A_208, %get3A_3074, %get3A_3075] : memref<8x128x32xf32, #tpu.memory_space<vmem>> -> memref<1x128x32xf32, #tpu.memory_space<vmem>>
        %get3A_3077 = tpu.memref_squeeze %get3A_3076 : memref<1x128x32xf32, #tpu.memory_space<vmem>> -> memref<128x32xf32, #tpu.memory_space<vmem>>
        %get3A_3078 = arith.index_cast %get3A_3073 : i32 to index
        %get3A_3079 = arith.constant 16 : index
        %get3A_3080 = tpu.vector_load %get3A_3077[%get3A_3078, %get3A_3079] {strides = array<i32>} : memref<128x32xf32, #tpu.memory_space<vmem>>, vector<1x16xf32>,
        %get3A_3081 = vector.shape_cast %get3A_3080 : vector<1x16xf32> to vector<16xf32>
        %mul3A_3082 = vector.broadcast %squeeze3A_3060 : f32 to vector<16xf32>
        %mul3A_3083 = arith.mulf %mul3A_3082, %get3A_3081 : vector<16xf32>
        %add3A_3084 = arith.addf %add3A_3058, %mul3A_3083 : vector<16xf32>
        %slice3A_3085 = vector.extract_strided_slice %get3A_2746 {offsets = [13], sizes = [1], strides = [1]} : vector<16xf32> to vector<1xf32>
        %squeeze3A_3086 = vector.extract %slice3A_3085[0] : f32 from vector<1xf32>
        %get3A_3087 = arith.constant 109 : i32
        %get3A_3088 = arith.constant 0 : i32
        %get3A_3089 = arith.constant 0 : i32
        %get3A_3090 = tpu.memref_slice %arg8[%scan3A_208, %get3A_3088, %get3A_3089] : memref<8x128x32xf32, #tpu.memory_space<vmem>> -> memref<1x128x32xf32, #tpu.memory_space<vmem>>
        %get3A_3091 = tpu.memref_squeeze %get3A_3090 : memref<1x128x32xf32, #tpu.memory_space<vmem>> -> memref<128x32xf32, #tpu.memory_space<vmem>>
        %get3A_3092 = arith.index_cast %get3A_3087 : i32 to index
        %get3A_3093 = arith.constant 0 : index
        %get3A_3094 = tpu.vector_load %get3A_3091[%get3A_3092, %get3A_3093] {strides = array<i32>} : memref<128x32xf32, #tpu.memory_space<vmem>>, vector<1x16xf32>,
        %get3A_3095 = vector.shape_cast %get3A_3094 : vector<1x16xf32> to vector<16xf32>
        %mul3A_3096 = vector.broadcast %squeeze3A_3086 : f32 to vector<16xf32>
        %mul3A_3097 = arith.mulf %mul3A_3096, %get3A_3095 : vector<16xf32>
        %add3A_3098 = arith.addf %add3A_3072, %mul3A_3097 : vector<16xf32>
        %get3A_3099 = arith.constant 109 : i32
        %get3A_3100 = arith.constant 0 : i32
        %get3A_3101 = arith.constant 0 : i32
        %get3A_3102 = tpu.memref_slice %arg8[%scan3A_208, %get3A_3100, %get3A_3101] : memref<8x128x32xf32, #tpu.memory_space<vmem>> -> memref<1x128x32xf32, #tpu.memory_space<vmem>>
        %get3A_3103 = tpu.memref_squeeze %get3A_3102 : memref<1x128x32xf32, #tpu.memory_space<vmem>> -> memref<128x32xf32, #tpu.memory_space<vmem>>
        %get3A_3104 = arith.index_cast %get3A_3099 : i32 to index
        %get3A_3105 = arith.constant 16 : index
        %get3A_3106 = tpu.vector_load %get3A_3103[%get3A_3104, %get3A_3105] {strides = array<i32>} : memref<128x32xf32, #tpu.memory_space<vmem>>, vector<1x16xf32>,
        %get3A_3107 = vector.shape_cast %get3A_3106 : vector<1x16xf32> to vector<16xf32>
        %mul3A_3108 = vector.broadcast %squeeze3A_3086 : f32 to vector<16xf32>
        %mul3A_3109 = arith.mulf %mul3A_3108, %get3A_3107 : vector<16xf32>
        %add3A_3110 = arith.addf %add3A_3084, %mul3A_3109 : vector<16xf32>
        %slice3A_3111 = vector.extract_strided_slice %get3A_2746 {offsets = [14], sizes = [1], strides = [1]} : vector<16xf32> to vector<1xf32>
        %squeeze3A_3112 = vector.extract %slice3A_3111[0] : f32 from vector<1xf32>
        %get3A_3113 = arith.constant 110 : i32
        %get3A_3114 = arith.constant 0 : i32
        %get3A_3115 = arith.constant 0 : i32
        %get3A_3116 = tpu.memref_slice %arg8[%scan3A_208, %get3A_3114, %get3A_3115] : memref<8x128x32xf32, #tpu.memory_space<vmem>> -> memref<1x128x32xf32, #tpu.memory_space<vmem>>
        %get3A_3117 = tpu.memref_squeeze %get3A_3116 : memref<1x128x32xf32, #tpu.memory_space<vmem>> -> memref<128x32xf32, #tpu.memory_space<vmem>>
        %get3A_3118 = arith.index_cast %get3A_3113 : i32 to index
        %get3A_3119 = arith.constant 0 : index
        %get3A_3120 = tpu.vector_load %get3A_3117[%get3A_3118, %get3A_3119] {strides = array<i32>} : memref<128x32xf32, #tpu.memory_space<vmem>>, vector<1x16xf32>,
        %get3A_3121 = vector.shape_cast %get3A_3120 : vector<1x16xf32> to vector<16xf32>
        %mul3A_3122 = vector.broadcast %squeeze3A_3112 : f32 to vector<16xf32>
        %mul3A_3123 = arith.mulf %mul3A_3122, %get3A_3121 : vector<16xf32>
        %add3A_3124 = arith.addf %add3A_3098, %mul3A_3123 : vector<16xf32>
        %get3A_3125 = arith.constant 110 : i32
        %get3A_3126 = arith.constant 0 : i32
        %get3A_3127 = arith.constant 0 : i32
        %get3A_3128 = tpu.memref_slice %arg8[%scan3A_208, %get3A_3126, %get3A_3127] : memref<8x128x32xf32, #tpu.memory_space<vmem>> -> memref<1x128x32xf32, #tpu.memory_space<vmem>>
        %get3A_3129 = tpu.memref_squeeze %get3A_3128 : memref<1x128x32xf32, #tpu.memory_space<vmem>> -> memref<128x32xf32, #tpu.memory_space<vmem>>
        %get3A_3130 = arith.index_cast %get3A_3125 : i32 to index
        %get3A_3131 = arith.constant 16 : index
        %get3A_3132 = tpu.vector_load %get3A_3129[%get3A_3130, %get3A_3131] {strides = array<i32>} : memref<128x32xf32, #tpu.memory_space<vmem>>, vector<1x16xf32>,
        %get3A_3133 = vector.shape_cast %get3A_3132 : vector<1x16xf32> to vector<16xf32>
        %mul3A_3134 = vector.broadcast %squeeze3A_3112 : f32 to vector<16xf32>
        %mul3A_3135 = arith.mulf %mul3A_3134, %get3A_3133 : vector<16xf32>
        %add3A_3136 = arith.addf %add3A_3110, %mul3A_3135 : vector<16xf32>
        %slice3A_3137 = vector.extract_strided_slice %get3A_2746 {offsets = [15], sizes = [1], strides = [1]} : vector<16xf32> to vector<1xf32>
        %squeeze3A_3138 = vector.extract %slice3A_3137[0] : f32 from vector<1xf32>
        %get3A_3139 = arith.constant 111 : i32
        %get3A_3140 = arith.constant 0 : i32
        %get3A_3141 = arith.constant 0 : i32
        %get3A_3142 = tpu.memref_slice %arg8[%scan3A_208, %get3A_3140, %get3A_3141] : memref<8x128x32xf32, #tpu.memory_space<vmem>> -> memref<1x128x32xf32, #tpu.memory_space<vmem>>
        %get3A_3143 = tpu.memref_squeeze %get3A_3142 : memref<1x128x32xf32, #tpu.memory_space<vmem>> -> memref<128x32xf32, #tpu.memory_space<vmem>>
        %get3A_3144 = arith.index_cast %get3A_3139 : i32 to index
        %get3A_3145 = arith.constant 0 : index
        %get3A_3146 = tpu.vector_load %get3A_3143[%get3A_3144, %get3A_3145] {strides = array<i32>} : memref<128x32xf32, #tpu.memory_space<vmem>>, vector<1x16xf32>,
        %get3A_3147 = vector.shape_cast %get3A_3146 : vector<1x16xf32> to vector<16xf32>
        %mul3A_3148 = vector.broadcast %squeeze3A_3138 : f32 to vector<16xf32>
        %mul3A_3149 = arith.mulf %mul3A_3148, %get3A_3147 : vector<16xf32>
        %add3A_3150 = arith.addf %add3A_3124, %mul3A_3149 : vector<16xf32>
        %get3A_3151 = arith.constant 111 : i32
        %get3A_3152 = arith.constant 0 : i32
        %get3A_3153 = arith.constant 0 : i32
        %get3A_3154 = tpu.memref_slice %arg8[%scan3A_208, %get3A_3152, %get3A_3153] : memref<8x128x32xf32, #tpu.memory_space<vmem>> -> memref<1x128x32xf32, #tpu.memory_space<vmem>>
        %get3A_3155 = tpu.memref_squeeze %get3A_3154 : memref<1x128x32xf32, #tpu.memory_space<vmem>> -> memref<128x32xf32, #tpu.memory_space<vmem>>
        %get3A_3156 = arith.index_cast %get3A_3151 : i32 to index
        %get3A_3157 = arith.constant 16 : index
        %get3A_3158 = tpu.vector_load %get3A_3155[%get3A_3156, %get3A_3157] {strides = array<i32>} : memref<128x32xf32, #tpu.memory_space<vmem>>, vector<1x16xf32>,
        %get3A_3159 = vector.shape_cast %get3A_3158 : vector<1x16xf32> to vector<16xf32>
        %mul3A_3160 = vector.broadcast %squeeze3A_3138 : f32 to vector<16xf32>
        %mul3A_3161 = arith.mulf %mul3A_3160, %get3A_3159 : vector<16xf32>
        %add3A_3162 = arith.addf %add3A_3136, %mul3A_3161 : vector<16xf32>
        %get3A_3163 = arith.constant 0 : i32
        %get3A_3164 = tpu.memref_slice %arg7[%scan3A_208, %get3A_3163] : memref<8x128xf32, #tpu.memory_space<vmem>> -> memref<1x128xf32, #tpu.memory_space<vmem>>
        %get3A_3165 = tpu.memref_squeeze %get3A_3164 : memref<1x128xf32, #tpu.memory_space<vmem>> -> memref<128xf32, #tpu.memory_space<vmem>>
        %get3A_3166 = arith.constant 112 : index
        %get3A_3167 = tpu.vector_load %get3A_3165[%get3A_3166] {strides = array<i32>} : memref<128xf32, #tpu.memory_space<vmem>>, vector<16xf32>,
        %get3A_3168 = vector.shape_cast %get3A_3167 : vector<16xf32> to vector<16xf32>
        %slice3A_3169 = vector.extract_strided_slice %get3A_3168 {offsets = [0], sizes = [1], strides = [1]} : vector<16xf32> to vector<1xf32>
        %squeeze3A_3170 = vector.extract %slice3A_3169[0] : f32 from vector<1xf32>
        %get3A_3171 = arith.constant 112 : i32
        %get3A_3172 = arith.constant 0 : i32
        %get3A_3173 = arith.constant 0 : i32
        %get3A_3174 = tpu.memref_slice %arg8[%scan3A_208, %get3A_3172, %get3A_3173] : memref<8x128x32xf32, #tpu.memory_space<vmem>> -> memref<1x128x32xf32, #tpu.memory_space<vmem>>
        %get3A_3175 = tpu.memref_squeeze %get3A_3174 : memref<1x128x32xf32, #tpu.memory_space<vmem>> -> memref<128x32xf32, #tpu.memory_space<vmem>>
        %get3A_3176 = arith.index_cast %get3A_3171 : i32 to index
        %get3A_3177 = arith.constant 0 : index
        %get3A_3178 = tpu.vector_load %get3A_3175[%get3A_3176, %get3A_3177] {strides = array<i32>} : memref<128x32xf32, #tpu.memory_space<vmem>>, vector<1x16xf32>,
        %get3A_3179 = vector.shape_cast %get3A_3178 : vector<1x16xf32> to vector<16xf32>
        %mul3A_3180 = vector.broadcast %squeeze3A_3170 : f32 to vector<16xf32>
        %mul3A_3181 = arith.mulf %mul3A_3180, %get3A_3179 : vector<16xf32>
        %add3A_3182 = arith.addf %add3A_3150, %mul3A_3181 : vector<16xf32>
        %get3A_3183 = arith.constant 112 : i32
        %get3A_3184 = arith.constant 0 : i32
        %get3A_3185 = arith.constant 0 : i32
        %get3A_3186 = tpu.memref_slice %arg8[%scan3A_208, %get3A_3184, %get3A_3185] : memref<8x128x32xf32, #tpu.memory_space<vmem>> -> memref<1x128x32xf32, #tpu.memory_space<vmem>>
        %get3A_3187 = tpu.memref_squeeze %get3A_3186 : memref<1x128x32xf32, #tpu.memory_space<vmem>> -> memref<128x32xf32, #tpu.memory_space<vmem>>
        %get3A_3188 = arith.index_cast %get3A_3183 : i32 to index
        %get3A_3189 = arith.constant 16 : index
        %get3A_3190 = tpu.vector_load %get3A_3187[%get3A_3188, %get3A_3189] {strides = array<i32>} : memref<128x32xf32, #tpu.memory_space<vmem>>, vector<1x16xf32>,
        %get3A_3191 = vector.shape_cast %get3A_3190 : vector<1x16xf32> to vector<16xf32>
        %mul3A_3192 = vector.broadcast %squeeze3A_3170 : f32 to vector<16xf32>
        %mul3A_3193 = arith.mulf %mul3A_3192, %get3A_3191 : vector<16xf32>
        %add3A_3194 = arith.addf %add3A_3162, %mul3A_3193 : vector<16xf32>
        %slice3A_3195 = vector.extract_strided_slice %get3A_3168 {offsets = [1], sizes = [1], strides = [1]} : vector<16xf32> to vector<1xf32>
        %squeeze3A_3196 = vector.extract %slice3A_3195[0] : f32 from vector<1xf32>
        %get3A_3197 = arith.constant 113 : i32
        %get3A_3198 = arith.constant 0 : i32
        %get3A_3199 = arith.constant 0 : i32
        %get3A_3200 = tpu.memref_slice %arg8[%scan3A_208, %get3A_3198, %get3A_3199] : memref<8x128x32xf32, #tpu.memory_space<vmem>> -> memref<1x128x32xf32, #tpu.memory_space<vmem>>
        %get3A_3201 = tpu.memref_squeeze %get3A_3200 : memref<1x128x32xf32, #tpu.memory_space<vmem>> -> memref<128x32xf32, #tpu.memory_space<vmem>>
        %get3A_3202 = arith.index_cast %get3A_3197 : i32 to index
        %get3A_3203 = arith.constant 0 : index
        %get3A_3204 = tpu.vector_load %get3A_3201[%get3A_3202, %get3A_3203] {strides = array<i32>} : memref<128x32xf32, #tpu.memory_space<vmem>>, vector<1x16xf32>,
        %get3A_3205 = vector.shape_cast %get3A_3204 : vector<1x16xf32> to vector<16xf32>
        %mul3A_3206 = vector.broadcast %squeeze3A_3196 : f32 to vector<16xf32>
        %mul3A_3207 = arith.mulf %mul3A_3206, %get3A_3205 : vector<16xf32>
        %add3A_3208 = arith.addf %add3A_3182, %mul3A_3207 : vector<16xf32>
        %get3A_3209 = arith.constant 113 : i32
        %get3A_3210 = arith.constant 0 : i32
        %get3A_3211 = arith.constant 0 : i32
        %get3A_3212 = tpu.memref_slice %arg8[%scan3A_208, %get3A_3210, %get3A_3211] : memref<8x128x32xf32, #tpu.memory_space<vmem>> -> memref<1x128x32xf32, #tpu.memory_space<vmem>>
        %get3A_3213 = tpu.memref_squeeze %get3A_3212 : memref<1x128x32xf32, #tpu.memory_space<vmem>> -> memref<128x32xf32, #tpu.memory_space<vmem>>
        %get3A_3214 = arith.index_cast %get3A_3209 : i32 to index
        %get3A_3215 = arith.constant 16 : index
        %get3A_3216 = tpu.vector_load %get3A_3213[%get3A_3214, %get3A_3215] {strides = array<i32>} : memref<128x32xf32, #tpu.memory_space<vmem>>, vector<1x16xf32>,
        %get3A_3217 = vector.shape_cast %get3A_3216 : vector<1x16xf32> to vector<16xf32>
        %mul3A_3218 = vector.broadcast %squeeze3A_3196 : f32 to vector<16xf32>
        %mul3A_3219 = arith.mulf %mul3A_3218, %get3A_3217 : vector<16xf32>
        %add3A_3220 = arith.addf %add3A_3194, %mul3A_3219 : vector<16xf32>
        %slice3A_3221 = vector.extract_strided_slice %get3A_3168 {offsets = [2], sizes = [1], strides = [1]} : vector<16xf32> to vector<1xf32>
        %squeeze3A_3222 = vector.extract %slice3A_3221[0] : f32 from vector<1xf32>
        %get3A_3223 = arith.constant 114 : i32
        %get3A_3224 = arith.constant 0 : i32
        %get3A_3225 = arith.constant 0 : i32
        %get3A_3226 = tpu.memref_slice %arg8[%scan3A_208, %get3A_3224, %get3A_3225] : memref<8x128x32xf32, #tpu.memory_space<vmem>> -> memref<1x128x32xf32, #tpu.memory_space<vmem>>
        %get3A_3227 = tpu.memref_squeeze %get3A_3226 : memref<1x128x32xf32, #tpu.memory_space<vmem>> -> memref<128x32xf32, #tpu.memory_space<vmem>>
        %get3A_3228 = arith.index_cast %get3A_3223 : i32 to index
        %get3A_3229 = arith.constant 0 : index
        %get3A_3230 = tpu.vector_load %get3A_3227[%get3A_3228, %get3A_3229] {strides = array<i32>} : memref<128x32xf32, #tpu.memory_space<vmem>>, vector<1x16xf32>,
        %get3A_3231 = vector.shape_cast %get3A_3230 : vector<1x16xf32> to vector<16xf32>
        %mul3A_3232 = vector.broadcast %squeeze3A_3222 : f32 to vector<16xf32>
        %mul3A_3233 = arith.mulf %mul3A_3232, %get3A_3231 : vector<16xf32>
        %add3A_3234 = arith.addf %add3A_3208, %mul3A_3233 : vector<16xf32>
        %get3A_3235 = arith.constant 114 : i32
        %get3A_3236 = arith.constant 0 : i32
        %get3A_3237 = arith.constant 0 : i32
        %get3A_3238 = tpu.memref_slice %arg8[%scan3A_208, %get3A_3236, %get3A_3237] : memref<8x128x32xf32, #tpu.memory_space<vmem>> -> memref<1x128x32xf32, #tpu.memory_space<vmem>>
        %get3A_3239 = tpu.memref_squeeze %get3A_3238 : memref<1x128x32xf32, #tpu.memory_space<vmem>> -> memref<128x32xf32, #tpu.memory_space<vmem>>
        %get3A_3240 = arith.index_cast %get3A_3235 : i32 to index
        %get3A_3241 = arith.constant 16 : index
        %get3A_3242 = tpu.vector_load %get3A_3239[%get3A_3240, %get3A_3241] {strides = array<i32>} : memref<128x32xf32, #tpu.memory_space<vmem>>, vector<1x16xf32>,
        %get3A_3243 = vector.shape_cast %get3A_3242 : vector<1x16xf32> to vector<16xf32>
        %mul3A_3244 = vector.broadcast %squeeze3A_3222 : f32 to vector<16xf32>
        %mul3A_3245 = arith.mulf %mul3A_3244, %get3A_3243 : vector<16xf32>
        %add3A_3246 = arith.addf %add3A_3220, %mul3A_3245 : vector<16xf32>
        %slice3A_3247 = vector.extract_strided_slice %get3A_3168 {offsets = [3], sizes = [1], strides = [1]} : vector<16xf32> to vector<1xf32>
        %squeeze3A_3248 = vector.extract %slice3A_3247[0] : f32 from vector<1xf32>
        %get3A_3249 = arith.constant 115 : i32
        %get3A_3250 = arith.constant 0 : i32
        %get3A_3251 = arith.constant 0 : i32
        %get3A_3252 = tpu.memref_slice %arg8[%scan3A_208, %get3A_3250, %get3A_3251] : memref<8x128x32xf32, #tpu.memory_space<vmem>> -> memref<1x128x32xf32, #tpu.memory_space<vmem>>
        %get3A_3253 = tpu.memref_squeeze %get3A_3252 : memref<1x128x32xf32, #tpu.memory_space<vmem>> -> memref<128x32xf32, #tpu.memory_space<vmem>>
        %get3A_3254 = arith.index_cast %get3A_3249 : i32 to index
        %get3A_3255 = arith.constant 0 : index
        %get3A_3256 = tpu.vector_load %get3A_3253[%get3A_3254, %get3A_3255] {strides = array<i32>} : memref<128x32xf32, #tpu.memory_space<vmem>>, vector<1x16xf32>,
        %get3A_3257 = vector.shape_cast %get3A_3256 : vector<1x16xf32> to vector<16xf32>
        %mul3A_3258 = vector.broadcast %squeeze3A_3248 : f32 to vector<16xf32>
        %mul3A_3259 = arith.mulf %mul3A_3258, %get3A_3257 : vector<16xf32>
        %add3A_3260 = arith.addf %add3A_3234, %mul3A_3259 : vector<16xf32>
        %get3A_3261 = arith.constant 115 : i32
        %get3A_3262 = arith.constant 0 : i32
        %get3A_3263 = arith.constant 0 : i32
        %get3A_3264 = tpu.memref_slice %arg8[%scan3A_208, %get3A_3262, %get3A_3263] : memref<8x128x32xf32, #tpu.memory_space<vmem>> -> memref<1x128x32xf32, #tpu.memory_space<vmem>>
        %get3A_3265 = tpu.memref_squeeze %get3A_3264 : memref<1x128x32xf32, #tpu.memory_space<vmem>> -> memref<128x32xf32, #tpu.memory_space<vmem>>
        %get3A_3266 = arith.index_cast %get3A_3261 : i32 to index
        %get3A_3267 = arith.constant 16 : index
        %get3A_3268 = tpu.vector_load %get3A_3265[%get3A_3266, %get3A_3267] {strides = array<i32>} : memref<128x32xf32, #tpu.memory_space<vmem>>, vector<1x16xf32>,
        %get3A_3269 = vector.shape_cast %get3A_3268 : vector<1x16xf32> to vector<16xf32>
        %mul3A_3270 = vector.broadcast %squeeze3A_3248 : f32 to vector<16xf32>
        %mul3A_3271 = arith.mulf %mul3A_3270, %get3A_3269 : vector<16xf32>
        %add3A_3272 = arith.addf %add3A_3246, %mul3A_3271 : vector<16xf32>
        %slice3A_3273 = vector.extract_strided_slice %get3A_3168 {offsets = [4], sizes = [1], strides = [1]} : vector<16xf32> to vector<1xf32>
        %squeeze3A_3274 = vector.extract %slice3A_3273[0] : f32 from vector<1xf32>
        %get3A_3275 = arith.constant 116 : i32
        %get3A_3276 = arith.constant 0 : i32
        %get3A_3277 = arith.constant 0 : i32
        %get3A_3278 = tpu.memref_slice %arg8[%scan3A_208, %get3A_3276, %get3A_3277] : memref<8x128x32xf32, #tpu.memory_space<vmem>> -> memref<1x128x32xf32, #tpu.memory_space<vmem>>
        %get3A_3279 = tpu.memref_squeeze %get3A_3278 : memref<1x128x32xf32, #tpu.memory_space<vmem>> -> memref<128x32xf32, #tpu.memory_space<vmem>>
        %get3A_3280 = arith.index_cast %get3A_3275 : i32 to index
        %get3A_3281 = arith.constant 0 : index
        %get3A_3282 = tpu.vector_load %get3A_3279[%get3A_3280, %get3A_3281] {strides = array<i32>} : memref<128x32xf32, #tpu.memory_space<vmem>>, vector<1x16xf32>,
        %get3A_3283 = vector.shape_cast %get3A_3282 : vector<1x16xf32> to vector<16xf32>
        %mul3A_3284 = vector.broadcast %squeeze3A_3274 : f32 to vector<16xf32>
        %mul3A_3285 = arith.mulf %mul3A_3284, %get3A_3283 : vector<16xf32>
        %add3A_3286 = arith.addf %add3A_3260, %mul3A_3285 : vector<16xf32>
        %get3A_3287 = arith.constant 116 : i32
        %get3A_3288 = arith.constant 0 : i32
        %get3A_3289 = arith.constant 0 : i32
        %get3A_3290 = tpu.memref_slice %arg8[%scan3A_208, %get3A_3288, %get3A_3289] : memref<8x128x32xf32, #tpu.memory_space<vmem>> -> memref<1x128x32xf32, #tpu.memory_space<vmem>>
        %get3A_3291 = tpu.memref_squeeze %get3A_3290 : memref<1x128x32xf32, #tpu.memory_space<vmem>> -> memref<128x32xf32, #tpu.memory_space<vmem>>
        %get3A_3292 = arith.index_cast %get3A_3287 : i32 to index
        %get3A_3293 = arith.constant 16 : index
        %get3A_3294 = tpu.vector_load %get3A_3291[%get3A_3292, %get3A_3293] {strides = array<i32>} : memref<128x32xf32, #tpu.memory_space<vmem>>, vector<1x16xf32>,
        %get3A_3295 = vector.shape_cast %get3A_3294 : vector<1x16xf32> to vector<16xf32>
        %mul3A_3296 = vector.broadcast %squeeze3A_3274 : f32 to vector<16xf32>
        %mul3A_3297 = arith.mulf %mul3A_3296, %get3A_3295 : vector<16xf32>
        %add3A_3298 = arith.addf %add3A_3272, %mul3A_3297 : vector<16xf32>
        %slice3A_3299 = vector.extract_strided_slice %get3A_3168 {offsets = [5], sizes = [1], strides = [1]} : vector<16xf32> to vector<1xf32>
        %squeeze3A_3300 = vector.extract %slice3A_3299[0] : f32 from vector<1xf32>
        %get3A_3301 = arith.constant 117 : i32
        %get3A_3302 = arith.constant 0 : i32
        %get3A_3303 = arith.constant 0 : i32
        %get3A_3304 = tpu.memref_slice %arg8[%scan3A_208, %get3A_3302, %get3A_3303] : memref<8x128x32xf32, #tpu.memory_space<vmem>> -> memref<1x128x32xf32, #tpu.memory_space<vmem>>
        %get3A_3305 = tpu.memref_squeeze %get3A_3304 : memref<1x128x32xf32, #tpu.memory_space<vmem>> -> memref<128x32xf32, #tpu.memory_space<vmem>>
        %get3A_3306 = arith.index_cast %get3A_3301 : i32 to index
        %get3A_3307 = arith.constant 0 : index
        %get3A_3308 = tpu.vector_load %get3A_3305[%get3A_3306, %get3A_3307] {strides = array<i32>} : memref<128x32xf32, #tpu.memory_space<vmem>>, vector<1x16xf32>,
        %get3A_3309 = vector.shape_cast %get3A_3308 : vector<1x16xf32> to vector<16xf32>
        %mul3A_3310 = vector.broadcast %squeeze3A_3300 : f32 to vector<16xf32>
        %mul3A_3311 = arith.mulf %mul3A_3310, %get3A_3309 : vector<16xf32>
        %add3A_3312 = arith.addf %add3A_3286, %mul3A_3311 : vector<16xf32>
        %get3A_3313 = arith.constant 117 : i32
        %get3A_3314 = arith.constant 0 : i32
        %get3A_3315 = arith.constant 0 : i32
        %get3A_3316 = tpu.memref_slice %arg8[%scan3A_208, %get3A_3314, %get3A_3315] : memref<8x128x32xf32, #tpu.memory_space<vmem>> -> memref<1x128x32xf32, #tpu.memory_space<vmem>>
        %get3A_3317 = tpu.memref_squeeze %get3A_3316 : memref<1x128x32xf32, #tpu.memory_space<vmem>> -> memref<128x32xf32, #tpu.memory_space<vmem>>
        %get3A_3318 = arith.index_cast %get3A_3313 : i32 to index
        %get3A_3319 = arith.constant 16 : index
        %get3A_3320 = tpu.vector_load %get3A_3317[%get3A_3318, %get3A_3319] {strides = array<i32>} : memref<128x32xf32, #tpu.memory_space<vmem>>, vector<1x16xf32>,
        %get3A_3321 = vector.shape_cast %get3A_3320 : vector<1x16xf32> to vector<16xf32>
        %mul3A_3322 = vector.broadcast %squeeze3A_3300 : f32 to vector<16xf32>
        %mul3A_3323 = arith.mulf %mul3A_3322, %get3A_3321 : vector<16xf32>
        %add3A_3324 = arith.addf %add3A_3298, %mul3A_3323 : vector<16xf32>
        %slice3A_3325 = vector.extract_strided_slice %get3A_3168 {offsets = [6], sizes = [1], strides = [1]} : vector<16xf32> to vector<1xf32>
        %squeeze3A_3326 = vector.extract %slice3A_3325[0] : f32 from vector<1xf32>
        %get3A_3327 = arith.constant 118 : i32
        %get3A_3328 = arith.constant 0 : i32
        %get3A_3329 = arith.constant 0 : i32
        %get3A_3330 = tpu.memref_slice %arg8[%scan3A_208, %get3A_3328, %get3A_3329] : memref<8x128x32xf32, #tpu.memory_space<vmem>> -> memref<1x128x32xf32, #tpu.memory_space<vmem>>
        %get3A_3331 = tpu.memref_squeeze %get3A_3330 : memref<1x128x32xf32, #tpu.memory_space<vmem>> -> memref<128x32xf32, #tpu.memory_space<vmem>>
        %get3A_3332 = arith.index_cast %get3A_3327 : i32 to index
        %get3A_3333 = arith.constant 0 : index
        %get3A_3334 = tpu.vector_load %get3A_3331[%get3A_3332, %get3A_3333] {strides = array<i32>} : memref<128x32xf32, #tpu.memory_space<vmem>>, vector<1x16xf32>,
        %get3A_3335 = vector.shape_cast %get3A_3334 : vector<1x16xf32> to vector<16xf32>
        %mul3A_3336 = vector.broadcast %squeeze3A_3326 : f32 to vector<16xf32>
        %mul3A_3337 = arith.mulf %mul3A_3336, %get3A_3335 : vector<16xf32>
        %add3A_3338 = arith.addf %add3A_3312, %mul3A_3337 : vector<16xf32>
        %get3A_3339 = arith.constant 118 : i32
        %get3A_3340 = arith.constant 0 : i32
        %get3A_3341 = arith.constant 0 : i32
        %get3A_3342 = tpu.memref_slice %arg8[%scan3A_208, %get3A_3340, %get3A_3341] : memref<8x128x32xf32, #tpu.memory_space<vmem>> -> memref<1x128x32xf32, #tpu.memory_space<vmem>>
        %get3A_3343 = tpu.memref_squeeze %get3A_3342 : memref<1x128x32xf32, #tpu.memory_space<vmem>> -> memref<128x32xf32, #tpu.memory_space<vmem>>
        %get3A_3344 = arith.index_cast %get3A_3339 : i32 to index
        %get3A_3345 = arith.constant 16 : index
        %get3A_3346 = tpu.vector_load %get3A_3343[%get3A_3344, %get3A_3345] {strides = array<i32>} : memref<128x32xf32, #tpu.memory_space<vmem>>, vector<1x16xf32>,
        %get3A_3347 = vector.shape_cast %get3A_3346 : vector<1x16xf32> to vector<16xf32>
        %mul3A_3348 = vector.broadcast %squeeze3A_3326 : f32 to vector<16xf32>
        %mul3A_3349 = arith.mulf %mul3A_3348, %get3A_3347 : vector<16xf32>
        %add3A_3350 = arith.addf %add3A_3324, %mul3A_3349 : vector<16xf32>
        %slice3A_3351 = vector.extract_strided_slice %get3A_3168 {offsets = [7], sizes = [1], strides = [1]} : vector<16xf32> to vector<1xf32>
        %squeeze3A_3352 = vector.extract %slice3A_3351[0] : f32 from vector<1xf32>
        %get3A_3353 = arith.constant 119 : i32
        %get3A_3354 = arith.constant 0 : i32
        %get3A_3355 = arith.constant 0 : i32
        %get3A_3356 = tpu.memref_slice %arg8[%scan3A_208, %get3A_3354, %get3A_3355] : memref<8x128x32xf32, #tpu.memory_space<vmem>> -> memref<1x128x32xf32, #tpu.memory_space<vmem>>
        %get3A_3357 = tpu.memref_squeeze %get3A_3356 : memref<1x128x32xf32, #tpu.memory_space<vmem>> -> memref<128x32xf32, #tpu.memory_space<vmem>>
        %get3A_3358 = arith.index_cast %get3A_3353 : i32 to index
        %get3A_3359 = arith.constant 0 : index
        %get3A_3360 = tpu.vector_load %get3A_3357[%get3A_3358, %get3A_3359] {strides = array<i32>} : memref<128x32xf32, #tpu.memory_space<vmem>>, vector<1x16xf32>,
        %get3A_3361 = vector.shape_cast %get3A_3360 : vector<1x16xf32> to vector<16xf32>
        %mul3A_3362 = vector.broadcast %squeeze3A_3352 : f32 to vector<16xf32>
        %mul3A_3363 = arith.mulf %mul3A_3362, %get3A_3361 : vector<16xf32>
        %add3A_3364 = arith.addf %add3A_3338, %mul3A_3363 : vector<16xf32>
        %get3A_3365 = arith.constant 119 : i32
        %get3A_3366 = arith.constant 0 : i32
        %get3A_3367 = arith.constant 0 : i32
        %get3A_3368 = tpu.memref_slice %arg8[%scan3A_208, %get3A_3366, %get3A_3367] : memref<8x128x32xf32, #tpu.memory_space<vmem>> -> memref<1x128x32xf32, #tpu.memory_space<vmem>>
        %get3A_3369 = tpu.memref_squeeze %get3A_3368 : memref<1x128x32xf32, #tpu.memory_space<vmem>> -> memref<128x32xf32, #tpu.memory_space<vmem>>
        %get3A_3370 = arith.index_cast %get3A_3365 : i32 to index
        %get3A_3371 = arith.constant 16 : index
        %get3A_3372 = tpu.vector_load %get3A_3369[%get3A_3370, %get3A_3371] {strides = array<i32>} : memref<128x32xf32, #tpu.memory_space<vmem>>, vector<1x16xf32>,
        %get3A_3373 = vector.shape_cast %get3A_3372 : vector<1x16xf32> to vector<16xf32>
        %mul3A_3374 = vector.broadcast %squeeze3A_3352 : f32 to vector<16xf32>
        %mul3A_3375 = arith.mulf %mul3A_3374, %get3A_3373 : vector<16xf32>
        %add3A_3376 = arith.addf %add3A_3350, %mul3A_3375 : vector<16xf32>
        %slice3A_3377 = vector.extract_strided_slice %get3A_3168 {offsets = [8], sizes = [1], strides = [1]} : vector<16xf32> to vector<1xf32>
        %squeeze3A_3378 = vector.extract %slice3A_3377[0] : f32 from vector<1xf32>
        %get3A_3379 = arith.constant 120 : i32
        %get3A_3380 = arith.constant 0 : i32
        %get3A_3381 = arith.constant 0 : i32
        %get3A_3382 = tpu.memref_slice %arg8[%scan3A_208, %get3A_3380, %get3A_3381] : memref<8x128x32xf32, #tpu.memory_space<vmem>> -> memref<1x128x32xf32, #tpu.memory_space<vmem>>
        %get3A_3383 = tpu.memref_squeeze %get3A_3382 : memref<1x128x32xf32, #tpu.memory_space<vmem>> -> memref<128x32xf32, #tpu.memory_space<vmem>>
        %get3A_3384 = arith.index_cast %get3A_3379 : i32 to index
        %get3A_3385 = arith.constant 0 : index
        %get3A_3386 = tpu.vector_load %get3A_3383[%get3A_3384, %get3A_3385] {strides = array<i32>} : memref<128x32xf32, #tpu.memory_space<vmem>>, vector<1x16xf32>,
        %get3A_3387 = vector.shape_cast %get3A_3386 : vector<1x16xf32> to vector<16xf32>
        %mul3A_3388 = vector.broadcast %squeeze3A_3378 : f32 to vector<16xf32>
        %mul3A_3389 = arith.mulf %mul3A_3388, %get3A_3387 : vector<16xf32>
        %add3A_3390 = arith.addf %add3A_3364, %mul3A_3389 : vector<16xf32>
        %get3A_3391 = arith.constant 120 : i32
        %get3A_3392 = arith.constant 0 : i32
        %get3A_3393 = arith.constant 0 : i32
        %get3A_3394 = tpu.memref_slice %arg8[%scan3A_208, %get3A_3392, %get3A_3393] : memref<8x128x32xf32, #tpu.memory_space<vmem>> -> memref<1x128x32xf32, #tpu.memory_space<vmem>>
        %get3A_3395 = tpu.memref_squeeze %get3A_3394 : memref<1x128x32xf32, #tpu.memory_space<vmem>> -> memref<128x32xf32, #tpu.memory_space<vmem>>
        %get3A_3396 = arith.index_cast %get3A_3391 : i32 to index
        %get3A_3397 = arith.constant 16 : index
        %get3A_3398 = tpu.vector_load %get3A_3395[%get3A_3396, %get3A_3397] {strides = array<i32>} : memref<128x32xf32, #tpu.memory_space<vmem>>, vector<1x16xf32>,
        %get3A_3399 = vector.shape_cast %get3A_3398 : vector<1x16xf32> to vector<16xf32>
        %mul3A_3400 = vector.broadcast %squeeze3A_3378 : f32 to vector<16xf32>
        %mul3A_3401 = arith.mulf %mul3A_3400, %get3A_3399 : vector<16xf32>
        %add3A_3402 = arith.addf %add3A_3376, %mul3A_3401 : vector<16xf32>
        %slice3A_3403 = vector.extract_strided_slice %get3A_3168 {offsets = [9], sizes = [1], strides = [1]} : vector<16xf32> to vector<1xf32>
        %squeeze3A_3404 = vector.extract %slice3A_3403[0] : f32 from vector<1xf32>
        %get3A_3405 = arith.constant 121 : i32
        %get3A_3406 = arith.constant 0 : i32
        %get3A_3407 = arith.constant 0 : i32
        %get3A_3408 = tpu.memref_slice %arg8[%scan3A_208, %get3A_3406, %get3A_3407] : memref<8x128x32xf32, #tpu.memory_space<vmem>> -> memref<1x128x32xf32, #tpu.memory_space<vmem>>
        %get3A_3409 = tpu.memref_squeeze %get3A_3408 : memref<1x128x32xf32, #tpu.memory_space<vmem>> -> memref<128x32xf32, #tpu.memory_space<vmem>>
        %get3A_3410 = arith.index_cast %get3A_3405 : i32 to index
        %get3A_3411 = arith.constant 0 : index
        %get3A_3412 = tpu.vector_load %get3A_3409[%get3A_3410, %get3A_3411] {strides = array<i32>} : memref<128x32xf32, #tpu.memory_space<vmem>>, vector<1x16xf32>,
        %get3A_3413 = vector.shape_cast %get3A_3412 : vector<1x16xf32> to vector<16xf32>
        %mul3A_3414 = vector.broadcast %squeeze3A_3404 : f32 to vector<16xf32>
        %mul3A_3415 = arith.mulf %mul3A_3414, %get3A_3413 : vector<16xf32>
        %add3A_3416 = arith.addf %add3A_3390, %mul3A_3415 : vector<16xf32>
        %get3A_3417 = arith.constant 121 : i32
        %get3A_3418 = arith.constant 0 : i32
        %get3A_3419 = arith.constant 0 : i32
        %get3A_3420 = tpu.memref_slice %arg8[%scan3A_208, %get3A_3418, %get3A_3419] : memref<8x128x32xf32, #tpu.memory_space<vmem>> -> memref<1x128x32xf32, #tpu.memory_space<vmem>>
        %get3A_3421 = tpu.memref_squeeze %get3A_3420 : memref<1x128x32xf32, #tpu.memory_space<vmem>> -> memref<128x32xf32, #tpu.memory_space<vmem>>
        %get3A_3422 = arith.index_cast %get3A_3417 : i32 to index
        %get3A_3423 = arith.constant 16 : index
        %get3A_3424 = tpu.vector_load %get3A_3421[%get3A_3422, %get3A_3423] {strides = array<i32>} : memref<128x32xf32, #tpu.memory_space<vmem>>, vector<1x16xf32>,
        %get3A_3425 = vector.shape_cast %get3A_3424 : vector<1x16xf32> to vector<16xf32>
        %mul3A_3426 = vector.broadcast %squeeze3A_3404 : f32 to vector<16xf32>
        %mul3A_3427 = arith.mulf %mul3A_3426, %get3A_3425 : vector<16xf32>
        %add3A_3428 = arith.addf %add3A_3402, %mul3A_3427 : vector<16xf32>
        %slice3A_3429 = vector.extract_strided_slice %get3A_3168 {offsets = [10], sizes = [1], strides = [1]} : vector<16xf32> to vector<1xf32>
        %squeeze3A_3430 = vector.extract %slice3A_3429[0] : f32 from vector<1xf32>
        %get3A_3431 = arith.constant 122 : i32
        %get3A_3432 = arith.constant 0 : i32
        %get3A_3433 = arith.constant 0 : i32
        %get3A_3434 = tpu.memref_slice %arg8[%scan3A_208, %get3A_3432, %get3A_3433] : memref<8x128x32xf32, #tpu.memory_space<vmem>> -> memref<1x128x32xf32, #tpu.memory_space<vmem>>
        %get3A_3435 = tpu.memref_squeeze %get3A_3434 : memref<1x128x32xf32, #tpu.memory_space<vmem>> -> memref<128x32xf32, #tpu.memory_space<vmem>>
        %get3A_3436 = arith.index_cast %get3A_3431 : i32 to index
        %get3A_3437 = arith.constant 0 : index
        %get3A_3438 = tpu.vector_load %get3A_3435[%get3A_3436, %get3A_3437] {strides = array<i32>} : memref<128x32xf32, #tpu.memory_space<vmem>>, vector<1x16xf32>,
        %get3A_3439 = vector.shape_cast %get3A_3438 : vector<1x16xf32> to vector<16xf32>
        %mul3A_3440 = vector.broadcast %squeeze3A_3430 : f32 to vector<16xf32>
        %mul3A_3441 = arith.mulf %mul3A_3440, %get3A_3439 : vector<16xf32>
        %add3A_3442 = arith.addf %add3A_3416, %mul3A_3441 : vector<16xf32>
        %get3A_3443 = arith.constant 122 : i32
        %get3A_3444 = arith.constant 0 : i32
        %get3A_3445 = arith.constant 0 : i32
        %get3A_3446 = tpu.memref_slice %arg8[%scan3A_208, %get3A_3444, %get3A_3445] : memref<8x128x32xf32, #tpu.memory_space<vmem>> -> memref<1x128x32xf32, #tpu.memory_space<vmem>>
        %get3A_3447 = tpu.memref_squeeze %get3A_3446 : memref<1x128x32xf32, #tpu.memory_space<vmem>> -> memref<128x32xf32, #tpu.memory_space<vmem>>
        %get3A_3448 = arith.index_cast %get3A_3443 : i32 to index
        %get3A_3449 = arith.constant 16 : index
        %get3A_3450 = tpu.vector_load %get3A_3447[%get3A_3448, %get3A_3449] {strides = array<i32>} : memref<128x32xf32, #tpu.memory_space<vmem>>, vector<1x16xf32>,
        %get3A_3451 = vector.shape_cast %get3A_3450 : vector<1x16xf32> to vector<16xf32>
        %mul3A_3452 = vector.broadcast %squeeze3A_3430 : f32 to vector<16xf32>
        %mul3A_3453 = arith.mulf %mul3A_3452, %get3A_3451 : vector<16xf32>
        %add3A_3454 = arith.addf %add3A_3428, %mul3A_3453 : vector<16xf32>
        %slice3A_3455 = vector.extract_strided_slice %get3A_3168 {offsets = [11], sizes = [1], strides = [1]} : vector<16xf32> to vector<1xf32>
        %squeeze3A_3456 = vector.extract %slice3A_3455[0] : f32 from vector<1xf32>
        %get3A_3457 = arith.constant 123 : i32
        %get3A_3458 = arith.constant 0 : i32
        %get3A_3459 = arith.constant 0 : i32
        %get3A_3460 = tpu.memref_slice %arg8[%scan3A_208, %get3A_3458, %get3A_3459] : memref<8x128x32xf32, #tpu.memory_space<vmem>> -> memref<1x128x32xf32, #tpu.memory_space<vmem>>
        %get3A_3461 = tpu.memref_squeeze %get3A_3460 : memref<1x128x32xf32, #tpu.memory_space<vmem>> -> memref<128x32xf32, #tpu.memory_space<vmem>>
        %get3A_3462 = arith.index_cast %get3A_3457 : i32 to index
        %get3A_3463 = arith.constant 0 : index
        %get3A_3464 = tpu.vector_load %get3A_3461[%get3A_3462, %get3A_3463] {strides = array<i32>} : memref<128x32xf32, #tpu.memory_space<vmem>>, vector<1x16xf32>,
        %get3A_3465 = vector.shape_cast %get3A_3464 : vector<1x16xf32> to vector<16xf32>
        %mul3A_3466 = vector.broadcast %squeeze3A_3456 : f32 to vector<16xf32>
        %mul3A_3467 = arith.mulf %mul3A_3466, %get3A_3465 : vector<16xf32>
        %add3A_3468 = arith.addf %add3A_3442, %mul3A_3467 : vector<16xf32>
        %get3A_3469 = arith.constant 123 : i32
        %get3A_3470 = arith.constant 0 : i32
        %get3A_3471 = arith.constant 0 : i32
        %get3A_3472 = tpu.memref_slice %arg8[%scan3A_208, %get3A_3470, %get3A_3471] : memref<8x128x32xf32, #tpu.memory_space<vmem>> -> memref<1x128x32xf32, #tpu.memory_space<vmem>>
        %get3A_3473 = tpu.memref_squeeze %get3A_3472 : memref<1x128x32xf32, #tpu.memory_space<vmem>> -> memref<128x32xf32, #tpu.memory_space<vmem>>
        %get3A_3474 = arith.index_cast %get3A_3469 : i32 to index
        %get3A_3475 = arith.constant 16 : index
        %get3A_3476 = tpu.vector_load %get3A_3473[%get3A_3474, %get3A_3475] {strides = array<i32>} : memref<128x32xf32, #tpu.memory_space<vmem>>, vector<1x16xf32>,
        %get3A_3477 = vector.shape_cast %get3A_3476 : vector<1x16xf32> to vector<16xf32>
        %mul3A_3478 = vector.broadcast %squeeze3A_3456 : f32 to vector<16xf32>
        %mul3A_3479 = arith.mulf %mul3A_3478, %get3A_3477 : vector<16xf32>
        %add3A_3480 = arith.addf %add3A_3454, %mul3A_3479 : vector<16xf32>
        %slice3A_3481 = vector.extract_strided_slice %get3A_3168 {offsets = [12], sizes = [1], strides = [1]} : vector<16xf32> to vector<1xf32>
        %squeeze3A_3482 = vector.extract %slice3A_3481[0] : f32 from vector<1xf32>
        %get3A_3483 = arith.constant 124 : i32
        %get3A_3484 = arith.constant 0 : i32
        %get3A_3485 = arith.constant 0 : i32
        %get3A_3486 = tpu.memref_slice %arg8[%scan3A_208, %get3A_3484, %get3A_3485] : memref<8x128x32xf32, #tpu.memory_space<vmem>> -> memref<1x128x32xf32, #tpu.memory_space<vmem>>
        %get3A_3487 = tpu.memref_squeeze %get3A_3486 : memref<1x128x32xf32, #tpu.memory_space<vmem>> -> memref<128x32xf32, #tpu.memory_space<vmem>>
        %get3A_3488 = arith.index_cast %get3A_3483 : i32 to index
        %get3A_3489 = arith.constant 0 : index
        %get3A_3490 = tpu.vector_load %get3A_3487[%get3A_3488, %get3A_3489] {strides = array<i32>} : memref<128x32xf32, #tpu.memory_space<vmem>>, vector<1x16xf32>,
        %get3A_3491 = vector.shape_cast %get3A_3490 : vector<1x16xf32> to vector<16xf32>
        %mul3A_3492 = vector.broadcast %squeeze3A_3482 : f32 to vector<16xf32>
        %mul3A_3493 = arith.mulf %mul3A_3492, %get3A_3491 : vector<16xf32>
        %add3A_3494 = arith.addf %add3A_3468, %mul3A_3493 : vector<16xf32>
        %get3A_3495 = arith.constant 124 : i32
        %get3A_3496 = arith.constant 0 : i32
        %get3A_3497 = arith.constant 0 : i32
        %get3A_3498 = tpu.memref_slice %arg8[%scan3A_208, %get3A_3496, %get3A_3497] : memref<8x128x32xf32, #tpu.memory_space<vmem>> -> memref<1x128x32xf32, #tpu.memory_space<vmem>>
        %get3A_3499 = tpu.memref_squeeze %get3A_3498 : memref<1x128x32xf32, #tpu.memory_space<vmem>> -> memref<128x32xf32, #tpu.memory_space<vmem>>
        %get3A_3500 = arith.index_cast %get3A_3495 : i32 to index
        %get3A_3501 = arith.constant 16 : index
        %get3A_3502 = tpu.vector_load %get3A_3499[%get3A_3500, %get3A_3501] {strides = array<i32>} : memref<128x32xf32, #tpu.memory_space<vmem>>, vector<1x16xf32>,
        %get3A_3503 = vector.shape_cast %get3A_3502 : vector<1x16xf32> to vector<16xf32>
        %mul3A_3504 = vector.broadcast %squeeze3A_3482 : f32 to vector<16xf32>
        %mul3A_3505 = arith.mulf %mul3A_3504, %get3A_3503 : vector<16xf32>
        %add3A_3506 = arith.addf %add3A_3480, %mul3A_3505 : vector<16xf32>
        %slice3A_3507 = vector.extract_strided_slice %get3A_3168 {offsets = [13], sizes = [1], strides = [1]} : vector<16xf32> to vector<1xf32>
        %squeeze3A_3508 = vector.extract %slice3A_3507[0] : f32 from vector<1xf32>
        %get3A_3509 = arith.constant 125 : i32
        %get3A_3510 = arith.constant 0 : i32
        %get3A_3511 = arith.constant 0 : i32
        %get3A_3512 = tpu.memref_slice %arg8[%scan3A_208, %get3A_3510, %get3A_3511] : memref<8x128x32xf32, #tpu.memory_space<vmem>> -> memref<1x128x32xf32, #tpu.memory_space<vmem>>
        %get3A_3513 = tpu.memref_squeeze %get3A_3512 : memref<1x128x32xf32, #tpu.memory_space<vmem>> -> memref<128x32xf32, #tpu.memory_space<vmem>>
        %get3A_3514 = arith.index_cast %get3A_3509 : i32 to index
        %get3A_3515 = arith.constant 0 : index
        %get3A_3516 = tpu.vector_load %get3A_3513[%get3A_3514, %get3A_3515] {strides = array<i32>} : memref<128x32xf32, #tpu.memory_space<vmem>>, vector<1x16xf32>,
        %get3A_3517 = vector.shape_cast %get3A_3516 : vector<1x16xf32> to vector<16xf32>
        %mul3A_3518 = vector.broadcast %squeeze3A_3508 : f32 to vector<16xf32>
        %mul3A_3519 = arith.mulf %mul3A_3518, %get3A_3517 : vector<16xf32>
        %add3A_3520 = arith.addf %add3A_3494, %mul3A_3519 : vector<16xf32>
        %get3A_3521 = arith.constant 125 : i32
        %get3A_3522 = arith.constant 0 : i32
        %get3A_3523 = arith.constant 0 : i32
        %get3A_3524 = tpu.memref_slice %arg8[%scan3A_208, %get3A_3522, %get3A_3523] : memref<8x128x32xf32, #tpu.memory_space<vmem>> -> memref<1x128x32xf32, #tpu.memory_space<vmem>>
        %get3A_3525 = tpu.memref_squeeze %get3A_3524 : memref<1x128x32xf32, #tpu.memory_space<vmem>> -> memref<128x32xf32, #tpu.memory_space<vmem>>
        %get3A_3526 = arith.index_cast %get3A_3521 : i32 to index
        %get3A_3527 = arith.constant 16 : index
        %get3A_3528 = tpu.vector_load %get3A_3525[%get3A_3526, %get3A_3527] {strides = array<i32>} : memref<128x32xf32, #tpu.memory_space<vmem>>, vector<1x16xf32>,
        %get3A_3529 = vector.shape_cast %get3A_3528 : vector<1x16xf32> to vector<16xf32>
        %mul3A_3530 = vector.broadcast %squeeze3A_3508 : f32 to vector<16xf32>
        %mul3A_3531 = arith.mulf %mul3A_3530, %get3A_3529 : vector<16xf32>
        %add3A_3532 = arith.addf %add3A_3506, %mul3A_3531 : vector<16xf32>
        %slice3A_3533 = vector.extract_strided_slice %get3A_3168 {offsets = [14], sizes = [1], strides = [1]} : vector<16xf32> to vector<1xf32>
        %squeeze3A_3534 = vector.extract %slice3A_3533[0] : f32 from vector<1xf32>
        %get3A_3535 = arith.constant 126 : i32
        %get3A_3536 = arith.constant 0 : i32
        %get3A_3537 = arith.constant 0 : i32
        %get3A_3538 = tpu.memref_slice %arg8[%scan3A_208, %get3A_3536, %get3A_3537] : memref<8x128x32xf32, #tpu.memory_space<vmem>> -> memref<1x128x32xf32, #tpu.memory_space<vmem>>
        %get3A_3539 = tpu.memref_squeeze %get3A_3538 : memref<1x128x32xf32, #tpu.memory_space<vmem>> -> memref<128x32xf32, #tpu.memory_space<vmem>>
        %get3A_3540 = arith.index_cast %get3A_3535 : i32 to index
        %get3A_3541 = arith.constant 0 : index
        %get3A_3542 = tpu.vector_load %get3A_3539[%get3A_3540, %get3A_3541] {strides = array<i32>} : memref<128x32xf32, #tpu.memory_space<vmem>>, vector<1x16xf32>,
        %get3A_3543 = vector.shape_cast %get3A_3542 : vector<1x16xf32> to vector<16xf32>
        %mul3A_3544 = vector.broadcast %squeeze3A_3534 : f32 to vector<16xf32>
        %mul3A_3545 = arith.mulf %mul3A_3544, %get3A_3543 : vector<16xf32>
        %add3A_3546 = arith.addf %add3A_3520, %mul3A_3545 : vector<16xf32>
        %get3A_3547 = arith.constant 126 : i32
        %get3A_3548 = arith.constant 0 : i32
        %get3A_3549 = arith.constant 0 : i32
        %get3A_3550 = tpu.memref_slice %arg8[%scan3A_208, %get3A_3548, %get3A_3549] : memref<8x128x32xf32, #tpu.memory_space<vmem>> -> memref<1x128x32xf32, #tpu.memory_space<vmem>>
        %get3A_3551 = tpu.memref_squeeze %get3A_3550 : memref<1x128x32xf32, #tpu.memory_space<vmem>> -> memref<128x32xf32, #tpu.memory_space<vmem>>
        %get3A_3552 = arith.index_cast %get3A_3547 : i32 to index
        %get3A_3553 = arith.constant 16 : index
        %get3A_3554 = tpu.vector_load %get3A_3551[%get3A_3552, %get3A_3553] {strides = array<i32>} : memref<128x32xf32, #tpu.memory_space<vmem>>, vector<1x16xf32>,
        %get3A_3555 = vector.shape_cast %get3A_3554 : vector<1x16xf32> to vector<16xf32>
        %mul3A_3556 = vector.broadcast %squeeze3A_3534 : f32 to vector<16xf32>
        %mul3A_3557 = arith.mulf %mul3A_3556, %get3A_3555 : vector<16xf32>
        %add3A_3558 = arith.addf %add3A_3532, %mul3A_3557 : vector<16xf32>
        %slice3A_3559 = vector.extract_strided_slice %get3A_3168 {offsets = [15], sizes = [1], strides = [1]} : vector<16xf32> to vector<1xf32>
        %squeeze3A_3560 = vector.extract %slice3A_3559[0] : f32 from vector<1xf32>
        %get3A_3561 = arith.constant 127 : i32
        %get3A_3562 = arith.constant 0 : i32
        %get3A_3563 = arith.constant 0 : i32
        %get3A_3564 = tpu.memref_slice %arg8[%scan3A_208, %get3A_3562, %get3A_3563] : memref<8x128x32xf32, #tpu.memory_space<vmem>> -> memref<1x128x32xf32, #tpu.memory_space<vmem>>
        %get3A_3565 = tpu.memref_squeeze %get3A_3564 : memref<1x128x32xf32, #tpu.memory_space<vmem>> -> memref<128x32xf32, #tpu.memory_space<vmem>>
        %get3A_3566 = arith.index_cast %get3A_3561 : i32 to index
        %get3A_3567 = arith.constant 0 : index
        %get3A_3568 = tpu.vector_load %get3A_3565[%get3A_3566, %get3A_3567] {strides = array<i32>} : memref<128x32xf32, #tpu.memory_space<vmem>>, vector<1x16xf32>,
        %get3A_3569 = vector.shape_cast %get3A_3568 : vector<1x16xf32> to vector<16xf32>
        %mul3A_3570 = vector.broadcast %squeeze3A_3560 : f32 to vector<16xf32>
        %mul3A_3571 = arith.mulf %mul3A_3570, %get3A_3569 : vector<16xf32>
        %add3A_3572 = arith.addf %add3A_3546, %mul3A_3571 : vector<16xf32>
        %get3A_3573 = arith.constant 127 : i32
        %get3A_3574 = arith.constant 0 : i32
        %get3A_3575 = arith.constant 0 : i32
        %get3A_3576 = tpu.memref_slice %arg8[%scan3A_208, %get3A_3574, %get3A_3575] : memref<8x128x32xf32, #tpu.memory_space<vmem>> -> memref<1x128x32xf32, #tpu.memory_space<vmem>>
        %get3A_3577 = tpu.memref_squeeze %get3A_3576 : memref<1x128x32xf32, #tpu.memory_space<vmem>> -> memref<128x32xf32, #tpu.memory_space<vmem>>
        %get3A_3578 = arith.index_cast %get3A_3573 : i32 to index
        %get3A_3579 = arith.constant 16 : index
        %get3A_3580 = tpu.vector_load %get3A_3577[%get3A_3578, %get3A_3579] {strides = array<i32>} : memref<128x32xf32, #tpu.memory_space<vmem>>, vector<1x16xf32>,
        %get3A_3581 = vector.shape_cast %get3A_3580 : vector<1x16xf32> to vector<16xf32>
        %mul3A_3582 = vector.broadcast %squeeze3A_3560 : f32 to vector<16xf32>
        %mul3A_3583 = arith.mulf %mul3A_3582, %get3A_3581 : vector<16xf32>
        %add3A_3584 = arith.addf %add3A_3558, %mul3A_3583 : vector<16xf32>
        %swap3A = arith.index_cast %scan3A_208 : i32 to index
        %swap3A_3585 = arith.constant 0 : index
        %swap3A_3586 = tpu.vector_load %arg9[%swap3A, %swap3A_3585] {strides = array<i32>} : memref<8x32xf32, #tpu.memory_space<vmem>>, vector<1x16xf32>,
        %swap3A_3587 = vector.shape_cast %swap3A_3586 : vector<1x16xf32> to vector<16xf32>
        %swap3A_3588 = vector.shape_cast %add3A_3572 : vector<16xf32> to vector<1x16xf32>
        tpu.vector_store %arg9[%swap3A, %swap3A_3585], %swap3A_3588 {strides = array<i32>} : memref<8x32xf32, #tpu.memory_space<vmem>>, vector<1x16xf32>,
        %swap3A_3589 = arith.index_cast %scan3A_208 : i32 to index
        %swap3A_3590 = arith.constant 16 : index
        %swap3A_3591 = tpu.vector_load %arg9[%swap3A_3589, %swap3A_3590] {strides = array<i32>} : memref<8x32xf32, #tpu.memory_space<vmem>>, vector<1x16xf32>,
        %swap3A_3592 = vector.shape_cast %swap3A_3591 : vector<1x16xf32> to vector<16xf32>
        %swap3A_3593 = vector.shape_cast %add3A_3584 : vector<16xf32> to vector<1x16xf32>
        tpu.vector_store %arg9[%swap3A_3589, %swap3A_3590], %swap3A_3593 {strides = array<i32>} : memref<8x32xf32, #tpu.memory_space<vmem>>, vector<1x16xf32>,
      }
      %scan3A_207 = arith.constant 8 : i32
      "tpu.region"() ({
        %run_scoped3A = tpu.sem_alloc : memref<!tpu.dma_semaphore, #tpu.memory_space<semaphore_mem>>
        %dma_start3A_208 = arith.constant 0 : i32
        %dma_start3A_209 = tpu.memref_slice %arg5[%add3A_11, %dma_start3A_208] : memref<14592x32xf32, #tpu.memory_space<hbm>> -> memref<8x32xf32, #tpu.memory_space<hbm>>
        %dma_start3A_210 = arith.constant 0 : i32
        %dma_start3A_211 = tpu.memref_slice %arg5[%add3A_11, %dma_start3A_210] : memref<14592x32xf32, #tpu.memory_space<hbm>> -> memref<8x32xf32, #tpu.memory_space<hbm>>
        tpu.enqueue_dma source(%arg9 : memref<8x32xf32, #tpu.memory_space<vmem>>) target(%dma_start3A_211 : memref<8x32xf32, #tpu.memory_space<hbm>>) target_semaphore(%run_scoped3A : memref<!tpu.dma_semaphore, #tpu.memory_space<semaphore_mem>>)
        %dma_wait3A_212 = arith.constant 0 : i32
        %dma_wait3A_213 = tpu.memref_slice %arg5[%add3A_11, %dma_wait3A_212] : memref<14592x32xf32, #tpu.memory_space<hbm>> -> memref<8x32xf32, #tpu.memory_space<hbm>>
        %dma_wait3A_214 = arith.constant 0 : i32
        %dma_wait3A_215 = tpu.memref_slice %arg5[%add3A_11, %dma_wait3A_214] : memref<14592x32xf32, #tpu.memory_space<hbm>> -> memref<8x32xf32, #tpu.memory_space<hbm>>
        tpu.wait_dma2 semaphore(%run_scoped3A : memref<!tpu.dma_semaphore, #tpu.memory_space<semaphore_mem>>) src(%arg9 : memref<8x32xf32, #tpu.memory_space<vmem>>) dst(%dma_wait3A_215 : memref<8x32xf32, #tpu.memory_space<hbm>>)
        tpu.yield
      }) : () -> ()
    }
    %scan3A_7 = arith.constant 57 : i32
    return
  }
}

module attributes {stable_mosaic.version = 14 : i64} {
  func.func @body(%arg0: i32, %arg1: memref<512x256xf32, #tpu.memory_space<vmem>>, %arg2: memref<256x256xf32, #tpu.memory_space<vmem>>, %arg3: memref<1x256xf32, #tpu.memory_space<vmem>>, %arg4: memref<512x256xf32, #tpu.memory_space<vmem>>) attributes {dimension_semantics = [#tpu.dimension_semantics<arbitrary>], iteration_bounds = array<i64: 338>, scalar_prefetch = 0 : i64, scratch_operands = 0 : i64, tpu.core_type = #tpu.core_type<tc>, window_params = [{transform_indices = @transform_0, window_bounds = array<i64: 512, 256>}, {pipeline_mode = #tpu.pipeline_mode<synchronous>, transform_indices = @transform_1, window_bounds = array<i64: 256, 256>}, {pipeline_mode = #tpu.pipeline_mode<synchronous>, transform_indices = @transform_2, window_bounds = array<i64: 1, 256>}, {transform_indices = @transform_3, window_bounds = array<i64: 512, 256>}]} {
    %get3A = arith.constant 0 : index
    %get3A_0 = arith.constant 0 : index
    %get3A_1 = vector.load %arg1[%get3A, %get3A_0] : memref<512x256xf32, #tpu.memory_space<vmem>>, vector<512x256xf32>
    %get3A_2 = arith.constant 0 : index
    %get3A_3 = arith.constant 0 : index
    %get3A_4 = vector.load %arg2[%get3A_2, %get3A_3] : memref<256x256xf32, #tpu.memory_space<vmem>>, vector<256x256xf32>
    %dot_general3A = arith.constant dense<0.000000e+00> : vector<512x256xf32>
    %dot_general3A_5 = tpu.matmul %get3A_1, %get3A_4, %dot_general3A {dimension_numbers = #tpu.dot_dimension_numbers<[1], [0], [0], [1], [0, 0, 1, 1], [], []>, transpose_lhs_hint = false} : vector<512x256xf32>, vector<256x256xf32>, vector<512x256xf32> -> vector<512x256xf32>
    %get3A_6 = arith.constant 0 : index
    %get3A_7 = arith.constant 0 : index
    %get3A_8 = vector.load %arg3[%get3A_6, %get3A_7] : memref<1x256xf32, #tpu.memory_space<vmem>>, vector<1x256xf32>
    %add3A = vector.broadcast %get3A_8 : vector<1x256xf32> to vector<512x256xf32>
    %add3A_9 = arith.addf %dot_general3A_5, %add3A : vector<512x256xf32>
    %swap3A = arith.constant 0 : index
    %swap3A_10 = arith.constant 0 : index
    %swap3A_11 = vector.load %arg4[%swap3A, %swap3A_10] : memref<512x256xf32, #tpu.memory_space<vmem>>, vector<512x256xf32>
    tpu.vector_store %arg4[%swap3A, %swap3A_10], %add3A_9 {strides = array<i32>} : memref<512x256xf32, #tpu.memory_space<vmem>>, vector<512x256xf32>,
    return
  }
  func.func @transform_0(%arg0: i32) -> (i32, i32) {
    %c0_i32 = arith.constant 0 : i32
    %c0_i32_0 = arith.constant 0 : i32
    return %arg0, %c0_i32 : i32, i32
  }
  func.func @transform_1(%arg0: i32) -> (i32, i32) {
    %c0_i32 = arith.constant 0 : i32
    %c0_i32_0 = arith.constant 0 : i32
    %c0_i32_1 = arith.constant 0 : i32
    return %c0_i32, %c0_i32_0 : i32, i32
  }
  func.func @transform_2(%arg0: i32) -> (i32, i32) {
    %c0_i32 = arith.constant 0 : i32
    %c0_i32_0 = arith.constant 0 : i32
    %c0_i32_1 = arith.constant 0 : i32
    return %c0_i32, %c0_i32_0 : i32, i32
  }
  func.func @transform_3(%arg0: i32) -> (i32, i32) {
    %c0_i32 = arith.constant 0 : i32
    %c0_i32_0 = arith.constant 0 : i32
    return %arg0, %c0_i32 : i32, i32
  }
}

module attributes {stable_mosaic.version = 14 : i64} {
  func.func @body(%arg0: i32, %arg1: memref<360x256xf32, #tpu.memory_space<vmem>>, %arg2: memref<360x12xf32, #tpu.memory_space<vmem>>, %arg3: memref<256x384xf32, #tpu.memory_space<vmem>>, %arg4: memref<1x384xf32, #tpu.memory_space<vmem>>, %arg5: memref<256x128xf32, #tpu.memory_space<vmem>>, %arg6: memref<1x128xf32, #tpu.memory_space<vmem>>, %arg7: memref<5x128xi32, #tpu.memory_space<vmem>>, %arg8: memref<3x128xf32, #tpu.memory_space<vmem>>, %arg9: memref<128x128xf32, #tpu.memory_space<vmem>>, %arg10: memref<360x1024xi32, #tpu.memory_space<vmem>>, %arg11: memref<360x1024xf32, #tpu.memory_space<vmem>>) attributes {dimension_semantics = [#tpu.dimension_semantics<arbitrary>], iteration_bounds = array<i64: 5>, scalar_prefetch = 0 : i64, scratch_operands = 0 : i64, tpu.core_type = #tpu.core_type<tc>, window_params = [{transform_indices = @transform_0, window_bounds = array<i64: 360, 256>}, {transform_indices = @transform_1, window_bounds = array<i64: 360, 12>}, {pipeline_mode = #tpu.pipeline_mode<synchronous>, transform_indices = @transform_2, window_bounds = array<i64: 256, 384>}, {pipeline_mode = #tpu.pipeline_mode<synchronous>, transform_indices = @transform_3, window_bounds = array<i64: 1, 384>}, {pipeline_mode = #tpu.pipeline_mode<synchronous>, transform_indices = @transform_4, window_bounds = array<i64: 256, 128>}, {pipeline_mode = #tpu.pipeline_mode<synchronous>, transform_indices = @transform_5, window_bounds = array<i64: 1, 128>}, {pipeline_mode = #tpu.pipeline_mode<synchronous>, transform_indices = @transform_6, window_bounds = array<i64: 5, 128>}, {pipeline_mode = #tpu.pipeline_mode<synchronous>, transform_indices = @transform_7, window_bounds = array<i64: 3, 128>}, {pipeline_mode = #tpu.pipeline_mode<synchronous>, transform_indices = @transform_8, window_bounds = array<i64: 128, 128>}, {transform_indices = @transform_9, window_bounds = array<i64: 360, 1024>}, {transform_indices = @transform_10, window_bounds = array<i64: 360, 1024>}]} {
    %get3A = arith.constant 0 : index
    %get3A_0 = arith.constant 0 : index
    %get3A_1 = vector.load %arg1[%get3A, %get3A_0] : memref<360x256xf32, #tpu.memory_space<vmem>>, vector<360x256xf32>
    %get3A_2 = arith.constant 0 : index
    %get3A_3 = arith.constant 0 : index
    %get3A_4 = vector.load %arg3[%get3A_2, %get3A_3] : memref<256x384xf32, #tpu.memory_space<vmem>>, vector<256x128xf32>
    %dot_general3A = arith.constant dense<0.000000e+00> : vector<360x128xf32>
    %dot_general3A_5 = tpu.matmul %get3A_1, %get3A_4, %dot_general3A {dimension_numbers = #tpu.dot_dimension_numbers<[1], [0], [0], [1], [0, 0, 1, 1], [], []>, transpose_lhs_hint = false} : vector<360x256xf32>, vector<256x128xf32>, vector<360x128xf32> -> vector<360x128xf32>
    %get3A_6 = arith.constant 0 : index
    %get3A_7 = arith.constant 0 : index
    %get3A_8 = vector.load %arg4[%get3A_6, %get3A_7] : memref<1x384xf32, #tpu.memory_space<vmem>>, vector<1x128xf32>
    %add3A = vector.broadcast %get3A_8 : vector<1x128xf32> to vector<360x128xf32>
    %add3A_9 = arith.addf %dot_general3A_5, %add3A : vector<360x128xf32>
    %get3A_10 = arith.constant 0 : index
    %get3A_11 = arith.constant 128 : index
    %get3A_12 = vector.load %arg3[%get3A_10, %get3A_11] : memref<256x384xf32, #tpu.memory_space<vmem>>, vector<256x128xf32>
    %dot_general3A_13 = arith.constant dense<0.000000e+00> : vector<360x128xf32>
    %dot_general3A_14 = tpu.matmul %get3A_1, %get3A_12, %dot_general3A_13 {dimension_numbers = #tpu.dot_dimension_numbers<[1], [0], [0], [1], [0, 0, 1, 1], [], []>, transpose_lhs_hint = false} : vector<360x256xf32>, vector<256x128xf32>, vector<360x128xf32> -> vector<360x128xf32>
    %get3A_15 = arith.constant 0 : index
    %get3A_16 = arith.constant 128 : index
    %get3A_17 = vector.load %arg4[%get3A_15, %get3A_16] : memref<1x384xf32, #tpu.memory_space<vmem>>, vector<1x128xf32>
    %add3A_18 = vector.broadcast %get3A_17 : vector<1x128xf32> to vector<360x128xf32>
    %add3A_19 = arith.addf %dot_general3A_14, %add3A_18 : vector<360x128xf32>
    %get3A_20 = arith.constant 0 : index
    %get3A_21 = arith.constant 256 : index
    %get3A_22 = vector.load %arg3[%get3A_20, %get3A_21] : memref<256x384xf32, #tpu.memory_space<vmem>>, vector<256x128xf32>
    %dot_general3A_23 = arith.constant dense<0.000000e+00> : vector<360x128xf32>
    %dot_general3A_24 = tpu.matmul %get3A_1, %get3A_22, %dot_general3A_23 {dimension_numbers = #tpu.dot_dimension_numbers<[1], [0], [0], [1], [0, 0, 1, 1], [], []>, transpose_lhs_hint = false} : vector<360x256xf32>, vector<256x128xf32>, vector<360x128xf32> -> vector<360x128xf32>
    %get3A_25 = arith.constant 0 : index
    %get3A_26 = arith.constant 256 : index
    %get3A_27 = vector.load %arg4[%get3A_25, %get3A_26] : memref<1x384xf32, #tpu.memory_space<vmem>>, vector<1x128xf32>
    %add3A_28 = vector.broadcast %get3A_27 : vector<1x128xf32> to vector<360x128xf32>
    %add3A_29 = arith.addf %dot_general3A_24, %add3A_28 : vector<360x128xf32>
    %get3A_30 = arith.constant 0 : index
    %get3A_31 = arith.constant 0 : index
    %get3A_32 = vector.load %arg5[%get3A_30, %get3A_31] : memref<256x128xf32, #tpu.memory_space<vmem>>, vector<256x128xf32>
    %dot_general3A_33 = arith.constant dense<0.000000e+00> : vector<360x128xf32>
    %dot_general3A_34 = tpu.matmul %get3A_1, %get3A_32, %dot_general3A_33 {dimension_numbers = #tpu.dot_dimension_numbers<[1], [0], [0], [1], [0, 0, 1, 1], [], []>, transpose_lhs_hint = false} : vector<360x256xf32>, vector<256x128xf32>, vector<360x128xf32> -> vector<360x128xf32>
    %get3A_35 = arith.constant 0 : index
    %get3A_36 = arith.constant 0 : index
    %get3A_37 = vector.load %arg6[%get3A_35, %get3A_36] : memref<1x128xf32, #tpu.memory_space<vmem>>, vector<1x128xf32>
    %add3A_38 = vector.broadcast %get3A_37 : vector<1x128xf32> to vector<360x128xf32>
    %add3A_39 = arith.addf %dot_general3A_34, %add3A_38 : vector<360x128xf32>
    %reduce_max3A = arith.constant dense<0xFF800000> : vector<360xf32>
    %reduce_max3A_40 = vector.multi_reduction <maximumf>, %add3A_39, %reduce_max3A [1] : vector<360x128xf32> to vector<360xf32>
    %broadcast_in_dim3A = vector.shape_cast %reduce_max3A_40 : vector<360xf32> to vector<360x1xf32>
    %sub3A = vector.broadcast %broadcast_in_dim3A : vector<360x1xf32> to vector<360x128xf32>
    %sub3A_41 = arith.subf %add3A_39, %sub3A : vector<360x128xf32>
    %exp3A = math.exp %sub3A_41 : vector<360x128xf32>
    %get3A_42 = arith.constant 0 : index
    %get3A_43 = arith.constant 0 : index
    %get3A_44 = vector.load %arg9[%get3A_42, %get3A_43] : memref<128x128xf32, #tpu.memory_space<vmem>>, vector<128x128xf32>
    %dot_general3A_45 = arith.constant dense<0.000000e+00> : vector<360x128xf32>
    %dot_general3A_46 = tpu.matmul %exp3A, %get3A_44, %dot_general3A_45 {dimension_numbers = #tpu.dot_dimension_numbers<[1], [0], [0], [1], [0, 0, 1, 1], [], []>, transpose_lhs_hint = false} : vector<360x128xf32>, vector<128x128xf32>, vector<360x128xf32> -> vector<360x128xf32>
    %div3A = arith.divf %exp3A, %dot_general3A_46 : vector<360x128xf32>
    %get3A_47 = arith.constant 4 : index
    %get3A_48 = arith.constant 0 : index
    %get3A_49 = vector.load %arg7[%get3A_47, %get3A_48] : memref<5x128xi32, #tpu.memory_space<vmem>>, vector<1x128xi32>
    %get3A_50 = arith.constant 0 : index
    %get3A_51 = arith.constant 0 : index
    %get3A_52 = vector.load %arg8[%get3A_50, %get3A_51] : memref<3x128xf32, #tpu.memory_space<vmem>>, vector<1x128xf32>
    %get3A_53 = arith.constant 1 : index
    %get3A_54 = arith.constant 0 : index
    %get3A_55 = vector.load %arg8[%get3A_53, %get3A_54] : memref<3x128xf32, #tpu.memory_space<vmem>>, vector<1x128xf32>
    %get3A_56 = arith.constant 2 : index
    %get3A_57 = arith.constant 0 : index
    %get3A_58 = vector.load %arg8[%get3A_56, %get3A_57] : memref<3x128xf32, #tpu.memory_space<vmem>>, vector<1x128xf32>
    %get3A_59 = arith.constant 0 : index
    %get3A_60 = arith.constant 0 : index
    %get3A_61 = vector.load %arg7[%get3A_59, %get3A_60] : memref<5x128xi32, #tpu.memory_space<vmem>>, vector<1x128xi32>
    %get3A_62 = arith.constant 1 : index
    %get3A_63 = arith.constant 0 : index
    %get3A_64 = vector.load %arg7[%get3A_62, %get3A_63] : memref<5x128xi32, #tpu.memory_space<vmem>>, vector<1x128xi32>
    %get3A_65 = arith.constant 2 : index
    %get3A_66 = arith.constant 0 : index
    %get3A_67 = vector.load %arg7[%get3A_65, %get3A_66] : memref<5x128xi32, #tpu.memory_space<vmem>>, vector<1x128xi32>
    %get3A_68 = arith.constant 3 : index
    %get3A_69 = arith.constant 0 : index
    %get3A_70 = vector.load %arg7[%get3A_68, %get3A_69] : memref<5x128xi32, #tpu.memory_space<vmem>>, vector<1x128xi32>
    %get3A_71 = arith.constant 0 : index
    %get3A_72 = arith.constant 0 : index
    %get3A_73 = vector.load %arg2[%get3A_71, %get3A_72] : memref<360x12xf32, #tpu.memory_space<vmem>>, vector<360x12xf32>
    %eq3A = arith.constant 0 : i32
    %eq3A_74 = vector.broadcast %eq3A : i32 to vector<1x128xi32>
    %eq3A_75 = arith.cmpi eq, %get3A_49, %eq3A_74 : vector<1x128xi32>
    %slice3A = vector.extract_strided_slice %get3A_73 {offsets = [0, 0], sizes = [360, 1], strides = [1, 1]} : vector<360x12xf32> to vector<360x1xf32>
    %eq3A_76 = arith.constant 1 : i32
    %eq3A_77 = vector.broadcast %eq3A_76 : i32 to vector<1x128xi32>
    %eq3A_78 = arith.cmpi eq, %get3A_49, %eq3A_77 : vector<1x128xi32>
    %slice3A_79 = vector.extract_strided_slice %get3A_73 {offsets = [0, 3], sizes = [360, 1], strides = [1, 1]} : vector<360x12xf32> to vector<360x1xf32>
    %eq3A_80 = arith.constant 2 : i32
    %eq3A_81 = vector.broadcast %eq3A_80 : i32 to vector<1x128xi32>
    %eq3A_82 = arith.cmpi eq, %get3A_49, %eq3A_81 : vector<1x128xi32>
    %slice3A_83 = vector.extract_strided_slice %get3A_73 {offsets = [0, 6], sizes = [360, 1], strides = [1, 1]} : vector<360x12xf32> to vector<360x1xf32>
    %slice3A_84 = vector.extract_strided_slice %get3A_73 {offsets = [0, 9], sizes = [360, 1], strides = [1, 1]} : vector<360x12xf32> to vector<360x1xf32>
    %broadcast_in_dim3A_85 = vector.shape_cast %eq3A_82 : vector<1x128xi1> to vector<1x128xi1>
    %broadcast_in_dim3A_86 = vector.broadcast %broadcast_in_dim3A_85 : vector<1x128xi1> to vector<360x128xi1>
    %broadcast_in_dim3A_87 = vector.shape_cast %slice3A_83 : vector<360x1xf32> to vector<360x1xf32>
    %broadcast_in_dim3A_88 = vector.broadcast %broadcast_in_dim3A_87 : vector<360x1xf32> to vector<360x128xf32>
    %broadcast_in_dim3A_89 = vector.shape_cast %slice3A_84 : vector<360x1xf32> to vector<360x1xf32>
    %broadcast_in_dim3A_90 = vector.broadcast %broadcast_in_dim3A_89 : vector<360x1xf32> to vector<360x128xf32>
    %select_n3A = arith.select %broadcast_in_dim3A_86, %broadcast_in_dim3A_88, %broadcast_in_dim3A_90 : vector<360x128xi1>, vector<360x128xf32>
    %broadcast_in_dim3A_91 = vector.shape_cast %eq3A_78 : vector<1x128xi1> to vector<1x128xi1>
    %broadcast_in_dim3A_92 = vector.broadcast %broadcast_in_dim3A_91 : vector<1x128xi1> to vector<360x128xi1>
    %broadcast_in_dim3A_93 = vector.shape_cast %slice3A_79 : vector<360x1xf32> to vector<360x1xf32>
    %broadcast_in_dim3A_94 = vector.broadcast %broadcast_in_dim3A_93 : vector<360x1xf32> to vector<360x128xf32>
    %select_n3A_95 = arith.select %broadcast_in_dim3A_92, %broadcast_in_dim3A_94, %select_n3A : vector<360x128xi1>, vector<360x128xf32>
    %broadcast_in_dim3A_96 = vector.shape_cast %eq3A_75 : vector<1x128xi1> to vector<1x128xi1>
    %broadcast_in_dim3A_97 = vector.broadcast %broadcast_in_dim3A_96 : vector<1x128xi1> to vector<360x128xi1>
    %broadcast_in_dim3A_98 = vector.shape_cast %slice3A : vector<360x1xf32> to vector<360x1xf32>
    %broadcast_in_dim3A_99 = vector.broadcast %broadcast_in_dim3A_98 : vector<360x1xf32> to vector<360x128xf32>
    %select_n3A_100 = arith.select %broadcast_in_dim3A_97, %broadcast_in_dim3A_99, %select_n3A_95 : vector<360x128xi1>, vector<360x128xf32>
    %mul3A = vector.broadcast %get3A_52 : vector<1x128xf32> to vector<360x128xf32>
    %mul3A_101 = arith.mulf %select_n3A_100, %mul3A : vector<360x128xf32>
    %sub3A_102 = arith.constant 5.000000e-01 : f32
    %sub3A_103 = vector.broadcast %sub3A_102 : f32 to vector<360x128xf32>
    %sub3A_104 = arith.subf %mul3A_101, %sub3A_103 : vector<360x128xf32>
    %add3A_105 = arith.addf %sub3A_104, %add3A_9 : vector<360x128xf32>
    %eq3A_106 = arith.constant 0 : i32
    %eq3A_107 = vector.broadcast %eq3A_106 : i32 to vector<1x128xi32>
    %eq3A_108 = arith.cmpi eq, %get3A_49, %eq3A_107 : vector<1x128xi32>
    %slice3A_109 = vector.extract_strided_slice %get3A_73 {offsets = [0, 1], sizes = [360, 1], strides = [1, 1]} : vector<360x12xf32> to vector<360x1xf32>
    %eq3A_110 = arith.constant 1 : i32
    %eq3A_111 = vector.broadcast %eq3A_110 : i32 to vector<1x128xi32>
    %eq3A_112 = arith.cmpi eq, %get3A_49, %eq3A_111 : vector<1x128xi32>
    %slice3A_113 = vector.extract_strided_slice %get3A_73 {offsets = [0, 4], sizes = [360, 1], strides = [1, 1]} : vector<360x12xf32> to vector<360x1xf32>
    %eq3A_114 = arith.constant 2 : i32
    %eq3A_115 = vector.broadcast %eq3A_114 : i32 to vector<1x128xi32>
    %eq3A_116 = arith.cmpi eq, %get3A_49, %eq3A_115 : vector<1x128xi32>
    %slice3A_117 = vector.extract_strided_slice %get3A_73 {offsets = [0, 7], sizes = [360, 1], strides = [1, 1]} : vector<360x12xf32> to vector<360x1xf32>
    %slice3A_118 = vector.extract_strided_slice %get3A_73 {offsets = [0, 10], sizes = [360, 1], strides = [1, 1]} : vector<360x12xf32> to vector<360x1xf32>
    %broadcast_in_dim3A_119 = vector.shape_cast %eq3A_116 : vector<1x128xi1> to vector<1x128xi1>
    %broadcast_in_dim3A_120 = vector.broadcast %broadcast_in_dim3A_119 : vector<1x128xi1> to vector<360x128xi1>
    %broadcast_in_dim3A_121 = vector.shape_cast %slice3A_117 : vector<360x1xf32> to vector<360x1xf32>
    %broadcast_in_dim3A_122 = vector.broadcast %broadcast_in_dim3A_121 : vector<360x1xf32> to vector<360x128xf32>
    %broadcast_in_dim3A_123 = vector.shape_cast %slice3A_118 : vector<360x1xf32> to vector<360x1xf32>
    %broadcast_in_dim3A_124 = vector.broadcast %broadcast_in_dim3A_123 : vector<360x1xf32> to vector<360x128xf32>
    %select_n3A_125 = arith.select %broadcast_in_dim3A_120, %broadcast_in_dim3A_122, %broadcast_in_dim3A_124 : vector<360x128xi1>, vector<360x128xf32>
    %broadcast_in_dim3A_126 = vector.shape_cast %eq3A_112 : vector<1x128xi1> to vector<1x128xi1>
    %broadcast_in_dim3A_127 = vector.broadcast %broadcast_in_dim3A_126 : vector<1x128xi1> to vector<360x128xi1>
    %broadcast_in_dim3A_128 = vector.shape_cast %slice3A_113 : vector<360x1xf32> to vector<360x1xf32>
    %broadcast_in_dim3A_129 = vector.broadcast %broadcast_in_dim3A_128 : vector<360x1xf32> to vector<360x128xf32>
    %select_n3A_130 = arith.select %broadcast_in_dim3A_127, %broadcast_in_dim3A_129, %select_n3A_125 : vector<360x128xi1>, vector<360x128xf32>
    %broadcast_in_dim3A_131 = vector.shape_cast %eq3A_108 : vector<1x128xi1> to vector<1x128xi1>
    %broadcast_in_dim3A_132 = vector.broadcast %broadcast_in_dim3A_131 : vector<1x128xi1> to vector<360x128xi1>
    %broadcast_in_dim3A_133 = vector.shape_cast %slice3A_109 : vector<360x1xf32> to vector<360x1xf32>
    %broadcast_in_dim3A_134 = vector.broadcast %broadcast_in_dim3A_133 : vector<360x1xf32> to vector<360x128xf32>
    %select_n3A_135 = arith.select %broadcast_in_dim3A_132, %broadcast_in_dim3A_134, %select_n3A_130 : vector<360x128xi1>, vector<360x128xf32>
    %mul3A_136 = vector.broadcast %get3A_55 : vector<1x128xf32> to vector<360x128xf32>
    %mul3A_137 = arith.mulf %select_n3A_135, %mul3A_136 : vector<360x128xf32>
    %sub3A_138 = arith.constant 5.000000e-01 : f32
    %sub3A_139 = vector.broadcast %sub3A_138 : f32 to vector<360x128xf32>
    %sub3A_140 = arith.subf %mul3A_137, %sub3A_139 : vector<360x128xf32>
    %add3A_141 = arith.addf %sub3A_140, %add3A_19 : vector<360x128xf32>
    %eq3A_142 = arith.constant 0 : i32
    %eq3A_143 = vector.broadcast %eq3A_142 : i32 to vector<1x128xi32>
    %eq3A_144 = arith.cmpi eq, %get3A_49, %eq3A_143 : vector<1x128xi32>
    %slice3A_145 = vector.extract_strided_slice %get3A_73 {offsets = [0, 2], sizes = [360, 1], strides = [1, 1]} : vector<360x12xf32> to vector<360x1xf32>
    %eq3A_146 = arith.constant 1 : i32
    %eq3A_147 = vector.broadcast %eq3A_146 : i32 to vector<1x128xi32>
    %eq3A_148 = arith.cmpi eq, %get3A_49, %eq3A_147 : vector<1x128xi32>
    %slice3A_149 = vector.extract_strided_slice %get3A_73 {offsets = [0, 5], sizes = [360, 1], strides = [1, 1]} : vector<360x12xf32> to vector<360x1xf32>
    %eq3A_150 = arith.constant 2 : i32
    %eq3A_151 = vector.broadcast %eq3A_150 : i32 to vector<1x128xi32>
    %eq3A_152 = arith.cmpi eq, %get3A_49, %eq3A_151 : vector<1x128xi32>
    %slice3A_153 = vector.extract_strided_slice %get3A_73 {offsets = [0, 8], sizes = [360, 1], strides = [1, 1]} : vector<360x12xf32> to vector<360x1xf32>
    %slice3A_154 = vector.extract_strided_slice %get3A_73 {offsets = [0, 11], sizes = [360, 1], strides = [1, 1]} : vector<360x12xf32> to vector<360x1xf32>
    %broadcast_in_dim3A_155 = vector.shape_cast %eq3A_152 : vector<1x128xi1> to vector<1x128xi1>
    %broadcast_in_dim3A_156 = vector.broadcast %broadcast_in_dim3A_155 : vector<1x128xi1> to vector<360x128xi1>
    %broadcast_in_dim3A_157 = vector.shape_cast %slice3A_153 : vector<360x1xf32> to vector<360x1xf32>
    %broadcast_in_dim3A_158 = vector.broadcast %broadcast_in_dim3A_157 : vector<360x1xf32> to vector<360x128xf32>
    %broadcast_in_dim3A_159 = vector.shape_cast %slice3A_154 : vector<360x1xf32> to vector<360x1xf32>
    %broadcast_in_dim3A_160 = vector.broadcast %broadcast_in_dim3A_159 : vector<360x1xf32> to vector<360x128xf32>
    %select_n3A_161 = arith.select %broadcast_in_dim3A_156, %broadcast_in_dim3A_158, %broadcast_in_dim3A_160 : vector<360x128xi1>, vector<360x128xf32>
    %broadcast_in_dim3A_162 = vector.shape_cast %eq3A_148 : vector<1x128xi1> to vector<1x128xi1>
    %broadcast_in_dim3A_163 = vector.broadcast %broadcast_in_dim3A_162 : vector<1x128xi1> to vector<360x128xi1>
    %broadcast_in_dim3A_164 = vector.shape_cast %slice3A_149 : vector<360x1xf32> to vector<360x1xf32>
    %broadcast_in_dim3A_165 = vector.broadcast %broadcast_in_dim3A_164 : vector<360x1xf32> to vector<360x128xf32>
    %select_n3A_166 = arith.select %broadcast_in_dim3A_163, %broadcast_in_dim3A_165, %select_n3A_161 : vector<360x128xi1>, vector<360x128xf32>
    %broadcast_in_dim3A_167 = vector.shape_cast %eq3A_144 : vector<1x128xi1> to vector<1x128xi1>
    %broadcast_in_dim3A_168 = vector.broadcast %broadcast_in_dim3A_167 : vector<1x128xi1> to vector<360x128xi1>
    %broadcast_in_dim3A_169 = vector.shape_cast %slice3A_145 : vector<360x1xf32> to vector<360x1xf32>
    %broadcast_in_dim3A_170 = vector.broadcast %broadcast_in_dim3A_169 : vector<360x1xf32> to vector<360x128xf32>
    %select_n3A_171 = arith.select %broadcast_in_dim3A_168, %broadcast_in_dim3A_170, %select_n3A_166 : vector<360x128xi1>, vector<360x128xf32>
    %mul3A_172 = vector.broadcast %get3A_58 : vector<1x128xf32> to vector<360x128xf32>
    %mul3A_173 = arith.mulf %select_n3A_171, %mul3A_172 : vector<360x128xf32>
    %sub3A_174 = arith.constant 5.000000e-01 : f32
    %sub3A_175 = vector.broadcast %sub3A_174 : f32 to vector<360x128xf32>
    %sub3A_176 = arith.subf %mul3A_173, %sub3A_175 : vector<360x128xf32>
    %add3A_177 = arith.addf %sub3A_176, %add3A_29 : vector<360x128xf32>
    %floor3A = math.floor %add3A_105 : vector<360x128xf32>
    %floor3A_178 = math.floor %add3A_141 : vector<360x128xf32>
    %floor3A_179 = math.floor %add3A_177 : vector<360x128xf32>
    %sub3A_180 = arith.subf %add3A_105, %floor3A : vector<360x128xf32>
    %sub3A_181 = arith.subf %add3A_141, %floor3A_178 : vector<360x128xf32>
    %sub3A_182 = arith.subf %add3A_177, %floor3A_179 : vector<360x128xf32>
    %mul3A_183 = arith.constant 360 : i32
    %mul3A_184 = arith.muli %arg0, %mul3A_183 : i32
    %iota3A = tpu.iota {dimensions = array<i32: 0>} : vector<360x1xi32>
    %add3A_185 = vector.broadcast %mul3A_184 : i32 to vector<360x1xi32>
    %add3A_186 = arith.addi %add3A_185, %iota3A : vector<360x1xi32>
    %ge3A = arith.constant 900 : i32
    %ge3A_187 = vector.broadcast %ge3A : i32 to vector<360x1xi32>
    %ge3A_188 = arith.cmpi sge, %add3A_186, %ge3A_187 : vector<360x1xi32>
    %jit3A = arith.constant 86528 : i32
    %jit3A_189 = arith.constant 0 : i32
    %broadcast_in_dim3A_190 = vector.broadcast %jit3A : i32 to vector<360x1xi32>
    %broadcast_in_dim3A_191 = vector.broadcast %jit3A_189 : i32 to vector<360x1xi32>
    %select_n3A_192 = arith.select %ge3A_188, %broadcast_in_dim3A_190, %broadcast_in_dim3A_191 : vector<360x1xi1>, vector<360x1xi32>
    %add3A_193 = arith.constant 0.000000e+00 : f32
    %add3A_194 = vector.broadcast %add3A_193 : f32 to vector<360x128xf32>
    %add3A_195 = arith.addf %floor3A, %add3A_194 : vector<360x128xf32>
    %add3A_196 = arith.constant 0.000000e+00 : f32
    %add3A_197 = vector.broadcast %add3A_196 : f32 to vector<360x128xf32>
    %add3A_198 = arith.addf %floor3A_178, %add3A_197 : vector<360x128xf32>
    %add3A_199 = arith.constant 0.000000e+00 : f32
    %add3A_200 = vector.broadcast %add3A_199 : f32 to vector<360x128xf32>
    %add3A_201 = arith.addf %floor3A_179, %add3A_200 : vector<360x128xf32>
    %sub3A_202 = arith.constant 1.000000e+00 : f32
    %sub3A_203 = vector.broadcast %sub3A_202 : f32 to vector<360x128xf32>
    %sub3A_204 = arith.subf %sub3A_203, %sub3A_180 : vector<360x128xf32>
    %sub3A_205 = arith.constant 1.000000e+00 : f32
    %sub3A_206 = vector.broadcast %sub3A_205 : f32 to vector<360x128xf32>
    %sub3A_207 = arith.subf %sub3A_206, %sub3A_181 : vector<360x128xf32>
    %sub3A_208 = arith.constant 1.000000e+00 : f32
    %sub3A_209 = vector.broadcast %sub3A_208 : f32 to vector<360x128xf32>
    %sub3A_210 = arith.subf %sub3A_209, %sub3A_182 : vector<360x128xf32>
    %ge3A_211 = arith.constant 0.000000e+00 : f32
    %ge3A_212 = vector.broadcast %ge3A_211 : f32 to vector<360x128xf32>
    %ge3A_213 = arith.cmpf oge, %add3A_195, %ge3A_212 : vector<360x128xf32>
    %lt3A = vector.broadcast %get3A_52 : vector<1x128xf32> to vector<360x128xf32>
    %lt3A_214 = arith.cmpf olt, %add3A_195, %lt3A : vector<360x128xf32>
    %and3A = arith.andi %ge3A_213, %lt3A_214 : vector<360x128xi1>
    %ge3A_215 = arith.constant 0.000000e+00 : f32
    %ge3A_216 = vector.broadcast %ge3A_215 : f32 to vector<360x128xf32>
    %ge3A_217 = arith.cmpf oge, %add3A_198, %ge3A_216 : vector<360x128xf32>
    %and3A_218 = arith.andi %and3A, %ge3A_217 : vector<360x128xi1>
    %lt3A_219 = vector.broadcast %get3A_55 : vector<1x128xf32> to vector<360x128xf32>
    %lt3A_220 = arith.cmpf olt, %add3A_198, %lt3A_219 : vector<360x128xf32>
    %and3A_221 = arith.andi %and3A_218, %lt3A_220 : vector<360x128xi1>
    %ge3A_222 = arith.constant 0.000000e+00 : f32
    %ge3A_223 = vector.broadcast %ge3A_222 : f32 to vector<360x128xf32>
    %ge3A_224 = arith.cmpf oge, %add3A_201, %ge3A_223 : vector<360x128xf32>
    %and3A_225 = arith.andi %and3A_221, %ge3A_224 : vector<360x128xi1>
    %lt3A_226 = vector.broadcast %get3A_58 : vector<1x128xf32> to vector<360x128xf32>
    %lt3A_227 = arith.cmpf olt, %add3A_201, %lt3A_226 : vector<360x128xf32>
    %and3A_228 = arith.andi %and3A_225, %lt3A_227 : vector<360x128xi1>
    %sub3A_229 = arith.constant 1.000000e+00 : f32
    %sub3A_230 = vector.broadcast %sub3A_229 : f32 to vector<1x128xf32>
    %sub3A_231 = arith.subf %get3A_52, %sub3A_230 : vector<1x128xf32>
    %jit3A_232 = arith.constant 0.000000e+00 : f32
    %max3A = vector.broadcast %jit3A_232 : f32 to vector<360x128xf32>
    %max3A_233 = arith.maximumf %max3A, %add3A_195 : vector<360x128xf32>
    %min3A = vector.broadcast %sub3A_231 : vector<1x128xf32> to vector<360x128xf32>
    %min3A_234 = arith.minimumf %min3A, %max3A_233 : vector<360x128xf32>
    %convert_element_type3A = arith.fptosi %min3A_234 : vector<360x128xf32> to vector<360x128xi32>
    %sub3A_235 = arith.constant 1.000000e+00 : f32
    %sub3A_236 = vector.broadcast %sub3A_235 : f32 to vector<1x128xf32>
    %sub3A_237 = arith.subf %get3A_55, %sub3A_236 : vector<1x128xf32>
    %jit3A_238 = arith.constant 0.000000e+00 : f32
    %max3A_239 = vector.broadcast %jit3A_238 : f32 to vector<360x128xf32>
    %max3A_240 = arith.maximumf %max3A_239, %add3A_198 : vector<360x128xf32>
    %min3A_241 = vector.broadcast %sub3A_237 : vector<1x128xf32> to vector<360x128xf32>
    %min3A_242 = arith.minimumf %min3A_241, %max3A_240 : vector<360x128xf32>
    %convert_element_type3A_243 = arith.fptosi %min3A_242 : vector<360x128xf32> to vector<360x128xi32>
    %sub3A_244 = arith.constant 1.000000e+00 : f32
    %sub3A_245 = vector.broadcast %sub3A_244 : f32 to vector<1x128xf32>
    %sub3A_246 = arith.subf %get3A_58, %sub3A_245 : vector<1x128xf32>
    %jit3A_247 = arith.constant 0.000000e+00 : f32
    %max3A_248 = vector.broadcast %jit3A_247 : f32 to vector<360x128xf32>
    %max3A_249 = arith.maximumf %max3A_248, %add3A_201 : vector<360x128xf32>
    %min3A_250 = vector.broadcast %sub3A_246 : vector<1x128xf32> to vector<360x128xf32>
    %min3A_251 = arith.minimumf %min3A_250, %max3A_249 : vector<360x128xf32>
    %convert_element_type3A_252 = arith.fptosi %min3A_251 : vector<360x128xf32> to vector<360x128xi32>
    %mul3A_253 = vector.broadcast %get3A_64 : vector<1x128xi32> to vector<360x128xi32>
    %mul3A_254 = arith.muli %convert_element_type3A_252, %mul3A_253 : vector<360x128xi32>
    %add3A_255 = arith.addi %mul3A_254, %convert_element_type3A_243 : vector<360x128xi32>
    %mul3A_256 = vector.broadcast %get3A_61 : vector<1x128xi32> to vector<360x128xi32>
    %mul3A_257 = arith.muli %add3A_255, %mul3A_256 : vector<360x128xi32>
    %add3A_258 = arith.addi %mul3A_257, %convert_element_type3A : vector<360x128xi32>
    %add3A_259 = vector.broadcast %select_n3A_192 : vector<360x1xi32> to vector<360x128xi32>
    %add3A_260 = vector.broadcast %get3A_67 : vector<1x128xi32> to vector<360x128xi32>
    %add3A_261 = arith.addi %add3A_259, %add3A_260 : vector<360x128xi32>
    %add3A_262 = arith.addi %add3A_261, %add3A_258 : vector<360x128xi32>
    %mul3A_263 = arith.constant 8 : i32
    %mul3A_264 = vector.broadcast %mul3A_263 : i32 to vector<360x128xi32>
    %mul3A_265 = arith.muli %add3A_262, %mul3A_264 : vector<360x128xi32>
    %add3A_266 = vector.broadcast %get3A_70 : vector<1x128xi32> to vector<360x128xi32>
    %add3A_267 = arith.addi %mul3A_265, %add3A_266 : vector<360x128xi32>
    %mul3A_268 = arith.mulf %sub3A_204, %sub3A_207 : vector<360x128xf32>
    %mul3A_269 = arith.mulf %mul3A_268, %sub3A_210 : vector<360x128xf32>
    %convert_element_type3A_270 = arith.extui %and3A_228 : vector<360x128xi1> to vector<360x128xi32>
    %convert_element_type3A_271 = arith.sitofp %convert_element_type3A_270 : vector<360x128xi32> to vector<360x128xf32>
    %mul3A_272 = arith.mulf %mul3A_269, %convert_element_type3A_271 : vector<360x128xf32>
    %mul3A_273 = arith.mulf %mul3A_272, %div3A : vector<360x128xf32>
    %swap3A = arith.constant 0 : index
    %swap3A_274 = arith.constant 0 : index
    %swap3A_275 = vector.load %arg10[%swap3A, %swap3A_274] : memref<360x1024xi32, #tpu.memory_space<vmem>>, vector<360x128xi32>
    tpu.vector_store %arg10[%swap3A, %swap3A_274], %add3A_267 {strides = array<i32>} : memref<360x1024xi32, #tpu.memory_space<vmem>>, vector<360x128xi32>,
    %swap3A_276 = arith.constant 0 : index
    %swap3A_277 = arith.constant 0 : index
    %swap3A_278 = vector.load %arg11[%swap3A_276, %swap3A_277] : memref<360x1024xf32, #tpu.memory_space<vmem>>, vector<360x128xf32>
    tpu.vector_store %arg11[%swap3A_276, %swap3A_277], %mul3A_273 {strides = array<i32>} : memref<360x1024xf32, #tpu.memory_space<vmem>>, vector<360x128xf32>,
    %add3A_279 = arith.constant 1.000000e+00 : f32
    %add3A_280 = vector.broadcast %add3A_279 : f32 to vector<360x128xf32>
    %add3A_281 = arith.addf %floor3A, %add3A_280 : vector<360x128xf32>
    %add3A_282 = arith.constant 0.000000e+00 : f32
    %add3A_283 = vector.broadcast %add3A_282 : f32 to vector<360x128xf32>
    %add3A_284 = arith.addf %floor3A_178, %add3A_283 : vector<360x128xf32>
    %add3A_285 = arith.constant 0.000000e+00 : f32
    %add3A_286 = vector.broadcast %add3A_285 : f32 to vector<360x128xf32>
    %add3A_287 = arith.addf %floor3A_179, %add3A_286 : vector<360x128xf32>
    %sub3A_288 = arith.constant 1.000000e+00 : f32
    %sub3A_289 = vector.broadcast %sub3A_288 : f32 to vector<360x128xf32>
    %sub3A_290 = arith.subf %sub3A_289, %sub3A_181 : vector<360x128xf32>
    %sub3A_291 = arith.constant 1.000000e+00 : f32
    %sub3A_292 = vector.broadcast %sub3A_291 : f32 to vector<360x128xf32>
    %sub3A_293 = arith.subf %sub3A_292, %sub3A_182 : vector<360x128xf32>
    %ge3A_294 = arith.constant 0.000000e+00 : f32
    %ge3A_295 = vector.broadcast %ge3A_294 : f32 to vector<360x128xf32>
    %ge3A_296 = arith.cmpf oge, %add3A_281, %ge3A_295 : vector<360x128xf32>
    %lt3A_297 = vector.broadcast %get3A_52 : vector<1x128xf32> to vector<360x128xf32>
    %lt3A_298 = arith.cmpf olt, %add3A_281, %lt3A_297 : vector<360x128xf32>
    %and3A_299 = arith.andi %ge3A_296, %lt3A_298 : vector<360x128xi1>
    %ge3A_300 = arith.constant 0.000000e+00 : f32
    %ge3A_301 = vector.broadcast %ge3A_300 : f32 to vector<360x128xf32>
    %ge3A_302 = arith.cmpf oge, %add3A_284, %ge3A_301 : vector<360x128xf32>
    %and3A_303 = arith.andi %and3A_299, %ge3A_302 : vector<360x128xi1>
    %lt3A_304 = vector.broadcast %get3A_55 : vector<1x128xf32> to vector<360x128xf32>
    %lt3A_305 = arith.cmpf olt, %add3A_284, %lt3A_304 : vector<360x128xf32>
    %and3A_306 = arith.andi %and3A_303, %lt3A_305 : vector<360x128xi1>
    %ge3A_307 = arith.constant 0.000000e+00 : f32
    %ge3A_308 = vector.broadcast %ge3A_307 : f32 to vector<360x128xf32>
    %ge3A_309 = arith.cmpf oge, %add3A_287, %ge3A_308 : vector<360x128xf32>
    %and3A_310 = arith.andi %and3A_306, %ge3A_309 : vector<360x128xi1>
    %lt3A_311 = vector.broadcast %get3A_58 : vector<1x128xf32> to vector<360x128xf32>
    %lt3A_312 = arith.cmpf olt, %add3A_287, %lt3A_311 : vector<360x128xf32>
    %and3A_313 = arith.andi %and3A_310, %lt3A_312 : vector<360x128xi1>
    %sub3A_314 = arith.constant 1.000000e+00 : f32
    %sub3A_315 = vector.broadcast %sub3A_314 : f32 to vector<1x128xf32>
    %sub3A_316 = arith.subf %get3A_52, %sub3A_315 : vector<1x128xf32>
    %jit3A_317 = arith.constant 0.000000e+00 : f32
    %max3A_318 = vector.broadcast %jit3A_317 : f32 to vector<360x128xf32>
    %max3A_319 = arith.maximumf %max3A_318, %add3A_281 : vector<360x128xf32>
    %min3A_320 = vector.broadcast %sub3A_316 : vector<1x128xf32> to vector<360x128xf32>
    %min3A_321 = arith.minimumf %min3A_320, %max3A_319 : vector<360x128xf32>
    %convert_element_type3A_322 = arith.fptosi %min3A_321 : vector<360x128xf32> to vector<360x128xi32>
    %sub3A_323 = arith.constant 1.000000e+00 : f32
    %sub3A_324 = vector.broadcast %sub3A_323 : f32 to vector<1x128xf32>
    %sub3A_325 = arith.subf %get3A_55, %sub3A_324 : vector<1x128xf32>
    %jit3A_326 = arith.constant 0.000000e+00 : f32
    %max3A_327 = vector.broadcast %jit3A_326 : f32 to vector<360x128xf32>
    %max3A_328 = arith.maximumf %max3A_327, %add3A_284 : vector<360x128xf32>
    %min3A_329 = vector.broadcast %sub3A_325 : vector<1x128xf32> to vector<360x128xf32>
    %min3A_330 = arith.minimumf %min3A_329, %max3A_328 : vector<360x128xf32>
    %convert_element_type3A_331 = arith.fptosi %min3A_330 : vector<360x128xf32> to vector<360x128xi32>
    %sub3A_332 = arith.constant 1.000000e+00 : f32
    %sub3A_333 = vector.broadcast %sub3A_332 : f32 to vector<1x128xf32>
    %sub3A_334 = arith.subf %get3A_58, %sub3A_333 : vector<1x128xf32>
    %jit3A_335 = arith.constant 0.000000e+00 : f32
    %max3A_336 = vector.broadcast %jit3A_335 : f32 to vector<360x128xf32>
    %max3A_337 = arith.maximumf %max3A_336, %add3A_287 : vector<360x128xf32>
    %min3A_338 = vector.broadcast %sub3A_334 : vector<1x128xf32> to vector<360x128xf32>
    %min3A_339 = arith.minimumf %min3A_338, %max3A_337 : vector<360x128xf32>
    %convert_element_type3A_340 = arith.fptosi %min3A_339 : vector<360x128xf32> to vector<360x128xi32>
    %mul3A_341 = vector.broadcast %get3A_64 : vector<1x128xi32> to vector<360x128xi32>
    %mul3A_342 = arith.muli %convert_element_type3A_340, %mul3A_341 : vector<360x128xi32>
    %add3A_343 = arith.addi %mul3A_342, %convert_element_type3A_331 : vector<360x128xi32>
    %mul3A_344 = vector.broadcast %get3A_61 : vector<1x128xi32> to vector<360x128xi32>
    %mul3A_345 = arith.muli %add3A_343, %mul3A_344 : vector<360x128xi32>
    %add3A_346 = arith.addi %mul3A_345, %convert_element_type3A_322 : vector<360x128xi32>
    %add3A_347 = vector.broadcast %select_n3A_192 : vector<360x1xi32> to vector<360x128xi32>
    %add3A_348 = vector.broadcast %get3A_67 : vector<1x128xi32> to vector<360x128xi32>
    %add3A_349 = arith.addi %add3A_347, %add3A_348 : vector<360x128xi32>
    %add3A_350 = arith.addi %add3A_349, %add3A_346 : vector<360x128xi32>
    %mul3A_351 = arith.constant 8 : i32
    %mul3A_352 = vector.broadcast %mul3A_351 : i32 to vector<360x128xi32>
    %mul3A_353 = arith.muli %add3A_350, %mul3A_352 : vector<360x128xi32>
    %add3A_354 = vector.broadcast %get3A_70 : vector<1x128xi32> to vector<360x128xi32>
    %add3A_355 = arith.addi %mul3A_353, %add3A_354 : vector<360x128xi32>
    %mul3A_356 = arith.mulf %sub3A_180, %sub3A_290 : vector<360x128xf32>
    %mul3A_357 = arith.mulf %mul3A_356, %sub3A_293 : vector<360x128xf32>
    %convert_element_type3A_358 = arith.extui %and3A_313 : vector<360x128xi1> to vector<360x128xi32>
    %convert_element_type3A_359 = arith.sitofp %convert_element_type3A_358 : vector<360x128xi32> to vector<360x128xf32>
    %mul3A_360 = arith.mulf %mul3A_357, %convert_element_type3A_359 : vector<360x128xf32>
    %mul3A_361 = arith.mulf %mul3A_360, %div3A : vector<360x128xf32>
    %swap3A_362 = arith.constant 0 : index
    %swap3A_363 = arith.constant 128 : index
    %swap3A_364 = vector.load %arg10[%swap3A_362, %swap3A_363] : memref<360x1024xi32, #tpu.memory_space<vmem>>, vector<360x128xi32>
    tpu.vector_store %arg10[%swap3A_362, %swap3A_363], %add3A_355 {strides = array<i32>} : memref<360x1024xi32, #tpu.memory_space<vmem>>, vector<360x128xi32>,
    %swap3A_365 = arith.constant 0 : index
    %swap3A_366 = arith.constant 128 : index
    %swap3A_367 = vector.load %arg11[%swap3A_365, %swap3A_366] : memref<360x1024xf32, #tpu.memory_space<vmem>>, vector<360x128xf32>
    tpu.vector_store %arg11[%swap3A_365, %swap3A_366], %mul3A_361 {strides = array<i32>} : memref<360x1024xf32, #tpu.memory_space<vmem>>, vector<360x128xf32>,
    %add3A_368 = arith.constant 0.000000e+00 : f32
    %add3A_369 = vector.broadcast %add3A_368 : f32 to vector<360x128xf32>
    %add3A_370 = arith.addf %floor3A, %add3A_369 : vector<360x128xf32>
    %add3A_371 = arith.constant 1.000000e+00 : f32
    %add3A_372 = vector.broadcast %add3A_371 : f32 to vector<360x128xf32>
    %add3A_373 = arith.addf %floor3A_178, %add3A_372 : vector<360x128xf32>
    %add3A_374 = arith.constant 0.000000e+00 : f32
    %add3A_375 = vector.broadcast %add3A_374 : f32 to vector<360x128xf32>
    %add3A_376 = arith.addf %floor3A_179, %add3A_375 : vector<360x128xf32>
    %sub3A_377 = arith.constant 1.000000e+00 : f32
    %sub3A_378 = vector.broadcast %sub3A_377 : f32 to vector<360x128xf32>
    %sub3A_379 = arith.subf %sub3A_378, %sub3A_180 : vector<360x128xf32>
    %sub3A_380 = arith.constant 1.000000e+00 : f32
    %sub3A_381 = vector.broadcast %sub3A_380 : f32 to vector<360x128xf32>
    %sub3A_382 = arith.subf %sub3A_381, %sub3A_182 : vector<360x128xf32>
    %ge3A_383 = arith.constant 0.000000e+00 : f32
    %ge3A_384 = vector.broadcast %ge3A_383 : f32 to vector<360x128xf32>
    %ge3A_385 = arith.cmpf oge, %add3A_370, %ge3A_384 : vector<360x128xf32>
    %lt3A_386 = vector.broadcast %get3A_52 : vector<1x128xf32> to vector<360x128xf32>
    %lt3A_387 = arith.cmpf olt, %add3A_370, %lt3A_386 : vector<360x128xf32>
    %and3A_388 = arith.andi %ge3A_385, %lt3A_387 : vector<360x128xi1>
    %ge3A_389 = arith.constant 0.000000e+00 : f32
    %ge3A_390 = vector.broadcast %ge3A_389 : f32 to vector<360x128xf32>
    %ge3A_391 = arith.cmpf oge, %add3A_373, %ge3A_390 : vector<360x128xf32>
    %and3A_392 = arith.andi %and3A_388, %ge3A_391 : vector<360x128xi1>
    %lt3A_393 = vector.broadcast %get3A_55 : vector<1x128xf32> to vector<360x128xf32>
    %lt3A_394 = arith.cmpf olt, %add3A_373, %lt3A_393 : vector<360x128xf32>
    %and3A_395 = arith.andi %and3A_392, %lt3A_394 : vector<360x128xi1>
    %ge3A_396 = arith.constant 0.000000e+00 : f32
    %ge3A_397 = vector.broadcast %ge3A_396 : f32 to vector<360x128xf32>
    %ge3A_398 = arith.cmpf oge, %add3A_376, %ge3A_397 : vector<360x128xf32>
    %and3A_399 = arith.andi %and3A_395, %ge3A_398 : vector<360x128xi1>
    %lt3A_400 = vector.broadcast %get3A_58 : vector<1x128xf32> to vector<360x128xf32>
    %lt3A_401 = arith.cmpf olt, %add3A_376, %lt3A_400 : vector<360x128xf32>
    %and3A_402 = arith.andi %and3A_399, %lt3A_401 : vector<360x128xi1>
    %sub3A_403 = arith.constant 1.000000e+00 : f32
    %sub3A_404 = vector.broadcast %sub3A_403 : f32 to vector<1x128xf32>
    %sub3A_405 = arith.subf %get3A_52, %sub3A_404 : vector<1x128xf32>
    %jit3A_406 = arith.constant 0.000000e+00 : f32
    %max3A_407 = vector.broadcast %jit3A_406 : f32 to vector<360x128xf32>
    %max3A_408 = arith.maximumf %max3A_407, %add3A_370 : vector<360x128xf32>
    %min3A_409 = vector.broadcast %sub3A_405 : vector<1x128xf32> to vector<360x128xf32>
    %min3A_410 = arith.minimumf %min3A_409, %max3A_408 : vector<360x128xf32>
    %convert_element_type3A_411 = arith.fptosi %min3A_410 : vector<360x128xf32> to vector<360x128xi32>
    %sub3A_412 = arith.constant 1.000000e+00 : f32
    %sub3A_413 = vector.broadcast %sub3A_412 : f32 to vector<1x128xf32>
    %sub3A_414 = arith.subf %get3A_55, %sub3A_413 : vector<1x128xf32>
    %jit3A_415 = arith.constant 0.000000e+00 : f32
    %max3A_416 = vector.broadcast %jit3A_415 : f32 to vector<360x128xf32>
    %max3A_417 = arith.maximumf %max3A_416, %add3A_373 : vector<360x128xf32>
    %min3A_418 = vector.broadcast %sub3A_414 : vector<1x128xf32> to vector<360x128xf32>
    %min3A_419 = arith.minimumf %min3A_418, %max3A_417 : vector<360x128xf32>
    %convert_element_type3A_420 = arith.fptosi %min3A_419 : vector<360x128xf32> to vector<360x128xi32>
    %sub3A_421 = arith.constant 1.000000e+00 : f32
    %sub3A_422 = vector.broadcast %sub3A_421 : f32 to vector<1x128xf32>
    %sub3A_423 = arith.subf %get3A_58, %sub3A_422 : vector<1x128xf32>
    %jit3A_424 = arith.constant 0.000000e+00 : f32
    %max3A_425 = vector.broadcast %jit3A_424 : f32 to vector<360x128xf32>
    %max3A_426 = arith.maximumf %max3A_425, %add3A_376 : vector<360x128xf32>
    %min3A_427 = vector.broadcast %sub3A_423 : vector<1x128xf32> to vector<360x128xf32>
    %min3A_428 = arith.minimumf %min3A_427, %max3A_426 : vector<360x128xf32>
    %convert_element_type3A_429 = arith.fptosi %min3A_428 : vector<360x128xf32> to vector<360x128xi32>
    %mul3A_430 = vector.broadcast %get3A_64 : vector<1x128xi32> to vector<360x128xi32>
    %mul3A_431 = arith.muli %convert_element_type3A_429, %mul3A_430 : vector<360x128xi32>
    %add3A_432 = arith.addi %mul3A_431, %convert_element_type3A_420 : vector<360x128xi32>
    %mul3A_433 = vector.broadcast %get3A_61 : vector<1x128xi32> to vector<360x128xi32>
    %mul3A_434 = arith.muli %add3A_432, %mul3A_433 : vector<360x128xi32>
    %add3A_435 = arith.addi %mul3A_434, %convert_element_type3A_411 : vector<360x128xi32>
    %add3A_436 = vector.broadcast %select_n3A_192 : vector<360x1xi32> to vector<360x128xi32>
    %add3A_437 = vector.broadcast %get3A_67 : vector<1x128xi32> to vector<360x128xi32>
    %add3A_438 = arith.addi %add3A_436, %add3A_437 : vector<360x128xi32>
    %add3A_439 = arith.addi %add3A_438, %add3A_435 : vector<360x128xi32>
    %mul3A_440 = arith.constant 8 : i32
    %mul3A_441 = vector.broadcast %mul3A_440 : i32 to vector<360x128xi32>
    %mul3A_442 = arith.muli %add3A_439, %mul3A_441 : vector<360x128xi32>
    %add3A_443 = vector.broadcast %get3A_70 : vector<1x128xi32> to vector<360x128xi32>
    %add3A_444 = arith.addi %mul3A_442, %add3A_443 : vector<360x128xi32>
    %mul3A_445 = arith.mulf %sub3A_379, %sub3A_181 : vector<360x128xf32>
    %mul3A_446 = arith.mulf %mul3A_445, %sub3A_382 : vector<360x128xf32>
    %convert_element_type3A_447 = arith.extui %and3A_402 : vector<360x128xi1> to vector<360x128xi32>
    %convert_element_type3A_448 = arith.sitofp %convert_element_type3A_447 : vector<360x128xi32> to vector<360x128xf32>
    %mul3A_449 = arith.mulf %mul3A_446, %convert_element_type3A_448 : vector<360x128xf32>
    %mul3A_450 = arith.mulf %mul3A_449, %div3A : vector<360x128xf32>
    %swap3A_451 = arith.constant 0 : index
    %swap3A_452 = arith.constant 256 : index
    %swap3A_453 = vector.load %arg10[%swap3A_451, %swap3A_452] : memref<360x1024xi32, #tpu.memory_space<vmem>>, vector<360x128xi32>
    tpu.vector_store %arg10[%swap3A_451, %swap3A_452], %add3A_444 {strides = array<i32>} : memref<360x1024xi32, #tpu.memory_space<vmem>>, vector<360x128xi32>,
    %swap3A_454 = arith.constant 0 : index
    %swap3A_455 = arith.constant 256 : index
    %swap3A_456 = vector.load %arg11[%swap3A_454, %swap3A_455] : memref<360x1024xf32, #tpu.memory_space<vmem>>, vector<360x128xf32>
    tpu.vector_store %arg11[%swap3A_454, %swap3A_455], %mul3A_450 {strides = array<i32>} : memref<360x1024xf32, #tpu.memory_space<vmem>>, vector<360x128xf32>,
    %add3A_457 = arith.constant 1.000000e+00 : f32
    %add3A_458 = vector.broadcast %add3A_457 : f32 to vector<360x128xf32>
    %add3A_459 = arith.addf %floor3A, %add3A_458 : vector<360x128xf32>
    %add3A_460 = arith.constant 1.000000e+00 : f32
    %add3A_461 = vector.broadcast %add3A_460 : f32 to vector<360x128xf32>
    %add3A_462 = arith.addf %floor3A_178, %add3A_461 : vector<360x128xf32>
    %add3A_463 = arith.constant 0.000000e+00 : f32
    %add3A_464 = vector.broadcast %add3A_463 : f32 to vector<360x128xf32>
    %add3A_465 = arith.addf %floor3A_179, %add3A_464 : vector<360x128xf32>
    %sub3A_466 = arith.constant 1.000000e+00 : f32
    %sub3A_467 = vector.broadcast %sub3A_466 : f32 to vector<360x128xf32>
    %sub3A_468 = arith.subf %sub3A_467, %sub3A_182 : vector<360x128xf32>
    %ge3A_469 = arith.constant 0.000000e+00 : f32
    %ge3A_470 = vector.broadcast %ge3A_469 : f32 to vector<360x128xf32>
    %ge3A_471 = arith.cmpf oge, %add3A_459, %ge3A_470 : vector<360x128xf32>
    %lt3A_472 = vector.broadcast %get3A_52 : vector<1x128xf32> to vector<360x128xf32>
    %lt3A_473 = arith.cmpf olt, %add3A_459, %lt3A_472 : vector<360x128xf32>
    %and3A_474 = arith.andi %ge3A_471, %lt3A_473 : vector<360x128xi1>
    %ge3A_475 = arith.constant 0.000000e+00 : f32
    %ge3A_476 = vector.broadcast %ge3A_475 : f32 to vector<360x128xf32>
    %ge3A_477 = arith.cmpf oge, %add3A_462, %ge3A_476 : vector<360x128xf32>
    %and3A_478 = arith.andi %and3A_474, %ge3A_477 : vector<360x128xi1>
    %lt3A_479 = vector.broadcast %get3A_55 : vector<1x128xf32> to vector<360x128xf32>
    %lt3A_480 = arith.cmpf olt, %add3A_462, %lt3A_479 : vector<360x128xf32>
    %and3A_481 = arith.andi %and3A_478, %lt3A_480 : vector<360x128xi1>
    %ge3A_482 = arith.constant 0.000000e+00 : f32
    %ge3A_483 = vector.broadcast %ge3A_482 : f32 to vector<360x128xf32>
    %ge3A_484 = arith.cmpf oge, %add3A_465, %ge3A_483 : vector<360x128xf32>
    %and3A_485 = arith.andi %and3A_481, %ge3A_484 : vector<360x128xi1>
    %lt3A_486 = vector.broadcast %get3A_58 : vector<1x128xf32> to vector<360x128xf32>
    %lt3A_487 = arith.cmpf olt, %add3A_465, %lt3A_486 : vector<360x128xf32>
    %and3A_488 = arith.andi %and3A_485, %lt3A_487 : vector<360x128xi1>
    %sub3A_489 = arith.constant 1.000000e+00 : f32
    %sub3A_490 = vector.broadcast %sub3A_489 : f32 to vector<1x128xf32>
    %sub3A_491 = arith.subf %get3A_52, %sub3A_490 : vector<1x128xf32>
    %jit3A_492 = arith.constant 0.000000e+00 : f32
    %max3A_493 = vector.broadcast %jit3A_492 : f32 to vector<360x128xf32>
    %max3A_494 = arith.maximumf %max3A_493, %add3A_459 : vector<360x128xf32>
    %min3A_495 = vector.broadcast %sub3A_491 : vector<1x128xf32> to vector<360x128xf32>
    %min3A_496 = arith.minimumf %min3A_495, %max3A_494 : vector<360x128xf32>
    %convert_element_type3A_497 = arith.fptosi %min3A_496 : vector<360x128xf32> to vector<360x128xi32>
    %sub3A_498 = arith.constant 1.000000e+00 : f32
    %sub3A_499 = vector.broadcast %sub3A_498 : f32 to vector<1x128xf32>
    %sub3A_500 = arith.subf %get3A_55, %sub3A_499 : vector<1x128xf32>
    %jit3A_501 = arith.constant 0.000000e+00 : f32
    %max3A_502 = vector.broadcast %jit3A_501 : f32 to vector<360x128xf32>
    %max3A_503 = arith.maximumf %max3A_502, %add3A_462 : vector<360x128xf32>
    %min3A_504 = vector.broadcast %sub3A_500 : vector<1x128xf32> to vector<360x128xf32>
    %min3A_505 = arith.minimumf %min3A_504, %max3A_503 : vector<360x128xf32>
    %convert_element_type3A_506 = arith.fptosi %min3A_505 : vector<360x128xf32> to vector<360x128xi32>
    %sub3A_507 = arith.constant 1.000000e+00 : f32
    %sub3A_508 = vector.broadcast %sub3A_507 : f32 to vector<1x128xf32>
    %sub3A_509 = arith.subf %get3A_58, %sub3A_508 : vector<1x128xf32>
    %jit3A_510 = arith.constant 0.000000e+00 : f32
    %max3A_511 = vector.broadcast %jit3A_510 : f32 to vector<360x128xf32>
    %max3A_512 = arith.maximumf %max3A_511, %add3A_465 : vector<360x128xf32>
    %min3A_513 = vector.broadcast %sub3A_509 : vector<1x128xf32> to vector<360x128xf32>
    %min3A_514 = arith.minimumf %min3A_513, %max3A_512 : vector<360x128xf32>
    %convert_element_type3A_515 = arith.fptosi %min3A_514 : vector<360x128xf32> to vector<360x128xi32>
    %mul3A_516 = vector.broadcast %get3A_64 : vector<1x128xi32> to vector<360x128xi32>
    %mul3A_517 = arith.muli %convert_element_type3A_515, %mul3A_516 : vector<360x128xi32>
    %add3A_518 = arith.addi %mul3A_517, %convert_element_type3A_506 : vector<360x128xi32>
    %mul3A_519 = vector.broadcast %get3A_61 : vector<1x128xi32> to vector<360x128xi32>
    %mul3A_520 = arith.muli %add3A_518, %mul3A_519 : vector<360x128xi32>
    %add3A_521 = arith.addi %mul3A_520, %convert_element_type3A_497 : vector<360x128xi32>
    %add3A_522 = vector.broadcast %select_n3A_192 : vector<360x1xi32> to vector<360x128xi32>
    %add3A_523 = vector.broadcast %get3A_67 : vector<1x128xi32> to vector<360x128xi32>
    %add3A_524 = arith.addi %add3A_522, %add3A_523 : vector<360x128xi32>
    %add3A_525 = arith.addi %add3A_524, %add3A_521 : vector<360x128xi32>
    %mul3A_526 = arith.constant 8 : i32
    %mul3A_527 = vector.broadcast %mul3A_526 : i32 to vector<360x128xi32>
    %mul3A_528 = arith.muli %add3A_525, %mul3A_527 : vector<360x128xi32>
    %add3A_529 = vector.broadcast %get3A_70 : vector<1x128xi32> to vector<360x128xi32>
    %add3A_530 = arith.addi %mul3A_528, %add3A_529 : vector<360x128xi32>
    %mul3A_531 = arith.mulf %sub3A_180, %sub3A_181 : vector<360x128xf32>
    %mul3A_532 = arith.mulf %mul3A_531, %sub3A_468 : vector<360x128xf32>
    %convert_element_type3A_533 = arith.extui %and3A_488 : vector<360x128xi1> to vector<360x128xi32>
    %convert_element_type3A_534 = arith.sitofp %convert_element_type3A_533 : vector<360x128xi32> to vector<360x128xf32>
    %mul3A_535 = arith.mulf %mul3A_532, %convert_element_type3A_534 : vector<360x128xf32>
    %mul3A_536 = arith.mulf %mul3A_535, %div3A : vector<360x128xf32>
    %swap3A_537 = arith.constant 0 : index
    %swap3A_538 = arith.constant 384 : index
    %swap3A_539 = vector.load %arg10[%swap3A_537, %swap3A_538] : memref<360x1024xi32, #tpu.memory_space<vmem>>, vector<360x128xi32>
    tpu.vector_store %arg10[%swap3A_537, %swap3A_538], %add3A_530 {strides = array<i32>} : memref<360x1024xi32, #tpu.memory_space<vmem>>, vector<360x128xi32>,
    %swap3A_540 = arith.constant 0 : index
    %swap3A_541 = arith.constant 384 : index
    %swap3A_542 = vector.load %arg11[%swap3A_540, %swap3A_541] : memref<360x1024xf32, #tpu.memory_space<vmem>>, vector<360x128xf32>
    tpu.vector_store %arg11[%swap3A_540, %swap3A_541], %mul3A_536 {strides = array<i32>} : memref<360x1024xf32, #tpu.memory_space<vmem>>, vector<360x128xf32>,
    %add3A_543 = arith.constant 0.000000e+00 : f32
    %add3A_544 = vector.broadcast %add3A_543 : f32 to vector<360x128xf32>
    %add3A_545 = arith.addf %floor3A, %add3A_544 : vector<360x128xf32>
    %add3A_546 = arith.constant 0.000000e+00 : f32
    %add3A_547 = vector.broadcast %add3A_546 : f32 to vector<360x128xf32>
    %add3A_548 = arith.addf %floor3A_178, %add3A_547 : vector<360x128xf32>
    %add3A_549 = arith.constant 1.000000e+00 : f32
    %add3A_550 = vector.broadcast %add3A_549 : f32 to vector<360x128xf32>
    %add3A_551 = arith.addf %floor3A_179, %add3A_550 : vector<360x128xf32>
    %sub3A_552 = arith.constant 1.000000e+00 : f32
    %sub3A_553 = vector.broadcast %sub3A_552 : f32 to vector<360x128xf32>
    %sub3A_554 = arith.subf %sub3A_553, %sub3A_180 : vector<360x128xf32>
    %sub3A_555 = arith.constant 1.000000e+00 : f32
    %sub3A_556 = vector.broadcast %sub3A_555 : f32 to vector<360x128xf32>
    %sub3A_557 = arith.subf %sub3A_556, %sub3A_181 : vector<360x128xf32>
    %ge3A_558 = arith.constant 0.000000e+00 : f32
    %ge3A_559 = vector.broadcast %ge3A_558 : f32 to vector<360x128xf32>
    %ge3A_560 = arith.cmpf oge, %add3A_545, %ge3A_559 : vector<360x128xf32>
    %lt3A_561 = vector.broadcast %get3A_52 : vector<1x128xf32> to vector<360x128xf32>
    %lt3A_562 = arith.cmpf olt, %add3A_545, %lt3A_561 : vector<360x128xf32>
    %and3A_563 = arith.andi %ge3A_560, %lt3A_562 : vector<360x128xi1>
    %ge3A_564 = arith.constant 0.000000e+00 : f32
    %ge3A_565 = vector.broadcast %ge3A_564 : f32 to vector<360x128xf32>
    %ge3A_566 = arith.cmpf oge, %add3A_548, %ge3A_565 : vector<360x128xf32>
    %and3A_567 = arith.andi %and3A_563, %ge3A_566 : vector<360x128xi1>
    %lt3A_568 = vector.broadcast %get3A_55 : vector<1x128xf32> to vector<360x128xf32>
    %lt3A_569 = arith.cmpf olt, %add3A_548, %lt3A_568 : vector<360x128xf32>
    %and3A_570 = arith.andi %and3A_567, %lt3A_569 : vector<360x128xi1>
    %ge3A_571 = arith.constant 0.000000e+00 : f32
    %ge3A_572 = vector.broadcast %ge3A_571 : f32 to vector<360x128xf32>
    %ge3A_573 = arith.cmpf oge, %add3A_551, %ge3A_572 : vector<360x128xf32>
    %and3A_574 = arith.andi %and3A_570, %ge3A_573 : vector<360x128xi1>
    %lt3A_575 = vector.broadcast %get3A_58 : vector<1x128xf32> to vector<360x128xf32>
    %lt3A_576 = arith.cmpf olt, %add3A_551, %lt3A_575 : vector<360x128xf32>
    %and3A_577 = arith.andi %and3A_574, %lt3A_576 : vector<360x128xi1>
    %sub3A_578 = arith.constant 1.000000e+00 : f32
    %sub3A_579 = vector.broadcast %sub3A_578 : f32 to vector<1x128xf32>
    %sub3A_580 = arith.subf %get3A_52, %sub3A_579 : vector<1x128xf32>
    %jit3A_581 = arith.constant 0.000000e+00 : f32
    %max3A_582 = vector.broadcast %jit3A_581 : f32 to vector<360x128xf32>
    %max3A_583 = arith.maximumf %max3A_582, %add3A_545 : vector<360x128xf32>
    %min3A_584 = vector.broadcast %sub3A_580 : vector<1x128xf32> to vector<360x128xf32>
    %min3A_585 = arith.minimumf %min3A_584, %max3A_583 : vector<360x128xf32>
    %convert_element_type3A_586 = arith.fptosi %min3A_585 : vector<360x128xf32> to vector<360x128xi32>
    %sub3A_587 = arith.constant 1.000000e+00 : f32
    %sub3A_588 = vector.broadcast %sub3A_587 : f32 to vector<1x128xf32>
    %sub3A_589 = arith.subf %get3A_55, %sub3A_588 : vector<1x128xf32>
    %jit3A_590 = arith.constant 0.000000e+00 : f32
    %max3A_591 = vector.broadcast %jit3A_590 : f32 to vector<360x128xf32>
    %max3A_592 = arith.maximumf %max3A_591, %add3A_548 : vector<360x128xf32>
    %min3A_593 = vector.broadcast %sub3A_589 : vector<1x128xf32> to vector<360x128xf32>
    %min3A_594 = arith.minimumf %min3A_593, %max3A_592 : vector<360x128xf32>
    %convert_element_type3A_595 = arith.fptosi %min3A_594 : vector<360x128xf32> to vector<360x128xi32>
    %sub3A_596 = arith.constant 1.000000e+00 : f32
    %sub3A_597 = vector.broadcast %sub3A_596 : f32 to vector<1x128xf32>
    %sub3A_598 = arith.subf %get3A_58, %sub3A_597 : vector<1x128xf32>
    %jit3A_599 = arith.constant 0.000000e+00 : f32
    %max3A_600 = vector.broadcast %jit3A_599 : f32 to vector<360x128xf32>
    %max3A_601 = arith.maximumf %max3A_600, %add3A_551 : vector<360x128xf32>
    %min3A_602 = vector.broadcast %sub3A_598 : vector<1x128xf32> to vector<360x128xf32>
    %min3A_603 = arith.minimumf %min3A_602, %max3A_601 : vector<360x128xf32>
    %convert_element_type3A_604 = arith.fptosi %min3A_603 : vector<360x128xf32> to vector<360x128xi32>
    %mul3A_605 = vector.broadcast %get3A_64 : vector<1x128xi32> to vector<360x128xi32>
    %mul3A_606 = arith.muli %convert_element_type3A_604, %mul3A_605 : vector<360x128xi32>
    %add3A_607 = arith.addi %mul3A_606, %convert_element_type3A_595 : vector<360x128xi32>
    %mul3A_608 = vector.broadcast %get3A_61 : vector<1x128xi32> to vector<360x128xi32>
    %mul3A_609 = arith.muli %add3A_607, %mul3A_608 : vector<360x128xi32>
    %add3A_610 = arith.addi %mul3A_609, %convert_element_type3A_586 : vector<360x128xi32>
    %add3A_611 = vector.broadcast %select_n3A_192 : vector<360x1xi32> to vector<360x128xi32>
    %add3A_612 = vector.broadcast %get3A_67 : vector<1x128xi32> to vector<360x128xi32>
    %add3A_613 = arith.addi %add3A_611, %add3A_612 : vector<360x128xi32>
    %add3A_614 = arith.addi %add3A_613, %add3A_610 : vector<360x128xi32>
    %mul3A_615 = arith.constant 8 : i32
    %mul3A_616 = vector.broadcast %mul3A_615 : i32 to vector<360x128xi32>
    %mul3A_617 = arith.muli %add3A_614, %mul3A_616 : vector<360x128xi32>
    %add3A_618 = vector.broadcast %get3A_70 : vector<1x128xi32> to vector<360x128xi32>
    %add3A_619 = arith.addi %mul3A_617, %add3A_618 : vector<360x128xi32>
    %mul3A_620 = arith.mulf %sub3A_554, %sub3A_557 : vector<360x128xf32>
    %mul3A_621 = arith.mulf %mul3A_620, %sub3A_182 : vector<360x128xf32>
    %convert_element_type3A_622 = arith.extui %and3A_577 : vector<360x128xi1> to vector<360x128xi32>
    %convert_element_type3A_623 = arith.sitofp %convert_element_type3A_622 : vector<360x128xi32> to vector<360x128xf32>
    %mul3A_624 = arith.mulf %mul3A_621, %convert_element_type3A_623 : vector<360x128xf32>
    %mul3A_625 = arith.mulf %mul3A_624, %div3A : vector<360x128xf32>
    %swap3A_626 = arith.constant 0 : index
    %swap3A_627 = arith.constant 512 : index
    %swap3A_628 = vector.load %arg10[%swap3A_626, %swap3A_627] : memref<360x1024xi32, #tpu.memory_space<vmem>>, vector<360x128xi32>
    tpu.vector_store %arg10[%swap3A_626, %swap3A_627], %add3A_619 {strides = array<i32>} : memref<360x1024xi32, #tpu.memory_space<vmem>>, vector<360x128xi32>,
    %swap3A_629 = arith.constant 0 : index
    %swap3A_630 = arith.constant 512 : index
    %swap3A_631 = vector.load %arg11[%swap3A_629, %swap3A_630] : memref<360x1024xf32, #tpu.memory_space<vmem>>, vector<360x128xf32>
    tpu.vector_store %arg11[%swap3A_629, %swap3A_630], %mul3A_625 {strides = array<i32>} : memref<360x1024xf32, #tpu.memory_space<vmem>>, vector<360x128xf32>,
    %add3A_632 = arith.constant 1.000000e+00 : f32
    %add3A_633 = vector.broadcast %add3A_632 : f32 to vector<360x128xf32>
    %add3A_634 = arith.addf %floor3A, %add3A_633 : vector<360x128xf32>
    %add3A_635 = arith.constant 0.000000e+00 : f32
    %add3A_636 = vector.broadcast %add3A_635 : f32 to vector<360x128xf32>
    %add3A_637 = arith.addf %floor3A_178, %add3A_636 : vector<360x128xf32>
    %add3A_638 = arith.constant 1.000000e+00 : f32
    %add3A_639 = vector.broadcast %add3A_638 : f32 to vector<360x128xf32>
    %add3A_640 = arith.addf %floor3A_179, %add3A_639 : vector<360x128xf32>
    %sub3A_641 = arith.constant 1.000000e+00 : f32
    %sub3A_642 = vector.broadcast %sub3A_641 : f32 to vector<360x128xf32>
    %sub3A_643 = arith.subf %sub3A_642, %sub3A_181 : vector<360x128xf32>
    %ge3A_644 = arith.constant 0.000000e+00 : f32
    %ge3A_645 = vector.broadcast %ge3A_644 : f32 to vector<360x128xf32>
    %ge3A_646 = arith.cmpf oge, %add3A_634, %ge3A_645 : vector<360x128xf32>
    %lt3A_647 = vector.broadcast %get3A_52 : vector<1x128xf32> to vector<360x128xf32>
    %lt3A_648 = arith.cmpf olt, %add3A_634, %lt3A_647 : vector<360x128xf32>
    %and3A_649 = arith.andi %ge3A_646, %lt3A_648 : vector<360x128xi1>
    %ge3A_650 = arith.constant 0.000000e+00 : f32
    %ge3A_651 = vector.broadcast %ge3A_650 : f32 to vector<360x128xf32>
    %ge3A_652 = arith.cmpf oge, %add3A_637, %ge3A_651 : vector<360x128xf32>
    %and3A_653 = arith.andi %and3A_649, %ge3A_652 : vector<360x128xi1>
    %lt3A_654 = vector.broadcast %get3A_55 : vector<1x128xf32> to vector<360x128xf32>
    %lt3A_655 = arith.cmpf olt, %add3A_637, %lt3A_654 : vector<360x128xf32>
    %and3A_656 = arith.andi %and3A_653, %lt3A_655 : vector<360x128xi1>
    %ge3A_657 = arith.constant 0.000000e+00 : f32
    %ge3A_658 = vector.broadcast %ge3A_657 : f32 to vector<360x128xf32>
    %ge3A_659 = arith.cmpf oge, %add3A_640, %ge3A_658 : vector<360x128xf32>
    %and3A_660 = arith.andi %and3A_656, %ge3A_659 : vector<360x128xi1>
    %lt3A_661 = vector.broadcast %get3A_58 : vector<1x128xf32> to vector<360x128xf32>
    %lt3A_662 = arith.cmpf olt, %add3A_640, %lt3A_661 : vector<360x128xf32>
    %and3A_663 = arith.andi %and3A_660, %lt3A_662 : vector<360x128xi1>
    %sub3A_664 = arith.constant 1.000000e+00 : f32
    %sub3A_665 = vector.broadcast %sub3A_664 : f32 to vector<1x128xf32>
    %sub3A_666 = arith.subf %get3A_52, %sub3A_665 : vector<1x128xf32>
    %jit3A_667 = arith.constant 0.000000e+00 : f32
    %max3A_668 = vector.broadcast %jit3A_667 : f32 to vector<360x128xf32>
    %max3A_669 = arith.maximumf %max3A_668, %add3A_634 : vector<360x128xf32>
    %min3A_670 = vector.broadcast %sub3A_666 : vector<1x128xf32> to vector<360x128xf32>
    %min3A_671 = arith.minimumf %min3A_670, %max3A_669 : vector<360x128xf32>
    %convert_element_type3A_672 = arith.fptosi %min3A_671 : vector<360x128xf32> to vector<360x128xi32>
    %sub3A_673 = arith.constant 1.000000e+00 : f32
    %sub3A_674 = vector.broadcast %sub3A_673 : f32 to vector<1x128xf32>
    %sub3A_675 = arith.subf %get3A_55, %sub3A_674 : vector<1x128xf32>
    %jit3A_676 = arith.constant 0.000000e+00 : f32
    %max3A_677 = vector.broadcast %jit3A_676 : f32 to vector<360x128xf32>
    %max3A_678 = arith.maximumf %max3A_677, %add3A_637 : vector<360x128xf32>
    %min3A_679 = vector.broadcast %sub3A_675 : vector<1x128xf32> to vector<360x128xf32>
    %min3A_680 = arith.minimumf %min3A_679, %max3A_678 : vector<360x128xf32>
    %convert_element_type3A_681 = arith.fptosi %min3A_680 : vector<360x128xf32> to vector<360x128xi32>
    %sub3A_682 = arith.constant 1.000000e+00 : f32
    %sub3A_683 = vector.broadcast %sub3A_682 : f32 to vector<1x128xf32>
    %sub3A_684 = arith.subf %get3A_58, %sub3A_683 : vector<1x128xf32>
    %jit3A_685 = arith.constant 0.000000e+00 : f32
    %max3A_686 = vector.broadcast %jit3A_685 : f32 to vector<360x128xf32>
    %max3A_687 = arith.maximumf %max3A_686, %add3A_640 : vector<360x128xf32>
    %min3A_688 = vector.broadcast %sub3A_684 : vector<1x128xf32> to vector<360x128xf32>
    %min3A_689 = arith.minimumf %min3A_688, %max3A_687 : vector<360x128xf32>
    %convert_element_type3A_690 = arith.fptosi %min3A_689 : vector<360x128xf32> to vector<360x128xi32>
    %mul3A_691 = vector.broadcast %get3A_64 : vector<1x128xi32> to vector<360x128xi32>
    %mul3A_692 = arith.muli %convert_element_type3A_690, %mul3A_691 : vector<360x128xi32>
    %add3A_693 = arith.addi %mul3A_692, %convert_element_type3A_681 : vector<360x128xi32>
    %mul3A_694 = vector.broadcast %get3A_61 : vector<1x128xi32> to vector<360x128xi32>
    %mul3A_695 = arith.muli %add3A_693, %mul3A_694 : vector<360x128xi32>
    %add3A_696 = arith.addi %mul3A_695, %convert_element_type3A_672 : vector<360x128xi32>
    %add3A_697 = vector.broadcast %select_n3A_192 : vector<360x1xi32> to vector<360x128xi32>
    %add3A_698 = vector.broadcast %get3A_67 : vector<1x128xi32> to vector<360x128xi32>
    %add3A_699 = arith.addi %add3A_697, %add3A_698 : vector<360x128xi32>
    %add3A_700 = arith.addi %add3A_699, %add3A_696 : vector<360x128xi32>
    %mul3A_701 = arith.constant 8 : i32
    %mul3A_702 = vector.broadcast %mul3A_701 : i32 to vector<360x128xi32>
    %mul3A_703 = arith.muli %add3A_700, %mul3A_702 : vector<360x128xi32>
    %add3A_704 = vector.broadcast %get3A_70 : vector<1x128xi32> to vector<360x128xi32>
    %add3A_705 = arith.addi %mul3A_703, %add3A_704 : vector<360x128xi32>
    %mul3A_706 = arith.mulf %sub3A_180, %sub3A_643 : vector<360x128xf32>
    %mul3A_707 = arith.mulf %mul3A_706, %sub3A_182 : vector<360x128xf32>
    %convert_element_type3A_708 = arith.extui %and3A_663 : vector<360x128xi1> to vector<360x128xi32>
    %convert_element_type3A_709 = arith.sitofp %convert_element_type3A_708 : vector<360x128xi32> to vector<360x128xf32>
    %mul3A_710 = arith.mulf %mul3A_707, %convert_element_type3A_709 : vector<360x128xf32>
    %mul3A_711 = arith.mulf %mul3A_710, %div3A : vector<360x128xf32>
    %swap3A_712 = arith.constant 0 : index
    %swap3A_713 = arith.constant 640 : index
    %swap3A_714 = vector.load %arg10[%swap3A_712, %swap3A_713] : memref<360x1024xi32, #tpu.memory_space<vmem>>, vector<360x128xi32>
    tpu.vector_store %arg10[%swap3A_712, %swap3A_713], %add3A_705 {strides = array<i32>} : memref<360x1024xi32, #tpu.memory_space<vmem>>, vector<360x128xi32>,
    %swap3A_715 = arith.constant 0 : index
    %swap3A_716 = arith.constant 640 : index
    %swap3A_717 = vector.load %arg11[%swap3A_715, %swap3A_716] : memref<360x1024xf32, #tpu.memory_space<vmem>>, vector<360x128xf32>
    tpu.vector_store %arg11[%swap3A_715, %swap3A_716], %mul3A_711 {strides = array<i32>} : memref<360x1024xf32, #tpu.memory_space<vmem>>, vector<360x128xf32>,
    %add3A_718 = arith.constant 0.000000e+00 : f32
    %add3A_719 = vector.broadcast %add3A_718 : f32 to vector<360x128xf32>
    %add3A_720 = arith.addf %floor3A, %add3A_719 : vector<360x128xf32>
    %add3A_721 = arith.constant 1.000000e+00 : f32
    %add3A_722 = vector.broadcast %add3A_721 : f32 to vector<360x128xf32>
    %add3A_723 = arith.addf %floor3A_178, %add3A_722 : vector<360x128xf32>
    %add3A_724 = arith.constant 1.000000e+00 : f32
    %add3A_725 = vector.broadcast %add3A_724 : f32 to vector<360x128xf32>
    %add3A_726 = arith.addf %floor3A_179, %add3A_725 : vector<360x128xf32>
    %sub3A_727 = arith.constant 1.000000e+00 : f32
    %sub3A_728 = vector.broadcast %sub3A_727 : f32 to vector<360x128xf32>
    %sub3A_729 = arith.subf %sub3A_728, %sub3A_180 : vector<360x128xf32>
    %ge3A_730 = arith.constant 0.000000e+00 : f32
    %ge3A_731 = vector.broadcast %ge3A_730 : f32 to vector<360x128xf32>
    %ge3A_732 = arith.cmpf oge, %add3A_720, %ge3A_731 : vector<360x128xf32>
    %lt3A_733 = vector.broadcast %get3A_52 : vector<1x128xf32> to vector<360x128xf32>
    %lt3A_734 = arith.cmpf olt, %add3A_720, %lt3A_733 : vector<360x128xf32>
    %and3A_735 = arith.andi %ge3A_732, %lt3A_734 : vector<360x128xi1>
    %ge3A_736 = arith.constant 0.000000e+00 : f32
    %ge3A_737 = vector.broadcast %ge3A_736 : f32 to vector<360x128xf32>
    %ge3A_738 = arith.cmpf oge, %add3A_723, %ge3A_737 : vector<360x128xf32>
    %and3A_739 = arith.andi %and3A_735, %ge3A_738 : vector<360x128xi1>
    %lt3A_740 = vector.broadcast %get3A_55 : vector<1x128xf32> to vector<360x128xf32>
    %lt3A_741 = arith.cmpf olt, %add3A_723, %lt3A_740 : vector<360x128xf32>
    %and3A_742 = arith.andi %and3A_739, %lt3A_741 : vector<360x128xi1>
    %ge3A_743 = arith.constant 0.000000e+00 : f32
    %ge3A_744 = vector.broadcast %ge3A_743 : f32 to vector<360x128xf32>
    %ge3A_745 = arith.cmpf oge, %add3A_726, %ge3A_744 : vector<360x128xf32>
    %and3A_746 = arith.andi %and3A_742, %ge3A_745 : vector<360x128xi1>
    %lt3A_747 = vector.broadcast %get3A_58 : vector<1x128xf32> to vector<360x128xf32>
    %lt3A_748 = arith.cmpf olt, %add3A_726, %lt3A_747 : vector<360x128xf32>
    %and3A_749 = arith.andi %and3A_746, %lt3A_748 : vector<360x128xi1>
    %sub3A_750 = arith.constant 1.000000e+00 : f32
    %sub3A_751 = vector.broadcast %sub3A_750 : f32 to vector<1x128xf32>
    %sub3A_752 = arith.subf %get3A_52, %sub3A_751 : vector<1x128xf32>
    %jit3A_753 = arith.constant 0.000000e+00 : f32
    %max3A_754 = vector.broadcast %jit3A_753 : f32 to vector<360x128xf32>
    %max3A_755 = arith.maximumf %max3A_754, %add3A_720 : vector<360x128xf32>
    %min3A_756 = vector.broadcast %sub3A_752 : vector<1x128xf32> to vector<360x128xf32>
    %min3A_757 = arith.minimumf %min3A_756, %max3A_755 : vector<360x128xf32>
    %convert_element_type3A_758 = arith.fptosi %min3A_757 : vector<360x128xf32> to vector<360x128xi32>
    %sub3A_759 = arith.constant 1.000000e+00 : f32
    %sub3A_760 = vector.broadcast %sub3A_759 : f32 to vector<1x128xf32>
    %sub3A_761 = arith.subf %get3A_55, %sub3A_760 : vector<1x128xf32>
    %jit3A_762 = arith.constant 0.000000e+00 : f32
    %max3A_763 = vector.broadcast %jit3A_762 : f32 to vector<360x128xf32>
    %max3A_764 = arith.maximumf %max3A_763, %add3A_723 : vector<360x128xf32>
    %min3A_765 = vector.broadcast %sub3A_761 : vector<1x128xf32> to vector<360x128xf32>
    %min3A_766 = arith.minimumf %min3A_765, %max3A_764 : vector<360x128xf32>
    %convert_element_type3A_767 = arith.fptosi %min3A_766 : vector<360x128xf32> to vector<360x128xi32>
    %sub3A_768 = arith.constant 1.000000e+00 : f32
    %sub3A_769 = vector.broadcast %sub3A_768 : f32 to vector<1x128xf32>
    %sub3A_770 = arith.subf %get3A_58, %sub3A_769 : vector<1x128xf32>
    %jit3A_771 = arith.constant 0.000000e+00 : f32
    %max3A_772 = vector.broadcast %jit3A_771 : f32 to vector<360x128xf32>
    %max3A_773 = arith.maximumf %max3A_772, %add3A_726 : vector<360x128xf32>
    %min3A_774 = vector.broadcast %sub3A_770 : vector<1x128xf32> to vector<360x128xf32>
    %min3A_775 = arith.minimumf %min3A_774, %max3A_773 : vector<360x128xf32>
    %convert_element_type3A_776 = arith.fptosi %min3A_775 : vector<360x128xf32> to vector<360x128xi32>
    %mul3A_777 = vector.broadcast %get3A_64 : vector<1x128xi32> to vector<360x128xi32>
    %mul3A_778 = arith.muli %convert_element_type3A_776, %mul3A_777 : vector<360x128xi32>
    %add3A_779 = arith.addi %mul3A_778, %convert_element_type3A_767 : vector<360x128xi32>
    %mul3A_780 = vector.broadcast %get3A_61 : vector<1x128xi32> to vector<360x128xi32>
    %mul3A_781 = arith.muli %add3A_779, %mul3A_780 : vector<360x128xi32>
    %add3A_782 = arith.addi %mul3A_781, %convert_element_type3A_758 : vector<360x128xi32>
    %add3A_783 = vector.broadcast %select_n3A_192 : vector<360x1xi32> to vector<360x128xi32>
    %add3A_784 = vector.broadcast %get3A_67 : vector<1x128xi32> to vector<360x128xi32>
    %add3A_785 = arith.addi %add3A_783, %add3A_784 : vector<360x128xi32>
    %add3A_786 = arith.addi %add3A_785, %add3A_782 : vector<360x128xi32>
    %mul3A_787 = arith.constant 8 : i32
    %mul3A_788 = vector.broadcast %mul3A_787 : i32 to vector<360x128xi32>
    %mul3A_789 = arith.muli %add3A_786, %mul3A_788 : vector<360x128xi32>
    %add3A_790 = vector.broadcast %get3A_70 : vector<1x128xi32> to vector<360x128xi32>
    %add3A_791 = arith.addi %mul3A_789, %add3A_790 : vector<360x128xi32>
    %mul3A_792 = arith.mulf %sub3A_729, %sub3A_181 : vector<360x128xf32>
    %mul3A_793 = arith.mulf %mul3A_792, %sub3A_182 : vector<360x128xf32>
    %convert_element_type3A_794 = arith.extui %and3A_749 : vector<360x128xi1> to vector<360x128xi32>
    %convert_element_type3A_795 = arith.sitofp %convert_element_type3A_794 : vector<360x128xi32> to vector<360x128xf32>
    %mul3A_796 = arith.mulf %mul3A_793, %convert_element_type3A_795 : vector<360x128xf32>
    %mul3A_797 = arith.mulf %mul3A_796, %div3A : vector<360x128xf32>
    %swap3A_798 = arith.constant 0 : index
    %swap3A_799 = arith.constant 768 : index
    %swap3A_800 = vector.load %arg10[%swap3A_798, %swap3A_799] : memref<360x1024xi32, #tpu.memory_space<vmem>>, vector<360x128xi32>
    tpu.vector_store %arg10[%swap3A_798, %swap3A_799], %add3A_791 {strides = array<i32>} : memref<360x1024xi32, #tpu.memory_space<vmem>>, vector<360x128xi32>,
    %swap3A_801 = arith.constant 0 : index
    %swap3A_802 = arith.constant 768 : index
    %swap3A_803 = vector.load %arg11[%swap3A_801, %swap3A_802] : memref<360x1024xf32, #tpu.memory_space<vmem>>, vector<360x128xf32>
    tpu.vector_store %arg11[%swap3A_801, %swap3A_802], %mul3A_797 {strides = array<i32>} : memref<360x1024xf32, #tpu.memory_space<vmem>>, vector<360x128xf32>,
    %add3A_804 = arith.constant 1.000000e+00 : f32
    %add3A_805 = vector.broadcast %add3A_804 : f32 to vector<360x128xf32>
    %add3A_806 = arith.addf %floor3A, %add3A_805 : vector<360x128xf32>
    %add3A_807 = arith.constant 1.000000e+00 : f32
    %add3A_808 = vector.broadcast %add3A_807 : f32 to vector<360x128xf32>
    %add3A_809 = arith.addf %floor3A_178, %add3A_808 : vector<360x128xf32>
    %add3A_810 = arith.constant 1.000000e+00 : f32
    %add3A_811 = vector.broadcast %add3A_810 : f32 to vector<360x128xf32>
    %add3A_812 = arith.addf %floor3A_179, %add3A_811 : vector<360x128xf32>
    %ge3A_813 = arith.constant 0.000000e+00 : f32
    %ge3A_814 = vector.broadcast %ge3A_813 : f32 to vector<360x128xf32>
    %ge3A_815 = arith.cmpf oge, %add3A_806, %ge3A_814 : vector<360x128xf32>
    %lt3A_816 = vector.broadcast %get3A_52 : vector<1x128xf32> to vector<360x128xf32>
    %lt3A_817 = arith.cmpf olt, %add3A_806, %lt3A_816 : vector<360x128xf32>
    %and3A_818 = arith.andi %ge3A_815, %lt3A_817 : vector<360x128xi1>
    %ge3A_819 = arith.constant 0.000000e+00 : f32
    %ge3A_820 = vector.broadcast %ge3A_819 : f32 to vector<360x128xf32>
    %ge3A_821 = arith.cmpf oge, %add3A_809, %ge3A_820 : vector<360x128xf32>
    %and3A_822 = arith.andi %and3A_818, %ge3A_821 : vector<360x128xi1>
    %lt3A_823 = vector.broadcast %get3A_55 : vector<1x128xf32> to vector<360x128xf32>
    %lt3A_824 = arith.cmpf olt, %add3A_809, %lt3A_823 : vector<360x128xf32>
    %and3A_825 = arith.andi %and3A_822, %lt3A_824 : vector<360x128xi1>
    %ge3A_826 = arith.constant 0.000000e+00 : f32
    %ge3A_827 = vector.broadcast %ge3A_826 : f32 to vector<360x128xf32>
    %ge3A_828 = arith.cmpf oge, %add3A_812, %ge3A_827 : vector<360x128xf32>
    %and3A_829 = arith.andi %and3A_825, %ge3A_828 : vector<360x128xi1>
    %lt3A_830 = vector.broadcast %get3A_58 : vector<1x128xf32> to vector<360x128xf32>
    %lt3A_831 = arith.cmpf olt, %add3A_812, %lt3A_830 : vector<360x128xf32>
    %and3A_832 = arith.andi %and3A_829, %lt3A_831 : vector<360x128xi1>
    %sub3A_833 = arith.constant 1.000000e+00 : f32
    %sub3A_834 = vector.broadcast %sub3A_833 : f32 to vector<1x128xf32>
    %sub3A_835 = arith.subf %get3A_52, %sub3A_834 : vector<1x128xf32>
    %jit3A_836 = arith.constant 0.000000e+00 : f32
    %max3A_837 = vector.broadcast %jit3A_836 : f32 to vector<360x128xf32>
    %max3A_838 = arith.maximumf %max3A_837, %add3A_806 : vector<360x128xf32>
    %min3A_839 = vector.broadcast %sub3A_835 : vector<1x128xf32> to vector<360x128xf32>
    %min3A_840 = arith.minimumf %min3A_839, %max3A_838 : vector<360x128xf32>
    %convert_element_type3A_841 = arith.fptosi %min3A_840 : vector<360x128xf32> to vector<360x128xi32>
    %sub3A_842 = arith.constant 1.000000e+00 : f32
    %sub3A_843 = vector.broadcast %sub3A_842 : f32 to vector<1x128xf32>
    %sub3A_844 = arith.subf %get3A_55, %sub3A_843 : vector<1x128xf32>
    %jit3A_845 = arith.constant 0.000000e+00 : f32
    %max3A_846 = vector.broadcast %jit3A_845 : f32 to vector<360x128xf32>
    %max3A_847 = arith.maximumf %max3A_846, %add3A_809 : vector<360x128xf32>
    %min3A_848 = vector.broadcast %sub3A_844 : vector<1x128xf32> to vector<360x128xf32>
    %min3A_849 = arith.minimumf %min3A_848, %max3A_847 : vector<360x128xf32>
    %convert_element_type3A_850 = arith.fptosi %min3A_849 : vector<360x128xf32> to vector<360x128xi32>
    %sub3A_851 = arith.constant 1.000000e+00 : f32
    %sub3A_852 = vector.broadcast %sub3A_851 : f32 to vector<1x128xf32>
    %sub3A_853 = arith.subf %get3A_58, %sub3A_852 : vector<1x128xf32>
    %jit3A_854 = arith.constant 0.000000e+00 : f32
    %max3A_855 = vector.broadcast %jit3A_854 : f32 to vector<360x128xf32>
    %max3A_856 = arith.maximumf %max3A_855, %add3A_812 : vector<360x128xf32>
    %min3A_857 = vector.broadcast %sub3A_853 : vector<1x128xf32> to vector<360x128xf32>
    %min3A_858 = arith.minimumf %min3A_857, %max3A_856 : vector<360x128xf32>
    %convert_element_type3A_859 = arith.fptosi %min3A_858 : vector<360x128xf32> to vector<360x128xi32>
    %mul3A_860 = vector.broadcast %get3A_64 : vector<1x128xi32> to vector<360x128xi32>
    %mul3A_861 = arith.muli %convert_element_type3A_859, %mul3A_860 : vector<360x128xi32>
    %add3A_862 = arith.addi %mul3A_861, %convert_element_type3A_850 : vector<360x128xi32>
    %mul3A_863 = vector.broadcast %get3A_61 : vector<1x128xi32> to vector<360x128xi32>
    %mul3A_864 = arith.muli %add3A_862, %mul3A_863 : vector<360x128xi32>
    %add3A_865 = arith.addi %mul3A_864, %convert_element_type3A_841 : vector<360x128xi32>
    %add3A_866 = vector.broadcast %select_n3A_192 : vector<360x1xi32> to vector<360x128xi32>
    %add3A_867 = vector.broadcast %get3A_67 : vector<1x128xi32> to vector<360x128xi32>
    %add3A_868 = arith.addi %add3A_866, %add3A_867 : vector<360x128xi32>
    %add3A_869 = arith.addi %add3A_868, %add3A_865 : vector<360x128xi32>
    %mul3A_870 = arith.constant 8 : i32
    %mul3A_871 = vector.broadcast %mul3A_870 : i32 to vector<360x128xi32>
    %mul3A_872 = arith.muli %add3A_869, %mul3A_871 : vector<360x128xi32>
    %add3A_873 = vector.broadcast %get3A_70 : vector<1x128xi32> to vector<360x128xi32>
    %add3A_874 = arith.addi %mul3A_872, %add3A_873 : vector<360x128xi32>
    %mul3A_875 = arith.mulf %sub3A_180, %sub3A_181 : vector<360x128xf32>
    %mul3A_876 = arith.mulf %mul3A_875, %sub3A_182 : vector<360x128xf32>
    %convert_element_type3A_877 = arith.extui %and3A_832 : vector<360x128xi1> to vector<360x128xi32>
    %convert_element_type3A_878 = arith.sitofp %convert_element_type3A_877 : vector<360x128xi32> to vector<360x128xf32>
    %mul3A_879 = arith.mulf %mul3A_876, %convert_element_type3A_878 : vector<360x128xf32>
    %mul3A_880 = arith.mulf %mul3A_879, %div3A : vector<360x128xf32>
    %swap3A_881 = arith.constant 0 : index
    %swap3A_882 = arith.constant 896 : index
    %swap3A_883 = vector.load %arg10[%swap3A_881, %swap3A_882] : memref<360x1024xi32, #tpu.memory_space<vmem>>, vector<360x128xi32>
    tpu.vector_store %arg10[%swap3A_881, %swap3A_882], %add3A_874 {strides = array<i32>} : memref<360x1024xi32, #tpu.memory_space<vmem>>, vector<360x128xi32>,
    %swap3A_884 = arith.constant 0 : index
    %swap3A_885 = arith.constant 896 : index
    %swap3A_886 = vector.load %arg11[%swap3A_884, %swap3A_885] : memref<360x1024xf32, #tpu.memory_space<vmem>>, vector<360x128xf32>
    tpu.vector_store %arg11[%swap3A_884, %swap3A_885], %mul3A_880 {strides = array<i32>} : memref<360x1024xf32, #tpu.memory_space<vmem>>, vector<360x128xf32>,
    return
  }
  func.func @transform_0(%arg0: i32) -> (i32, i32) {
    %c0_i32 = arith.constant 0 : i32
    %c0_i32_0 = arith.constant 0 : i32
    return %arg0, %c0_i32 : i32, i32
  }
  func.func @transform_1(%arg0: i32) -> (i32, i32) {
    %c0_i32 = arith.constant 0 : i32
    %c0_i32_0 = arith.constant 0 : i32
    return %arg0, %c0_i32 : i32, i32
  }
  func.func @transform_2(%arg0: i32) -> (i32, i32) {
    %c0_i32 = arith.constant 0 : i32
    %c0_i32_0 = arith.constant 0 : i32
    %c0_i32_1 = arith.constant 0 : i32
    return %c0_i32, %c0_i32_0 : i32, i32
  }
  func.func @transform_3(%arg0: i32) -> (i32, i32) {
    %c0_i32 = arith.constant 0 : i32
    %c0_i32_0 = arith.constant 0 : i32
    %c0_i32_1 = arith.constant 0 : i32
    return %c0_i32, %c0_i32_0 : i32, i32
  }
  func.func @transform_4(%arg0: i32) -> (i32, i32) {
    %c0_i32 = arith.constant 0 : i32
    %c0_i32_0 = arith.constant 0 : i32
    %c0_i32_1 = arith.constant 0 : i32
    return %c0_i32, %c0_i32_0 : i32, i32
  }
  func.func @transform_5(%arg0: i32) -> (i32, i32) {
    %c0_i32 = arith.constant 0 : i32
    %c0_i32_0 = arith.constant 0 : i32
    %c0_i32_1 = arith.constant 0 : i32
    return %c0_i32, %c0_i32_0 : i32, i32
  }
  func.func @transform_6(%arg0: i32) -> (i32, i32) {
    %c0_i32 = arith.constant 0 : i32
    %c0_i32_0 = arith.constant 0 : i32
    %c0_i32_1 = arith.constant 0 : i32
    return %c0_i32, %c0_i32_0 : i32, i32
  }
  func.func @transform_7(%arg0: i32) -> (i32, i32) {
    %c0_i32 = arith.constant 0 : i32
    %c0_i32_0 = arith.constant 0 : i32
    %c0_i32_1 = arith.constant 0 : i32
    return %c0_i32, %c0_i32_0 : i32, i32
  }
  func.func @transform_8(%arg0: i32) -> (i32, i32) {
    %c0_i32 = arith.constant 0 : i32
    %c0_i32_0 = arith.constant 0 : i32
    %c0_i32_1 = arith.constant 0 : i32
    return %c0_i32, %c0_i32_0 : i32, i32
  }
  func.func @transform_9(%arg0: i32) -> (i32, i32) {
    %c0_i32 = arith.constant 0 : i32
    %c0_i32_0 = arith.constant 0 : i32
    return %arg0, %c0_i32 : i32, i32
  }
  func.func @transform_10(%arg0: i32) -> (i32, i32) {
    %c0_i32 = arith.constant 0 : i32
    %c0_i32_0 = arith.constant 0 : i32
    return %arg0, %c0_i32 : i32, i32
  }
}

module attributes {stable_mosaic.version = 14 : i64} {
  func.func @body(%arg0: i32, %arg1: memref<360x256xf32, #tpu.memory_space<vmem>>, %arg2: memref<256x256xf32, #tpu.memory_space<vmem>>, %arg3: memref<1x256xf32, #tpu.memory_space<vmem>>, %arg4: memref<360x256xf32, #tpu.memory_space<vmem>>) attributes {dimension_semantics = [#tpu.dimension_semantics<arbitrary>], iteration_bounds = array<i64: 5>, scalar_prefetch = 0 : i64, scratch_operands = 0 : i64, tpu.core_type = #tpu.core_type<tc>, window_params = [{transform_indices = @transform_0, window_bounds = array<i64: 360, 256>}, {pipeline_mode = #tpu.pipeline_mode<synchronous>, transform_indices = @transform_1, window_bounds = array<i64: 256, 256>}, {pipeline_mode = #tpu.pipeline_mode<synchronous>, transform_indices = @transform_2, window_bounds = array<i64: 1, 256>}, {transform_indices = @transform_3, window_bounds = array<i64: 360, 256>}]} {
    %get3A = arith.constant 0 : index
    %get3A_0 = arith.constant 0 : index
    %get3A_1 = vector.load %arg1[%get3A, %get3A_0] : memref<360x256xf32, #tpu.memory_space<vmem>>, vector<360x256xf32>
    %get3A_2 = arith.constant 0 : index
    %get3A_3 = arith.constant 0 : index
    %get3A_4 = vector.load %arg2[%get3A_2, %get3A_3] : memref<256x256xf32, #tpu.memory_space<vmem>>, vector<256x256xf32>
    %dot_general3A = arith.constant dense<0.000000e+00> : vector<360x256xf32>
    %dot_general3A_5 = tpu.matmul %get3A_1, %get3A_4, %dot_general3A {dimension_numbers = #tpu.dot_dimension_numbers<[1], [0], [0], [1], [0, 0, 1, 1], [], []>, transpose_lhs_hint = false} : vector<360x256xf32>, vector<256x256xf32>, vector<360x256xf32> -> vector<360x256xf32>
    %get3A_6 = arith.constant 0 : index
    %get3A_7 = arith.constant 0 : index
    %get3A_8 = vector.load %arg3[%get3A_6, %get3A_7] : memref<1x256xf32, #tpu.memory_space<vmem>>, vector<1x256xf32>
    %add3A = vector.broadcast %get3A_8 : vector<1x256xf32> to vector<360x256xf32>
    %add3A_9 = arith.addf %dot_general3A_5, %add3A : vector<360x256xf32>
    %swap3A = arith.constant 0 : index
    %swap3A_10 = arith.constant 0 : index
    %swap3A_11 = vector.load %arg4[%swap3A, %swap3A_10] : memref<360x256xf32, #tpu.memory_space<vmem>>, vector<360x256xf32>
    tpu.vector_store %arg4[%swap3A, %swap3A_10], %add3A_9 {strides = array<i32>} : memref<360x256xf32, #tpu.memory_space<vmem>>, vector<360x256xf32>,
    return
  }
  func.func @transform_0(%arg0: i32) -> (i32, i32) {
    %c0_i32 = arith.constant 0 : i32
    %c0_i32_0 = arith.constant 0 : i32
    return %arg0, %c0_i32 : i32, i32
  }
  func.func @transform_1(%arg0: i32) -> (i32, i32) {
    %c0_i32 = arith.constant 0 : i32
    %c0_i32_0 = arith.constant 0 : i32
    %c0_i32_1 = arith.constant 0 : i32
    return %c0_i32, %c0_i32_0 : i32, i32
  }
  func.func @transform_2(%arg0: i32) -> (i32, i32) {
    %c0_i32 = arith.constant 0 : i32
    %c0_i32_0 = arith.constant 0 : i32
    %c0_i32_1 = arith.constant 0 : i32
    return %c0_i32, %c0_i32_0 : i32, i32
  }
  func.func @transform_3(%arg0: i32) -> (i32, i32) {
    %c0_i32 = arith.constant 0 : i32
    %c0_i32_0 = arith.constant 0 : i32
    return %arg0, %c0_i32 : i32, i32
  }
}

</mosaic_0001>

<sc_bundles>
// kernel: kernel.6.cloned.1.call-start
scs
__scs_entry_jumppad:
0x0: {  	(pc) =	sbr.rel $0x88, $3  }
0x1: {  	(tag) =	ssettag $0x0;
	lr =	simm.s32 $0x1  }
0x2: {  	[smem:$0x3F96] =	sst lr;
	_ =	strace $0xD0000000  }
0x3: {  	_ = 	snop  }
0x4: {  	_ = 	snop  }
0x5: {  	_ = 	snop  }
0x6: {  	_ = 	snop  }
0x7: {  	_ = 	snop  }
__scs_overlays_trampoline_lowered:
0x8: {  	[smem:$0x3FA5] =	sst s0  }
0x9: {  	[smem:$0x3FA6] =	sst s1  }
0xa: {  	[smem:$0x3FA7] =	sst s2  }
0xb: {  	[smem:$0x3FA8] =	sst s3  }
0xc: {  	[smem:$0x3FA9] =	sst s4  }
0xd: {  	[smem:$0x3FAA] =	sst s5  }
0xe: {  	[smem:$0x3FAB] =	sst s6  }
0xf: {  	[smem:$0x3FAC] =	sst s7  }
0x10: {  	[smem:$0x3FAD] =	sst s8  }
0x11: {  	[smem:$0x3FAE] =	sst s9;
	s0 =	simm.s32 @!p0 $0x0  }
0x12: {  	s1 =	sld [smem:$0x3F94];
	s0 =	simm.s32 @p0 $0x1  }
0x13: {  	[smem:$0x3FAF] =	sst s0;
	s0 =	simm.s32 @!p1 $0x0  }
0x14: {  	s2 =	sld [smem:$0x3F93];
	s0 =	simm.s32 @p1 $0x1  }
0x15: {  	[smem:$0x3FB0] =	sst s0;
	s0 =	simm.s32 @!p2 $0x0  }
0x16: {  	s3 =	sld [smem:$0x3FDB];
	s0 =	simm.s32 @p2 $0x1  }
0x17: {  	s4 =	simm.s32 $0x1BF5;
	[smem:$0x3FB2] =	sst s0  }
0x18: {  	s0 =	sld [smem:$0x3F95];
	_ =	swait.ge [sflag:s4], $0x0  }
0x19: {  	s7 =	sld [smem:$0x3F96]  }
0x1a: {  	s8 =	sadd.s32 $0xFFFFE003, lr  }
0x1b: {  	s9 =	sadd.s32 $0xFFFFFEF7, lr;
	s5 =	simm.s32 $0xFFFFFFFF;
	p2 =	slt.u32 s8, $0xFFFFF086  }
0x1c: {  	p1 =	slt.u32 s9, $0xF7A;
	s5 =	simm.s32 @!p2 $0x0  }
0x1d: {  	s5 =	simm.s32 @p1 $0x1;
	p0 =	seq.s32 s7, s2  }
0x1e: {  	s7 =	smul.u32 @!p0 $0xF7A, s2;
	p2 =	seq.s32 @!p0 s5, $0x0  }
0x1f: {  	s9 =	smul.u32 $0xF7A, s1;
	s8 =	simm.s32 @!p0 $0x1BF5;
	p2 =	por !p2, p0  }
0x20: {  	[sflag:s8] =	ssyncset.s32 @!p0 $0xFFFFF086;
	s6 =	sadd.s32 @!p0 s3, s7;
	s7 =	simm.s32 @!p0 $0x108  }
0x21: {  	s3 =	sadd.s32 s3, s9;
	s6 =	sadd.s32 @!p0 $0x88, s6;
	s7 =	simm.s32 @p2 $0x1082  }
0x22: {  	[simem:s7], [sflag:s8] =	dma.local @!p0 [hbm:s6], $0xF7A  }
0x23: {  	s9 =	sor.u32 $0xD0000000, s2;
	s6 =	simm.s32 $0x108;
	_ =	swait.ge @!p0 [sflag:s8], $0x0  }
0x24: {  	s3 =	sadd.s32 $0x88, s3;
	s6 =	simm.s32 @!p1 $0x1082;
	[sflag:s4] =	ssyncset.s32 $0xFFFFF086  }
0x25: {  	[simem:s6], [sflag:s4] =	dma.local [hbm:s3], $0xF7A  }
0x26: {  	[smem:$0x3F96] =	sst s1;
	(tag) =	ssettag s2;
	_ =	strace s9  }
0x27: {  	s1 =	sld [smem:$0x3FA6]  }
0x28: {  	s2 =	sld [smem:$0x3FA7]  }
0x29: {  	s4 =	sld [smem:$0x3FA9]  }
0x2a: {  	p0 =	seq.s32 s5, $0x0;
	s5 =	sld [smem:$0x3FAA]  }
0x2b: {  	s6 =	sld [smem:$0x3FAB]  }
0x2c: {  	s7 =	sld [smem:$0x3FAC]  }
0x2d: {  	s3 =	simm.s32 $0x108;
	s8 =	sld [smem:$0x3FAD]  }
0x2e: {  	s3 =	simm.s32 @!p0 $0x1082;
	s9 =	sld [smem:$0x3FAE]  }
0x2f: {  	lr =	sadd.s32 s0, s3;
	s0 =	sld [smem:$0x3FA5]  }
0x30: {  	s3 =	sld [smem:$0x3FA8]  }
0x31: {  	[smem:$0x3FB1] =	sst s10  }
0x32: {  	s10 =	sld [smem:$0x3FAF];
	_ =	sdelay $0x3  }
0x33: {  	p0 =	seq.s32 s10, $0x1;
	s10 =	sld [smem:$0x3FB1];
	_ =	sdelay $0x3  }
0x34: {  	[smem:$0x3FB1] =	sst s10  }
0x35: {  	s10 =	sld [smem:$0x3FB0];
	_ =	sdelay $0x3  }
0x36: {  	p1 =	seq.s32 s10, $0x1;
	s10 =	sld [smem:$0x3FB1];
	_ =	sdelay $0x3  }
0x37: {  	[smem:$0x3FB1] =	sst s10  }
0x38: {  	s10 =	sld [smem:$0x3FB2]  }
0x39: {  	_ = 	snop;
	(pc) =	sbr.ind lr, $3  }
0x3a: {  	_ = 	snop  }
0x3b: {  	_ = 	snop  }
0x3c: {  	p2 =	seq.s32 s10, $0x1;
	s10 =	sld [smem:$0x3FB1]  }
0x3d: {  	_ =	shalt  }
0x3e: {  	_ =	shalt  }
0x3f: {  	_ =	shalt  }
0x40: {  	_ =	shalt  }
0x41: {  	_ =	shalt  }
0x42: {  	_ =	shalt  }
0x43: {  	_ =	shalt  }
0x44: {  	_ =	shalt  }
0x45: {  	_ =	shalt  }
0x46: {  	_ =	shalt  }
0x47: {  	_ =	shalt  }
0x48: {  	_ =	shalt  }
0x49: {  	_ =	shalt  }
0x4a: {  	_ =	shalt  }
0x4b: {  	_ =	shalt  }
0x4c: {  	_ =	shalt  }
0x4d: {  	_ =	shalt  }
0x4e: {  	_ =	shalt  }
0x4f: {  	_ =	shalt  }
0x50: {  	_ =	shalt  }
0x51: {  	_ =	shalt  }
0x52: {  	_ =	shalt  }
0x53: {  	_ =	shalt  }
0x54: {  	_ =	shalt  }
0x55: {  	_ =	shalt  }
0x56: {  	_ =	shalt  }
0x57: {  	_ =	shalt  }
0x58: {  	_ =	shalt  }
0x59: {  	_ =	shalt  }
0x5a: {  	_ =	shalt  }
0x5b: {  	_ =	shalt  }
0x5c: {  	_ =	shalt  }
0x5d: {  	_ =	shalt  }
0x5e: {  	_ =	shalt  }
0x5f: {  	_ =	shalt  }
0x60: {  	_ =	shalt  }
0x61: {  	_ =	shalt  }
0x62: {  	_ =	shalt  }
0x63: {  	_ =	shalt  }
0x64: {  	_ =	shalt  }
0x65: {  	_ =	shalt  }
0x66: {  	_ =	shalt  }
0x67: {  	_ =	shalt  }
0x68: {  	_ =	shalt  }
0x69: {  	_ =	shalt  }
0x6a: {  	_ =	shalt  }
0x6b: {  	_ =	shalt  }
0x6c: {  	_ =	shalt  }
0x6d: {  	_ =	shalt  }
0x6e: {  	_ =	shalt  }
0x6f: {  	_ =	shalt  }
0x70: {  	_ =	shalt  }
0x71: {  	_ =	shalt  }
0x72: {  	_ =	shalt  }
0x73: {  	_ =	shalt  }
0x74: {  	_ =	shalt  }
0x75: {  	_ =	shalt  }
0x76: {  	_ =	shalt  }
0x77: {  	_ =	shalt  }
0x78: {  	_ =	shalt  }
0x79: {  	_ =	shalt  }
0x7a: {  	_ =	shalt  }
0x7b: {  	_ =	shalt  }
0x7c: {  	_ =	shalt  }
0x7d: {  	_ =	shalt  }
0x7e: {  	_ =	shalt  }
0x7f: {  	_ =	shalt  }
0x80: {  	_ =	shalt  }
0x81: {  	_ =	shalt  }
0x82: {  	_ =	shalt  }
0x83: {  	_ =	shalt  }
0x84: {  	_ =	shalt  }
0x85: {  	_ =	shalt  }
0x86: {  	_ =	shalt  }
0x87: {  	_ =	shalt  }
.Lfunc_end0:
.L_simem_size_0:
called_computation.1_lowered:
.L_overlay_start_0:
0x88: {  	s2 =	sld [smem:$0x3FD9]  }
0x89: {  	s3 =	sld [smem:$0x3FFE];
	_ =	sdelay $0x1  }
0x8a: {  	s1 =	srdreg.scid  }
0x8b: {  	s0 =	sand.u32 $0x1, s1  }
0x8c: {  	s16 =	sshll.u32 s0, $0xA;
	s2 =	sadd.s32 s3, s2  }
0x8d: {  	s2 =	sadd.s32 s2, s16  }
0x8e: {  	[smem:$0x3FBD] =	sst s2  }
0x8f: {  	_ = 	snop  }
0x90: {  	(tm) =	ssettm $0x1  }
0x91: {  	s17 =	sld [smem:$0x3FFB];
	_ =	sdelay $0x3  }
0x92: {  	_ =	strace s17  }
0x93: {  	s2 =	sld [smem:$0x3FFC];
	_ =	sdelay $0x3  }
0x94: {  	_ =	strace s2  }
0x95: {  	s2 =	sld [smem:$0x3FFD];
	_ =	sdelay $0x3  }
0x96: {  	_ =	strace s2  }
0x97: {  	_ =	strace $0x8FFFFFFF  }
0x98: {  	s18 =	sld [smem:$0x3FDB];
	_ =	sdelay $0x1  }
0x99: {  	s19 =	simm.s32 $_scs_section_size  }
0x9a: {  	s4 =	simm.s32 $_size__tile_overlayer_lowered;
	s5 =	simm.s32 $_tile_overlayer_lowered  }
0x9b: {  	s22 =	simm.s32 $0x1BFF;
	s21 =	sshll.u32 s5, $0x1;
	s2 =	sadd.s32 s19, s18  }
0x9c: {  	s6 =	simm.s32 $0x0;
	s20 =	sshll.u32 s4, $0x1;
	s4 =	sadd.s32 s21, s2  }
0x9d: {  	[timem:s6], [sflag:s22] =	dma.local [hbm:s4], s20  }
0x9e: {  	_ =	swait.ge [sflag:s22], s20  }
0x9f: {  	s3 =	ssub.s32 $0x0, s20;
	[sflag:s22] =	ssyncset.done $0x0  }
0xa0: {  	[sflag:s22] =	ssyncadd.s32 s3;
	_ =	sdelay $0x1  }
0xa1: {  	s23 =	simm.s32 $0x1B8B  }
0xa2: {  	_ =	swait.ge [sflag:s23], $0x1  }
0xa3: {  	[sflag:s23] =	ssyncset.done $0x0  }
0xa4: {  	s25 =	simm.s32 $0x1B8E;
	s24 =	sld [smem:$0x3FFE];
	[sflag:s23] =	ssyncadd.s32 $0xFFFFFFFF  }
0xa5: {  	s26 =	simm.s32 $execute0_lowered;
	[smem:$0x3FD2] =	sst s25  }
0xa6: {  	s4 =	sshll.u32 s26, $0x1;
	_ =	strace $0x80000049;
	[dreg:$0x1] =	wrdreg $0xFFFFFFFF  }
0xa7: {  	s28 =	simm.s32 $_size_execute0_lowered;
	s2 =	sadd.s32 s2, s4;
	[dreg:$0x0] =	wrdreg $0x0  }
0xa8: {  	s4 =	sshll.u32 s28, $0x1;
	[dreg:$0x2] =	wrdreg s2  }
0xa9: {  	[dreg:$0x3] =	wrdreg s4  }
0xaa: {  	[dreg:$0x4] =	wrdreg $0xC0  }
0xab: {  	_ =	task [dreg:s6], $0x5FFFF  }
0xac: {  	[dreg:$0x1] =	wrdreg $0xFFFFFFFF  }
0xad: {  	[dreg:$0x0] =	wrdreg $0x60  }
0xae: {  	[dreg:$0x2] =	wrdreg s24  }
0xaf: {  	[dreg:$0x3] =	wrdreg $0x9  }
0xb0: {  	_ =	task.clear_ibuf [dreg:s6], $0x4FFFF;
	_ =	strace $0x90000049  }
0xb1: {  	s29 =	simm.s32 $0x9;
	_ =	strace $0x8000004B  }
0xb2: {  	_ =	swait.ge [sflag:s29], $0x1  }
0xb3: {  	[sflag:s29] =	ssyncadd.s32 $0xFFFFFFFF  }
0xb4: {  	_ =	strace $0x9000004B  }
0xb5: {  	_ =	sfence  }
0xb6: {  	s30 =	sld [smem:$0x0];
	_ =	sdelay $0x2  }
0xb7: {  	s31 =	sshll.u32 s1, $0xD;
	s1 =	sshrl.u32 s1, $0x2  }
0xb8: {  	s3 =	sand.u32 $0x4000, s31;
	s1 =	sadd.s32 s1, s30  }
0xb9: {  	s0 =	sor.u32 s3, s0;
	s1 =	sshll.u32 s1, $0x11  }
0xba: {  	s0 =	sor.u32 s1, s0  }
0xbb: {  	s0 =	sadd.s32 $0x8F2B, s0  }
0xbc: {  	[sflag:s0] =	ssyncadd.remote.s32 $0x1  }
0xbd: {  	_ =	sfence.sel $0xFFFF  }
0xbe: {  	[dreg:$0x0] =	wrdreg $0xFFFFFFFF;
	(pc) =	sbr.abs _section_cstart, $3  }
0xbf: {  	[dreg:$0x1] =	wrdreg $0xFFFFFFFF  }
0xc0: {  	_ =	task.clear_ibuf [dreg:s6], $0x2FFFF;
	_ =	strace $0x9FFFFFFF  }
0xc1: {  	(tm) =	ssettm $0x7FFFFFFF  }
tec
execute0_lowered:
.L_overlay_start_1:
0x0: {  	(tag) =	ssettag $0x1  }
0x1: {  	s0 =	rddreg [dreg:$0x0];
	s1 =	simm.s32 $0x0;
	s2 =	srdreg.scid  }
0x2: {  	s5 =	stileid.u32;
	s9 =	simm.s32 $0x2;
	s10 =	simm.s32 $0x400  }
0x3: {  	s11 =	simm.s32 $0x80;
	s12 =	simm.s32 $0x800;
	s13 =	simm.s32 $0x1800  }
0x4: {  	s14 =	simm.s32 $0x100;
	s15 =	simm.s32 $0x2800;
	s16 =	simm.s32 $0x180  }
0x5: {  	s17 =	simm.s32 $0x3800;
	s18 =	simm.s32 $0x200;
	s19 =	simm.s32 $0x4800  }
0x6: {  	s20 =	simm.s32 $0x280;
	s21 =	simm.s32 $0x5800;
	s22 =	simm.s32 $0x300  }
0x7: {  	s23 =	simm.s32 $0x6800;
	s24 =	simm.s32 $0x380;
	s25 =	simm.s32 $0x7800  }
0x8: {  	s26 =	simm.s32 $0x1;
	s28 =	simm.s32 $0x8800;
	s2 =	sand.u32 $0x1, s2  }
0x9: {  	s29 =	simm.s32 $0x0;
	[smem:$0x7FF] =	sst s1;
	s7 =	ssub.s32 $0x2, s2  }
0xa: {  	s3 =	sadd.s32 $0x54A400, s0;
	s4 =	sadd.s32 $0xA92400, s0;
	s8 =	sshrl.u32 s7, $0x1  }
0xb: {  	s6 =	sshll.u32 s5, $0x1;
	s5 =	sadd.s32 $0xACB400, s0;
	s31 =	ssub.s32 s7, s8  }
0xc: {  	s2 =	sor.u32 s2, s6;
	s6 =	sadd.s32 $0x2400, s0;
	s0 =	smax.u32 s31, $0x1  }
0xd: {  	_ =	strace $0x8000004A;
	s7 =	smul.u32 $0x1C8, s2;
	[dreg:$0x2] =	wrdreg s0  }
.LBB2_1:
0xe: {  	s30 =	simm.s32 $0x0  }
.LBB2_2:
0xf: {  	s0 =	sshll.u32 s30, $0x3  }
0x10: {  	s31 =	sadd.s32 s7, s0  }
0x11: {  	s2 =	sshll.u32 s31, $0x4  }
0x12: {  	s0 =	simm.s32 $0x0;
	s8 =	sadd.s32 s4, s2  }
0x13: {  	[tilespmem:s0], [sflag:$0x2] =	stream.linear.gather [hbm4b:s8+s0], $0x400, $0x38;
	[tilespmem:$0x8900] =	vst v63  }
0x14: {  	_ =	swait.ge [sflag:s9], $0x400  }
0x15: {  	[sflag:s9] =	ssyncset.done $0x0  }
0x16: {  	s2 =	sadd.s32 s5, s2;
	[sflag:s9] =	ssyncadd.s32 $0xFFFFFC00  }
0x17: {  	[tilespmem:s10], [sflag:$0x2] =	stream.linear.gather [hbm4b:s2+s0], $0x400, $0x38;
	[tilespmem:$0x8900] =	vst v63  }
0x18: {  	_ =	swait.ge [sflag:s9], $0x400  }
0x19: {  	[sflag:s9] =	ssyncset.done $0x0  }
0x1a: {  	[sflag:s9] =	ssyncadd.s32 $0xFFFFFC00  }
0x1b: {  	[tilespmem:s12], [sflag:$0x1] =	stream.indirect.gather [hbm4b:s3+s11], $0x20, s0, s11, $0xb8;
	[tilespmem:$0x8900] =	vst v63  }
0x1c: {  	_ = 	snop  }
0x1d: {  	[tilespmem:s13], [sflag:$0x1] =	stream.indirect.gather [hbm4b:s3+s11], $0x20, s11, s11, $0xb8;
	[tilespmem:$0x8900] =	vst v63  }
0x1e: {  	_ = 	snop  }
0x1f: {  	[tilespmem:s15], [sflag:$0x1] =	stream.indirect.gather [hbm4b:s3+s11], $0x20, s14, s11, $0xb8;
	[tilespmem:$0x8900] =	vst v63  }
0x20: {  	_ = 	snop  }
0x21: {  	[tilespmem:s17], [sflag:$0x1] =	stream.indirect.gather [hbm4b:s3+s11], $0x20, s16, s11, $0xb8;
	[tilespmem:$0x8900] =	vst v63  }
0x22: {  	_ = 	snop  }
0x23: {  	[tilespmem:s19], [sflag:$0x1] =	stream.indirect.gather [hbm4b:s3+s11], $0x20, s18, s11, $0xb8;
	[tilespmem:$0x8900] =	vst v63  }
0x24: {  	_ = 	snop  }
0x25: {  	[tilespmem:s21], [sflag:$0x1] =	stream.indirect.gather [hbm4b:s3+s11], $0x20, s20, s11, $0xb8;
	[tilespmem:$0x8900] =	vst v63  }
0x26: {  	_ = 	snop  }
0x27: {  	[tilespmem:s23], [sflag:$0x1] =	stream.indirect.gather [hbm4b:s3+s11], $0x20, s22, s11, $0xb8;
	[tilespmem:$0x8900] =	vst v63  }
0x28: {  	_ = 	snop  }
0x29: {  	[tilespmem:s25], [sflag:$0x1] =	stream.indirect.gather [hbm4b:s3+s11], $0x20, s24, s11, $0xb8;
	[tilespmem:$0x8900] =	vst v63  }
0x2a: {  	_ =	swait.ge [sflag:s26], $0x1000  }
0x2b: {  	[sflag:s26] =	ssyncset.done $0x0  }
0x2c: {  	[sflag:s26] =	ssyncadd.s32 $0xFFFFF000  }
0x2d: {  	_ =	swait.ge [sflag:s26], $0x1000  }
0x2e: {  	[sflag:s26] =	ssyncset.done $0x0  }
0x2f: {  	[sflag:s26] =	ssyncadd.s32 $0xFFFFF000  }
0x30: {  	_ =	swait.ge [sflag:s26], $0x1000  }
0x31: {  	[sflag:s26] =	ssyncset.done $0x0  }
0x32: {  	[sflag:s26] =	ssyncadd.s32 $0xFFFFF000  }
0x33: {  	_ =	swait.ge [sflag:s26], $0x1000  }
0x34: {  	[sflag:s26] =	ssyncset.done $0x0  }
0x35: {  	[sflag:s26] =	ssyncadd.s32 $0xFFFFF000  }
0x36: {  	_ =	swait.ge [sflag:s26], $0x1000  }
0x37: {  	[sflag:s26] =	ssyncset.done $0x0  }
0x38: {  	[sflag:s26] =	ssyncadd.s32 $0xFFFFF000  }
0x39: {  	_ =	swait.ge [sflag:s26], $0x1000  }
0x3a: {  	[sflag:s26] =	ssyncset.done $0x0  }
0x3b: {  	[sflag:s26] =	ssyncadd.s32 $0xFFFFF000  }
0x3c: {  	_ =	swait.ge [sflag:s26], $0x1000  }
0x3d: {  	[sflag:s26] =	ssyncset.done $0x0  }
0x3e: {  	[sflag:s26] =	ssyncadd.s32 $0xFFFFF000  }
0x3f: {  	_ =	swait.ge [sflag:s26], $0x1000  }
0x40: {  	[sflag:s26] =	ssyncset.done $0x0  }
0x41: {  	[sflag:s26] =	ssyncadd.s32 $0xFFFFF000  }
.LBB2_3:
0x42: {  	s2 =	sshll.u32 s0, $0x7  }
0x43: {  	s8 =	sand.u32 $0x3FFFFF80, s2;
	s2 =	sshll.u32 s0, $0xC  }
0x44: {  	v1 =	vld [tilespmem:s8+$0x400];
	s2 =	sand.u32 $0x3FFFF000, s2  }
0x45: {  	v0 =	vld [tilespmem:s2+$0x800]  }
0x46: {  	v2 =	vld [tilespmem:s2+$0x810]  }
0x47: {  	v3 =	vld [tilespmem:s2+$0x820]  }
0x48: {  	v4 =	vld [tilespmem:s2+$0x830]  }
0x49: {  	v5 =	vld [tilespmem:s2+$0x840]  }
0x4a: {  	v6 =	vld [tilespmem:s2+$0x850]  }
0x4b: {  	v7 =	vld [tilespmem:s2+$0x860]  }
0x4c: {  	v8 =	vld [tilespmem:s2+$0x870]  }
0x4d: {  	v9 =	vld [tilespmem:s2+$0x880]  }
0x4e: {  	v10 =	vld [tilespmem:s2+$0x890]  }
0x4f: {  	v12 =	vld [tilespmem:s2+$0x8A0];
	v11 =	vbroadcast v1, $0x0  }
0x50: {  	v13 =	vld [tilespmem:s2+$0x8B0]  }
0x51: {  	v15 =	vld [tilespmem:s2+$0x8C0];
	v14 =	vbroadcast v1, $0x1;
	v0 =	vmul.f32 v0, v11  }
0x52: {  	v30 =	vld [tilespmem:s2+$0x8D0];
	v2 =	vmul.f32 v2, v11  }
0x53: {  	v17 =	vld [tilespmem:s2+$0x8E0];
	v16 =	vbroadcast v1, $0x2;
	v3 =	vmul.f32 v3, v14;
	v0 =	vadd.f32 $0.0e+00, v0  }
0x54: {  	v31 =	vld [tilespmem:s2+$0x8F0];
	v4 =	vmul.f32 v4, v14;
	v2 =	vadd.f32 $0.0e+00, v2  }
0x55: {  	v18 =	vld [tilespmem:s2+$0x900];
	v33 =	vbroadcast v1, $0x3;
	v32 =	vmul.f32 v5, v16;
	v0 =	vadd.f32 v3, v0  }
0x56: {  	v35 =	vld [tilespmem:s2+$0x910];
	v34 =	vmul.f32 v6, v16;
	v2 =	vadd.f32 v4, v2  }
0x57: {  	v38 =	vld [tilespmem:s2+$0x920];
	v37 =	vbroadcast v1, $0x4;
	v36 =	vmul.f32 v7, v33;
	v0 =	vadd.f32 v32, v0  }
0x58: {  	v40 =	vld [tilespmem:s2+$0x930];
	v39 =	vmul.f32 v8, v33;
	v2 =	vadd.f32 v34, v2  }
0x59: {  	v43 =	vld [tilespmem:s2+$0x940];
	v42 =	vbroadcast v1, $0x5;
	v41 =	vmul.f32 v9, v37;
	v0 =	vadd.f32 v36, v0  }
0x5a: {  	v45 =	vld [tilespmem:s2+$0x950];
	v44 =	vmul.f32 v10, v37;
	v2 =	vadd.f32 v39, v2  }
0x5b: {  	v48 =	vld [tilespmem:s2+$0x960];
	v47 =	vbroadcast v1, $0x6;
	v46 =	vmul.f32 v12, v42;
	v0 =	vadd.f32 v41, v0  }
0x5c: {  	v50 =	vld [tilespmem:s2+$0x970];
	v49 =	vmul.f32 v13, v42;
	v2 =	vadd.f32 v44, v2  }
0x5d: {  	v53 =	vld [tilespmem:s2+$0x980];
	v52 =	vbroadcast v1, $0x7;
	v51 =	vmul.f32 v15, v47;
	v0 =	vadd.f32 v46, v0  }
0x5e: {  	v55 =	vld [tilespmem:s2+$0x990];
	v54 =	vmul.f32 v30, v47;
	v2 =	vadd.f32 v49, v2  }
0x5f: {  	v58 =	vld [tilespmem:s2+$0x9A0];
	v57 =	vbroadcast v1, $0x8;
	v56 =	vmul.f32 v17, v52;
	v0 =	vadd.f32 v51, v0  }
0x60: {  	v60 =	vld [tilespmem:s2+$0x9B0];
	v59 =	vmul.f32 v31, v52;
	v2 =	vadd.f32 v54, v2  }
0x61: {  	v63 =	vld [tilespmem:s2+$0x9C0];
	v62 =	vbroadcast v1, $0x9;
	v61 =	vmul.f32 v18, v57;
	v0 =	vadd.f32 v56, v0  }
0x62: {  	v22 =	vld [tilespmem:s2+$0x9D0];
	v21 =	vmul.f32 v35, v57;
	v2 =	vadd.f32 v59, v2  }
0x63: {  	v25 =	vld [tilespmem:s2+$0x9E0];
	v24 =	vbroadcast v1, $0xA;
	v23 =	vmul.f32 v38, v62;
	v0 =	vadd.f32 v61, v0  }
0x64: {  	v27 =	vld [tilespmem:s2+$0x9F0];
	v26 =	vmul.f32 v40, v62;
	v2 =	vadd.f32 v21, v2  }
0x65: {  	v28 =	vbroadcast v1, $0xB;
	v9 =	vmul.f32 v43, v24;
	v30 =	vld [tilespmem:s2+$0xA00];
	v3 =	vadd.f32 v23, v0  }
0x66: {  	v29 =	vmul.f32 v45, v24;
	v33 =	vld [tilespmem:s2+$0xA10];
	v2 =	vadd.f32 v26, v2  }
0x67: {  	v31 =	vmul.f32 v48, v28;
	v35 =	vld [tilespmem:s2+$0xA20];
	v32 =	vbroadcast v1, $0xC;
	v3 =	vadd.f32 v9, v3  }
0x68: {  	v38 =	vld [tilespmem:s2+$0xA30];
	v34 =	vmul.f32 v50, v28;
	v2 =	vadd.f32 v29, v2  }
0x69: {  	v37 =	vbroadcast v1, $0xD;
	v40 =	vld [tilespmem:s2+$0xA40];
	v36 =	vmul.f32 v53, v32;
	v3 =	vadd.f32 v31, v3  }
0x6a: {  	v39 =	vmul.f32 v55, v32;
	v0 =	vld [tilespmem:s8+$0x410];
	v2 =	vadd.f32 v34, v2  }
0x6b: {  	v42 =	vbroadcast v1, $0xE;
	v43 =	vld [tilespmem:s2+$0xA50];
	v41 =	vmul.f32 v58, v37;
	v3 =	vadd.f32 v36, v3  }
0x6c: {  	v45 =	vld [tilespmem:s2+$0xA60];
	v44 =	vmul.f32 v60, v37;
	v2 =	vadd.f32 v39, v2  }
0x6d: {  	v47 =	vld [tilespmem:s2+$0xA70];
	v1 =	vbroadcast v1, $0xF;
	v46 =	vmul.f32 v63, v42;
	v3 =	vadd.f32 v41, v3  }
0x6e: {  	v52 =	vld [tilespmem:s2+$0xA90];
	v48 =	vmul.f32 v22, v42;
	v2 =	vadd.f32 v44, v2  }
0x6f: {  	v18 =	vld [tilespmem:s2+$0xE70];
	v50 =	vmul.f32 v25, v1;
	v51 =	vbroadcast v0, $0x0;
	v3 =	vadd.f32 v46, v3  }
0x70: {  	v16 =	vld [tilespmem:s2+$0x10D0];
	v1 =	vmul.f32 v27, v1;
	v2 =	vadd.f32 v48, v2  }
0x71: {  	v14 =	vld [tilespmem:s8+$0x450];
	v55 =	vbroadcast v0, $0x1;
	v54 =	vmul.f32 v30, v51;
	v3 =	vadd.f32 v50, v3  }
0x72: {  	v28 =	vld [tilespmem:s2+$0xB20];
	v57 =	vmul.f32 v33, v51;
	v1 =	vadd.f32 v1, v2  }
0x73: {  	v53 =	vld [tilespmem:s2+$0xAA0];
	v60 =	vbroadcast v0, $0x2;
	v59 =	vmul.f32 v35, v55;
	v3 =	vadd.f32 v54, v3  }
0x74: {  	v49 =	vld [tilespmem:s2+$0xA80];
	v62 =	vmul.f32 v38, v55;
	v1 =	vadd.f32 v57, v1  }
0x75: {  	v58 =	vld [tilespmem:s2+$0xAC0];
	v20 =	vbroadcast v0, $0x3;
	v19 =	vmul.f32 v40, v60;
	v3 =	vadd.f32 v59, v3  }
0x76: {  	v37 =	vld [tilespmem:s2+$0xB60];
	v22 =	vmul.f32 v43, v60;
	v1 =	vadd.f32 v62, v1  }
0x77: {  	v56 =	vld [tilespmem:s2+$0xAB0];
	v25 =	vbroadcast v0, $0x4;
	v24 =	vmul.f32 v45, v20;
	v3 =	vadd.f32 v19, v3  }
0x78: {  	v63 =	vld [tilespmem:s2+$0xAE0];
	v27 =	vmul.f32 v47, v20;
	v1 =	vadd.f32 v22, v1  }
0x79: {  	v61 =	vld [tilespmem:s2+$0xAD0];
	v29 =	vmul.f32 v49, v25;
	v30 =	vbroadcast v0, $0x5;
	v3 =	vadd.f32 v24, v3  }
0x7a: {  	v42 =	vld [tilespmem:s2+$0xB80];
	v32 =	vmul.f32 v52, v25;
	v1 =	vadd.f32 v27, v1  }
0x7b: {  	v21 =	vld [tilespmem:s2+$0xAF0];
	v34 =	vbroadcast v0, $0x6;
	v4 =	vmul.f32 v53, v30;
	v3 =	vadd.f32 v29, v3  }
0x7c: {  	v23 =	vld [tilespmem:s2+$0xB00];
	v36 =	vmul.f32 v56, v30;
	v1 =	vadd.f32 v32, v1  }
0x7d: {  	v26 =	vld [tilespmem:s2+$0xB10];
	v39 =	vbroadcast v0, $0x7;
	v38 =	vmul.f32 v58, v34;
	v3 =	vadd.f32 v4, v3  }
0x7e: {  	v31 =	vld [tilespmem:s2+$0xB30];
	v41 =	vmul.f32 v61, v34;
	v1 =	vadd.f32 v36, v1  }
0x7f: {  	v33 =	vld [tilespmem:s2+$0xB40];
	v43 =	vmul.f32 v63, v39;
	v44 =	vbroadcast v0, $0x8;
	v3 =	vadd.f32 v38, v3  }
0x80: {  	v35 =	vld [tilespmem:s2+$0xB50];
	v46 =	vmul.f32 v21, v39;
	v1 =	vadd.f32 v41, v1  }
0x81: {  	v40 =	vld [tilespmem:s2+$0xB70];
	v49 =	vbroadcast v0, $0x9;
	v48 =	vmul.f32 v23, v44;
	v3 =	vadd.f32 v43, v3  }
0x82: {  	v45 =	vld [tilespmem:s2+$0xB90];
	v51 =	vmul.f32 v26, v44;
	v1 =	vadd.f32 v46, v1  }
0x83: {  	v47 =	vld [tilespmem:s2+$0xBA0];
	v53 =	vmul.f32 v28, v49;
	v54 =	vbroadcast v0, $0xA;
	v3 =	vadd.f32 v48, v3  }
0x84: {  	v52 =	vld [tilespmem:s2+$0xBC0];
	v56 =	vmul.f32 v31, v49;
	v1 =	vadd.f32 v51, v1  }
0x85: {  	v55 =	vld [tilespmem:s2+$0xBD0];
	v58 =	vmul.f32 v33, v54;
	v59 =	vbroadcast v0, $0xB;
	v3 =	vadd.f32 v53, v3  }
0x86: {  	v60 =	vld [tilespmem:s2+$0xBF0];
	v10 =	vmul.f32 v35, v54;
	v2 =	vadd.f32 v56, v1  }
0x87: {  	v50 =	vld [tilespmem:s2+$0xBB0];
	v62 =	vbroadcast v0, $0xC;
	v61 =	vmul.f32 v37, v59;
	v3 =	vadd.f32 v58, v3  }
0x88: {  	v20 =	vld [tilespmem:s2+$0xC10];
	v19 =	vmul.f32 v40, v59;
	v2 =	vadd.f32 v10, v2  }
0x89: {  	v57 =	vld [tilespmem:s2+$0xBE0];
	v21 =	vmul.f32 v42, v62;
	v22 =	vbroadcast v0, $0xD;
	v3 =	vadd.f32 v61, v3  }
0x8a: {  	v6 =	vmul.f32 v45, v62;
	v1 =	vld [tilespmem:s8+$0x420];
	v2 =	vadd.f32 v19, v2  }
0x8b: {  	v63 =	vld [tilespmem:s2+$0xC00];
	v26 =	vbroadcast v0, $0xE;
	v25 =	vmul.f32 v47, v22;
	v3 =	vadd.f32 v21, v3  }
0x8c: {  	v28 =	vld [tilespmem:s2+$0xC50];
	v5 =	vmul.f32 v50, v22;
	v2 =	vadd.f32 v6, v2  }
0x8d: {  	v30 =	vld [tilespmem:s2+$0xC60];
	v0 =	vbroadcast v0, $0xF;
	v29 =	vmul.f32 v52, v26;
	v3 =	vadd.f32 v25, v3  }
0x8e: {  	v23 =	vld [tilespmem:s2+$0xC20];
	v31 =	vmul.f32 v55, v26;
	v2 =	vadd.f32 v5, v2  }
0x8f: {  	v24 =	vld [tilespmem:s2+$0xC30];
	v33 =	vmul.f32 v57, v0;
	v34 =	vbroadcast v1, $0x0;
	v3 =	vadd.f32 v29, v3  }
0x90: {  	v27 =	vld [tilespmem:s2+$0xC40];
	v0 =	vmul.f32 v60, v0;
	v2 =	vadd.f32 v31, v2  }
0x91: {  	v49 =	vld [tilespmem:s2+$0xCE0];
	v38 =	vbroadcast v1, $0x1;
	v37 =	vmul.f32 v63, v34;
	v3 =	vadd.f32 v33, v3  }
0x92: {  	v39 =	vld [tilespmem:s2+$0xCA0];
	v40 =	vmul.f32 v20, v34;
	v0 =	vadd.f32 v0, v2  }
0x93: {  	v32 =	vld [tilespmem:s2+$0xC70];
	v43 =	vbroadcast v1, $0x2;
	v42 =	vmul.f32 v23, v38;
	v3 =	vadd.f32 v37, v3  }
0x94: {  	v35 =	vld [tilespmem:s2+$0xC80];
	v45 =	vmul.f32 v24, v38;
	v0 =	vadd.f32 v40, v0  }
0x95: {  	v36 =	vld [tilespmem:s2+$0xC90];
	v48 =	vbroadcast v1, $0x3;
	v47 =	vmul.f32 v27, v43;
	v3 =	vadd.f32 v42, v3  }
0x96: {  	v44 =	vld [tilespmem:s2+$0xCC0];
	v50 =	vmul.f32 v28, v43;
	v0 =	vadd.f32 v45, v0  }
0x97: {  	v41 =	vld [tilespmem:s2+$0xCB0];
	v53 =	vbroadcast v1, $0x4;
	v52 =	vmul.f32 v30, v48;
	v3 =	vadd.f32 v47, v3  }
0x98: {  	v54 =	vld [tilespmem:s2+$0xD00];
	v55 =	vmul.f32 v32, v48;
	v0 =	vadd.f32 v50, v0  }
0x99: {  	v46 =	vld [tilespmem:s2+$0xCD0];
	v58 =	vbroadcast v1, $0x5;
	v57 =	vmul.f32 v35, v53;
	v3 =	vadd.f32 v52, v3  }
0x9a: {  	v59 =	vld [tilespmem:s2+$0xD20];
	v60 =	vmul.f32 v36, v53;
	v0 =	vadd.f32 v55, v0  }
0x9b: {  	v51 =	vld [tilespmem:s2+$0xCF0];
	v62 =	vmul.f32 v39, v58;
	v63 =	vbroadcast v1, $0x6;
	v3 =	vadd.f32 v57, v3  }
0x9c: {  	v22 =	vld [tilespmem:s2+$0xD50];
	v21 =	vmul.f32 v41, v58;
	v0 =	vadd.f32 v60, v0  }
0x9d: {  	v56 =	vld [tilespmem:s2+$0xD10];
	v24 =	vbroadcast v1, $0x7;
	v23 =	vmul.f32 v44, v63;
	v3 =	vadd.f32 v62, v3  }
0x9e: {  	v61 =	vld [tilespmem:s2+$0xD30];
	v26 =	vmul.f32 v46, v63;
	v0 =	vadd.f32 v21, v0  }
0x9f: {  	v19 =	vld [tilespmem:s2+$0xE80];
	v28 =	vmul.f32 v49, v24;
	v29 =	vbroadcast v1, $0x8;
	v3 =	vadd.f32 v23, v3  }
0xa0: {  	v20 =	vld [tilespmem:s2+$0xD40];
	v31 =	vmul.f32 v51, v24;
	v0 =	vadd.f32 v26, v0  }
0xa1: {  	v27 =	vld [tilespmem:s2+$0xD70];
	v34 =	vbroadcast v1, $0x9;
	v33 =	vmul.f32 v54, v29;
	v3 =	vadd.f32 v28, v3  }
0xa2: {  	v25 =	vld [tilespmem:s2+$0xD60];
	v36 =	vmul.f32 v56, v29;
	v0 =	vadd.f32 v31, v0  }
0xa3: {  	v30 =	vld [tilespmem:s2+$0xD80];
	v39 =	vbroadcast v1, $0xA;
	v38 =	vmul.f32 v59, v34;
	v3 =	vadd.f32 v33, v3  }
0xa4: {  	v32 =	vld [tilespmem:s2+$0xD90];
	v41 =	vmul.f32 v61, v34;
	v0 =	vadd.f32 v36, v0  }
0xa5: {  	v35 =	vld [tilespmem:s2+$0xDA0];
	v44 =	vbroadcast v1, $0xB;
	v43 =	vmul.f32 v20, v39;
	v3 =	vadd.f32 v38, v3  }
0xa6: {  	v8 =	vmul.f32 v22, v39;
	v37 =	vld [tilespmem:s2+$0xDB0];
	v2 =	vadd.f32 v41, v0  }
0xa7: {  	v48 =	vbroadcast v1, $0xC;
	v40 =	vld [tilespmem:s2+$0xDC0];
	v47 =	vmul.f32 v25, v44;
	v3 =	vadd.f32 v43, v3  }
0xa8: {  	v7 =	vmul.f32 v27, v44;
	v42 =	vld [tilespmem:s2+$0xDD0];
	v2 =	vadd.f32 v8, v2  }
0xa9: {  	v51 =	vbroadcast v1, $0xD;
	v45 =	vld [tilespmem:s2+$0xDE0];
	v50 =	vmul.f32 v30, v48;
	v3 =	vadd.f32 v47, v3  }
0xaa: {  	v6 =	vmul.f32 v32, v48;
	v0 =	vld [tilespmem:s8+$0x430];
	v2 =	vadd.f32 v7, v2  }
0xab: {  	v46 =	vld [tilespmem:s2+$0xDF0];
	v54 =	vmul.f32 v35, v51;
	v55 =	vbroadcast v1, $0xE;
	v3 =	vadd.f32 v50, v3  }
0xac: {  	v49 =	vld [tilespmem:s2+$0xE00];
	v57 =	vmul.f32 v37, v51;
	v2 =	vadd.f32 v6, v2  }
0xad: {  	v52 =	vld [tilespmem:s2+$0xE10];
	v1 =	vbroadcast v1, $0xF;
	v59 =	vmul.f32 v40, v55;
	v3 =	vadd.f32 v54, v3  }
0xae: {  	v53 =	vld [tilespmem:s2+$0xE20];
	v5 =	vmul.f32 v42, v55;
	v2 =	vadd.f32 v57, v2  }
0xaf: {  	v56 =	vld [tilespmem:s2+$0xE30];
	v62 =	vmul.f32 v45, v1;
	v63 =	vbroadcast v0, $0x0;
	v3 =	vadd.f32 v59, v3  }
0xb0: {  	v58 =	vld [tilespmem:s2+$0xE40];
	v1 =	vmul.f32 v46, v1;
	v2 =	vadd.f32 v5, v2  }
0xb1: {  	v60 =	vld [tilespmem:s2+$0xE50];
	v21 =	vbroadcast v0, $0x1;
	v20 =	vmul.f32 v49, v63;
	v3 =	vadd.f32 v62, v3  }
0xb2: {  	v61 =	vld [tilespmem:s2+$0xE60];
	v23 =	vmul.f32 v52, v63;
	v1 =	vadd.f32 v1, v2  }
0xb3: {  	v22 =	vld [tilespmem:s2+$0xE90];
	v26 =	vbroadcast v0, $0x2;
	v25 =	vmul.f32 v53, v21;
	v3 =	vadd.f32 v20, v3  }
0xb4: {  	v34 =	vld [tilespmem:s2+$0xEE0];
	v28 =	vmul.f32 v56, v21;
	v1 =	vadd.f32 v23, v1  }
0xb5: {  	v24 =	vld [tilespmem:s2+$0xEA0];
	v31 =	vbroadcast v0, $0x3;
	v30 =	vmul.f32 v58, v26;
	v3 =	vadd.f32 v25, v3  }
0xb6: {  	v27 =	vld [tilespmem:s2+$0xEB0];
	v33 =	vmul.f32 v60, v26;
	v1 =	vadd.f32 v28, v1  }
0xb7: {  	v29 =	vld [tilespmem:s2+$0xEC0];
	v36 =	vbroadcast v0, $0x4;
	v35 =	vmul.f32 v61, v31;
	v3 =	vadd.f32 v30, v3  }
0xb8: {  	v32 =	vld [tilespmem:s2+$0xED0];
	v38 =	vmul.f32 v18, v31;
	v1 =	vadd.f32 v33, v1  }
0xb9: {  	v39 =	vld [tilespmem:s2+$0xF00];
	v41 =	vbroadcast v0, $0x5;
	v40 =	vmul.f32 v19, v36;
	v3 =	vadd.f32 v35, v3  }
0xba: {  	v44 =	vld [tilespmem:s2+$0xF20];
	v43 =	vmul.f32 v22, v36;
	v1 =	vadd.f32 v38, v1  }
0xbb: {  	v37 =	vld [tilespmem:s2+$0xEF0];
	v46 =	vbroadcast v0, $0x6;
	v45 =	vmul.f32 v24, v41;
	v3 =	vadd.f32 v40, v3  }
0xbc: {  	v42 =	vld [tilespmem:s2+$0xF10];
	v48 =	vmul.f32 v27, v41;
	v1 =	vadd.f32 v43, v1  }
0xbd: {  	v8 =	vld [tilespmem:s8+$0x460];
	v51 =	vbroadcast v0, $0x7;
	v50 =	vmul.f32 v29, v46;
	v3 =	vadd.f32 v45, v3  }
0xbe: {  	v47 =	vld [tilespmem:s2+$0xF30];
	v53 =	vmul.f32 v32, v46;
	v1 =	vadd.f32 v48, v1  }
0xbf: {  	v49 =	vld [tilespmem:s2+$0xF40];
	v55 =	vmul.f32 v34, v51;
	v56 =	vbroadcast v0, $0x8;
	v3 =	vadd.f32 v50, v3  }
0xc0: {  	v52 =	vld [tilespmem:s2+$0xF50];
	v58 =	vmul.f32 v37, v51;
	v1 =	vadd.f32 v53, v1  }
0xc1: {  	v61 =	vbroadcast v0, $0x9;
	v18 =	vld [tilespmem:s2+$0xFA0];
	v60 =	vmul.f32 v39, v56;
	v3 =	vadd.f32 v55, v3  }
0xc2: {  	v54 =	vld [tilespmem:s2+$0xF60];
	v63 =	vmul.f32 v42, v56;
	v1 =	vadd.f32 v58, v1  }
0xc3: {  	v57 =	vld [tilespmem:s2+$0xF70];
	v19 =	vmul.f32 v44, v61;
	v20 =	vbroadcast v0, $0xA;
	v3 =	vadd.f32 v60, v3  }
0xc4: {  	v22 =	vmul.f32 v47, v61;
	v59 =	vld [tilespmem:s2+$0xF80];
	v1 =	vadd.f32 v63, v1  }
0xc5: {  	v62 =	vld [tilespmem:s2+$0xF90];
	v24 =	vmul.f32 v49, v20;
	v25 =	vbroadcast v0, $0xB;
	v3 =	vadd.f32 v19, v3  }
0xc6: {  	v21 =	vld [tilespmem:s2+$0xFB0];
	v27 =	vmul.f32 v52, v20;
	v1 =	vadd.f32 v22, v1  }
0xc7: {  	v26 =	vld [tilespmem:s2+$0xFD0];
	v29 =	vmul.f32 v54, v25;
	v30 =	vbroadcast v0, $0xC;
	v3 =	vadd.f32 v24, v3  }
0xc8: {  	v23 =	vld [tilespmem:s2+$0xFC0];
	v5 =	vmul.f32 v57, v25;
	v2 =	vadd.f32 v27, v1  }
0xc9: {  	v28 =	vld [tilespmem:s2+$0xFE0];
	v33 =	vbroadcast v0, $0xD;
	v32 =	vmul.f32 v59, v30;
	v3 =	vadd.f32 v29, v3  }
0xca: {  	v35 =	vmul.f32 v62, v30;
	v1 =	vld [tilespmem:s8+$0x440];
	v2 =	vadd.f32 v5, v2  }
0xcb: {  	v31 =	vld [tilespmem:s2+$0xFF0];
	v37 =	vmul.f32 v18, v33;
	v38 =	vbroadcast v0, $0xE;
	v3 =	vadd.f32 v32, v3  }
0xcc: {  	v34 =	vld [tilespmem:s2+$0x1000];
	v40 =	vmul.f32 v21, v33;
	v2 =	vadd.f32 v35, v2  }
0xcd: {  	v36 =	vld [tilespmem:s2+$0x1010];
	v0 =	vbroadcast v0, $0xF;
	v42 =	vmul.f32 v23, v38;
	v3 =	vadd.f32 v37, v3  }
0xce: {  	v39 =	vld [tilespmem:s2+$0x1020];
	v44 =	vmul.f32 v26, v38;
	v2 =	vadd.f32 v40, v2  }
0xcf: {  	v41 =	vld [tilespmem:s2+$0x1030];
	v46 =	vmul.f32 v28, v0;
	v47 =	vbroadcast v1, $0x0;
	v3 =	vadd.f32 v42, v3  }
0xd0: {  	v43 =	vld [tilespmem:s2+$0x1040];
	v0 =	vmul.f32 v31, v0;
	v2 =	vadd.f32 v44, v2  }
0xd1: {  	v45 =	vld [tilespmem:s2+$0x1050];
	v51 =	vbroadcast v1, $0x1;
	v50 =	vmul.f32 v34, v47;
	v3 =	vadd.f32 v46, v3  }
0xd2: {  	v48 =	vld [tilespmem:s2+$0x1060];
	v53 =	vmul.f32 v36, v47;
	v0 =	vadd.f32 v0, v2  }
0xd3: {  	v49 =	vld [tilespmem:s2+$0x1070];
	v56 =	vbroadcast v1, $0x2;
	v55 =	vmul.f32 v39, v51;
	v3 =	vadd.f32 v50, v3  }
0xd4: {  	v52 =	vld [tilespmem:s2+$0x1080];
	v58 =	vmul.f32 v41, v51;
	v0 =	vadd.f32 v53, v0  }
0xd5: {  	v54 =	vld [tilespmem:s2+$0x1090];
	v61 =	vbroadcast v1, $0x3;
	v60 =	vmul.f32 v43, v56;
	v3 =	vadd.f32 v55, v3  }
0xd6: {  	v57 =	vld [tilespmem:s2+$0x10A0];
	v63 =	vmul.f32 v45, v56;
	v0 =	vadd.f32 v58, v0  }
0xd7: {  	v59 =	vld [tilespmem:s2+$0x10B0];
	v18 =	vbroadcast v1, $0x4;
	v17 =	vmul.f32 v48, v61;
	v3 =	vadd.f32 v60, v3  }
0xd8: {  	v62 =	vld [tilespmem:s2+$0x10C0];
	v20 =	vmul.f32 v49, v61;
	v0 =	vadd.f32 v63, v0  }
0xd9: {  	v21 =	vld [tilespmem:s2+$0x10F0];
	v23 =	vbroadcast v1, $0x5;
	v22 =	vmul.f32 v52, v18;
	v3 =	vadd.f32 v17, v3  }
0xda: {  	v19 =	vld [tilespmem:s2+$0x10E0];
	v25 =	vmul.f32 v54, v18;
	v0 =	vadd.f32 v20, v0  }
0xdb: {  	v26 =	vld [tilespmem:s2+$0x1110];
	v28 =	vbroadcast v1, $0x6;
	v27 =	vmul.f32 v57, v23;
	v3 =	vadd.f32 v22, v3  }
0xdc: {  	v24 =	vld [tilespmem:s2+$0x1100];
	v30 =	vmul.f32 v59, v23;
	v0 =	vadd.f32 v25, v0  }
0xdd: {  	v31 =	vld [tilespmem:s2+$0x1130];
	v33 =	vbroadcast v1, $0x7;
	v32 =	vmul.f32 v62, v28;
	v3 =	vadd.f32 v27, v3  }
0xde: {  	v29 =	vld [tilespmem:s2+$0x1120];
	v35 =	vmul.f32 v16, v28;
	v0 =	vadd.f32 v30, v0  }
0xdf: {  	v5 =	vld [tilespmem:s8+$0x470];
	v38 =	vbroadcast v1, $0x8;
	v37 =	vmul.f32 v19, v33;
	v3 =	vadd.f32 v32, v3  }
0xe0: {  	v34 =	vld [tilespmem:s2+$0x1140];
	v40 =	vmul.f32 v21, v33;
	v0 =	vadd.f32 v35, v0  }
0xe1: {  	v36 =	vld [tilespmem:s2+$0x1150];
	v43 =	vbroadcast v1, $0x9;
	v42 =	vmul.f32 v24, v38;
	v3 =	vadd.f32 v37, v3  }
0xe2: {  	v39 =	vld [tilespmem:s2+$0x1160];
	v45 =	vmul.f32 v26, v38;
	v0 =	vadd.f32 v40, v0  }
0xe3: {  	v41 =	vld [tilespmem:s2+$0x1170];
	v48 =	vbroadcast v1, $0xA;
	v47 =	vmul.f32 v29, v43;
	v3 =	vadd.f32 v42, v3  }
0xe4: {  	v44 =	vld [tilespmem:s2+$0x1180];
	v50 =	vmul.f32 v31, v43;
	v0 =	vadd.f32 v45, v0  }
0xe5: {  	v46 =	vld [tilespmem:s2+$0x1190];
	v52 =	vmul.f32 v34, v48;
	v53 =	vbroadcast v1, $0xB;
	v3 =	vadd.f32 v47, v3  }
0xe6: {  	v49 =	vld [tilespmem:s2+$0x11A0];
	v55 =	vmul.f32 v36, v48;
	v0 =	vadd.f32 v50, v0  }
0xe7: {  	v51 =	vld [tilespmem:s2+$0x11B0];
	v57 =	vmul.f32 v39, v53;
	v58 =	vbroadcast v1, $0xC;
	v3 =	vadd.f32 v52, v3  }
0xe8: {  	v54 =	vld [tilespmem:s2+$0x11C0];
	v60 =	vmul.f32 v41, v53;
	v0 =	vadd.f32 v55, v0  }
0xe9: {  	v56 =	vld [tilespmem:s2+$0x11D0];
	v62 =	vmul.f32 v44, v58;
	v63 =	vbroadcast v1, $0xD;
	v3 =	vadd.f32 v57, v3  }
0xea: {  	v59 =	vld [tilespmem:s2+$0x11E0];
	v16 =	vmul.f32 v46, v58;
	v0 =	vadd.f32 v60, v0  }
0xeb: {  	v61 =	vld [tilespmem:s2+$0x11F0];
	v19 =	vbroadcast v1, $0xE;
	v18 =	vmul.f32 v49, v63;
	v3 =	vadd.f32 v62, v3  }
0xec: {  	v17 =	vld [tilespmem:s2+$0x1200];
	v21 =	vmul.f32 v51, v63;
	v0 =	vadd.f32 v16, v0  }
0xed: {  	v23 =	vmul.f32 v54, v19;
	v1 =	vbroadcast v1, $0xF;
	v20 =	vld [tilespmem:s2+$0x1210];
	v3 =	vadd.f32 v18, v3  }
0xee: {  	v22 =	vld [tilespmem:s2+$0x1220];
	v25 =	vmul.f32 v56, v19;
	v0 =	vadd.f32 v21, v0  }
0xef: {  	v28 =	vbroadcast v14, $0x0;
	v24 =	vld [tilespmem:s2+$0x1230];
	v27 =	vmul.f32 v59, v1;
	v3 =	vadd.f32 v23, v3  }
0xf0: {  	v26 =	vld [tilespmem:s2+$0x1240];
	v1 =	vmul.f32 v61, v1;
	v0 =	vadd.f32 v25, v0  }
0xf1: {  	v29 =	vld [tilespmem:s2+$0x1250];
	v31 =	vmul.f32 v17, v28;
	v32 =	vbroadcast v14, $0x1;
	v3 =	vadd.f32 v27, v3  }
0xf2: {  	v30 =	vld [tilespmem:s2+$0x1260];
	v34 =	vmul.f32 v20, v28;
	v0 =	vadd.f32 v1, v0  }
0xf3: {  	v33 =	vld [tilespmem:s2+$0x1270];
	v36 =	vmul.f32 v22, v32;
	v37 =	vbroadcast v14, $0x2;
	v3 =	vadd.f32 v31, v3  }
0xf4: {  	v35 =	vld [tilespmem:s2+$0x1280];
	v39 =	vmul.f32 v24, v32;
	v0 =	vadd.f32 v34, v0  }
0xf5: {  	v38 =	vld [tilespmem:s2+$0x1290];
	v41 =	vmul.f32 v26, v37;
	v42 =	vbroadcast v14, $0x3;
	v3 =	vadd.f32 v36, v3  }
0xf6: {  	v40 =	vld [tilespmem:s2+$0x12A0];
	v44 =	vmul.f32 v29, v37;
	v0 =	vadd.f32 v39, v0  }
0xf7: {  	v43 =	vld [tilespmem:s2+$0x12B0];
	v46 =	vbroadcast v14, $0x4;
	v2 =	vmul.f32 v30, v42;
	v3 =	vadd.f32 v41, v3  }
0xf8: {  	v45 =	vld [tilespmem:s2+$0x12C0];
	v48 =	vmul.f32 v33, v42;
	v0 =	vadd.f32 v44, v0  }
0xf9: {  	v51 =	vbroadcast v14, $0x5;
	v47 =	vld [tilespmem:s2+$0x12D0];
	v50 =	vmul.f32 v35, v46;
	v2 =	vadd.f32 v2, v3  }
0xfa: {  	v49 =	vld [tilespmem:s2+$0x12E0];
	v53 =	vmul.f32 v38, v46;
	v0 =	vadd.f32 v48, v0  }
0xfb: {  	v56 =	vbroadcast v14, $0x6;
	v52 =	vld [tilespmem:s2+$0x12F0];
	v55 =	vmul.f32 v40, v51;
	v2 =	vadd.f32 v50, v2  }
0xfc: {  	v54 =	vld [tilespmem:s2+$0x1300];
	v58 =	vmul.f32 v43, v51;
	v0 =	vadd.f32 v53, v0  }
0xfd: {  	v61 =	vbroadcast v14, $0x7;
	v57 =	vld [tilespmem:s2+$0x1310];
	v60 =	vmul.f32 v45, v56;
	v2 =	vadd.f32 v55, v2  }
0xfe: {  	v59 =	vld [tilespmem:s2+$0x1320];
	v63 =	vmul.f32 v47, v56;
	v0 =	vadd.f32 v58, v0  }
0xff: {  	v17 =	vmul.f32 v49, v61;
	v62 =	vld [tilespmem:s2+$0x1330];
	v18 =	vbroadcast v14, $0x8;
	v2 =	vadd.f32 v60, v2  }
0x100: {  	v16 =	vld [tilespmem:s2+$0x1340];
	v20 =	vmul.f32 v52, v61;
	v0 =	vadd.f32 v63, v0  }
0x101: {  	v19 =	vld [tilespmem:s2+$0x1350];
	v22 =	vmul.f32 v54, v18;
	v23 =	vbroadcast v14, $0x9;
	v2 =	vadd.f32 v17, v2  }
0x102: {  	v21 =	vld [tilespmem:s2+$0x1360];
	v25 =	vmul.f32 v57, v18;
	v0 =	vadd.f32 v20, v0  }
0x103: {  	v28 =	vbroadcast v14, $0xA;
	v24 =	vld [tilespmem:s2+$0x1370];
	v27 =	vmul.f32 v59, v23;
	v2 =	vadd.f32 v22, v2  }
0x104: {  	v26 =	vld [tilespmem:s2+$0x1380];
	v30 =	vmul.f32 v62, v23;
	v0 =	vadd.f32 v25, v0  }
0x105: {  	v29 =	vld [tilespmem:s2+$0x1390];
	v33 =	vbroadcast v14, $0xB;
	v32 =	vmul.f32 v16, v28;
	v2 =	vadd.f32 v27, v2  }
0x106: {  	v35 =	vmul.f32 v19, v28;
	v31 =	vld [tilespmem:s2+$0x13A0];
	v0 =	vadd.f32 v30, v0  }
0x107: {  	v38 =	vbroadcast v14, $0xC;
	v37 =	vmul.f32 v21, v33;
	v34 =	vld [tilespmem:s2+$0x13B0];
	v2 =	vadd.f32 v32, v2  }
0x108: {  	v40 =	vmul.f32 v24, v33;
	v36 =	vld [tilespmem:s2+$0x13C0];
	v0 =	vadd.f32 v35, v0  }
0x109: {  	v43 =	vbroadcast v14, $0xD;
	v42 =	vmul.f32 v26, v38;
	v39 =	vld [tilespmem:s2+$0x13D0];
	v2 =	vadd.f32 v37, v2  }
0x10a: {  	v45 =	vmul.f32 v29, v38;
	v41 =	vld [tilespmem:s2+$0x13E0];
	v0 =	vadd.f32 v40, v0  }
0x10b: {  	v47 =	vbroadcast v14, $0xE;
	v44 =	vld [tilespmem:s2+$0x13F0];
	v46 =	vmul.f32 v31, v43;
	v2 =	vadd.f32 v42, v2  }
0x10c: {  	v49 =	vmul.f32 v34, v43;
	v48 =	vld [tilespmem:s2+$0x1400];
	v0 =	vadd.f32 v45, v0  }
0x10d: {  	v52 =	vbroadcast v14, $0xF;
	v51 =	vmul.f32 v36, v47;
	v50 =	vld [tilespmem:s2+$0x1410];
	v2 =	vadd.f32 v46, v2  }
0x10e: {  	v54 =	vmul.f32 v39, v47;
	v53 =	vld [tilespmem:s2+$0x1420];
	v0 =	vadd.f32 v49, v0  }
0x10f: {  	v57 =	vbroadcast v8, $0x0;
	v56 =	vmul.f32 v41, v52;
	v55 =	vld [tilespmem:s2+$0x1430];
	v2 =	vadd.f32 v51, v2  }
0x110: {  	v59 =	vmul.f32 v44, v52;
	v58 =	vld [tilespmem:s2+$0x1440];
	v0 =	vadd.f32 v54, v0  }
0x111: {  	v62 =	vbroadcast v8, $0x1;
	v61 =	vmul.f32 v48, v57;
	v60 =	vld [tilespmem:s2+$0x1450];
	v2 =	vadd.f32 v56, v2  }
0x112: {  	v63 =	vld [tilespmem:s2+$0x1460];
	v15 =	vmul.f32 v50, v57;
	v0 =	vadd.f32 v59, v0  }
0x113: {  	v18 =	vbroadcast v8, $0x2;
	v16 =	vld [tilespmem:s2+$0x1470];
	v17 =	vmul.f32 v53, v62;
	v2 =	vadd.f32 v61, v2  }
0x114: {  	v19 =	vld [tilespmem:s2+$0x1480];
	v20 =	vmul.f32 v55, v62;
	v0 =	vadd.f32 v15, v0  }
0x115: {  	v23 =	vbroadcast v8, $0x3;
	v21 =	vld [tilespmem:s2+$0x1490];
	v22 =	vmul.f32 v58, v18;
	v2 =	vadd.f32 v17, v2  }
0x116: {  	v24 =	vld [tilespmem:s2+$0x14A0];
	v25 =	vmul.f32 v60, v18;
	v0 =	vadd.f32 v20, v0  }
0x117: {  	v26 =	vld [tilespmem:s2+$0x14B0];
	v28 =	vbroadcast v8, $0x4;
	v27 =	vmul.f32 v63, v23;
	v2 =	vadd.f32 v22, v2  }
0x118: {  	v29 =	vld [tilespmem:s2+$0x14C0];
	v30 =	vmul.f32 v16, v23;
	v0 =	vadd.f32 v25, v0  }
0x119: {  	v33 =	vbroadcast v8, $0x5;
	v31 =	vld [tilespmem:s2+$0x14D0];
	v32 =	vmul.f32 v19, v28;
	v2 =	vadd.f32 v27, v2  }
0x11a: {  	v34 =	vld [tilespmem:s2+$0x14E0];
	v35 =	vmul.f32 v21, v28;
	v0 =	vadd.f32 v30, v0  }
0x11b: {  	v38 =	vbroadcast v8, $0x6;
	v36 =	vld [tilespmem:s2+$0x14F0];
	v37 =	vmul.f32 v24, v33;
	v2 =	vadd.f32 v32, v2  }
0x11c: {  	v39 =	vld [tilespmem:s2+$0x1500];
	v40 =	vmul.f32 v26, v33;
	v0 =	vadd.f32 v35, v0  }
0x11d: {  	v43 =	vbroadcast v8, $0x7;
	v41 =	vld [tilespmem:s2+$0x1510];
	v42 =	vmul.f32 v29, v38;
	v2 =	vadd.f32 v37, v2  }
0x11e: {  	v44 =	vld [tilespmem:s2+$0x1520];
	v45 =	vmul.f32 v31, v38;
	v0 =	vadd.f32 v40, v0  }
0x11f: {  	v47 =	vmul.f32 v34, v43;
	v48 =	vbroadcast v8, $0x8;
	v46 =	vld [tilespmem:s2+$0x1530];
	v2 =	vadd.f32 v42, v2  }
0x120: {  	v50 =	vmul.f32 v36, v43;
	v49 =	vld [tilespmem:s2+$0x1540];
	v0 =	vadd.f32 v45, v0  }
0x121: {  	v52 =	vmul.f32 v39, v48;
	v53 =	vbroadcast v8, $0x9;
	v51 =	vld [tilespmem:s2+$0x1550];
	v2 =	vadd.f32 v47, v2  }
0x122: {  	v55 =	vmul.f32 v41, v48;
	v54 =	vld [tilespmem:s2+$0x1560];
	v0 =	vadd.f32 v50, v0  }
0x123: {  	v57 =	vmul.f32 v44, v53;
	v58 =	vbroadcast v8, $0xA;
	v56 =	vld [tilespmem:s2+$0x1570];
	v2 =	vadd.f32 v52, v2  }
0x124: {  	v59 =	vld [tilespmem:s2+$0x1580];
	v60 =	vmul.f32 v46, v53;
	v0 =	vadd.f32 v55, v0  }
0x125: {  	v63 =	vbroadcast v8, $0xB;
	v62 =	vmul.f32 v49, v58;
	v61 =	vld [tilespmem:s2+$0x1590];
	v2 =	vadd.f32 v57, v2  }
0x126: {  	v16 =	vld [tilespmem:s2+$0x15A0];
	v17 =	vmul.f32 v51, v58;
	v0 =	vadd.f32 v60, v0  }
0x127: {  	v18 =	vld [tilespmem:s2+$0x15B0];
	v19 =	vmul.f32 v54, v63;
	v20 =	vbroadcast v8, $0xC;
	v2 =	vadd.f32 v62, v2  }
0x128: {  	v21 =	vld [tilespmem:s2+$0x15C0];
	v22 =	vmul.f32 v56, v63;
	v0 =	vadd.f32 v17, v0  }
0x129: {  	v23 =	vld [tilespmem:s2+$0x15D0];
	v24 =	vmul.f32 v59, v20;
	v25 =	vbroadcast v8, $0xD;
	v2 =	vadd.f32 v19, v2  }
0x12a: {  	v26 =	vld [tilespmem:s2+$0x15E0];
	v27 =	vmul.f32 v61, v20;
	v0 =	vadd.f32 v22, v0  }
0x12b: {  	v29 =	vbroadcast v8, $0xE;
	v28 =	vmul.f32 v16, v25;
	v30 =	vld [tilespmem:s2+$0x15F0];
	v2 =	vadd.f32 v24, v2  }
0x12c: {  	v31 =	vmul.f32 v18, v25;
	v32 =	vld [tilespmem:s2+$0x1600];
	v0 =	vadd.f32 v27, v0  }
0x12d: {  	v34 =	vld [tilespmem:s2+$0x1610];
	v33 =	vmul.f32 v21, v29;
	v8 =	vbroadcast v8, $0xF;
	v2 =	vadd.f32 v28, v2  }
0x12e: {  	v36 =	vld [tilespmem:s2+$0x1620];
	v35 =	vmul.f32 v23, v29;
	v0 =	vadd.f32 v31, v0  }
0x12f: {  	v39 =	vld [tilespmem:s2+$0x1630];
	v38 =	vbroadcast v5, $0x0;
	v37 =	vmul.f32 v26, v8;
	v2 =	vadd.f32 v33, v2  }
0x130: {  	v41 =	vld [tilespmem:s2+$0x1640];
	v40 =	vmul.f32 v30, v8;
	v0 =	vadd.f32 v35, v0  }
0x131: {  	v43 =	vbroadcast v5, $0x1;
	v44 =	vld [tilespmem:s2+$0x1650];
	v42 =	vmul.f32 v32, v38;
	v2 =	vadd.f32 v37, v2  }
0x132: {  	v46 =	vld [tilespmem:s2+$0x1660];
	v45 =	vmul.f32 v34, v38;
	v0 =	vadd.f32 v40, v0  }
0x133: {  	v48 =	vbroadcast v5, $0x2;
	v49 =	vld [tilespmem:s2+$0x1670];
	v47 =	vmul.f32 v36, v43;
	v2 =	vadd.f32 v42, v2  }
0x134: {  	v51 =	vld [tilespmem:s2+$0x1680];
	v50 =	vmul.f32 v39, v43;
	v0 =	vadd.f32 v45, v0  }
0x135: {  	v53 =	vbroadcast v5, $0x3;
	v54 =	vld [tilespmem:s2+$0x1690];
	v52 =	vmul.f32 v41, v48;
	v2 =	vadd.f32 v47, v2  }
0x136: {  	v56 =	vld [tilespmem:s2+$0x16A0];
	v55 =	vmul.f32 v44, v48;
	v0 =	vadd.f32 v50, v0  }
0x137: {  	v58 =	vbroadcast v5, $0x4;
	v59 =	vld [tilespmem:s2+$0x16B0];
	v57 =	vmul.f32 v46, v53;
	v2 =	vadd.f32 v52, v2  }
0x138: {  	v61 =	vld [tilespmem:s2+$0x16C0];
	v60 =	vmul.f32 v49, v53;
	v0 =	vadd.f32 v55, v0  }
0x139: {  	v12 =	vld [tilespmem:s2+$0x16D0];
	v63 =	vbroadcast v5, $0x5;
	v62 =	vmul.f32 v51, v58;
	v2 =	vadd.f32 v57, v2  }
0x13a: {  	v14 =	vld [tilespmem:s2+$0x16E0];
	v13 =	vmul.f32 v54, v58;
	v0 =	vadd.f32 v60, v0  }
0x13b: {  	v16 =	vbroadcast v5, $0x6;
	v15 =	vmul.f32 v56, v63;
	v17 =	vld [tilespmem:s2+$0x16F0];
	v2 =	vadd.f32 v62, v2  }
0x13c: {  	v18 =	vmul.f32 v59, v63;
	v19 =	vld [tilespmem:s2+$0x1700];
	v0 =	vadd.f32 v13, v0  }
0x13d: {  	v21 =	vbroadcast v5, $0x7;
	v20 =	vmul.f32 v61, v16;
	v22 =	vld [tilespmem:s2+$0x1710];
	v2 =	vadd.f32 v15, v2  }
0x13e: {  	v23 =	vmul.f32 v12, v16;
	v24 =	vld [tilespmem:s2+$0x1720];
	v0 =	vadd.f32 v18, v0  }
0x13f: {  	v25 =	vmul.f32 v14, v21;
	v26 =	vbroadcast v5, $0x8;
	v27 =	vld [tilespmem:s2+$0x1730];
	v2 =	vadd.f32 v20, v2  }
0x140: {  	v29 =	vld [tilespmem:s2+$0x1740];
	v28 =	vmul.f32 v17, v21;
	v0 =	vadd.f32 v23, v0  }
0x141: {  	v32 =	vld [tilespmem:s2+$0x1750];
	v31 =	vbroadcast v5, $0x9;
	v30 =	vmul.f32 v19, v26;
	v2 =	vadd.f32 v25, v2  }
0x142: {  	v34 =	vld [tilespmem:s2+$0x1760];
	v33 =	vmul.f32 v22, v26;
	v0 =	vadd.f32 v28, v0  }
0x143: {  	v36 =	vbroadcast v5, $0xA;
	v35 =	vmul.f32 v24, v31;
	v37 =	vld [tilespmem:s2+$0x1770];
	v2 =	vadd.f32 v30, v2  }
0x144: {  	v39 =	vld [tilespmem:s2+$0x1780];
	v38 =	vmul.f32 v27, v31;
	v0 =	vadd.f32 v33, v0  }
0x145: {  	v41 =	vbroadcast v5, $0xB;
	v40 =	vmul.f32 v29, v36;
	v42 =	vld [tilespmem:s2+$0x1790];
	v2 =	vadd.f32 v35, v2  }
0x146: {  	v44 =	vld [tilespmem:s2+$0x17A0];
	v43 =	vmul.f32 v32, v36;
	v0 =	vadd.f32 v38, v0  }
0x147: {  	v46 =	vbroadcast v5, $0xC;
	v45 =	vmul.f32 v34, v41;
	v47 =	vld [tilespmem:s2+$0x17B0];
	v2 =	vadd.f32 v40, v2  }
0x148: {  	v49 =	vld [tilespmem:s2+$0x17C0];
	v48 =	vmul.f32 v37, v41;
	v0 =	vadd.f32 v43, v0  }
0x149: {  	v51 =	vbroadcast v5, $0xD;
	v50 =	vmul.f32 v39, v46;
	v52 =	vld [tilespmem:s2+$0x17D0];
	v2 =	vadd.f32 v45, v2  }
0x14a: {  	v54 =	vld [tilespmem:s2+$0x17E0];
	v53 =	vmul.f32 v42, v46;
	v0 =	vadd.f32 v48, v0  }
0x14b: {  	v56 =	vbroadcast v5, $0xE;
	v55 =	vmul.f32 v44, v51;
	v57 =	vld [tilespmem:s2+$0x17F0];
	v2 =	vadd.f32 v50, v2  }
0x14c: {  	v58 =	vmul.f32 v47, v51;
	v0 =	vadd.f32 v53, v0  }
0x14d: {  	v59 =	vmul.f32 v49, v56;
	v60 =	vbroadcast v5, $0xF;
	v2 =	vadd.f32 v55, v2  }
0x14e: {  	v61 =	vmul.f32 v52, v56;
	v0 =	vadd.f32 v58, v0  }
0x14f: {  	p0 =	sne.s32 s0, $0x7;
	v62 =	vmul.f32 v54, v60;
	v2 =	vadd.f32 v59, v2  }
.Ltmp0:
0x150: {  	v63 =	vmul.f32 v57, v60;
	v0 =	vadd.f32 v61, v0;
	(pc) =	sbr.rel @p0 .LBB2_3-.Ltmp0, $4  }
0x151: {  	s8 =	sshll.u32 s0, $0x5;
	v2 =	vadd.f32 v62, v2  }
0x152: {  	s2 =	sand.u32 $0x3FFFFFE0, s8;
	v0 =	vadd.f32 v63, v0  }
0x153: {  	[tilespmem:s2+$0x8800] =	vst v2  }
0x154: {  	s0 =	sadd.s32 $0x1, s0;
	[tilespmem:s2+$0x8810] =	vst v0  }
0x155: {  	s30 =	sadd.s32 $0x1, s30  }
0x156: {  	s0 =	sshll.u32 s31, $0x2;
	p0 =	sne.s32 s30, $0x39  }
.Ltmp1:
0x157: {  	s0 =	sadd.s32 s6, s0;
	(pc) =	sbr.rel @p0 .LBB2_2-.Ltmp1, $4  }
0x158: {  	[hbm4b:s0+s1] =	stream.linear.scatter [tilespmem:s28], [sflag:$0x2], $0x100, $0x38;
	[tilespmem:$0x8900] =	vst v63  }
0x159: {  	_ =	swait.ge [sflag:s9], $0x100  }
0x15a: {  	[sflag:s9] =	ssyncset.done $0x0  }
0x15b: {  	[sflag:s9] =	ssyncadd.s32 $0xFFFFFF00  }
0x15c: {  	s29 =	sadd.s32 $0x1, s29;
	s0 =	rddreg [dreg:$0x2]  }
0x15d: {  	p0 =	sne.s32 s29, s0  }
.Ltmp2:
0x15e: {  	_ = 	snop;
	(pc) =	sbr.rel @p0 .LBB2_1-.Ltmp2, $1  }
0x15f: {  	_ =	sdelay $0x3  }
0x160: {  	_ =	sfence.sel $0x180000  }
0x161: {  	[bflag:$0x0] =	sbarrier.arrive $0xFFFF  }
0x162: {  	_ =	strace $0x9000004A  }
0x163: {  	s0 =	stileid.u32;
	[bflag:$0x2] =	sbarrier.arrive $0xFFFF  }
0x164: {  	p0 =	sne.s32 s0, $0x0;
	s0 =	rddreg [dreg:$0x1]  }
0x165: {  	s0 =	sadd.s32 @!p0 $0x100000, s0  }
0x166: {  	[sflag:s0] =	ssyncadd.tile.s32 @!p0 $0x1;
	_ =	shalt  }
.Lfunc_end2:
_tile_overlayer_lowered:
.L_overlay_start_2:
0x167: {  	(tag) =	ssettag $0x2  }
0x168: {  	s0 =	rddreg [dreg:$0x0];
	s2 =	stileid.u32  }
0x169: {  	s1 =	rddreg [dreg:$0x1];
	p0 =	sne.s32 s2, $0x0  }
0x16a: {  	s3 =	rddreg [dreg:$0x2];
	[bflag:$0x3] =	sbarrier.arrive $0xFFFF;
	s2 =	simm.s32 @!p0 $0x1C02  }
0x16b: {  	[timem:s3], [sflag:s2] =	dma.local @!p0 [hbm:s0], s1  }
0x16c: {  	s0 =	simm.s32 @!p0 $0x2  }
0x16d: {  	_ =	swait.ge @!p0 [sflag:s0], s1  }
0x16e: {  	s1 =	ssub.s32 @!p0 $0x0, s1;
	[sflag:s0] =	ssyncset.done @!p0 $0x0  }
0x16f: {  	[sflag:s0] =	ssyncadd.s32 @!p0 s1  }
0x170: {  	[bflag:$0x3] =	sbarrier.arrive $0xFFFF  }
0x171: {  	_ =	shalt  }

// kernel: sparse-core-data-format-call.cloned.1.call-start
scs
called_computation_lowered:
.L_overlay_start_0:
0x0: {  	s1 =	sld [smem:$0x3FD9]  }
0x1: {  	s2 =	sld [smem:$0x3FFE];
	_ =	sdelay $0x1  }
0x2: {  	s3 =	srdreg.scid  }
0x3: {  	s0 =	sand.u32 $0x1, s3  }
0x4: {  	s17 =	sshll.u32 s0, $0xA;
	s1 =	sadd.s32 s2, s1  }
0x5: {  	s1 =	sadd.s32 s1, s17  }
0x6: {  	[smem:$0x3FBD] =	sst s1  }
0x7: {  	_ = 	snop  }
0x8: {  	(tm) =	ssettm $0x1  }
0x9: {  	s18 =	sld [smem:$0x3FFB];
	_ =	sdelay $0x3  }
0xa: {  	_ =	strace s18  }
0xb: {  	s1 =	sld [smem:$0x3FFC];
	_ =	sdelay $0x3  }
0xc: {  	_ =	strace s1  }
0xd: {  	s1 =	sld [smem:$0x3FFD];
	_ =	sdelay $0x3  }
0xe: {  	_ =	strace s1  }
0xf: {  	_ =	strace $0x8FFFFFFF  }
0x10: {  	s19 =	sld [smem:$0x3FDB];
	_ =	sdelay $0x1  }
0x11: {  	s20 =	simm.s32 $_scs_section_size  }
0x12: {  	s4 =	simm.s32 $_size__tile_overlayer_lowered;
	s5 =	simm.s32 $_tile_overlayer_lowered  }
0x13: {  	s23 =	simm.s32 $0x1BFF;
	s22 =	sshll.u32 s5, $0x1;
	s1 =	sadd.s32 s20, s19  }
0x14: {  	s6 =	simm.s32 $0x0;
	s21 =	sshll.u32 s4, $0x1;
	s4 =	sadd.s32 s22, s1  }
0x15: {  	[timem:s6], [sflag:s23] =	dma.local [hbm:s4], s21  }
0x16: {  	_ =	swait.ge [sflag:s23], s21  }
0x17: {  	s2 =	ssub.s32 $0x0, s21;
	[sflag:s23] =	ssyncset.done $0x0  }
0x18: {  	[sflag:s23] =	ssyncadd.s32 s2;
	_ =	sdelay $0x1  }
0x19: {  	s24 =	simm.s32 $0x1B8B  }
0x1a: {  	_ =	swait.ge [sflag:s24], $0x1  }
0x1b: {  	[sflag:s24] =	ssyncset.done $0x0  }
0x1c: {  	s26 =	simm.s32 $0x1B8E;
	s25 =	sld [smem:$0x3FFE];
	[sflag:s24] =	ssyncadd.s32 $0xFFFFFFFF  }
0x1d: {  	s27 =	simm.s32 $execute0_lowered;
	[smem:$0x3FD2] =	sst s26  }
0x1e: {  	s4 =	sshll.u32 s27, $0x1;
	_ =	strace $0x80000046;
	[dreg:$0x1] =	wrdreg $0xFFFFFFFF  }
0x1f: {  	s28 =	simm.s32 $_size_execute0_lowered;
	s1 =	sadd.s32 s1, s4;
	[dreg:$0x0] =	wrdreg $0x0  }
0x20: {  	s4 =	sshll.u32 s28, $0x1;
	[dreg:$0x2] =	wrdreg s1  }
0x21: {  	[dreg:$0x3] =	wrdreg s4  }
0x22: {  	[dreg:$0x4] =	wrdreg $0xC0  }
0x23: {  	_ =	task [dreg:s6], $0x5FFFF  }
0x24: {  	[dreg:$0x1] =	wrdreg $0xFFFFFFFF  }
0x25: {  	[dreg:$0x0] =	wrdreg $0x60  }
0x26: {  	[dreg:$0x2] =	wrdreg s25  }
0x27: {  	[dreg:$0x3] =	wrdreg $0x9  }
0x28: {  	_ =	task.clear_ibuf [dreg:s6], $0x4FFFF;
	_ =	strace $0x90000046  }
0x29: {  	s29 =	simm.s32 $0x9;
	_ =	strace $0x80000048  }
0x2a: {  	_ =	swait.ge [sflag:s29], $0x1  }
0x2b: {  	[sflag:s29] =	ssyncadd.s32 $0xFFFFFFFF  }
0x2c: {  	_ =	strace $0x90000048  }
0x2d: {  	_ =	sfence  }
0x2e: {  	s30 =	sld [smem:$0x0];
	_ =	sdelay $0x2  }
0x2f: {  	s31 =	sshll.u32 s3, $0xD;
	s3 =	sshrl.u32 s3, $0x2  }
0x30: {  	s2 =	sand.u32 $0x4000, s31;
	s1 =	sadd.s32 s3, s30  }
0x31: {  	s0 =	sor.u32 s2, s0;
	s1 =	sshll.u32 s1, $0x11  }
0x32: {  	s0 =	sor.u32 s1, s0  }
0x33: {  	s0 =	sadd.s32 $0x8F2B, s0  }
0x34: {  	[sflag:s0] =	ssyncadd.remote.s32 $0x1  }
0x35: {  	_ =	sfence.sel $0xFFFF  }
0x36: {  	[dreg:$0x0] =	wrdreg $0xFFFFFFFF;
	(pc) =	sbr.abs _section_cstart, $3  }
0x37: {  	[dreg:$0x1] =	wrdreg $0xFFFFFFFF  }
0x38: {  	_ =	task.clear_ibuf [dreg:s6], $0x2FFFF;
	_ =	strace $0x9FFFFFFF  }
0x39: {  	(tm) =	ssettm $0x7FFFFFFF  }
tec
execute0_lowered:
.L_overlay_start_1:
0x0: {  	(tag) =	ssettag $0x1  }
0x1: {  	s0 =	srdreg.scid  }
0x2: {  	s1 =	sshll.u32 s0, $0x4  }
0x3: {  	s4 =	rddreg [dreg:$0x0];
	s0 =	stileid.u32;
	s1 =	sand.u32 $0x10, s1  }
0x4: {  	s7 =	simm.s32 $0x1;
	s8 =	simm.s32 $0x2;
	s1 =	sor.u32 s0, s1  }
0x5: {  	s9 =	simm.s32 $0x0;
	s12 =	simm.s32 $0x0;
	s2 =	sshll.u32 s1, $0x3  }
0x6: {  	s11 =	simm.s32 $0x0;
	s3 =	sadd.s32 $0x2400, s4;
	s6 =	ssub.s32 $0x5480, s2  }
.Ltmp0:
0x7: {  	s4 =	sadd.s32 $0x54A400, s4;
	s5 =	sand.u32 $0xF8, s6;
	(pc) =	sbr.rel .LBB1_1-.Ltmp0, $4  }
0x8: {  	s1 =	rddreg [dreg:$0x1];
	_ =	strace $0x80000047;
	p0 =	sne.s32 s5, $0x0  }
0x9: {  	s6 =	sshrl.u32 s6, $0x8;
	s5 =	simm.s32 $0x1;
	s7 =	simm.s32 @!p0 $0x0  }
0xa: {  	s10 =	smov.u32 s2;
	[sflag:s5] =	ssyncpa.u1 $0x0;
	s6 =	sadd.s32 s7, s6  }
0xb: {  	[sflag:s8] =	ssyncpa.u1 $0x0;
	s8 =	simm.s32 $0x0;
	s7 =	sadd.s32 $0x1, s6  }
.LBB1_9:
0xc: {  	s14 =	sadd.s32 $0x100, s10  }
0xd: {  	p1 =	sgt.s32 s14, $0x547F  }
0xe: {  	s14 =	smov.u32 @p1 s2;
	p1 =	sne.s32 s11, s7  }
.Ltmp1:
0xf: {  	p0 =	slt.u32 s11, $0x2;
	(pc) =	sbr.rel @!p1 .LBB1_10-.Ltmp1, $4  }
0x10: {  	s13 =	simm.s32 @!p0 $0x2  }
0x11: {  	s15 =	sadd.s32 $0x1, s11;
	_ =	swait.ge @!p0 [sflag:s13], $0x4000  }
0x12: {  	s12 =	smov.u32 s10;
	s9 =	sadd.s32 $0x4000, s9;
	[sflag:s13] =	ssyncset.done @!p0 $0x0  }
0x13: {  	s11 =	smov.u32 s15;
	s10 =	smov.u32 s14;
	[sflag:s13] =	ssyncadd.s32 @!p0 $0xFFFFC000  }
.LBB1_1:
0x14: {  	p0 =	sge.u32 s11, s6  }
0x15: {  	s13 =	sxor.u32 @!p0 $0xFFFFFFFF, s11  }
0x16: {  	s31 =	sadd.s32 $0xFFFFFFFF, s11;
	s14 =	sshll.u32 @!p0 s10, $0x8;
	s13 =	sshll.u32 @!p0 s13, $0xE  }
0x17: {  	s15 =	simm.s32 @!p0 $0x0;
	s14 =	sadd.s32 @!p0 s3, s14;
	s13 =	sand.u32 @!p0 $0x4000, s13  }
0x18: {  	[tilespmem:s13], [sflag:$0x1] =	stream.linear.gather @!p0 [hbm4b:s14+s15], $0x4000, $0x38;
	[tilespmem:$0x10000] =	vst v63  }
0x19: {  	p0 =	sge.u32 s31, s6  }
.Ltmp2:
0x1a: {  	_ = 	snop;
	(pc) =	sbr.rel @p0 .LBB1_9-.Ltmp2, $1  }
0x1b: {  	_ =	sdelay $0x3  }
0x1c: {  	s13 =	sshll.u32 s9, $0x2;
	_ =	swait.ge [sflag:s5], $0x4000;
	s14 =	sshll.u32 s11, $0xE  }
0x1d: {  	s16 =	simm.s32 $0x0;
	s17 =	simm.s32 $0x0;
	s15 =	sand.u32 $0x10000, s13  }
0x1e: {  	[sflag:s5] =	ssyncset.done $0x0;
	s31 =	sand.u32 $0x4000, s14;
	s14 =	sshrl.u32 s15, $0x2  }
0x1f: {  	[sflag:s5] =	ssyncadd.s32 $0xFFFFC000;
	s13 =	sor.u32 $0x8000, s31;
	s15 =	sor.u32 $0x8000, s14  }
.LBB1_3:
0x20: {  	s18 =	sshra.s32 s16, $0x2  }
0x21: {  	v0 =	vmov s18;
	_ =	sdelay $0x3  }
0x22: {  	p1 =	por $0x1, $0x1;
	s18 =	simm.s32 $0x0  }
.LBB1_4:
0x23: {  	_ = 	snop  }
0x24: {  	s19 =	sshll.u32 s18, $0xA  }
0x25: {  	s19 =	sand.u32 $0x3FFFFC00, s19  }
0x26: {  	s19 =	sadd.s32 s19, s14  }
0x27: {  	v5 =	vld.idx.msk [tilespmem:v0+s19+$0x70 ss:$0x1], $0xffff  }
0x28: {  	v6 =	vld.idx.msk [tilespmem:v0+s19+$0x10 ss:$0x1], $0xffff  }
0x29: {  	v7 =	vld.idx.msk [tilespmem:v0+s19+$0x20 ss:$0x1], $0xffff  }
0x2a: {  	s31 =	sshll.u32 s18, $0x7;
	v1 =	vld.idx.msk [tilespmem:v0+s19+$0x30 ss:$0x1], $0xffff  }
0x2b: {  	s18 =	sand.u32 $0x3FFFFF80, s31;
	v2 =	vld.idx.msk [tilespmem:v0+s19+$0x40 ss:$0x1], $0xffff  }
0x2c: {  	s18 =	sadd.s32 s18, s15;
	v3 =	vld.idx.msk [tilespmem:v0+s19+$0x50 ss:$0x1], $0xffff  }
0x2d: {  	v4 =	vld.idx.msk [tilespmem:v0+s19+$0x60 ss:$0x1], $0xffff;
	[tilespmem:v0+s18+$0x70 ss:$0x1] =	vst.idx.msk $0xffff, v5  }
0x2e: {  	v5 =	vld.idx.msk [tilespmem:v0+s19+$0x0 ss:$0x1], $0xffff;
	[tilespmem:v0+s18+$0x10 ss:$0x1] =	vst.idx.msk $0xffff, v6;
	s19 =	sadd.s32 $0x80, s19  }
0x2f: {  	p0 =	por p1, p1;
	s20 =	simm.s32 $0x6;
	[tilespmem:v0+s18+$0x20 ss:$0x1] =	vst.idx.msk $0xffff, v7;
	v6 =	vld.idx.msk [tilespmem:v0+s19+$0x70 ss:$0x1], $0xffff  }
.LBB1_5:
0x30: {  	p1 =	sne.s32 s20, $0x1;
	v7 =	vld.idx.msk [tilespmem:v0+s19+$0x10 ss:$0x1], $0xffff;
	[tilespmem:v0+s18+$0x30 ss:$0x1] =	vst.idx.msk $0xffff, v1  }
0x31: {  	v8 =	vld.idx.msk [tilespmem:v0+s19+$0x20 ss:$0x1], $0xffff;
	[tilespmem:v0+s18+$0x40 ss:$0x1] =	vst.idx.msk $0xffff, v2  }
0x32: {  	v1 =	vld.idx.msk [tilespmem:v0+s19+$0x30 ss:$0x1], $0xffff;
	[tilespmem:v0+s18+$0x50 ss:$0x1] =	vst.idx.msk $0xffff, v3  }
.Ltmp3:
0x33: {  	v2 =	vld.idx.msk [tilespmem:v0+s19+$0x40 ss:$0x1], $0xffff;
	[tilespmem:v0+s18+$0x60 ss:$0x1] =	vst.idx.msk $0xffff, v4;
	(pc) =	sbr.rel @p1 .LBB1_5-.Ltmp3, $4  }
0x34: {  	v3 =	vld.idx.msk [tilespmem:v0+s19+$0x50 ss:$0x1], $0xffff;
	[tilespmem:v0+s18+$0x0 ss:$0x1] =	vst.idx.msk $0xffff, v5;
	s18 =	sadd.s32 $0x100, s18  }
0x35: {  	v4 =	vld.idx.msk [tilespmem:v0+s19+$0x60 ss:$0x1], $0xffff;
	[tilespmem:v0+s18+$0x70 ss:$0x1] =	vst.idx.msk $0xffff, v6  }
0x36: {  	v5 =	vld.idx.msk [tilespmem:v0+s19+$0x0 ss:$0x1], $0xffff;
	[tilespmem:v0+s18+$0x10 ss:$0x1] =	vst.idx.msk $0xffff, v7;
	s19 =	sadd.s32 $0x80, s19  }
0x37: {  	s20 =	sadd.s32 $0xFFFFFFFF, s20;
	v6 =	vld.idx.msk [tilespmem:v0+s19+$0x70 ss:$0x1], $0xffff;
	[tilespmem:v0+s18+$0x20 ss:$0x1] =	vst.idx.msk $0xffff, v8  }
0x38: {  	_ =	sdelay $0x3  }
0x39: {  	[tilespmem:v0+s18+$0x30 ss:$0x1] =	vst.idx.msk $0xffff, v1  }
0x3a: {  	v1 =	vld.idx.msk [tilespmem:v0+s19+$0x10 ss:$0x1], $0xffff;
	[tilespmem:v0+s18+$0x40 ss:$0x1] =	vst.idx.msk $0xffff, v2  }
0x3b: {  	v2 =	vld.idx.msk [tilespmem:v0+s19+$0x20 ss:$0x1], $0xffff;
	[tilespmem:v0+s18+$0x50 ss:$0x1] =	vst.idx.msk $0xffff, v3  }
0x3c: {  	v61 =	vld.idx.msk [tilespmem:v0+s19+$0x40 ss:$0x1], $0xffff;
	[tilespmem:v0+s18+$0x60 ss:$0x1] =	vst.idx.msk $0xffff, v4  }
0x3d: {  	s31 =	sadd.s32 $0x100, s18;
	v62 =	vld.idx.msk [tilespmem:v0+s19+$0x50 ss:$0x1], $0xffff;
	[tilespmem:v0+s18+$0x0 ss:$0x1] =	vst.idx.msk $0xffff, v5  }
0x3e: {  	v63 =	vld.idx.msk [tilespmem:v0+s19+$0x60 ss:$0x1], $0xffff;
	[tilespmem:v0+s31+$0x70 ss:$0x1] =	vst.idx.msk $0xffff, v6  }
0x3f: {  	v3 =	vld.idx.msk [tilespmem:v0+s19+$0x30 ss:$0x1], $0xffff;
	[tilespmem:v0+s31+$0x10 ss:$0x1] =	vst.idx.msk $0xffff, v1  }
0x40: {  	v1 =	vld.idx.msk [tilespmem:v0+s19+$0x0 ss:$0x1], $0xffff;
	[tilespmem:v0+s31+$0x20 ss:$0x1] =	vst.idx.msk $0xffff, v2  }
.Ltmp4:
0x41: {  	[tilespmem:v0+s31+$0x40 ss:$0x1] =	vst.idx.msk $0xffff, v61;
	(pc) =	sbr.rel @p0 .LBB1_4-.Ltmp4, $4  }
0x42: {  	[tilespmem:v0+s31+$0x50 ss:$0x1] =	vst.idx.msk $0xffff, v62  }
0x43: {  	[tilespmem:v0+s31+$0x60 ss:$0x1] =	vst.idx.msk $0xffff, v63  }
0x44: {  	[tilespmem:v0+s31+$0x30 ss:$0x1] =	vst.idx.msk $0xffff, v3  }
0x45: {  	p1 =	por $0x0, $0x0;
	s18 =	simm.s32 $0x1;
	[tilespmem:v0+s31+$0x0 ss:$0x1] =	vst.idx.msk $0xffff, v1  }
0x46: {  	s17 =	sadd.s32 $0x1, s17  }
0x47: {  	p0 =	sne.s32 s17, $0x8  }
.Ltmp5:
0x48: {  	_ = 	snop;
	(pc) =	sbr.rel @p0 .LBB1_3-.Ltmp5, $2  }
0x49: {  	_ =	sdelay $0x2  }
0x4a: {  	s16 =	sadd.s32 $0x2000, s16  }
.Ltmp6:
0x4b: {  	(pc) =	sbr.rel .LBB1_9-.Ltmp6, $4  }
0x4c: {  	_ = 	snop  }
0x4d: {  	s12 =	sshll.u32 s12, $0x8  }
0x4e: {  	s12 =	sadd.s32 s4, s12  }
0x4f: {  	[hbm4b:s12+s8] =	stream.linear.scatter [tilespmem:s13], [sflag:$0x2], $0x4000, $0x38;
	[tilespmem:$0x10000] =	vst v63  }
.LBB1_10:
0x50: {  	_ =	sfence.sel $0x180000  }
0x51: {  	s2 =	simm.s32 $0x1;
	[bflag:$0x0] =	sbarrier.arrive $0xFFFF  }
0x52: {  	s31 =	simm.s32 $0x2;
	[sflag:s2] =	ssyncpa.u1 $0x1  }
0x53: {  	[sflag:s31] =	ssyncpa.u1 $0x1  }
0x54: {  	p0 =	sne.s32 s0, $0x0;
	_ =	strace $0x90000047  }
0x55: {  	s0 =	sadd.s32 @!p0 $0x100000, s1;
	[bflag:$0x2] =	sbarrier.arrive $0xFFFF  }
0x56: {  	[sflag:s0] =	ssyncadd.tile.s32 @!p0 $0x1;
	_ =	shalt  }
.Lfunc_end1:
_tile_overlayer_lowered:
.L_overlay_start_2:
0x57: {  	(tag) =	ssettag $0x2  }
0x58: {  	s0 =	rddreg [dreg:$0x0];
	s2 =	stileid.u32  }
0x59: {  	s1 =	rddreg [dreg:$0x1];
	p0 =	sne.s32 s2, $0x0  }
0x5a: {  	s3 =	rddreg [dreg:$0x2];
	[bflag:$0x3] =	sbarrier.arrive $0xFFFF;
	s2 =	simm.s32 @!p0 $0x1C01  }
0x5b: {  	[timem:s3], [sflag:s2] =	dma.local @!p0 [hbm:s0], s1  }
0x5c: {  	s0 =	simm.s32 @!p0 $0x1  }
0x5d: {  	_ =	swait.ge @!p0 [sflag:s0], s1  }
0x5e: {  	s1 =	ssub.s32 @!p0 $0x0, s1;
	[sflag:s0] =	ssyncset.done @!p0 $0x0  }
0x5f: {  	[sflag:s0] =	ssyncadd.s32 @!p0 s1  }
0x60: {  	[bflag:$0x3] =	sbarrier.arrive $0xFFFF  }
0x61: {  	_ =	shalt  }

</sc_bundles>
